<compile_context>
chip_gen: v7x
topology: tpu7x:2x2x1
jax: 0.10.2.dev20260603
libtpu: 0.0.44.dev20260713+nightly
codegen_flags: <defaults>
</compile_context>

<pallas_src>
import numpy as np
import jax
import jax.numpy as jnp
from jax import lax
from jax.experimental import pallas as pl
from jax.experimental.pallas import tpu as pltpu, tpu_sc as plsc

_TRI = (
    (1, 4, -1, -1), (1, -1, -1, -1), (1, 2, 5, -1), (2, -1, -1, -1),
    (2, 3, 6, -1), (3, -1, -1, -1), (3, 7, -1, -1), (4, -1, -1, -1),
    (1, 4, 5, 8), (5, -1, -1, -1), (2, 5, 6, 9), (6, -1, -1, -1),
    (3, 6, 7, 10), (7, -1, -1, -1), (4, 8, 11, -1), (8, -1, -1, -1),
    (5, 8, 9, 12), (9, -1, -1, -1), (6, 9, 10, 13), (10, -1, -1, -1),
    (7, 10, 14, -1), (11, -1, -1, -1), (8, 11, 12, 15), (12, -1, -1, -1),
    (9, 12, 13, 16), (13, -1, -1, -1), (10, 13, 14, 17), (14, -1, -1, -1),
    (11, 15, 18, -1), (15, -1, -1, -1), (12, 15, 16, 19), (16, -1, -1, -1),
    (13, 16, 17, 20), (17, -1, -1, -1), (14, 17, 21, -1), (18, -1, -1, -1),
    (15, 18, 19, 22), (19, -1, -1, -1), (16, 19, 20, 23), (20, -1, -1, -1),
    (17, 20, 21, 24), (21, -1, -1, -1), (18, 22, -1, -1), (22, -1, -1, -1),
    (19, 22, 23, -1), (23, -1, -1, -1), (20, 23, 24, -1), (24, -1, -1, -1),
    (21, 24, -1, -1),
)

_CELLS = tuple(tuple(v - 1 for v in row if v > 0) for row in _TRI)

_BC = 128
_NV = 24
_NCELL = 49
_L = 4096
_LC = 512
_NCH = _L // _LC
_NTASK = _BC * _NCH
_NW = 32
_TPW = _NTASK // _NW
_LANES = 16


def _body(x_hbm, out_hbm, xbuf, obuf, isem0, isem1, osem0, osem1):
    wid = lax.axis_index("s") * 2 + lax.axis_index("c")
    isems = (isem0, isem1)
    osems = (osem0, osem1)

    def task_coords(t):
        task = wid * _TPW + t
        bc = task // _NCH
        return bc // 2, bc % 2, (task % _NCH) * _LC

    def in_copy(t, s):
        b, ch, col = task_coords(t)
        return pltpu.make_async_copy(
            x_hbm.at[b, ch, :, pl.ds(col, _LC)], xbuf.at[s], isems[s])

    def out_copy(t, s):
        b, ch, col = task_coords(t)
        return pltpu.make_async_copy(
            obuf.at[s], out_hbm.at[b, ch, :, :, pl.ds(col, _LC)], osems[s])

    def compute(s):
        @plsc.parallel_loop(0, _LC // _LANES, unroll=2)
        def chunk(i):
            o = i * _LANES
            rows = [xbuf[s, v, pl.ds(o, _LANES)] for v in range(_NV)]
            for ci, vs in enumerate(_CELLS):
                acc = rows[vs[0]]
                for v in vs[1:]:
                    acc = acc + rows[v]
                if len(vs) > 1:
                    acc = acc * np.float32(1.0 / len(vs))
                obuf[s, ci // 7, ci % 7, pl.ds(o, _LANES)] = acc

    in_copy(0, 0).start()
    in_copy(1, 1).start()

    def pair(k, carry):
        for s in (0, 1):
            t = 2 * k + s
            in_copy(t, s).wait()

            @pl.when(t >= 2)
            def _():
                out_copy(t - 2, s).wait()

            compute(s)
            out_copy(t, s).start()

            @pl.when(t + 2 < _TPW)
            def _():
                in_copy(t + 2, s).start()
        return carry

    lax.fori_loop(0, _TPW // 2, pair, 0)
    out_copy(_TPW - 2, 0).wait()
    out_copy(_TPW - 1, 1).wait()


def _slice_body(src_ref, dst_ref):
    dst_ref[...] = src_ref[:, :7, :]


def _tc_slice(out8):
    return pl.pallas_call(
        _slice_body,
        grid=(112,),
        in_specs=[pl.BlockSpec((8, 8, _L), lambda i: (i, 0, 0))],
        out_specs=pl.BlockSpec((8, 7, _L), lambda i: (i, 0, 0)),
        out_shape=jax.ShapeDtypeStruct((896, 7, _L), jnp.float32),
    )(out8)


def kernel(x, b, l):
    out = pl.kernel(
        _body,
        out_type=jax.ShapeDtypeStruct((64, 2, 7, 8, _L), jnp.float32),
        mesh=plsc.VectorSubcoreMesh(core_axis_name="c", subcore_axis_name="s"),
        scratch_types=[
            pltpu.VMEM((2, _NV, _LC), jnp.float32),
            pltpu.VMEM((2, 7, 8, _LC), jnp.float32),
            pltpu.SemaphoreType.DMA,
            pltpu.SemaphoreType.DMA,
            pltpu.SemaphoreType.DMA,
            pltpu.SemaphoreType.DMA,
        ],
        compiler_params=pltpu.CompilerParams(use_tc_tiling_on_sc=True),
    )(x)
    out7 = _tc_slice(out.reshape(896, 8, _L))
    return out7.reshape(64, 2, 7, 7, _L)

# --- scband reference (transcript-rebuilt; emitter-appended) ---
"""Pipeline reference for scband-channel2-d3-38817914421485 (READ-ONLY COPY).

The authoritative reference and input builder live on the scoring server;
editing this copy changes nothing except your own understanding.
"""

import jax, jax.numpy as jnp
import numpy as np

TRIANGLES = np.array([(1,4,-1,-1),(1,-1,-1,-1),(1,2,5,-1),(2,-1,-1,-1),(2,3,6,-1),(3,-1,-1,-1),(3,7,-1,-1),(4,-1,-1,-1),(1,4,5,8),(5,-1,-1,-1),(2,5,6,9),(6,-1,-1,-1),(3,6,7,10),(7,-1,-1,-1),(4,8,11,-1),(8,-1,-1,-1),(5,8,9,12),(9,-1,-1,-1),(6,9,10,13),(10,-1,-1,-1),(7,10,14,-1),(11,-1,-1,-1),(8,11,12,15),(12,-1,-1,-1),(9,12,13,16),(13,-1,-1,-1),(10,13,14,17),(14,-1,-1,-1),(11,15,18,-1),(15,-1,-1,-1),(12,15,16,19),(16,-1,-1,-1),(13,16,17,20),(17,-1,-1,-1),(14,17,21,-1),(18,-1,-1,-1),(15,18,19,22),(19,-1,-1,-1),(16,19,20,23),(20,-1,-1,-1),(17,20,21,24),(21,-1,-1,-1),(18,22,-1,-1),(22,-1,-1,-1),(19,22,23,-1),(23,-1,-1,-1),(20,23,24,-1),(24,-1,-1,-1),(21,24,-1,-1)], dtype=np.int64)


def setup_inputs(seed: int = 0) -> dict:
    key = jax.random.key(seed)
    x = jax.random.normal(key, (64, 2, 24, 4096), dtype=jnp.float32)
    return {"x": x, "b": 64, "l": 4096}


def reference(x, b, l):
    # Faithful translation of Channel2D3.forward: for each of the 7x7=49 output
    # cells, average the node features x[:, :, v-1, :] over the valid (v > 0)
    # triangle entries. The torch.rand init of B is fully overwritten, so the
    # output is deterministic given x.
    tri = jnp.asarray(TRIANGLES)                      # [49, 4]
    mask = (tri > 0)                                  # [49, 4] bool
    idx = jnp.clip(tri - 1, 0, x.shape[2] - 1)        # [49, 4] safe gather indices
    gathered = x[:, :, idx, :]                        # [b, 2, 49, 4, l]
    maskf = mask.astype(x.dtype)[None, None, :, :, None]
    summed = jnp.sum(gathered * maskf, axis=3)        # [b, 2, 49, l]
    d = jnp.sum(mask, axis=1).astype(x.dtype)         # [49]
    B = summed / d[None, None, :, None]               # [b, 2, 49, l]
    b_static = x.shape[0]
    l_static = x.shape[3]
    B = B.reshape(b_static, 2, 7, 7, l_static)        # [b, 2, 7, 7, l]
    B = B + (jnp.asarray(b) * 0 + jnp.asarray(l) * 0).astype(x.dtype)
    return B

if __name__ == "__main__":
    import jax
    _d = setup_inputs()
    print(jax.jit(kernel)(*tuple(_d.values())))

</pallas_src>

<mosaic_0001>
#map = affine_map<(d0, d1) -> (0, 0, 0, 0)>
#map1 = affine_map<(d0, d1) -> (0, 0, 0, 0, 0)>
module attributes {stable_mosaic.version = 14 : i64} {
  func.func @_body(%arg0: i32, %arg1: i32, %arg2: memref<64x2x24x4096xf32, #tpu.memory_space<hbm>>, %arg3: memref<64x2x7x8x4096xf32, #tpu.memory_space<hbm>>, %arg4: memref<2x24x512xf32, #tpu.memory_space<vmem>>, %arg5: memref<2x7x8x512xf32, #tpu.memory_space<vmem>>, %arg6: memref<!tpu.dma_semaphore, #tpu.memory_space<semaphore_mem>>, %arg7: memref<!tpu.dma_semaphore, #tpu.memory_space<semaphore_mem>>, %arg8: memref<!tpu.dma_semaphore, #tpu.memory_space<semaphore_mem>>, %arg9: memref<!tpu.dma_semaphore, #tpu.memory_space<semaphore_mem>>) attributes {dimension_semantics = [#tpu.dimension_semantics<core_parallel>, #tpu.dimension_semantics<subcore_parallel>], iteration_bounds = array<i64: 2, 16>, scalar_prefetch = 0 : i64, scratch_operands = 6 : i64, tpu.core_type = #tpu.core_type<sc_vector_subcore>, window_params = [{transform_indices = #map}, {transform_indices = #map1}]} {
    %mul3A = arith.constant 2 : i32
    %mul3A_0 = arith.muli %arg1, %mul3A : i32
    %add3A = arith.addi %mul3A_0, %arg0 : i32
    %mul3A_1 = arith.constant 32 : i32
    %mul3A_2 = arith.muli %add3A, %mul3A_1 : i32
    %add3A_3 = arith.constant 0 : i32
    %add3A_4 = arith.addi %mul3A_2, %add3A_3 : i32
    %jit3A = arith.constant 8 : i32
    %div3A = arith.divsi %add3A_4, %jit3A : i32
    %sign3A = arith.constant 0 : i32
    %sign3A_5 = arith.cmpi sgt, %add3A_4, %sign3A : i32
    %sign3A_6 = arith.extui %sign3A_5 : i1 to i32
    %sign3A_7 = arith.constant 0 : i32
    %sign3A_8 = arith.cmpi slt, %add3A_4, %sign3A_7 : i32
    %sign3A_9 = arith.extui %sign3A_8 : i1 to i32
    %sign3A_10 = arith.subi %sign3A_6, %sign3A_9 : i32
    %sign3A_11 = arith.constant 0 : i32
    %sign3A_12 = arith.cmpi sgt, %jit3A, %sign3A_11 : i32
    %sign3A_13 = arith.extui %sign3A_12 : i1 to i32
    %sign3A_14 = arith.constant 0 : i32
    %sign3A_15 = arith.cmpi slt, %jit3A, %sign3A_14 : i32
    %sign3A_16 = arith.extui %sign3A_15 : i1 to i32
    %sign3A_17 = arith.subi %sign3A_13, %sign3A_16 : i32
    %ne3A = arith.cmpi ne, %sign3A_10, %sign3A_17 : i32
    %rem3A = arith.remsi %add3A_4, %jit3A : i32
    %ne3A_18 = arith.constant 0 : i32
    %ne3A_19 = arith.cmpi ne, %rem3A, %ne3A_18 : i32
    %and3A = arith.andi %ne3A, %ne3A_19 : i1
    %sub3A = arith.constant 1 : i32
    %sub3A_20 = arith.subi %div3A, %sub3A : i32
    %select_n3A = arith.select %and3A, %sub3A_20, %div3A : i32
    %jit3A_21 = arith.constant 2 : i32
    %div3A_22 = arith.divsi %select_n3A, %jit3A_21 : i32
    %sign3A_23 = arith.constant 0 : i32
    %sign3A_24 = arith.cmpi sgt, %select_n3A, %sign3A_23 : i32
    %sign3A_25 = arith.extui %sign3A_24 : i1 to i32
    %sign3A_26 = arith.constant 0 : i32
    %sign3A_27 = arith.cmpi slt, %select_n3A, %sign3A_26 : i32
    %sign3A_28 = arith.extui %sign3A_27 : i1 to i32
    %sign3A_29 = arith.subi %sign3A_25, %sign3A_28 : i32
    %sign3A_30 = arith.constant 0 : i32
    %sign3A_31 = arith.cmpi sgt, %jit3A_21, %sign3A_30 : i32
    %sign3A_32 = arith.extui %sign3A_31 : i1 to i32
    %sign3A_33 = arith.constant 0 : i32
    %sign3A_34 = arith.cmpi slt, %jit3A_21, %sign3A_33 : i32
    %sign3A_35 = arith.extui %sign3A_34 : i1 to i32
    %sign3A_36 = arith.subi %sign3A_32, %sign3A_35 : i32
    %ne3A_37 = arith.cmpi ne, %sign3A_29, %sign3A_36 : i32
    %rem3A_38 = arith.remsi %select_n3A, %jit3A_21 : i32
    %ne3A_39 = arith.constant 0 : i32
    %ne3A_40 = arith.cmpi ne, %rem3A_38, %ne3A_39 : i32
    %and3A_41 = arith.andi %ne3A_37, %ne3A_40 : i1
    %sub3A_42 = arith.constant 1 : i32
    %sub3A_43 = arith.subi %div3A_22, %sub3A_42 : i32
    %select_n3A_44 = arith.select %and3A_41, %sub3A_43, %div3A_22 : i32
    %jit3A_45 = arith.constant 2 : i32
    %eq3A = arith.constant 0 : i32
    %eq3A_46 = arith.cmpi eq, %jit3A_45, %eq3A : i32
    %jit3A_47 = arith.constant 1 : i32
    %select_n3A_48 = arith.select %eq3A_46, %jit3A_47, %jit3A_45 : i32
    %rem3A_49 = arith.remsi %select_n3A, %select_n3A_48 : i32
    %ne3A_50 = arith.constant 0 : i32
    %ne3A_51 = arith.cmpi ne, %rem3A_49, %ne3A_50 : i32
    %lt3A = arith.constant 0 : i32
    %lt3A_52 = arith.cmpi slt, %rem3A_49, %lt3A : i32
    %lt3A_53 = arith.constant 0 : i32
    %lt3A_54 = arith.cmpi slt, %select_n3A_48, %lt3A_53 : i32
    %ne3A_55 = arith.xori %lt3A_52, %lt3A_54 : i1
    %and3A_56 = arith.andi %ne3A_55, %ne3A_51 : i1
    %add3A_57 = arith.addi %rem3A_49, %select_n3A_48 : i32
    %select_n3A_58 = arith.select %and3A_56, %add3A_57, %rem3A_49 : i32
    %jit3A_59 = arith.constant 8 : i32
    %eq3A_60 = arith.constant 0 : i32
    %eq3A_61 = arith.cmpi eq, %jit3A_59, %eq3A_60 : i32
    %jit3A_62 = arith.constant 1 : i32
    %select_n3A_63 = arith.select %eq3A_61, %jit3A_62, %jit3A_59 : i32
    %rem3A_64 = arith.remsi %add3A_4, %select_n3A_63 : i32
    %ne3A_65 = arith.constant 0 : i32
    %ne3A_66 = arith.cmpi ne, %rem3A_64, %ne3A_65 : i32
    %lt3A_67 = arith.constant 0 : i32
    %lt3A_68 = arith.cmpi slt, %rem3A_64, %lt3A_67 : i32
    %lt3A_69 = arith.constant 0 : i32
    %lt3A_70 = arith.cmpi slt, %select_n3A_63, %lt3A_69 : i32
    %ne3A_71 = arith.xori %lt3A_68, %lt3A_70 : i1
    %and3A_72 = arith.andi %ne3A_71, %ne3A_66 : i1
    %add3A_73 = arith.addi %rem3A_64, %select_n3A_63 : i32
    %select_n3A_74 = arith.select %and3A_72, %add3A_73, %rem3A_64 : i32
    %mul3A_75 = arith.constant 512 : i32
    %mul3A_76 = arith.muli %select_n3A_74, %mul3A_75 : i32
    %dma_start3A = arith.constant 0 : i32
    %dma_start3A_77 = arith.constant 0 : i32
    %dma_start3A_78 = arith.constant 0 : i32
    %dma_start3A_79 = tpu.memref_slice %arg4[%dma_start3A, %dma_start3A_77, %dma_start3A_78] : memref<2x24x512xf32, #tpu.memory_space<vmem>> -> memref<1x24x512xf32, #tpu.memory_space<vmem>>
    %dma_start3A_80 = tpu.memref_squeeze %dma_start3A_79 : memref<1x24x512xf32, #tpu.memory_space<vmem>> -> memref<24x512xf32, #tpu.memory_space<vmem>>
    %dma_start3A_81 = arith.constant 0 : i32
    %dma_start3A_82 = tpu.memref_slice %arg2[%select_n3A_44, %select_n3A_58, %dma_start3A_81, %mul3A_76] : memref<64x2x24x4096xf32, #tpu.memory_space<hbm>> -> memref<1x1x24x512xf32, #tpu.memory_space<hbm>>
    %dma_start3A_83 = tpu.memref_squeeze %dma_start3A_82 : memref<1x1x24x512xf32, #tpu.memory_space<hbm>> -> memref<24x512xf32, #tpu.memory_space<hbm>>
    %dma_start3A_84 = arith.constant 0 : i32
    %dma_start3A_85 = arith.constant 0 : i32
    %dma_start3A_86 = tpu.memref_slice %arg4[%dma_start3A, %dma_start3A_84, %dma_start3A_85] : memref<2x24x512xf32, #tpu.memory_space<vmem>> -> memref<1x24x512xf32, #tpu.memory_space<vmem>>
    %dma_start3A_87 = tpu.memref_squeeze %dma_start3A_86 : memref<1x24x512xf32, #tpu.memory_space<vmem>> -> memref<24x512xf32, #tpu.memory_space<vmem>>
    %dma_start3A_88 = arith.constant 0 : i32
    %dma_start3A_89 = tpu.memref_slice %arg2[%select_n3A_44, %select_n3A_58, %dma_start3A_88, %mul3A_76] : memref<64x2x24x4096xf32, #tpu.memory_space<hbm>> -> memref<1x1x24x512xf32, #tpu.memory_space<hbm>>
    %dma_start3A_90 = tpu.memref_squeeze %dma_start3A_89 : memref<1x1x24x512xf32, #tpu.memory_space<hbm>> -> memref<24x512xf32, #tpu.memory_space<hbm>>
    tpu.enqueue_dma source(%dma_start3A_90 : memref<24x512xf32, #tpu.memory_space<hbm>>) target(%dma_start3A_87 : memref<24x512xf32, #tpu.memory_space<vmem>>) target_semaphore(%arg6 : memref<!tpu.dma_semaphore, #tpu.memory_space<semaphore_mem>>)
    %mul3A_91 = arith.constant 32 : i32
    %mul3A_92 = arith.muli %add3A, %mul3A_91 : i32
    %add3A_93 = arith.constant 1 : i32
    %add3A_94 = arith.addi %mul3A_92, %add3A_93 : i32
    %jit3A_95 = arith.constant 8 : i32
    %div3A_96 = arith.divsi %add3A_94, %jit3A_95 : i32
    %sign3A_97 = arith.constant 0 : i32
    %sign3A_98 = arith.cmpi sgt, %add3A_94, %sign3A_97 : i32
    %sign3A_99 = arith.extui %sign3A_98 : i1 to i32
    %sign3A_100 = arith.constant 0 : i32
    %sign3A_101 = arith.cmpi slt, %add3A_94, %sign3A_100 : i32
    %sign3A_102 = arith.extui %sign3A_101 : i1 to i32
    %sign3A_103 = arith.subi %sign3A_99, %sign3A_102 : i32
    %sign3A_104 = arith.constant 0 : i32
    %sign3A_105 = arith.cmpi sgt, %jit3A_95, %sign3A_104 : i32
    %sign3A_106 = arith.extui %sign3A_105 : i1 to i32
    %sign3A_107 = arith.constant 0 : i32
    %sign3A_108 = arith.cmpi slt, %jit3A_95, %sign3A_107 : i32
    %sign3A_109 = arith.extui %sign3A_108 : i1 to i32
    %sign3A_110 = arith.subi %sign3A_106, %sign3A_109 : i32
    %ne3A_111 = arith.cmpi ne, %sign3A_103, %sign3A_110 : i32
    %rem3A_112 = arith.remsi %add3A_94, %jit3A_95 : i32
    %ne3A_113 = arith.constant 0 : i32
    %ne3A_114 = arith.cmpi ne, %rem3A_112, %ne3A_113 : i32
    %and3A_115 = arith.andi %ne3A_111, %ne3A_114 : i1
    %sub3A_116 = arith.constant 1 : i32
    %sub3A_117 = arith.subi %div3A_96, %sub3A_116 : i32
    %select_n3A_118 = arith.select %and3A_115, %sub3A_117, %div3A_96 : i32
    %jit3A_119 = arith.constant 2 : i32
    %div3A_120 = arith.divsi %select_n3A_118, %jit3A_119 : i32
    %sign3A_121 = arith.constant 0 : i32
    %sign3A_122 = arith.cmpi sgt, %select_n3A_118, %sign3A_121 : i32
    %sign3A_123 = arith.extui %sign3A_122 : i1 to i32
    %sign3A_124 = arith.constant 0 : i32
    %sign3A_125 = arith.cmpi slt, %select_n3A_118, %sign3A_124 : i32
    %sign3A_126 = arith.extui %sign3A_125 : i1 to i32
    %sign3A_127 = arith.subi %sign3A_123, %sign3A_126 : i32
    %sign3A_128 = arith.constant 0 : i32
    %sign3A_129 = arith.cmpi sgt, %jit3A_119, %sign3A_128 : i32
    %sign3A_130 = arith.extui %sign3A_129 : i1 to i32
    %sign3A_131 = arith.constant 0 : i32
    %sign3A_132 = arith.cmpi slt, %jit3A_119, %sign3A_131 : i32
    %sign3A_133 = arith.extui %sign3A_132 : i1 to i32
    %sign3A_134 = arith.subi %sign3A_130, %sign3A_133 : i32
    %ne3A_135 = arith.cmpi ne, %sign3A_127, %sign3A_134 : i32
    %rem3A_136 = arith.remsi %select_n3A_118, %jit3A_119 : i32
    %ne3A_137 = arith.constant 0 : i32
    %ne3A_138 = arith.cmpi ne, %rem3A_136, %ne3A_137 : i32
    %and3A_139 = arith.andi %ne3A_135, %ne3A_138 : i1
    %sub3A_140 = arith.constant 1 : i32
    %sub3A_141 = arith.subi %div3A_120, %sub3A_140 : i32
    %select_n3A_142 = arith.select %and3A_139, %sub3A_141, %div3A_120 : i32
    %jit3A_143 = arith.constant 2 : i32
    %eq3A_144 = arith.constant 0 : i32
    %eq3A_145 = arith.cmpi eq, %jit3A_143, %eq3A_144 : i32
    %jit3A_146 = arith.constant 1 : i32
    %select_n3A_147 = arith.select %eq3A_145, %jit3A_146, %jit3A_143 : i32
    %rem3A_148 = arith.remsi %select_n3A_118, %select_n3A_147 : i32
    %ne3A_149 = arith.constant 0 : i32
    %ne3A_150 = arith.cmpi ne, %rem3A_148, %ne3A_149 : i32
    %lt3A_151 = arith.constant 0 : i32
    %lt3A_152 = arith.cmpi slt, %rem3A_148, %lt3A_151 : i32
    %lt3A_153 = arith.constant 0 : i32
    %lt3A_154 = arith.cmpi slt, %select_n3A_147, %lt3A_153 : i32
    %ne3A_155 = arith.xori %lt3A_152, %lt3A_154 : i1
    %and3A_156 = arith.andi %ne3A_155, %ne3A_150 : i1
    %add3A_157 = arith.addi %rem3A_148, %select_n3A_147 : i32
    %select_n3A_158 = arith.select %and3A_156, %add3A_157, %rem3A_148 : i32
    %jit3A_159 = arith.constant 8 : i32
    %eq3A_160 = arith.constant 0 : i32
    %eq3A_161 = arith.cmpi eq, %jit3A_159, %eq3A_160 : i32
    %jit3A_162 = arith.constant 1 : i32
    %select_n3A_163 = arith.select %eq3A_161, %jit3A_162, %jit3A_159 : i32
    %rem3A_164 = arith.remsi %add3A_94, %select_n3A_163 : i32
    %ne3A_165 = arith.constant 0 : i32
    %ne3A_166 = arith.cmpi ne, %rem3A_164, %ne3A_165 : i32
    %lt3A_167 = arith.constant 0 : i32
    %lt3A_168 = arith.cmpi slt, %rem3A_164, %lt3A_167 : i32
    %lt3A_169 = arith.constant 0 : i32
    %lt3A_170 = arith.cmpi slt, %select_n3A_163, %lt3A_169 : i32
    %ne3A_171 = arith.xori %lt3A_168, %lt3A_170 : i1
    %and3A_172 = arith.andi %ne3A_171, %ne3A_166 : i1
    %add3A_173 = arith.addi %rem3A_164, %select_n3A_163 : i32
    %select_n3A_174 = arith.select %and3A_172, %add3A_173, %rem3A_164 : i32
    %mul3A_175 = arith.constant 512 : i32
    %mul3A_176 = arith.muli %select_n3A_174, %mul3A_175 : i32
    %dma_start3A_177 = arith.constant 1 : i32
    %dma_start3A_178 = arith.constant 0 : i32
    %dma_start3A_179 = arith.constant 0 : i32
    %dma_start3A_180 = tpu.memref_slice %arg4[%dma_start3A_177, %dma_start3A_178, %dma_start3A_179] : memref<2x24x512xf32, #tpu.memory_space<vmem>> -> memref<1x24x512xf32, #tpu.memory_space<vmem>>
    %dma_start3A_181 = tpu.memref_squeeze %dma_start3A_180 : memref<1x24x512xf32, #tpu.memory_space<vmem>> -> memref<24x512xf32, #tpu.memory_space<vmem>>
    %dma_start3A_182 = arith.constant 0 : i32
    %dma_start3A_183 = tpu.memref_slice %arg2[%select_n3A_142, %select_n3A_158, %dma_start3A_182, %mul3A_176] : memref<64x2x24x4096xf32, #tpu.memory_space<hbm>> -> memref<1x1x24x512xf32, #tpu.memory_space<hbm>>
    %dma_start3A_184 = tpu.memref_squeeze %dma_start3A_183 : memref<1x1x24x512xf32, #tpu.memory_space<hbm>> -> memref<24x512xf32, #tpu.memory_space<hbm>>
    %dma_start3A_185 = arith.constant 0 : i32
    %dma_start3A_186 = arith.constant 0 : i32
    %dma_start3A_187 = tpu.memref_slice %arg4[%dma_start3A_177, %dma_start3A_185, %dma_start3A_186] : memref<2x24x512xf32, #tpu.memory_space<vmem>> -> memref<1x24x512xf32, #tpu.memory_space<vmem>>
    %dma_start3A_188 = tpu.memref_squeeze %dma_start3A_187 : memref<1x24x512xf32, #tpu.memory_space<vmem>> -> memref<24x512xf32, #tpu.memory_space<vmem>>
    %dma_start3A_189 = arith.constant 0 : i32
    %dma_start3A_190 = tpu.memref_slice %arg2[%select_n3A_142, %select_n3A_158, %dma_start3A_189, %mul3A_176] : memref<64x2x24x4096xf32, #tpu.memory_space<hbm>> -> memref<1x1x24x512xf32, #tpu.memory_space<hbm>>
    %dma_start3A_191 = tpu.memref_squeeze %dma_start3A_190 : memref<1x1x24x512xf32, #tpu.memory_space<hbm>> -> memref<24x512xf32, #tpu.memory_space<hbm>>
    tpu.enqueue_dma source(%dma_start3A_191 : memref<24x512xf32, #tpu.memory_space<hbm>>) target(%dma_start3A_188 : memref<24x512xf32, #tpu.memory_space<vmem>>) target_semaphore(%arg7 : memref<!tpu.dma_semaphore, #tpu.memory_space<semaphore_mem>>)
    %scan3A = arith.constant 0 : i32
    %scan3A_192 = arith.constant 0 : i32
    %scan3A_193 = arith.constant 16 : i32
    %scan3A_194 = arith.addi %scan3A_192, %scan3A_193 : i32
    %scan3A_195 = arith.constant 1 : i32
    scf.for %scan3A_406 = %scan3A_192 to %scan3A_194 step %scan3A_195  : i32 {
      %mul3A_407 = arith.constant 2 : i32
      %mul3A_408 = arith.muli %mul3A_407, %scan3A_406 : i32
      %add3A_409 = arith.constant 0 : i32
      %add3A_410 = arith.addi %mul3A_408, %add3A_409 : i32
      %mul3A_411 = arith.constant 32 : i32
      %mul3A_412 = arith.muli %add3A, %mul3A_411 : i32
      %add3A_413 = arith.addi %mul3A_412, %add3A_410 : i32
      %jit3A_414 = arith.constant 8 : i32
      %div3A_415 = arith.divsi %add3A_413, %jit3A_414 : i32
      %sign3A_416 = arith.constant 0 : i32
      %sign3A_417 = arith.cmpi sgt, %add3A_413, %sign3A_416 : i32
      %sign3A_418 = arith.extui %sign3A_417 : i1 to i32
      %sign3A_419 = arith.constant 0 : i32
      %sign3A_420 = arith.cmpi slt, %add3A_413, %sign3A_419 : i32
      %sign3A_421 = arith.extui %sign3A_420 : i1 to i32
      %sign3A_422 = arith.subi %sign3A_418, %sign3A_421 : i32
      %sign3A_423 = arith.constant 0 : i32
      %sign3A_424 = arith.cmpi sgt, %jit3A_414, %sign3A_423 : i32
      %sign3A_425 = arith.extui %sign3A_424 : i1 to i32
      %sign3A_426 = arith.constant 0 : i32
      %sign3A_427 = arith.cmpi slt, %jit3A_414, %sign3A_426 : i32
      %sign3A_428 = arith.extui %sign3A_427 : i1 to i32
      %sign3A_429 = arith.subi %sign3A_425, %sign3A_428 : i32
      %ne3A_430 = arith.cmpi ne, %sign3A_422, %sign3A_429 : i32
      %rem3A_431 = arith.remsi %add3A_413, %jit3A_414 : i32
      %ne3A_432 = arith.constant 0 : i32
      %ne3A_433 = arith.cmpi ne, %rem3A_431, %ne3A_432 : i32
      %and3A_434 = arith.andi %ne3A_430, %ne3A_433 : i1
      %sub3A_435 = arith.constant 1 : i32
      %sub3A_436 = arith.subi %div3A_415, %sub3A_435 : i32
      %select_n3A_437 = arith.select %and3A_434, %sub3A_436, %div3A_415 : i32
      %jit3A_438 = arith.constant 2 : i32
      %div3A_439 = arith.divsi %select_n3A_437, %jit3A_438 : i32
      %sign3A_440 = arith.constant 0 : i32
      %sign3A_441 = arith.cmpi sgt, %select_n3A_437, %sign3A_440 : i32
      %sign3A_442 = arith.extui %sign3A_441 : i1 to i32
      %sign3A_443 = arith.constant 0 : i32
      %sign3A_444 = arith.cmpi slt, %select_n3A_437, %sign3A_443 : i32
      %sign3A_445 = arith.extui %sign3A_444 : i1 to i32
      %sign3A_446 = arith.subi %sign3A_442, %sign3A_445 : i32
      %sign3A_447 = arith.constant 0 : i32
      %sign3A_448 = arith.cmpi sgt, %jit3A_438, %sign3A_447 : i32
      %sign3A_449 = arith.extui %sign3A_448 : i1 to i32
      %sign3A_450 = arith.constant 0 : i32
      %sign3A_451 = arith.cmpi slt, %jit3A_438, %sign3A_450 : i32
      %sign3A_452 = arith.extui %sign3A_451 : i1 to i32
      %sign3A_453 = arith.subi %sign3A_449, %sign3A_452 : i32
      %ne3A_454 = arith.cmpi ne, %sign3A_446, %sign3A_453 : i32
      %rem3A_455 = arith.remsi %select_n3A_437, %jit3A_438 : i32
      %ne3A_456 = arith.constant 0 : i32
      %ne3A_457 = arith.cmpi ne, %rem3A_455, %ne3A_456 : i32
      %and3A_458 = arith.andi %ne3A_454, %ne3A_457 : i1
      %sub3A_459 = arith.constant 1 : i32
      %sub3A_460 = arith.subi %div3A_439, %sub3A_459 : i32
      %select_n3A_461 = arith.select %and3A_458, %sub3A_460, %div3A_439 : i32
      %jit3A_462 = arith.constant 2 : i32
      %eq3A_463 = arith.constant 0 : i32
      %eq3A_464 = arith.cmpi eq, %jit3A_462, %eq3A_463 : i32
      %jit3A_465 = arith.constant 1 : i32
      %select_n3A_466 = arith.select %eq3A_464, %jit3A_465, %jit3A_462 : i32
      %rem3A_467 = arith.remsi %select_n3A_437, %select_n3A_466 : i32
      %ne3A_468 = arith.constant 0 : i32
      %ne3A_469 = arith.cmpi ne, %rem3A_467, %ne3A_468 : i32
      %lt3A_470 = arith.constant 0 : i32
      %lt3A_471 = arith.cmpi slt, %rem3A_467, %lt3A_470 : i32
      %lt3A_472 = arith.constant 0 : i32
      %lt3A_473 = arith.cmpi slt, %select_n3A_466, %lt3A_472 : i32
      %ne3A_474 = arith.xori %lt3A_471, %lt3A_473 : i1
      %and3A_475 = arith.andi %ne3A_474, %ne3A_469 : i1
      %add3A_476 = arith.addi %rem3A_467, %select_n3A_466 : i32
      %select_n3A_477 = arith.select %and3A_475, %add3A_476, %rem3A_467 : i32
      %jit3A_478 = arith.constant 8 : i32
      %eq3A_479 = arith.constant 0 : i32
      %eq3A_480 = arith.cmpi eq, %jit3A_478, %eq3A_479 : i32
      %jit3A_481 = arith.constant 1 : i32
      %select_n3A_482 = arith.select %eq3A_480, %jit3A_481, %jit3A_478 : i32
      %rem3A_483 = arith.remsi %add3A_413, %select_n3A_482 : i32
      %ne3A_484 = arith.constant 0 : i32
      %ne3A_485 = arith.cmpi ne, %rem3A_483, %ne3A_484 : i32
      %lt3A_486 = arith.constant 0 : i32
      %lt3A_487 = arith.cmpi slt, %rem3A_483, %lt3A_486 : i32
      %lt3A_488 = arith.constant 0 : i32
      %lt3A_489 = arith.cmpi slt, %select_n3A_482, %lt3A_488 : i32
      %ne3A_490 = arith.xori %lt3A_487, %lt3A_489 : i1
      %and3A_491 = arith.andi %ne3A_490, %ne3A_485 : i1
      %add3A_492 = arith.addi %rem3A_483, %select_n3A_482 : i32
      %select_n3A_493 = arith.select %and3A_491, %add3A_492, %rem3A_483 : i32
      %mul3A_494 = arith.constant 512 : i32
      %mul3A_495 = arith.muli %select_n3A_493, %mul3A_494 : i32
      %dma_wait3A_496 = arith.constant 0 : i32
      %dma_wait3A_497 = arith.constant 0 : i32
      %dma_wait3A_498 = arith.constant 0 : i32
      %dma_wait3A_499 = tpu.memref_slice %arg4[%dma_wait3A_496, %dma_wait3A_497, %dma_wait3A_498] : memref<2x24x512xf32, #tpu.memory_space<vmem>> -> memref<1x24x512xf32, #tpu.memory_space<vmem>>
      %dma_wait3A_500 = tpu.memref_squeeze %dma_wait3A_499 : memref<1x24x512xf32, #tpu.memory_space<vmem>> -> memref<24x512xf32, #tpu.memory_space<vmem>>
      %dma_wait3A_501 = arith.constant 0 : i32
      %dma_wait3A_502 = tpu.memref_slice %arg2[%select_n3A_461, %select_n3A_477, %dma_wait3A_501, %mul3A_495] : memref<64x2x24x4096xf32, #tpu.memory_space<hbm>> -> memref<1x1x24x512xf32, #tpu.memory_space<hbm>>
      %dma_wait3A_503 = tpu.memref_squeeze %dma_wait3A_502 : memref<1x1x24x512xf32, #tpu.memory_space<hbm>> -> memref<24x512xf32, #tpu.memory_space<hbm>>
      %dma_wait3A_504 = arith.constant 0 : i32
      %dma_wait3A_505 = arith.constant 0 : i32
      %dma_wait3A_506 = tpu.memref_slice %arg4[%dma_wait3A_496, %dma_wait3A_504, %dma_wait3A_505] : memref<2x24x512xf32, #tpu.memory_space<vmem>> -> memref<1x24x512xf32, #tpu.memory_space<vmem>>
      %dma_wait3A_507 = tpu.memref_squeeze %dma_wait3A_506 : memref<1x24x512xf32, #tpu.memory_space<vmem>> -> memref<24x512xf32, #tpu.memory_space<vmem>>
      %dma_wait3A_508 = arith.constant 0 : i32
      %dma_wait3A_509 = tpu.memref_slice %arg2[%select_n3A_461, %select_n3A_477, %dma_wait3A_508, %mul3A_495] : memref<64x2x24x4096xf32, #tpu.memory_space<hbm>> -> memref<1x1x24x512xf32, #tpu.memory_space<hbm>>
      %dma_wait3A_510 = tpu.memref_squeeze %dma_wait3A_509 : memref<1x1x24x512xf32, #tpu.memory_space<hbm>> -> memref<24x512xf32, #tpu.memory_space<hbm>>
      tpu.wait_dma2 semaphore(%arg6 : memref<!tpu.dma_semaphore, #tpu.memory_space<semaphore_mem>>) src(%dma_wait3A_510 : memref<24x512xf32, #tpu.memory_space<hbm>>) dst(%dma_wait3A_507 : memref<24x512xf32, #tpu.memory_space<vmem>>)
      %ge3A = arith.constant 2 : i32
      %ge3A_511 = arith.cmpi sge, %add3A_410, %ge3A : i32
      %convert_element_type3A = arith.extui %ge3A_511 : i1 to i32
      %cond3A = arith.constant 0 : i32
      %cond3A_512 = arith.cmpi ne, %convert_element_type3A, %cond3A : i32
      scf.if %cond3A_512 {
        %sub3A_849 = arith.constant 2 : i32
        %sub3A_850 = arith.subi %add3A_410, %sub3A_849 : i32
        %mul3A_851 = arith.constant 32 : i32
        %mul3A_852 = arith.muli %add3A, %mul3A_851 : i32
        %add3A_853 = arith.addi %mul3A_852, %sub3A_850 : i32
        %jit3A_854 = arith.constant 8 : i32
        %div3A_855 = arith.divsi %add3A_853, %jit3A_854 : i32
        %sign3A_856 = arith.constant 0 : i32
        %sign3A_857 = arith.cmpi sgt, %add3A_853, %sign3A_856 : i32
        %sign3A_858 = arith.extui %sign3A_857 : i1 to i32
        %sign3A_859 = arith.constant 0 : i32
        %sign3A_860 = arith.cmpi slt, %add3A_853, %sign3A_859 : i32
        %sign3A_861 = arith.extui %sign3A_860 : i1 to i32
        %sign3A_862 = arith.subi %sign3A_858, %sign3A_861 : i32
        %sign3A_863 = arith.constant 0 : i32
        %sign3A_864 = arith.cmpi sgt, %jit3A_854, %sign3A_863 : i32
        %sign3A_865 = arith.extui %sign3A_864 : i1 to i32
        %sign3A_866 = arith.constant 0 : i32
        %sign3A_867 = arith.cmpi slt, %jit3A_854, %sign3A_866 : i32
        %sign3A_868 = arith.extui %sign3A_867 : i1 to i32
        %sign3A_869 = arith.subi %sign3A_865, %sign3A_868 : i32
        %ne3A_870 = arith.cmpi ne, %sign3A_862, %sign3A_869 : i32
        %rem3A_871 = arith.remsi %add3A_853, %jit3A_854 : i32
        %ne3A_872 = arith.constant 0 : i32
        %ne3A_873 = arith.cmpi ne, %rem3A_871, %ne3A_872 : i32
        %and3A_874 = arith.andi %ne3A_870, %ne3A_873 : i1
        %sub3A_875 = arith.constant 1 : i32
        %sub3A_876 = arith.subi %div3A_855, %sub3A_875 : i32
        %select_n3A_877 = arith.select %and3A_874, %sub3A_876, %div3A_855 : i32
        %jit3A_878 = arith.constant 2 : i32
        %div3A_879 = arith.divsi %select_n3A_877, %jit3A_878 : i32
        %sign3A_880 = arith.constant 0 : i32
        %sign3A_881 = arith.cmpi sgt, %select_n3A_877, %sign3A_880 : i32
        %sign3A_882 = arith.extui %sign3A_881 : i1 to i32
        %sign3A_883 = arith.constant 0 : i32
        %sign3A_884 = arith.cmpi slt, %select_n3A_877, %sign3A_883 : i32
        %sign3A_885 = arith.extui %sign3A_884 : i1 to i32
        %sign3A_886 = arith.subi %sign3A_882, %sign3A_885 : i32
        %sign3A_887 = arith.constant 0 : i32
        %sign3A_888 = arith.cmpi sgt, %jit3A_878, %sign3A_887 : i32
        %sign3A_889 = arith.extui %sign3A_888 : i1 to i32
        %sign3A_890 = arith.constant 0 : i32
        %sign3A_891 = arith.cmpi slt, %jit3A_878, %sign3A_890 : i32
        %sign3A_892 = arith.extui %sign3A_891 : i1 to i32
        %sign3A_893 = arith.subi %sign3A_889, %sign3A_892 : i32
        %ne3A_894 = arith.cmpi ne, %sign3A_886, %sign3A_893 : i32
        %rem3A_895 = arith.remsi %select_n3A_877, %jit3A_878 : i32
        %ne3A_896 = arith.constant 0 : i32
        %ne3A_897 = arith.cmpi ne, %rem3A_895, %ne3A_896 : i32
        %and3A_898 = arith.andi %ne3A_894, %ne3A_897 : i1
        %sub3A_899 = arith.constant 1 : i32
        %sub3A_900 = arith.subi %div3A_879, %sub3A_899 : i32
        %select_n3A_901 = arith.select %and3A_898, %sub3A_900, %div3A_879 : i32
        %jit3A_902 = arith.constant 2 : i32
        %eq3A_903 = arith.constant 0 : i32
        %eq3A_904 = arith.cmpi eq, %jit3A_902, %eq3A_903 : i32
        %jit3A_905 = arith.constant 1 : i32
        %select_n3A_906 = arith.select %eq3A_904, %jit3A_905, %jit3A_902 : i32
        %rem3A_907 = arith.remsi %select_n3A_877, %select_n3A_906 : i32
        %ne3A_908 = arith.constant 0 : i32
        %ne3A_909 = arith.cmpi ne, %rem3A_907, %ne3A_908 : i32
        %lt3A_910 = arith.constant 0 : i32
        %lt3A_911 = arith.cmpi slt, %rem3A_907, %lt3A_910 : i32
        %lt3A_912 = arith.constant 0 : i32
        %lt3A_913 = arith.cmpi slt, %select_n3A_906, %lt3A_912 : i32
        %ne3A_914 = arith.xori %lt3A_911, %lt3A_913 : i1
        %and3A_915 = arith.andi %ne3A_914, %ne3A_909 : i1
        %add3A_916 = arith.addi %rem3A_907, %select_n3A_906 : i32
        %select_n3A_917 = arith.select %and3A_915, %add3A_916, %rem3A_907 : i32
        %jit3A_918 = arith.constant 8 : i32
        %eq3A_919 = arith.constant 0 : i32
        %eq3A_920 = arith.cmpi eq, %jit3A_918, %eq3A_919 : i32
        %jit3A_921 = arith.constant 1 : i32
        %select_n3A_922 = arith.select %eq3A_920, %jit3A_921, %jit3A_918 : i32
        %rem3A_923 = arith.remsi %add3A_853, %select_n3A_922 : i32
        %ne3A_924 = arith.constant 0 : i32
        %ne3A_925 = arith.cmpi ne, %rem3A_923, %ne3A_924 : i32
        %lt3A_926 = arith.constant 0 : i32
        %lt3A_927 = arith.cmpi slt, %rem3A_923, %lt3A_926 : i32
        %lt3A_928 = arith.constant 0 : i32
        %lt3A_929 = arith.cmpi slt, %select_n3A_922, %lt3A_928 : i32
        %ne3A_930 = arith.xori %lt3A_927, %lt3A_929 : i1
        %and3A_931 = arith.andi %ne3A_930, %ne3A_925 : i1
        %add3A_932 = arith.addi %rem3A_923, %select_n3A_922 : i32
        %select_n3A_933 = arith.select %and3A_931, %add3A_932, %rem3A_923 : i32
        %mul3A_934 = arith.constant 512 : i32
        %mul3A_935 = arith.muli %select_n3A_933, %mul3A_934 : i32
        %dma_wait3A_936 = arith.constant 0 : i32
        %dma_wait3A_937 = arith.constant 0 : i32
        %dma_wait3A_938 = arith.constant 0 : i32
        %dma_wait3A_939 = arith.constant 0 : i32
        %dma_wait3A_940 = tpu.memref_slice %arg5[%dma_wait3A_936, %dma_wait3A_937, %dma_wait3A_938, %dma_wait3A_939] : memref<2x7x8x512xf32, #tpu.memory_space<vmem>> -> memref<1x7x8x512xf32, #tpu.memory_space<vmem>>
        %dma_wait3A_941 = tpu.memref_squeeze %dma_wait3A_940 : memref<1x7x8x512xf32, #tpu.memory_space<vmem>> -> memref<7x8x512xf32, #tpu.memory_space<vmem>>
        %dma_wait3A_942 = arith.constant 0 : i32
        %dma_wait3A_943 = arith.constant 0 : i32
        %dma_wait3A_944 = tpu.memref_slice %arg3[%select_n3A_901, %select_n3A_917, %dma_wait3A_942, %dma_wait3A_943, %mul3A_935] : memref<64x2x7x8x4096xf32, #tpu.memory_space<hbm>> -> memref<1x1x7x8x512xf32, #tpu.memory_space<hbm>>
        %dma_wait3A_945 = tpu.memref_squeeze %dma_wait3A_944 : memref<1x1x7x8x512xf32, #tpu.memory_space<hbm>> -> memref<7x8x512xf32, #tpu.memory_space<hbm>>
        %dma_wait3A_946 = arith.constant 0 : i32
        %dma_wait3A_947 = arith.constant 0 : i32
        %dma_wait3A_948 = tpu.memref_slice %arg3[%select_n3A_901, %select_n3A_917, %dma_wait3A_946, %dma_wait3A_947, %mul3A_935] : memref<64x2x7x8x4096xf32, #tpu.memory_space<hbm>> -> memref<1x1x7x8x512xf32, #tpu.memory_space<hbm>>
        %dma_wait3A_949 = tpu.memref_squeeze %dma_wait3A_948 : memref<1x1x7x8x512xf32, #tpu.memory_space<hbm>> -> memref<7x8x512xf32, #tpu.memory_space<hbm>>
        %dma_wait3A_950 = arith.constant 0 : i32
        %dma_wait3A_951 = arith.constant 0 : i32
        %dma_wait3A_952 = arith.constant 0 : i32
        %dma_wait3A_953 = tpu.memref_slice %arg5[%dma_wait3A_936, %dma_wait3A_950, %dma_wait3A_951, %dma_wait3A_952] : memref<2x7x8x512xf32, #tpu.memory_space<vmem>> -> memref<1x7x8x512xf32, #tpu.memory_space<vmem>>
        %dma_wait3A_954 = tpu.memref_squeeze %dma_wait3A_953 : memref<1x7x8x512xf32, #tpu.memory_space<vmem>> -> memref<7x8x512xf32, #tpu.memory_space<vmem>>
        tpu.wait_dma2 semaphore(%arg8 : memref<!tpu.dma_semaphore, #tpu.memory_space<semaphore_mem>>) src(%dma_wait3A_954 : memref<7x8x512xf32, #tpu.memory_space<vmem>>) dst(%dma_wait3A_949 : memref<7x8x512xf32, #tpu.memory_space<hbm>>)
      } else {
      }
      %parallel_loop3A = arith.constant 0 : i32
      %parallel_loop3A_513 = arith.constant 32 : i32
      %parallel_loop3A_514 = arith.constant 1 : i32
      scf.for %parallel_loop3A_849 = %parallel_loop3A to %parallel_loop3A_513 step %parallel_loop3A_514  : i32 {
        %parallel_loop3A_850 = arith.constant 16 : i32
        %parallel_loop3A_851 = arith.muli %parallel_loop3A_849, %parallel_loop3A_850 : i32
        %parallel_loop3A_852 = arith.constant 0 : i32
        %parallel_loop3A_853 = arith.constant 0 : i32
        %parallel_loop3A_854 = arith.index_cast %parallel_loop3A_852 : i32 to index
        %parallel_loop3A_855 = arith.index_cast %parallel_loop3A_853 : i32 to index
        %parallel_loop3A_856 = arith.index_cast %parallel_loop3A_851 : i32 to index
        %parallel_loop3A_857 = tpu.vector_load %arg4[%parallel_loop3A_854, %parallel_loop3A_855, %parallel_loop3A_856] {strides = array<i32>} : memref<2x24x512xf32, #tpu.memory_space<vmem>>, vector<1x1x16xf32>,
        %parallel_loop3A_858 = vector.shape_cast %parallel_loop3A_857 : vector<1x1x16xf32> to vector<16xf32>
        %parallel_loop3A_859 = arith.constant 0 : i32
        %parallel_loop3A_860 = arith.constant 1 : i32
        %parallel_loop3A_861 = arith.index_cast %parallel_loop3A_859 : i32 to index
        %parallel_loop3A_862 = arith.index_cast %parallel_loop3A_860 : i32 to index
        %parallel_loop3A_863 = arith.index_cast %parallel_loop3A_851 : i32 to index
        %parallel_loop3A_864 = tpu.vector_load %arg4[%parallel_loop3A_861, %parallel_loop3A_862, %parallel_loop3A_863] {strides = array<i32>} : memref<2x24x512xf32, #tpu.memory_space<vmem>>, vector<1x1x16xf32>,
        %parallel_loop3A_865 = vector.shape_cast %parallel_loop3A_864 : vector<1x1x16xf32> to vector<16xf32>
        %parallel_loop3A_866 = arith.constant 0 : i32
        %parallel_loop3A_867 = arith.constant 2 : i32
        %parallel_loop3A_868 = arith.index_cast %parallel_loop3A_866 : i32 to index
        %parallel_loop3A_869 = arith.index_cast %parallel_loop3A_867 : i32 to index
        %parallel_loop3A_870 = arith.index_cast %parallel_loop3A_851 : i32 to index
        %parallel_loop3A_871 = tpu.vector_load %arg4[%parallel_loop3A_868, %parallel_loop3A_869, %parallel_loop3A_870] {strides = array<i32>} : memref<2x24x512xf32, #tpu.memory_space<vmem>>, vector<1x1x16xf32>,
        %parallel_loop3A_872 = vector.shape_cast %parallel_loop3A_871 : vector<1x1x16xf32> to vector<16xf32>
        %parallel_loop3A_873 = arith.constant 0 : i32
        %parallel_loop3A_874 = arith.constant 3 : i32
        %parallel_loop3A_875 = arith.index_cast %parallel_loop3A_873 : i32 to index
        %parallel_loop3A_876 = arith.index_cast %parallel_loop3A_874 : i32 to index
        %parallel_loop3A_877 = arith.index_cast %parallel_loop3A_851 : i32 to index
        %parallel_loop3A_878 = tpu.vector_load %arg4[%parallel_loop3A_875, %parallel_loop3A_876, %parallel_loop3A_877] {strides = array<i32>} : memref<2x24x512xf32, #tpu.memory_space<vmem>>, vector<1x1x16xf32>,
        %parallel_loop3A_879 = vector.shape_cast %parallel_loop3A_878 : vector<1x1x16xf32> to vector<16xf32>
        %parallel_loop3A_880 = arith.constant 0 : i32
        %parallel_loop3A_881 = arith.constant 4 : i32
        %parallel_loop3A_882 = arith.index_cast %parallel_loop3A_880 : i32 to index
        %parallel_loop3A_883 = arith.index_cast %parallel_loop3A_881 : i32 to index
        %parallel_loop3A_884 = arith.index_cast %parallel_loop3A_851 : i32 to index
        %parallel_loop3A_885 = tpu.vector_load %arg4[%parallel_loop3A_882, %parallel_loop3A_883, %parallel_loop3A_884] {strides = array<i32>} : memref<2x24x512xf32, #tpu.memory_space<vmem>>, vector<1x1x16xf32>,
        %parallel_loop3A_886 = vector.shape_cast %parallel_loop3A_885 : vector<1x1x16xf32> to vector<16xf32>
        %parallel_loop3A_887 = arith.constant 0 : i32
        %parallel_loop3A_888 = arith.constant 5 : i32
        %parallel_loop3A_889 = arith.index_cast %parallel_loop3A_887 : i32 to index
        %parallel_loop3A_890 = arith.index_cast %parallel_loop3A_888 : i32 to index
        %parallel_loop3A_891 = arith.index_cast %parallel_loop3A_851 : i32 to index
        %parallel_loop3A_892 = tpu.vector_load %arg4[%parallel_loop3A_889, %parallel_loop3A_890, %parallel_loop3A_891] {strides = array<i32>} : memref<2x24x512xf32, #tpu.memory_space<vmem>>, vector<1x1x16xf32>,
        %parallel_loop3A_893 = vector.shape_cast %parallel_loop3A_892 : vector<1x1x16xf32> to vector<16xf32>
        %parallel_loop3A_894 = arith.constant 0 : i32
        %parallel_loop3A_895 = arith.constant 6 : i32
        %parallel_loop3A_896 = arith.index_cast %parallel_loop3A_894 : i32 to index
        %parallel_loop3A_897 = arith.index_cast %parallel_loop3A_895 : i32 to index
        %parallel_loop3A_898 = arith.index_cast %parallel_loop3A_851 : i32 to index
        %parallel_loop3A_899 = tpu.vector_load %arg4[%parallel_loop3A_896, %parallel_loop3A_897, %parallel_loop3A_898] {strides = array<i32>} : memref<2x24x512xf32, #tpu.memory_space<vmem>>, vector<1x1x16xf32>,
        %parallel_loop3A_900 = vector.shape_cast %parallel_loop3A_899 : vector<1x1x16xf32> to vector<16xf32>
        %parallel_loop3A_901 = arith.constant 0 : i32
        %parallel_loop3A_902 = arith.constant 7 : i32
        %parallel_loop3A_903 = arith.index_cast %parallel_loop3A_901 : i32 to index
        %parallel_loop3A_904 = arith.index_cast %parallel_loop3A_902 : i32 to index
        %parallel_loop3A_905 = arith.index_cast %parallel_loop3A_851 : i32 to index
        %parallel_loop3A_906 = tpu.vector_load %arg4[%parallel_loop3A_903, %parallel_loop3A_904, %parallel_loop3A_905] {strides = array<i32>} : memref<2x24x512xf32, #tpu.memory_space<vmem>>, vector<1x1x16xf32>,
        %parallel_loop3A_907 = vector.shape_cast %parallel_loop3A_906 : vector<1x1x16xf32> to vector<16xf32>
        %parallel_loop3A_908 = arith.constant 0 : i32
        %parallel_loop3A_909 = arith.constant 8 : i32
        %parallel_loop3A_910 = arith.index_cast %parallel_loop3A_908 : i32 to index
        %parallel_loop3A_911 = arith.index_cast %parallel_loop3A_909 : i32 to index
        %parallel_loop3A_912 = arith.index_cast %parallel_loop3A_851 : i32 to index
        %parallel_loop3A_913 = tpu.vector_load %arg4[%parallel_loop3A_910, %parallel_loop3A_911, %parallel_loop3A_912] {strides = array<i32>} : memref<2x24x512xf32, #tpu.memory_space<vmem>>, vector<1x1x16xf32>,
        %parallel_loop3A_914 = vector.shape_cast %parallel_loop3A_913 : vector<1x1x16xf32> to vector<16xf32>
        %parallel_loop3A_915 = arith.constant 0 : i32
        %parallel_loop3A_916 = arith.constant 9 : i32
        %parallel_loop3A_917 = arith.index_cast %parallel_loop3A_915 : i32 to index
        %parallel_loop3A_918 = arith.index_cast %parallel_loop3A_916 : i32 to index
        %parallel_loop3A_919 = arith.index_cast %parallel_loop3A_851 : i32 to index
        %parallel_loop3A_920 = tpu.vector_load %arg4[%parallel_loop3A_917, %parallel_loop3A_918, %parallel_loop3A_919] {strides = array<i32>} : memref<2x24x512xf32, #tpu.memory_space<vmem>>, vector<1x1x16xf32>,
        %parallel_loop3A_921 = vector.shape_cast %parallel_loop3A_920 : vector<1x1x16xf32> to vector<16xf32>
        %parallel_loop3A_922 = arith.constant 0 : i32
        %parallel_loop3A_923 = arith.constant 10 : i32
        %parallel_loop3A_924 = arith.index_cast %parallel_loop3A_922 : i32 to index
        %parallel_loop3A_925 = arith.index_cast %parallel_loop3A_923 : i32 to index
        %parallel_loop3A_926 = arith.index_cast %parallel_loop3A_851 : i32 to index
        %parallel_loop3A_927 = tpu.vector_load %arg4[%parallel_loop3A_924, %parallel_loop3A_925, %parallel_loop3A_926] {strides = array<i32>} : memref<2x24x512xf32, #tpu.memory_space<vmem>>, vector<1x1x16xf32>,
        %parallel_loop3A_928 = vector.shape_cast %parallel_loop3A_927 : vector<1x1x16xf32> to vector<16xf32>
        %parallel_loop3A_929 = arith.constant 0 : i32
        %parallel_loop3A_930 = arith.constant 11 : i32
        %parallel_loop3A_931 = arith.index_cast %parallel_loop3A_929 : i32 to index
        %parallel_loop3A_932 = arith.index_cast %parallel_loop3A_930 : i32 to index
        %parallel_loop3A_933 = arith.index_cast %parallel_loop3A_851 : i32 to index
        %parallel_loop3A_934 = tpu.vector_load %arg4[%parallel_loop3A_931, %parallel_loop3A_932, %parallel_loop3A_933] {strides = array<i32>} : memref<2x24x512xf32, #tpu.memory_space<vmem>>, vector<1x1x16xf32>,
        %parallel_loop3A_935 = vector.shape_cast %parallel_loop3A_934 : vector<1x1x16xf32> to vector<16xf32>
        %parallel_loop3A_936 = arith.constant 0 : i32
        %parallel_loop3A_937 = arith.constant 12 : i32
        %parallel_loop3A_938 = arith.index_cast %parallel_loop3A_936 : i32 to index
        %parallel_loop3A_939 = arith.index_cast %parallel_loop3A_937 : i32 to index
        %parallel_loop3A_940 = arith.index_cast %parallel_loop3A_851 : i32 to index
        %parallel_loop3A_941 = tpu.vector_load %arg4[%parallel_loop3A_938, %parallel_loop3A_939, %parallel_loop3A_940] {strides = array<i32>} : memref<2x24x512xf32, #tpu.memory_space<vmem>>, vector<1x1x16xf32>,
        %parallel_loop3A_942 = vector.shape_cast %parallel_loop3A_941 : vector<1x1x16xf32> to vector<16xf32>
        %parallel_loop3A_943 = arith.constant 0 : i32
        %parallel_loop3A_944 = arith.constant 13 : i32
        %parallel_loop3A_945 = arith.index_cast %parallel_loop3A_943 : i32 to index
        %parallel_loop3A_946 = arith.index_cast %parallel_loop3A_944 : i32 to index
        %parallel_loop3A_947 = arith.index_cast %parallel_loop3A_851 : i32 to index
        %parallel_loop3A_948 = tpu.vector_load %arg4[%parallel_loop3A_945, %parallel_loop3A_946, %parallel_loop3A_947] {strides = array<i32>} : memref<2x24x512xf32, #tpu.memory_space<vmem>>, vector<1x1x16xf32>,
        %parallel_loop3A_949 = vector.shape_cast %parallel_loop3A_948 : vector<1x1x16xf32> to vector<16xf32>
        %parallel_loop3A_950 = arith.constant 0 : i32
        %parallel_loop3A_951 = arith.constant 14 : i32
        %parallel_loop3A_952 = arith.index_cast %parallel_loop3A_950 : i32 to index
        %parallel_loop3A_953 = arith.index_cast %parallel_loop3A_951 : i32 to index
        %parallel_loop3A_954 = arith.index_cast %parallel_loop3A_851 : i32 to index
        %parallel_loop3A_955 = tpu.vector_load %arg4[%parallel_loop3A_952, %parallel_loop3A_953, %parallel_loop3A_954] {strides = array<i32>} : memref<2x24x512xf32, #tpu.memory_space<vmem>>, vector<1x1x16xf32>,
        %parallel_loop3A_956 = vector.shape_cast %parallel_loop3A_955 : vector<1x1x16xf32> to vector<16xf32>
        %parallel_loop3A_957 = arith.constant 0 : i32
        %parallel_loop3A_958 = arith.constant 15 : i32
        %parallel_loop3A_959 = arith.index_cast %parallel_loop3A_957 : i32 to index
        %parallel_loop3A_960 = arith.index_cast %parallel_loop3A_958 : i32 to index
        %parallel_loop3A_961 = arith.index_cast %parallel_loop3A_851 : i32 to index
        %parallel_loop3A_962 = tpu.vector_load %arg4[%parallel_loop3A_959, %parallel_loop3A_960, %parallel_loop3A_961] {strides = array<i32>} : memref<2x24x512xf32, #tpu.memory_space<vmem>>, vector<1x1x16xf32>,
        %parallel_loop3A_963 = vector.shape_cast %parallel_loop3A_962 : vector<1x1x16xf32> to vector<16xf32>
        %parallel_loop3A_964 = arith.constant 0 : i32
        %parallel_loop3A_965 = arith.constant 16 : i32
        %parallel_loop3A_966 = arith.index_cast %parallel_loop3A_964 : i32 to index
        %parallel_loop3A_967 = arith.index_cast %parallel_loop3A_965 : i32 to index
        %parallel_loop3A_968 = arith.index_cast %parallel_loop3A_851 : i32 to index
        %parallel_loop3A_969 = tpu.vector_load %arg4[%parallel_loop3A_966, %parallel_loop3A_967, %parallel_loop3A_968] {strides = array<i32>} : memref<2x24x512xf32, #tpu.memory_space<vmem>>, vector<1x1x16xf32>,
        %parallel_loop3A_970 = vector.shape_cast %parallel_loop3A_969 : vector<1x1x16xf32> to vector<16xf32>
        %parallel_loop3A_971 = arith.constant 0 : i32
        %parallel_loop3A_972 = arith.constant 17 : i32
        %parallel_loop3A_973 = arith.index_cast %parallel_loop3A_971 : i32 to index
        %parallel_loop3A_974 = arith.index_cast %parallel_loop3A_972 : i32 to index
        %parallel_loop3A_975 = arith.index_cast %parallel_loop3A_851 : i32 to index
        %parallel_loop3A_976 = tpu.vector_load %arg4[%parallel_loop3A_973, %parallel_loop3A_974, %parallel_loop3A_975] {strides = array<i32>} : memref<2x24x512xf32, #tpu.memory_space<vmem>>, vector<1x1x16xf32>,
        %parallel_loop3A_977 = vector.shape_cast %parallel_loop3A_976 : vector<1x1x16xf32> to vector<16xf32>
        %parallel_loop3A_978 = arith.constant 0 : i32
        %parallel_loop3A_979 = arith.constant 18 : i32
        %parallel_loop3A_980 = arith.index_cast %parallel_loop3A_978 : i32 to index
        %parallel_loop3A_981 = arith.index_cast %parallel_loop3A_979 : i32 to index
        %parallel_loop3A_982 = arith.index_cast %parallel_loop3A_851 : i32 to index
        %parallel_loop3A_983 = tpu.vector_load %arg4[%parallel_loop3A_980, %parallel_loop3A_981, %parallel_loop3A_982] {strides = array<i32>} : memref<2x24x512xf32, #tpu.memory_space<vmem>>, vector<1x1x16xf32>,
        %parallel_loop3A_984 = vector.shape_cast %parallel_loop3A_983 : vector<1x1x16xf32> to vector<16xf32>
        %parallel_loop3A_985 = arith.constant 0 : i32
        %parallel_loop3A_986 = arith.constant 19 : i32
        %parallel_loop3A_987 = arith.index_cast %parallel_loop3A_985 : i32 to index
        %parallel_loop3A_988 = arith.index_cast %parallel_loop3A_986 : i32 to index
        %parallel_loop3A_989 = arith.index_cast %parallel_loop3A_851 : i32 to index
        %parallel_loop3A_990 = tpu.vector_load %arg4[%parallel_loop3A_987, %parallel_loop3A_988, %parallel_loop3A_989] {strides = array<i32>} : memref<2x24x512xf32, #tpu.memory_space<vmem>>, vector<1x1x16xf32>,
        %parallel_loop3A_991 = vector.shape_cast %parallel_loop3A_990 : vector<1x1x16xf32> to vector<16xf32>
        %parallel_loop3A_992 = arith.constant 0 : i32
        %parallel_loop3A_993 = arith.constant 20 : i32
        %parallel_loop3A_994 = arith.index_cast %parallel_loop3A_992 : i32 to index
        %parallel_loop3A_995 = arith.index_cast %parallel_loop3A_993 : i32 to index
        %parallel_loop3A_996 = arith.index_cast %parallel_loop3A_851 : i32 to index
        %parallel_loop3A_997 = tpu.vector_load %arg4[%parallel_loop3A_994, %parallel_loop3A_995, %parallel_loop3A_996] {strides = array<i32>} : memref<2x24x512xf32, #tpu.memory_space<vmem>>, vector<1x1x16xf32>,
        %parallel_loop3A_998 = vector.shape_cast %parallel_loop3A_997 : vector<1x1x16xf32> to vector<16xf32>
        %parallel_loop3A_999 = arith.constant 0 : i32
        %parallel_loop3A_1000 = arith.constant 21 : i32
        %parallel_loop3A_1001 = arith.index_cast %parallel_loop3A_999 : i32 to index
        %parallel_loop3A_1002 = arith.index_cast %parallel_loop3A_1000 : i32 to index
        %parallel_loop3A_1003 = arith.index_cast %parallel_loop3A_851 : i32 to index
        %parallel_loop3A_1004 = tpu.vector_load %arg4[%parallel_loop3A_1001, %parallel_loop3A_1002, %parallel_loop3A_1003] {strides = array<i32>} : memref<2x24x512xf32, #tpu.memory_space<vmem>>, vector<1x1x16xf32>,
        %parallel_loop3A_1005 = vector.shape_cast %parallel_loop3A_1004 : vector<1x1x16xf32> to vector<16xf32>
        %parallel_loop3A_1006 = arith.constant 0 : i32
        %parallel_loop3A_1007 = arith.constant 22 : i32
        %parallel_loop3A_1008 = arith.index_cast %parallel_loop3A_1006 : i32 to index
        %parallel_loop3A_1009 = arith.index_cast %parallel_loop3A_1007 : i32 to index
        %parallel_loop3A_1010 = arith.index_cast %parallel_loop3A_851 : i32 to index
        %parallel_loop3A_1011 = tpu.vector_load %arg4[%parallel_loop3A_1008, %parallel_loop3A_1009, %parallel_loop3A_1010] {strides = array<i32>} : memref<2x24x512xf32, #tpu.memory_space<vmem>>, vector<1x1x16xf32>,
        %parallel_loop3A_1012 = vector.shape_cast %parallel_loop3A_1011 : vector<1x1x16xf32> to vector<16xf32>
        %parallel_loop3A_1013 = arith.constant 0 : i32
        %parallel_loop3A_1014 = arith.constant 23 : i32
        %parallel_loop3A_1015 = arith.index_cast %parallel_loop3A_1013 : i32 to index
        %parallel_loop3A_1016 = arith.index_cast %parallel_loop3A_1014 : i32 to index
        %parallel_loop3A_1017 = arith.index_cast %parallel_loop3A_851 : i32 to index
        %parallel_loop3A_1018 = tpu.vector_load %arg4[%parallel_loop3A_1015, %parallel_loop3A_1016, %parallel_loop3A_1017] {strides = array<i32>} : memref<2x24x512xf32, #tpu.memory_space<vmem>>, vector<1x1x16xf32>,
        %parallel_loop3A_1019 = vector.shape_cast %parallel_loop3A_1018 : vector<1x1x16xf32> to vector<16xf32>
        %parallel_loop3A_1020 = arith.addf %parallel_loop3A_858, %parallel_loop3A_879 : vector<16xf32>
        %parallel_loop3A_1021 = arith.constant 5.000000e-01 : f32
        %parallel_loop3A_1022 = vector.broadcast %parallel_loop3A_1021 : f32 to vector<16xf32>
        %parallel_loop3A_1023 = arith.mulf %parallel_loop3A_1020, %parallel_loop3A_1022 : vector<16xf32>
        %parallel_loop3A_1024 = arith.constant 0 : i32
        %parallel_loop3A_1025 = arith.constant 0 : i32
        %parallel_loop3A_1026 = arith.constant 0 : i32
        %parallel_loop3A_1027 = arith.index_cast %parallel_loop3A_1024 : i32 to index
        %parallel_loop3A_1028 = arith.index_cast %parallel_loop3A_1025 : i32 to index
        %parallel_loop3A_1029 = arith.index_cast %parallel_loop3A_1026 : i32 to index
        %parallel_loop3A_1030 = arith.index_cast %parallel_loop3A_851 : i32 to index
        %parallel_loop3A_1031 = tpu.vector_load %arg5[%parallel_loop3A_1027, %parallel_loop3A_1028, %parallel_loop3A_1029, %parallel_loop3A_1030] {strides = array<i32>} : memref<2x7x8x512xf32, #tpu.memory_space<vmem>>, vector<1x1x1x16xf32>,
        %parallel_loop3A_1032 = vector.shape_cast %parallel_loop3A_1031 : vector<1x1x1x16xf32> to vector<16xf32>
        %parallel_loop3A_1033 = vector.shape_cast %parallel_loop3A_1023 : vector<16xf32> to vector<1x1x1x16xf32>
        tpu.vector_store %arg5[%parallel_loop3A_1027, %parallel_loop3A_1028, %parallel_loop3A_1029, %parallel_loop3A_1030], %parallel_loop3A_1033 {strides = array<i32>} : memref<2x7x8x512xf32, #tpu.memory_space<vmem>>, vector<1x1x1x16xf32>,
        %parallel_loop3A_1034 = arith.constant 0 : i32
        %parallel_loop3A_1035 = arith.constant 0 : i32
        %parallel_loop3A_1036 = arith.constant 1 : i32
        %parallel_loop3A_1037 = arith.index_cast %parallel_loop3A_1034 : i32 to index
        %parallel_loop3A_1038 = arith.index_cast %parallel_loop3A_1035 : i32 to index
        %parallel_loop3A_1039 = arith.index_cast %parallel_loop3A_1036 : i32 to index
        %parallel_loop3A_1040 = arith.index_cast %parallel_loop3A_851 : i32 to index
        %parallel_loop3A_1041 = tpu.vector_load %arg5[%parallel_loop3A_1037, %parallel_loop3A_1038, %parallel_loop3A_1039, %parallel_loop3A_1040] {strides = array<i32>} : memref<2x7x8x512xf32, #tpu.memory_space<vmem>>, vector<1x1x1x16xf32>,
        %parallel_loop3A_1042 = vector.shape_cast %parallel_loop3A_1041 : vector<1x1x1x16xf32> to vector<16xf32>
        %parallel_loop3A_1043 = vector.shape_cast %parallel_loop3A_858 : vector<16xf32> to vector<1x1x1x16xf32>
        tpu.vector_store %arg5[%parallel_loop3A_1037, %parallel_loop3A_1038, %parallel_loop3A_1039, %parallel_loop3A_1040], %parallel_loop3A_1043 {strides = array<i32>} : memref<2x7x8x512xf32, #tpu.memory_space<vmem>>, vector<1x1x1x16xf32>,
        %parallel_loop3A_1044 = arith.addf %parallel_loop3A_858, %parallel_loop3A_865 : vector<16xf32>
        %parallel_loop3A_1045 = arith.addf %parallel_loop3A_1044, %parallel_loop3A_886 : vector<16xf32>
        %parallel_loop3A_1046 = arith.constant 0.333333343 : f32
        %parallel_loop3A_1047 = vector.broadcast %parallel_loop3A_1046 : f32 to vector<16xf32>
        %parallel_loop3A_1048 = arith.mulf %parallel_loop3A_1045, %parallel_loop3A_1047 : vector<16xf32>
        %parallel_loop3A_1049 = arith.constant 0 : i32
        %parallel_loop3A_1050 = arith.constant 0 : i32
        %parallel_loop3A_1051 = arith.constant 2 : i32
        %parallel_loop3A_1052 = arith.index_cast %parallel_loop3A_1049 : i32 to index
        %parallel_loop3A_1053 = arith.index_cast %parallel_loop3A_1050 : i32 to index
        %parallel_loop3A_1054 = arith.index_cast %parallel_loop3A_1051 : i32 to index
        %parallel_loop3A_1055 = arith.index_cast %parallel_loop3A_851 : i32 to index
        %parallel_loop3A_1056 = tpu.vector_load %arg5[%parallel_loop3A_1052, %parallel_loop3A_1053, %parallel_loop3A_1054, %parallel_loop3A_1055] {strides = array<i32>} : memref<2x7x8x512xf32, #tpu.memory_space<vmem>>, vector<1x1x1x16xf32>,
        %parallel_loop3A_1057 = vector.shape_cast %parallel_loop3A_1056 : vector<1x1x1x16xf32> to vector<16xf32>
        %parallel_loop3A_1058 = vector.shape_cast %parallel_loop3A_1048 : vector<16xf32> to vector<1x1x1x16xf32>
        tpu.vector_store %arg5[%parallel_loop3A_1052, %parallel_loop3A_1053, %parallel_loop3A_1054, %parallel_loop3A_1055], %parallel_loop3A_1058 {strides = array<i32>} : memref<2x7x8x512xf32, #tpu.memory_space<vmem>>, vector<1x1x1x16xf32>,
        %parallel_loop3A_1059 = arith.constant 0 : i32
        %parallel_loop3A_1060 = arith.constant 0 : i32
        %parallel_loop3A_1061 = arith.constant 3 : i32
        %parallel_loop3A_1062 = arith.index_cast %parallel_loop3A_1059 : i32 to index
        %parallel_loop3A_1063 = arith.index_cast %parallel_loop3A_1060 : i32 to index
        %parallel_loop3A_1064 = arith.index_cast %parallel_loop3A_1061 : i32 to index
        %parallel_loop3A_1065 = arith.index_cast %parallel_loop3A_851 : i32 to index
        %parallel_loop3A_1066 = tpu.vector_load %arg5[%parallel_loop3A_1062, %parallel_loop3A_1063, %parallel_loop3A_1064, %parallel_loop3A_1065] {strides = array<i32>} : memref<2x7x8x512xf32, #tpu.memory_space<vmem>>, vector<1x1x1x16xf32>,
        %parallel_loop3A_1067 = vector.shape_cast %parallel_loop3A_1066 : vector<1x1x1x16xf32> to vector<16xf32>
        %parallel_loop3A_1068 = vector.shape_cast %parallel_loop3A_865 : vector<16xf32> to vector<1x1x1x16xf32>
        tpu.vector_store %arg5[%parallel_loop3A_1062, %parallel_loop3A_1063, %parallel_loop3A_1064, %parallel_loop3A_1065], %parallel_loop3A_1068 {strides = array<i32>} : memref<2x7x8x512xf32, #tpu.memory_space<vmem>>, vector<1x1x1x16xf32>,
        %parallel_loop3A_1069 = arith.addf %parallel_loop3A_865, %parallel_loop3A_872 : vector<16xf32>
        %parallel_loop3A_1070 = arith.addf %parallel_loop3A_1069, %parallel_loop3A_893 : vector<16xf32>
        %parallel_loop3A_1071 = arith.constant 0.333333343 : f32
        %parallel_loop3A_1072 = vector.broadcast %parallel_loop3A_1071 : f32 to vector<16xf32>
        %parallel_loop3A_1073 = arith.mulf %parallel_loop3A_1070, %parallel_loop3A_1072 : vector<16xf32>
        %parallel_loop3A_1074 = arith.constant 0 : i32
        %parallel_loop3A_1075 = arith.constant 0 : i32
        %parallel_loop3A_1076 = arith.constant 4 : i32
        %parallel_loop3A_1077 = arith.index_cast %parallel_loop3A_1074 : i32 to index
        %parallel_loop3A_1078 = arith.index_cast %parallel_loop3A_1075 : i32 to index
        %parallel_loop3A_1079 = arith.index_cast %parallel_loop3A_1076 : i32 to index
        %parallel_loop3A_1080 = arith.index_cast %parallel_loop3A_851 : i32 to index
        %parallel_loop3A_1081 = tpu.vector_load %arg5[%parallel_loop3A_1077, %parallel_loop3A_1078, %parallel_loop3A_1079, %parallel_loop3A_1080] {strides = array<i32>} : memref<2x7x8x512xf32, #tpu.memory_space<vmem>>, vector<1x1x1x16xf32>,
        %parallel_loop3A_1082 = vector.shape_cast %parallel_loop3A_1081 : vector<1x1x1x16xf32> to vector<16xf32>
        %parallel_loop3A_1083 = vector.shape_cast %parallel_loop3A_1073 : vector<16xf32> to vector<1x1x1x16xf32>
        tpu.vector_store %arg5[%parallel_loop3A_1077, %parallel_loop3A_1078, %parallel_loop3A_1079, %parallel_loop3A_1080], %parallel_loop3A_1083 {strides = array<i32>} : memref<2x7x8x512xf32, #tpu.memory_space<vmem>>, vector<1x1x1x16xf32>,
        %parallel_loop3A_1084 = arith.constant 0 : i32
        %parallel_loop3A_1085 = arith.constant 0 : i32
        %parallel_loop3A_1086 = arith.constant 5 : i32
        %parallel_loop3A_1087 = arith.index_cast %parallel_loop3A_1084 : i32 to index
        %parallel_loop3A_1088 = arith.index_cast %parallel_loop3A_1085 : i32 to index
        %parallel_loop3A_1089 = arith.index_cast %parallel_loop3A_1086 : i32 to index
        %parallel_loop3A_1090 = arith.index_cast %parallel_loop3A_851 : i32 to index
        %parallel_loop3A_1091 = tpu.vector_load %arg5[%parallel_loop3A_1087, %parallel_loop3A_1088, %parallel_loop3A_1089, %parallel_loop3A_1090] {strides = array<i32>} : memref<2x7x8x512xf32, #tpu.memory_space<vmem>>, vector<1x1x1x16xf32>,
        %parallel_loop3A_1092 = vector.shape_cast %parallel_loop3A_1091 : vector<1x1x1x16xf32> to vector<16xf32>
        %parallel_loop3A_1093 = vector.shape_cast %parallel_loop3A_872 : vector<16xf32> to vector<1x1x1x16xf32>
        tpu.vector_store %arg5[%parallel_loop3A_1087, %parallel_loop3A_1088, %parallel_loop3A_1089, %parallel_loop3A_1090], %parallel_loop3A_1093 {strides = array<i32>} : memref<2x7x8x512xf32, #tpu.memory_space<vmem>>, vector<1x1x1x16xf32>,
        %parallel_loop3A_1094 = arith.addf %parallel_loop3A_872, %parallel_loop3A_900 : vector<16xf32>
        %parallel_loop3A_1095 = arith.constant 5.000000e-01 : f32
        %parallel_loop3A_1096 = vector.broadcast %parallel_loop3A_1095 : f32 to vector<16xf32>
        %parallel_loop3A_1097 = arith.mulf %parallel_loop3A_1094, %parallel_loop3A_1096 : vector<16xf32>
        %parallel_loop3A_1098 = arith.constant 0 : i32
        %parallel_loop3A_1099 = arith.constant 0 : i32
        %parallel_loop3A_1100 = arith.constant 6 : i32
        %parallel_loop3A_1101 = arith.index_cast %parallel_loop3A_1098 : i32 to index
        %parallel_loop3A_1102 = arith.index_cast %parallel_loop3A_1099 : i32 to index
        %parallel_loop3A_1103 = arith.index_cast %parallel_loop3A_1100 : i32 to index
        %parallel_loop3A_1104 = arith.index_cast %parallel_loop3A_851 : i32 to index
        %parallel_loop3A_1105 = tpu.vector_load %arg5[%parallel_loop3A_1101, %parallel_loop3A_1102, %parallel_loop3A_1103, %parallel_loop3A_1104] {strides = array<i32>} : memref<2x7x8x512xf32, #tpu.memory_space<vmem>>, vector<1x1x1x16xf32>,
        %parallel_loop3A_1106 = vector.shape_cast %parallel_loop3A_1105 : vector<1x1x1x16xf32> to vector<16xf32>
        %parallel_loop3A_1107 = vector.shape_cast %parallel_loop3A_1097 : vector<16xf32> to vector<1x1x1x16xf32>
        tpu.vector_store %arg5[%parallel_loop3A_1101, %parallel_loop3A_1102, %parallel_loop3A_1103, %parallel_loop3A_1104], %parallel_loop3A_1107 {strides = array<i32>} : memref<2x7x8x512xf32, #tpu.memory_space<vmem>>, vector<1x1x1x16xf32>,
        %parallel_loop3A_1108 = arith.constant 0 : i32
        %parallel_loop3A_1109 = arith.constant 1 : i32
        %parallel_loop3A_1110 = arith.constant 0 : i32
        %parallel_loop3A_1111 = arith.index_cast %parallel_loop3A_1108 : i32 to index
        %parallel_loop3A_1112 = arith.index_cast %parallel_loop3A_1109 : i32 to index
        %parallel_loop3A_1113 = arith.index_cast %parallel_loop3A_1110 : i32 to index
        %parallel_loop3A_1114 = arith.index_cast %parallel_loop3A_851 : i32 to index
        %parallel_loop3A_1115 = tpu.vector_load %arg5[%parallel_loop3A_1111, %parallel_loop3A_1112, %parallel_loop3A_1113, %parallel_loop3A_1114] {strides = array<i32>} : memref<2x7x8x512xf32, #tpu.memory_space<vmem>>, vector<1x1x1x16xf32>,
        %parallel_loop3A_1116 = vector.shape_cast %parallel_loop3A_1115 : vector<1x1x1x16xf32> to vector<16xf32>
        %parallel_loop3A_1117 = vector.shape_cast %parallel_loop3A_879 : vector<16xf32> to vector<1x1x1x16xf32>
        tpu.vector_store %arg5[%parallel_loop3A_1111, %parallel_loop3A_1112, %parallel_loop3A_1113, %parallel_loop3A_1114], %parallel_loop3A_1117 {strides = array<i32>} : memref<2x7x8x512xf32, #tpu.memory_space<vmem>>, vector<1x1x1x16xf32>,
        %parallel_loop3A_1118 = arith.addf %parallel_loop3A_858, %parallel_loop3A_879 : vector<16xf32>
        %parallel_loop3A_1119 = arith.addf %parallel_loop3A_1118, %parallel_loop3A_886 : vector<16xf32>
        %parallel_loop3A_1120 = arith.addf %parallel_loop3A_1119, %parallel_loop3A_907 : vector<16xf32>
        %parallel_loop3A_1121 = arith.constant 2.500000e-01 : f32
        %parallel_loop3A_1122 = vector.broadcast %parallel_loop3A_1121 : f32 to vector<16xf32>
        %parallel_loop3A_1123 = arith.mulf %parallel_loop3A_1120, %parallel_loop3A_1122 : vector<16xf32>
        %parallel_loop3A_1124 = arith.constant 0 : i32
        %parallel_loop3A_1125 = arith.constant 1 : i32
        %parallel_loop3A_1126 = arith.constant 1 : i32
        %parallel_loop3A_1127 = arith.index_cast %parallel_loop3A_1124 : i32 to index
        %parallel_loop3A_1128 = arith.index_cast %parallel_loop3A_1125 : i32 to index
        %parallel_loop3A_1129 = arith.index_cast %parallel_loop3A_1126 : i32 to index
        %parallel_loop3A_1130 = arith.index_cast %parallel_loop3A_851 : i32 to index
        %parallel_loop3A_1131 = tpu.vector_load %arg5[%parallel_loop3A_1127, %parallel_loop3A_1128, %parallel_loop3A_1129, %parallel_loop3A_1130] {strides = array<i32>} : memref<2x7x8x512xf32, #tpu.memory_space<vmem>>, vector<1x1x1x16xf32>,
        %parallel_loop3A_1132 = vector.shape_cast %parallel_loop3A_1131 : vector<1x1x1x16xf32> to vector<16xf32>
        %parallel_loop3A_1133 = vector.shape_cast %parallel_loop3A_1123 : vector<16xf32> to vector<1x1x1x16xf32>
        tpu.vector_store %arg5[%parallel_loop3A_1127, %parallel_loop3A_1128, %parallel_loop3A_1129, %parallel_loop3A_1130], %parallel_loop3A_1133 {strides = array<i32>} : memref<2x7x8x512xf32, #tpu.memory_space<vmem>>, vector<1x1x1x16xf32>,
        %parallel_loop3A_1134 = arith.constant 0 : i32
        %parallel_loop3A_1135 = arith.constant 1 : i32
        %parallel_loop3A_1136 = arith.constant 2 : i32
        %parallel_loop3A_1137 = arith.index_cast %parallel_loop3A_1134 : i32 to index
        %parallel_loop3A_1138 = arith.index_cast %parallel_loop3A_1135 : i32 to index
        %parallel_loop3A_1139 = arith.index_cast %parallel_loop3A_1136 : i32 to index
        %parallel_loop3A_1140 = arith.index_cast %parallel_loop3A_851 : i32 to index
        %parallel_loop3A_1141 = tpu.vector_load %arg5[%parallel_loop3A_1137, %parallel_loop3A_1138, %parallel_loop3A_1139, %parallel_loop3A_1140] {strides = array<i32>} : memref<2x7x8x512xf32, #tpu.memory_space<vmem>>, vector<1x1x1x16xf32>,
        %parallel_loop3A_1142 = vector.shape_cast %parallel_loop3A_1141 : vector<1x1x1x16xf32> to vector<16xf32>
        %parallel_loop3A_1143 = vector.shape_cast %parallel_loop3A_886 : vector<16xf32> to vector<1x1x1x16xf32>
        tpu.vector_store %arg5[%parallel_loop3A_1137, %parallel_loop3A_1138, %parallel_loop3A_1139, %parallel_loop3A_1140], %parallel_loop3A_1143 {strides = array<i32>} : memref<2x7x8x512xf32, #tpu.memory_space<vmem>>, vector<1x1x1x16xf32>,
        %parallel_loop3A_1144 = arith.addf %parallel_loop3A_865, %parallel_loop3A_886 : vector<16xf32>
        %parallel_loop3A_1145 = arith.addf %parallel_loop3A_1144, %parallel_loop3A_893 : vector<16xf32>
        %parallel_loop3A_1146 = arith.addf %parallel_loop3A_1145, %parallel_loop3A_914 : vector<16xf32>
        %parallel_loop3A_1147 = arith.constant 2.500000e-01 : f32
        %parallel_loop3A_1148 = vector.broadcast %parallel_loop3A_1147 : f32 to vector<16xf32>
        %parallel_loop3A_1149 = arith.mulf %parallel_loop3A_1146, %parallel_loop3A_1148 : vector<16xf32>
        %parallel_loop3A_1150 = arith.constant 0 : i32
        %parallel_loop3A_1151 = arith.constant 1 : i32
        %parallel_loop3A_1152 = arith.constant 3 : i32
        %parallel_loop3A_1153 = arith.index_cast %parallel_loop3A_1150 : i32 to index
        %parallel_loop3A_1154 = arith.index_cast %parallel_loop3A_1151 : i32 to index
        %parallel_loop3A_1155 = arith.index_cast %parallel_loop3A_1152 : i32 to index
        %parallel_loop3A_1156 = arith.index_cast %parallel_loop3A_851 : i32 to index
        %parallel_loop3A_1157 = tpu.vector_load %arg5[%parallel_loop3A_1153, %parallel_loop3A_1154, %parallel_loop3A_1155, %parallel_loop3A_1156] {strides = array<i32>} : memref<2x7x8x512xf32, #tpu.memory_space<vmem>>, vector<1x1x1x16xf32>,
        %parallel_loop3A_1158 = vector.shape_cast %parallel_loop3A_1157 : vector<1x1x1x16xf32> to vector<16xf32>
        %parallel_loop3A_1159 = vector.shape_cast %parallel_loop3A_1149 : vector<16xf32> to vector<1x1x1x16xf32>
        tpu.vector_store %arg5[%parallel_loop3A_1153, %parallel_loop3A_1154, %parallel_loop3A_1155, %parallel_loop3A_1156], %parallel_loop3A_1159 {strides = array<i32>} : memref<2x7x8x512xf32, #tpu.memory_space<vmem>>, vector<1x1x1x16xf32>,
        %parallel_loop3A_1160 = arith.constant 0 : i32
        %parallel_loop3A_1161 = arith.constant 1 : i32
        %parallel_loop3A_1162 = arith.constant 4 : i32
        %parallel_loop3A_1163 = arith.index_cast %parallel_loop3A_1160 : i32 to index
        %parallel_loop3A_1164 = arith.index_cast %parallel_loop3A_1161 : i32 to index
        %parallel_loop3A_1165 = arith.index_cast %parallel_loop3A_1162 : i32 to index
        %parallel_loop3A_1166 = arith.index_cast %parallel_loop3A_851 : i32 to index
        %parallel_loop3A_1167 = tpu.vector_load %arg5[%parallel_loop3A_1163, %parallel_loop3A_1164, %parallel_loop3A_1165, %parallel_loop3A_1166] {strides = array<i32>} : memref<2x7x8x512xf32, #tpu.memory_space<vmem>>, vector<1x1x1x16xf32>,
        %parallel_loop3A_1168 = vector.shape_cast %parallel_loop3A_1167 : vector<1x1x1x16xf32> to vector<16xf32>
        %parallel_loop3A_1169 = vector.shape_cast %parallel_loop3A_893 : vector<16xf32> to vector<1x1x1x16xf32>
        tpu.vector_store %arg5[%parallel_loop3A_1163, %parallel_loop3A_1164, %parallel_loop3A_1165, %parallel_loop3A_1166], %parallel_loop3A_1169 {strides = array<i32>} : memref<2x7x8x512xf32, #tpu.memory_space<vmem>>, vector<1x1x1x16xf32>,
        %parallel_loop3A_1170 = arith.addf %parallel_loop3A_872, %parallel_loop3A_893 : vector<16xf32>
        %parallel_loop3A_1171 = arith.addf %parallel_loop3A_1170, %parallel_loop3A_900 : vector<16xf32>
        %parallel_loop3A_1172 = arith.addf %parallel_loop3A_1171, %parallel_loop3A_921 : vector<16xf32>
        %parallel_loop3A_1173 = arith.constant 2.500000e-01 : f32
        %parallel_loop3A_1174 = vector.broadcast %parallel_loop3A_1173 : f32 to vector<16xf32>
        %parallel_loop3A_1175 = arith.mulf %parallel_loop3A_1172, %parallel_loop3A_1174 : vector<16xf32>
        %parallel_loop3A_1176 = arith.constant 0 : i32
        %parallel_loop3A_1177 = arith.constant 1 : i32
        %parallel_loop3A_1178 = arith.constant 5 : i32
        %parallel_loop3A_1179 = arith.index_cast %parallel_loop3A_1176 : i32 to index
        %parallel_loop3A_1180 = arith.index_cast %parallel_loop3A_1177 : i32 to index
        %parallel_loop3A_1181 = arith.index_cast %parallel_loop3A_1178 : i32 to index
        %parallel_loop3A_1182 = arith.index_cast %parallel_loop3A_851 : i32 to index
        %parallel_loop3A_1183 = tpu.vector_load %arg5[%parallel_loop3A_1179, %parallel_loop3A_1180, %parallel_loop3A_1181, %parallel_loop3A_1182] {strides = array<i32>} : memref<2x7x8x512xf32, #tpu.memory_space<vmem>>, vector<1x1x1x16xf32>,
        %parallel_loop3A_1184 = vector.shape_cast %parallel_loop3A_1183 : vector<1x1x1x16xf32> to vector<16xf32>
        %parallel_loop3A_1185 = vector.shape_cast %parallel_loop3A_1175 : vector<16xf32> to vector<1x1x1x16xf32>
        tpu.vector_store %arg5[%parallel_loop3A_1179, %parallel_loop3A_1180, %parallel_loop3A_1181, %parallel_loop3A_1182], %parallel_loop3A_1185 {strides = array<i32>} : memref<2x7x8x512xf32, #tpu.memory_space<vmem>>, vector<1x1x1x16xf32>,
        %parallel_loop3A_1186 = arith.constant 0 : i32
        %parallel_loop3A_1187 = arith.constant 1 : i32
        %parallel_loop3A_1188 = arith.constant 6 : i32
        %parallel_loop3A_1189 = arith.index_cast %parallel_loop3A_1186 : i32 to index
        %parallel_loop3A_1190 = arith.index_cast %parallel_loop3A_1187 : i32 to index
        %parallel_loop3A_1191 = arith.index_cast %parallel_loop3A_1188 : i32 to index
        %parallel_loop3A_1192 = arith.index_cast %parallel_loop3A_851 : i32 to index
        %parallel_loop3A_1193 = tpu.vector_load %arg5[%parallel_loop3A_1189, %parallel_loop3A_1190, %parallel_loop3A_1191, %parallel_loop3A_1192] {strides = array<i32>} : memref<2x7x8x512xf32, #tpu.memory_space<vmem>>, vector<1x1x1x16xf32>,
        %parallel_loop3A_1194 = vector.shape_cast %parallel_loop3A_1193 : vector<1x1x1x16xf32> to vector<16xf32>
        %parallel_loop3A_1195 = vector.shape_cast %parallel_loop3A_900 : vector<16xf32> to vector<1x1x1x16xf32>
        tpu.vector_store %arg5[%parallel_loop3A_1189, %parallel_loop3A_1190, %parallel_loop3A_1191, %parallel_loop3A_1192], %parallel_loop3A_1195 {strides = array<i32>} : memref<2x7x8x512xf32, #tpu.memory_space<vmem>>, vector<1x1x1x16xf32>,
        %parallel_loop3A_1196 = arith.addf %parallel_loop3A_879, %parallel_loop3A_907 : vector<16xf32>
        %parallel_loop3A_1197 = arith.addf %parallel_loop3A_1196, %parallel_loop3A_928 : vector<16xf32>
        %parallel_loop3A_1198 = arith.constant 0.333333343 : f32
        %parallel_loop3A_1199 = vector.broadcast %parallel_loop3A_1198 : f32 to vector<16xf32>
        %parallel_loop3A_1200 = arith.mulf %parallel_loop3A_1197, %parallel_loop3A_1199 : vector<16xf32>
        %parallel_loop3A_1201 = arith.constant 0 : i32
        %parallel_loop3A_1202 = arith.constant 2 : i32
        %parallel_loop3A_1203 = arith.constant 0 : i32
        %parallel_loop3A_1204 = arith.index_cast %parallel_loop3A_1201 : i32 to index
        %parallel_loop3A_1205 = arith.index_cast %parallel_loop3A_1202 : i32 to index
        %parallel_loop3A_1206 = arith.index_cast %parallel_loop3A_1203 : i32 to index
        %parallel_loop3A_1207 = arith.index_cast %parallel_loop3A_851 : i32 to index
        %parallel_loop3A_1208 = tpu.vector_load %arg5[%parallel_loop3A_1204, %parallel_loop3A_1205, %parallel_loop3A_1206, %parallel_loop3A_1207] {strides = array<i32>} : memref<2x7x8x512xf32, #tpu.memory_space<vmem>>, vector<1x1x1x16xf32>,
        %parallel_loop3A_1209 = vector.shape_cast %parallel_loop3A_1208 : vector<1x1x1x16xf32> to vector<16xf32>
        %parallel_loop3A_1210 = vector.shape_cast %parallel_loop3A_1200 : vector<16xf32> to vector<1x1x1x16xf32>
        tpu.vector_store %arg5[%parallel_loop3A_1204, %parallel_loop3A_1205, %parallel_loop3A_1206, %parallel_loop3A_1207], %parallel_loop3A_1210 {strides = array<i32>} : memref<2x7x8x512xf32, #tpu.memory_space<vmem>>, vector<1x1x1x16xf32>,
        %parallel_loop3A_1211 = arith.constant 0 : i32
        %parallel_loop3A_1212 = arith.constant 2 : i32
        %parallel_loop3A_1213 = arith.constant 1 : i32
        %parallel_loop3A_1214 = arith.index_cast %parallel_loop3A_1211 : i32 to index
        %parallel_loop3A_1215 = arith.index_cast %parallel_loop3A_1212 : i32 to index
        %parallel_loop3A_1216 = arith.index_cast %parallel_loop3A_1213 : i32 to index
        %parallel_loop3A_1217 = arith.index_cast %parallel_loop3A_851 : i32 to index
        %parallel_loop3A_1218 = tpu.vector_load %arg5[%parallel_loop3A_1214, %parallel_loop3A_1215, %parallel_loop3A_1216, %parallel_loop3A_1217] {strides = array<i32>} : memref<2x7x8x512xf32, #tpu.memory_space<vmem>>, vector<1x1x1x16xf32>,
        %parallel_loop3A_1219 = vector.shape_cast %parallel_loop3A_1218 : vector<1x1x1x16xf32> to vector<16xf32>
        %parallel_loop3A_1220 = vector.shape_cast %parallel_loop3A_907 : vector<16xf32> to vector<1x1x1x16xf32>
        tpu.vector_store %arg5[%parallel_loop3A_1214, %parallel_loop3A_1215, %parallel_loop3A_1216, %parallel_loop3A_1217], %parallel_loop3A_1220 {strides = array<i32>} : memref<2x7x8x512xf32, #tpu.memory_space<vmem>>, vector<1x1x1x16xf32>,
        %parallel_loop3A_1221 = arith.addf %parallel_loop3A_886, %parallel_loop3A_907 : vector<16xf32>
        %parallel_loop3A_1222 = arith.addf %parallel_loop3A_1221, %parallel_loop3A_914 : vector<16xf32>
        %parallel_loop3A_1223 = arith.addf %parallel_loop3A_1222, %parallel_loop3A_935 : vector<16xf32>
        %parallel_loop3A_1224 = arith.constant 2.500000e-01 : f32
        %parallel_loop3A_1225 = vector.broadcast %parallel_loop3A_1224 : f32 to vector<16xf32>
        %parallel_loop3A_1226 = arith.mulf %parallel_loop3A_1223, %parallel_loop3A_1225 : vector<16xf32>
        %parallel_loop3A_1227 = arith.constant 0 : i32
        %parallel_loop3A_1228 = arith.constant 2 : i32
        %parallel_loop3A_1229 = arith.constant 2 : i32
        %parallel_loop3A_1230 = arith.index_cast %parallel_loop3A_1227 : i32 to index
        %parallel_loop3A_1231 = arith.index_cast %parallel_loop3A_1228 : i32 to index
        %parallel_loop3A_1232 = arith.index_cast %parallel_loop3A_1229 : i32 to index
        %parallel_loop3A_1233 = arith.index_cast %parallel_loop3A_851 : i32 to index
        %parallel_loop3A_1234 = tpu.vector_load %arg5[%parallel_loop3A_1230, %parallel_loop3A_1231, %parallel_loop3A_1232, %parallel_loop3A_1233] {strides = array<i32>} : memref<2x7x8x512xf32, #tpu.memory_space<vmem>>, vector<1x1x1x16xf32>,
        %parallel_loop3A_1235 = vector.shape_cast %parallel_loop3A_1234 : vector<1x1x1x16xf32> to vector<16xf32>
        %parallel_loop3A_1236 = vector.shape_cast %parallel_loop3A_1226 : vector<16xf32> to vector<1x1x1x16xf32>
        tpu.vector_store %arg5[%parallel_loop3A_1230, %parallel_loop3A_1231, %parallel_loop3A_1232, %parallel_loop3A_1233], %parallel_loop3A_1236 {strides = array<i32>} : memref<2x7x8x512xf32, #tpu.memory_space<vmem>>, vector<1x1x1x16xf32>,
        %parallel_loop3A_1237 = arith.constant 0 : i32
        %parallel_loop3A_1238 = arith.constant 2 : i32
        %parallel_loop3A_1239 = arith.constant 3 : i32
        %parallel_loop3A_1240 = arith.index_cast %parallel_loop3A_1237 : i32 to index
        %parallel_loop3A_1241 = arith.index_cast %parallel_loop3A_1238 : i32 to index
        %parallel_loop3A_1242 = arith.index_cast %parallel_loop3A_1239 : i32 to index
        %parallel_loop3A_1243 = arith.index_cast %parallel_loop3A_851 : i32 to index
        %parallel_loop3A_1244 = tpu.vector_load %arg5[%parallel_loop3A_1240, %parallel_loop3A_1241, %parallel_loop3A_1242, %parallel_loop3A_1243] {strides = array<i32>} : memref<2x7x8x512xf32, #tpu.memory_space<vmem>>, vector<1x1x1x16xf32>,
        %parallel_loop3A_1245 = vector.shape_cast %parallel_loop3A_1244 : vector<1x1x1x16xf32> to vector<16xf32>
        %parallel_loop3A_1246 = vector.shape_cast %parallel_loop3A_914 : vector<16xf32> to vector<1x1x1x16xf32>
        tpu.vector_store %arg5[%parallel_loop3A_1240, %parallel_loop3A_1241, %parallel_loop3A_1242, %parallel_loop3A_1243], %parallel_loop3A_1246 {strides = array<i32>} : memref<2x7x8x512xf32, #tpu.memory_space<vmem>>, vector<1x1x1x16xf32>,
        %parallel_loop3A_1247 = arith.addf %parallel_loop3A_893, %parallel_loop3A_914 : vector<16xf32>
        %parallel_loop3A_1248 = arith.addf %parallel_loop3A_1247, %parallel_loop3A_921 : vector<16xf32>
        %parallel_loop3A_1249 = arith.addf %parallel_loop3A_1248, %parallel_loop3A_942 : vector<16xf32>
        %parallel_loop3A_1250 = arith.constant 2.500000e-01 : f32
        %parallel_loop3A_1251 = vector.broadcast %parallel_loop3A_1250 : f32 to vector<16xf32>
        %parallel_loop3A_1252 = arith.mulf %parallel_loop3A_1249, %parallel_loop3A_1251 : vector<16xf32>
        %parallel_loop3A_1253 = arith.constant 0 : i32
        %parallel_loop3A_1254 = arith.constant 2 : i32
        %parallel_loop3A_1255 = arith.constant 4 : i32
        %parallel_loop3A_1256 = arith.index_cast %parallel_loop3A_1253 : i32 to index
        %parallel_loop3A_1257 = arith.index_cast %parallel_loop3A_1254 : i32 to index
        %parallel_loop3A_1258 = arith.index_cast %parallel_loop3A_1255 : i32 to index
        %parallel_loop3A_1259 = arith.index_cast %parallel_loop3A_851 : i32 to index
        %parallel_loop3A_1260 = tpu.vector_load %arg5[%parallel_loop3A_1256, %parallel_loop3A_1257, %parallel_loop3A_1258, %parallel_loop3A_1259] {strides = array<i32>} : memref<2x7x8x512xf32, #tpu.memory_space<vmem>>, vector<1x1x1x16xf32>,
        %parallel_loop3A_1261 = vector.shape_cast %parallel_loop3A_1260 : vector<1x1x1x16xf32> to vector<16xf32>
        %parallel_loop3A_1262 = vector.shape_cast %parallel_loop3A_1252 : vector<16xf32> to vector<1x1x1x16xf32>
        tpu.vector_store %arg5[%parallel_loop3A_1256, %parallel_loop3A_1257, %parallel_loop3A_1258, %parallel_loop3A_1259], %parallel_loop3A_1262 {strides = array<i32>} : memref<2x7x8x512xf32, #tpu.memory_space<vmem>>, vector<1x1x1x16xf32>,
        %parallel_loop3A_1263 = arith.constant 0 : i32
        %parallel_loop3A_1264 = arith.constant 2 : i32
        %parallel_loop3A_1265 = arith.constant 5 : i32
        %parallel_loop3A_1266 = arith.index_cast %parallel_loop3A_1263 : i32 to index
        %parallel_loop3A_1267 = arith.index_cast %parallel_loop3A_1264 : i32 to index
        %parallel_loop3A_1268 = arith.index_cast %parallel_loop3A_1265 : i32 to index
        %parallel_loop3A_1269 = arith.index_cast %parallel_loop3A_851 : i32 to index
        %parallel_loop3A_1270 = tpu.vector_load %arg5[%parallel_loop3A_1266, %parallel_loop3A_1267, %parallel_loop3A_1268, %parallel_loop3A_1269] {strides = array<i32>} : memref<2x7x8x512xf32, #tpu.memory_space<vmem>>, vector<1x1x1x16xf32>,
        %parallel_loop3A_1271 = vector.shape_cast %parallel_loop3A_1270 : vector<1x1x1x16xf32> to vector<16xf32>
        %parallel_loop3A_1272 = vector.shape_cast %parallel_loop3A_921 : vector<16xf32> to vector<1x1x1x16xf32>
        tpu.vector_store %arg5[%parallel_loop3A_1266, %parallel_loop3A_1267, %parallel_loop3A_1268, %parallel_loop3A_1269], %parallel_loop3A_1272 {strides = array<i32>} : memref<2x7x8x512xf32, #tpu.memory_space<vmem>>, vector<1x1x1x16xf32>,
        %parallel_loop3A_1273 = arith.addf %parallel_loop3A_900, %parallel_loop3A_921 : vector<16xf32>
        %parallel_loop3A_1274 = arith.addf %parallel_loop3A_1273, %parallel_loop3A_949 : vector<16xf32>
        %parallel_loop3A_1275 = arith.constant 0.333333343 : f32
        %parallel_loop3A_1276 = vector.broadcast %parallel_loop3A_1275 : f32 to vector<16xf32>
        %parallel_loop3A_1277 = arith.mulf %parallel_loop3A_1274, %parallel_loop3A_1276 : vector<16xf32>
        %parallel_loop3A_1278 = arith.constant 0 : i32
        %parallel_loop3A_1279 = arith.constant 2 : i32
        %parallel_loop3A_1280 = arith.constant 6 : i32
        %parallel_loop3A_1281 = arith.index_cast %parallel_loop3A_1278 : i32 to index
        %parallel_loop3A_1282 = arith.index_cast %parallel_loop3A_1279 : i32 to index
        %parallel_loop3A_1283 = arith.index_cast %parallel_loop3A_1280 : i32 to index
        %parallel_loop3A_1284 = arith.index_cast %parallel_loop3A_851 : i32 to index
        %parallel_loop3A_1285 = tpu.vector_load %arg5[%parallel_loop3A_1281, %parallel_loop3A_1282, %parallel_loop3A_1283, %parallel_loop3A_1284] {strides = array<i32>} : memref<2x7x8x512xf32, #tpu.memory_space<vmem>>, vector<1x1x1x16xf32>,
        %parallel_loop3A_1286 = vector.shape_cast %parallel_loop3A_1285 : vector<1x1x1x16xf32> to vector<16xf32>
        %parallel_loop3A_1287 = vector.shape_cast %parallel_loop3A_1277 : vector<16xf32> to vector<1x1x1x16xf32>
        tpu.vector_store %arg5[%parallel_loop3A_1281, %parallel_loop3A_1282, %parallel_loop3A_1283, %parallel_loop3A_1284], %parallel_loop3A_1287 {strides = array<i32>} : memref<2x7x8x512xf32, #tpu.memory_space<vmem>>, vector<1x1x1x16xf32>,
        %parallel_loop3A_1288 = arith.constant 0 : i32
        %parallel_loop3A_1289 = arith.constant 3 : i32
        %parallel_loop3A_1290 = arith.constant 0 : i32
        %parallel_loop3A_1291 = arith.index_cast %parallel_loop3A_1288 : i32 to index
        %parallel_loop3A_1292 = arith.index_cast %parallel_loop3A_1289 : i32 to index
        %parallel_loop3A_1293 = arith.index_cast %parallel_loop3A_1290 : i32 to index
        %parallel_loop3A_1294 = arith.index_cast %parallel_loop3A_851 : i32 to index
        %parallel_loop3A_1295 = tpu.vector_load %arg5[%parallel_loop3A_1291, %parallel_loop3A_1292, %parallel_loop3A_1293, %parallel_loop3A_1294] {strides = array<i32>} : memref<2x7x8x512xf32, #tpu.memory_space<vmem>>, vector<1x1x1x16xf32>,
        %parallel_loop3A_1296 = vector.shape_cast %parallel_loop3A_1295 : vector<1x1x1x16xf32> to vector<16xf32>
        %parallel_loop3A_1297 = vector.shape_cast %parallel_loop3A_928 : vector<16xf32> to vector<1x1x1x16xf32>
        tpu.vector_store %arg5[%parallel_loop3A_1291, %parallel_loop3A_1292, %parallel_loop3A_1293, %parallel_loop3A_1294], %parallel_loop3A_1297 {strides = array<i32>} : memref<2x7x8x512xf32, #tpu.memory_space<vmem>>, vector<1x1x1x16xf32>,
        %parallel_loop3A_1298 = arith.addf %parallel_loop3A_907, %parallel_loop3A_928 : vector<16xf32>
        %parallel_loop3A_1299 = arith.addf %parallel_loop3A_1298, %parallel_loop3A_935 : vector<16xf32>
        %parallel_loop3A_1300 = arith.addf %parallel_loop3A_1299, %parallel_loop3A_956 : vector<16xf32>
        %parallel_loop3A_1301 = arith.constant 2.500000e-01 : f32
        %parallel_loop3A_1302 = vector.broadcast %parallel_loop3A_1301 : f32 to vector<16xf32>
        %parallel_loop3A_1303 = arith.mulf %parallel_loop3A_1300, %parallel_loop3A_1302 : vector<16xf32>
        %parallel_loop3A_1304 = arith.constant 0 : i32
        %parallel_loop3A_1305 = arith.constant 3 : i32
        %parallel_loop3A_1306 = arith.constant 1 : i32
        %parallel_loop3A_1307 = arith.index_cast %parallel_loop3A_1304 : i32 to index
        %parallel_loop3A_1308 = arith.index_cast %parallel_loop3A_1305 : i32 to index
        %parallel_loop3A_1309 = arith.index_cast %parallel_loop3A_1306 : i32 to index
        %parallel_loop3A_1310 = arith.index_cast %parallel_loop3A_851 : i32 to index
        %parallel_loop3A_1311 = tpu.vector_load %arg5[%parallel_loop3A_1307, %parallel_loop3A_1308, %parallel_loop3A_1309, %parallel_loop3A_1310] {strides = array<i32>} : memref<2x7x8x512xf32, #tpu.memory_space<vmem>>, vector<1x1x1x16xf32>,
        %parallel_loop3A_1312 = vector.shape_cast %parallel_loop3A_1311 : vector<1x1x1x16xf32> to vector<16xf32>
        %parallel_loop3A_1313 = vector.shape_cast %parallel_loop3A_1303 : vector<16xf32> to vector<1x1x1x16xf32>
        tpu.vector_store %arg5[%parallel_loop3A_1307, %parallel_loop3A_1308, %parallel_loop3A_1309, %parallel_loop3A_1310], %parallel_loop3A_1313 {strides = array<i32>} : memref<2x7x8x512xf32, #tpu.memory_space<vmem>>, vector<1x1x1x16xf32>,
        %parallel_loop3A_1314 = arith.constant 0 : i32
        %parallel_loop3A_1315 = arith.constant 3 : i32
        %parallel_loop3A_1316 = arith.constant 2 : i32
        %parallel_loop3A_1317 = arith.index_cast %parallel_loop3A_1314 : i32 to index
        %parallel_loop3A_1318 = arith.index_cast %parallel_loop3A_1315 : i32 to index
        %parallel_loop3A_1319 = arith.index_cast %parallel_loop3A_1316 : i32 to index
        %parallel_loop3A_1320 = arith.index_cast %parallel_loop3A_851 : i32 to index
        %parallel_loop3A_1321 = tpu.vector_load %arg5[%parallel_loop3A_1317, %parallel_loop3A_1318, %parallel_loop3A_1319, %parallel_loop3A_1320] {strides = array<i32>} : memref<2x7x8x512xf32, #tpu.memory_space<vmem>>, vector<1x1x1x16xf32>,
        %parallel_loop3A_1322 = vector.shape_cast %parallel_loop3A_1321 : vector<1x1x1x16xf32> to vector<16xf32>
        %parallel_loop3A_1323 = vector.shape_cast %parallel_loop3A_935 : vector<16xf32> to vector<1x1x1x16xf32>
        tpu.vector_store %arg5[%parallel_loop3A_1317, %parallel_loop3A_1318, %parallel_loop3A_1319, %parallel_loop3A_1320], %parallel_loop3A_1323 {strides = array<i32>} : memref<2x7x8x512xf32, #tpu.memory_space<vmem>>, vector<1x1x1x16xf32>,
        %parallel_loop3A_1324 = arith.addf %parallel_loop3A_914, %parallel_loop3A_935 : vector<16xf32>
        %parallel_loop3A_1325 = arith.addf %parallel_loop3A_1324, %parallel_loop3A_942 : vector<16xf32>
        %parallel_loop3A_1326 = arith.addf %parallel_loop3A_1325, %parallel_loop3A_963 : vector<16xf32>
        %parallel_loop3A_1327 = arith.constant 2.500000e-01 : f32
        %parallel_loop3A_1328 = vector.broadcast %parallel_loop3A_1327 : f32 to vector<16xf32>
        %parallel_loop3A_1329 = arith.mulf %parallel_loop3A_1326, %parallel_loop3A_1328 : vector<16xf32>
        %parallel_loop3A_1330 = arith.constant 0 : i32
        %parallel_loop3A_1331 = arith.constant 3 : i32
        %parallel_loop3A_1332 = arith.constant 3 : i32
        %parallel_loop3A_1333 = arith.index_cast %parallel_loop3A_1330 : i32 to index
        %parallel_loop3A_1334 = arith.index_cast %parallel_loop3A_1331 : i32 to index
        %parallel_loop3A_1335 = arith.index_cast %parallel_loop3A_1332 : i32 to index
        %parallel_loop3A_1336 = arith.index_cast %parallel_loop3A_851 : i32 to index
        %parallel_loop3A_1337 = tpu.vector_load %arg5[%parallel_loop3A_1333, %parallel_loop3A_1334, %parallel_loop3A_1335, %parallel_loop3A_1336] {strides = array<i32>} : memref<2x7x8x512xf32, #tpu.memory_space<vmem>>, vector<1x1x1x16xf32>,
        %parallel_loop3A_1338 = vector.shape_cast %parallel_loop3A_1337 : vector<1x1x1x16xf32> to vector<16xf32>
        %parallel_loop3A_1339 = vector.shape_cast %parallel_loop3A_1329 : vector<16xf32> to vector<1x1x1x16xf32>
        tpu.vector_store %arg5[%parallel_loop3A_1333, %parallel_loop3A_1334, %parallel_loop3A_1335, %parallel_loop3A_1336], %parallel_loop3A_1339 {strides = array<i32>} : memref<2x7x8x512xf32, #tpu.memory_space<vmem>>, vector<1x1x1x16xf32>,
        %parallel_loop3A_1340 = arith.constant 0 : i32
        %parallel_loop3A_1341 = arith.constant 3 : i32
        %parallel_loop3A_1342 = arith.constant 4 : i32
        %parallel_loop3A_1343 = arith.index_cast %parallel_loop3A_1340 : i32 to index
        %parallel_loop3A_1344 = arith.index_cast %parallel_loop3A_1341 : i32 to index
        %parallel_loop3A_1345 = arith.index_cast %parallel_loop3A_1342 : i32 to index
        %parallel_loop3A_1346 = arith.index_cast %parallel_loop3A_851 : i32 to index
        %parallel_loop3A_1347 = tpu.vector_load %arg5[%parallel_loop3A_1343, %parallel_loop3A_1344, %parallel_loop3A_1345, %parallel_loop3A_1346] {strides = array<i32>} : memref<2x7x8x512xf32, #tpu.memory_space<vmem>>, vector<1x1x1x16xf32>,
        %parallel_loop3A_1348 = vector.shape_cast %parallel_loop3A_1347 : vector<1x1x1x16xf32> to vector<16xf32>
        %parallel_loop3A_1349 = vector.shape_cast %parallel_loop3A_942 : vector<16xf32> to vector<1x1x1x16xf32>
        tpu.vector_store %arg5[%parallel_loop3A_1343, %parallel_loop3A_1344, %parallel_loop3A_1345, %parallel_loop3A_1346], %parallel_loop3A_1349 {strides = array<i32>} : memref<2x7x8x512xf32, #tpu.memory_space<vmem>>, vector<1x1x1x16xf32>,
        %parallel_loop3A_1350 = arith.addf %parallel_loop3A_921, %parallel_loop3A_942 : vector<16xf32>
        %parallel_loop3A_1351 = arith.addf %parallel_loop3A_1350, %parallel_loop3A_949 : vector<16xf32>
        %parallel_loop3A_1352 = arith.addf %parallel_loop3A_1351, %parallel_loop3A_970 : vector<16xf32>
        %parallel_loop3A_1353 = arith.constant 2.500000e-01 : f32
        %parallel_loop3A_1354 = vector.broadcast %parallel_loop3A_1353 : f32 to vector<16xf32>
        %parallel_loop3A_1355 = arith.mulf %parallel_loop3A_1352, %parallel_loop3A_1354 : vector<16xf32>
        %parallel_loop3A_1356 = arith.constant 0 : i32
        %parallel_loop3A_1357 = arith.constant 3 : i32
        %parallel_loop3A_1358 = arith.constant 5 : i32
        %parallel_loop3A_1359 = arith.index_cast %parallel_loop3A_1356 : i32 to index
        %parallel_loop3A_1360 = arith.index_cast %parallel_loop3A_1357 : i32 to index
        %parallel_loop3A_1361 = arith.index_cast %parallel_loop3A_1358 : i32 to index
        %parallel_loop3A_1362 = arith.index_cast %parallel_loop3A_851 : i32 to index
        %parallel_loop3A_1363 = tpu.vector_load %arg5[%parallel_loop3A_1359, %parallel_loop3A_1360, %parallel_loop3A_1361, %parallel_loop3A_1362] {strides = array<i32>} : memref<2x7x8x512xf32, #tpu.memory_space<vmem>>, vector<1x1x1x16xf32>,
        %parallel_loop3A_1364 = vector.shape_cast %parallel_loop3A_1363 : vector<1x1x1x16xf32> to vector<16xf32>
        %parallel_loop3A_1365 = vector.shape_cast %parallel_loop3A_1355 : vector<16xf32> to vector<1x1x1x16xf32>
        tpu.vector_store %arg5[%parallel_loop3A_1359, %parallel_loop3A_1360, %parallel_loop3A_1361, %parallel_loop3A_1362], %parallel_loop3A_1365 {strides = array<i32>} : memref<2x7x8x512xf32, #tpu.memory_space<vmem>>, vector<1x1x1x16xf32>,
        %parallel_loop3A_1366 = arith.constant 0 : i32
        %parallel_loop3A_1367 = arith.constant 3 : i32
        %parallel_loop3A_1368 = arith.constant 6 : i32
        %parallel_loop3A_1369 = arith.index_cast %parallel_loop3A_1366 : i32 to index
        %parallel_loop3A_1370 = arith.index_cast %parallel_loop3A_1367 : i32 to index
        %parallel_loop3A_1371 = arith.index_cast %parallel_loop3A_1368 : i32 to index
        %parallel_loop3A_1372 = arith.index_cast %parallel_loop3A_851 : i32 to index
        %parallel_loop3A_1373 = tpu.vector_load %arg5[%parallel_loop3A_1369, %parallel_loop3A_1370, %parallel_loop3A_1371, %parallel_loop3A_1372] {strides = array<i32>} : memref<2x7x8x512xf32, #tpu.memory_space<vmem>>, vector<1x1x1x16xf32>,
        %parallel_loop3A_1374 = vector.shape_cast %parallel_loop3A_1373 : vector<1x1x1x16xf32> to vector<16xf32>
        %parallel_loop3A_1375 = vector.shape_cast %parallel_loop3A_949 : vector<16xf32> to vector<1x1x1x16xf32>
        tpu.vector_store %arg5[%parallel_loop3A_1369, %parallel_loop3A_1370, %parallel_loop3A_1371, %parallel_loop3A_1372], %parallel_loop3A_1375 {strides = array<i32>} : memref<2x7x8x512xf32, #tpu.memory_space<vmem>>, vector<1x1x1x16xf32>,
        %parallel_loop3A_1376 = arith.addf %parallel_loop3A_928, %parallel_loop3A_956 : vector<16xf32>
        %parallel_loop3A_1377 = arith.addf %parallel_loop3A_1376, %parallel_loop3A_977 : vector<16xf32>
        %parallel_loop3A_1378 = arith.constant 0.333333343 : f32
        %parallel_loop3A_1379 = vector.broadcast %parallel_loop3A_1378 : f32 to vector<16xf32>
        %parallel_loop3A_1380 = arith.mulf %parallel_loop3A_1377, %parallel_loop3A_1379 : vector<16xf32>
        %parallel_loop3A_1381 = arith.constant 0 : i32
        %parallel_loop3A_1382 = arith.constant 4 : i32
        %parallel_loop3A_1383 = arith.constant 0 : i32
        %parallel_loop3A_1384 = arith.index_cast %parallel_loop3A_1381 : i32 to index
        %parallel_loop3A_1385 = arith.index_cast %parallel_loop3A_1382 : i32 to index
        %parallel_loop3A_1386 = arith.index_cast %parallel_loop3A_1383 : i32 to index
        %parallel_loop3A_1387 = arith.index_cast %parallel_loop3A_851 : i32 to index
        %parallel_loop3A_1388 = tpu.vector_load %arg5[%parallel_loop3A_1384, %parallel_loop3A_1385, %parallel_loop3A_1386, %parallel_loop3A_1387] {strides = array<i32>} : memref<2x7x8x512xf32, #tpu.memory_space<vmem>>, vector<1x1x1x16xf32>,
        %parallel_loop3A_1389 = vector.shape_cast %parallel_loop3A_1388 : vector<1x1x1x16xf32> to vector<16xf32>
        %parallel_loop3A_1390 = vector.shape_cast %parallel_loop3A_1380 : vector<16xf32> to vector<1x1x1x16xf32>
        tpu.vector_store %arg5[%parallel_loop3A_1384, %parallel_loop3A_1385, %parallel_loop3A_1386, %parallel_loop3A_1387], %parallel_loop3A_1390 {strides = array<i32>} : memref<2x7x8x512xf32, #tpu.memory_space<vmem>>, vector<1x1x1x16xf32>,
        %parallel_loop3A_1391 = arith.constant 0 : i32
        %parallel_loop3A_1392 = arith.constant 4 : i32
        %parallel_loop3A_1393 = arith.constant 1 : i32
        %parallel_loop3A_1394 = arith.index_cast %parallel_loop3A_1391 : i32 to index
        %parallel_loop3A_1395 = arith.index_cast %parallel_loop3A_1392 : i32 to index
        %parallel_loop3A_1396 = arith.index_cast %parallel_loop3A_1393 : i32 to index
        %parallel_loop3A_1397 = arith.index_cast %parallel_loop3A_851 : i32 to index
        %parallel_loop3A_1398 = tpu.vector_load %arg5[%parallel_loop3A_1394, %parallel_loop3A_1395, %parallel_loop3A_1396, %parallel_loop3A_1397] {strides = array<i32>} : memref<2x7x8x512xf32, #tpu.memory_space<vmem>>, vector<1x1x1x16xf32>,
        %parallel_loop3A_1399 = vector.shape_cast %parallel_loop3A_1398 : vector<1x1x1x16xf32> to vector<16xf32>
        %parallel_loop3A_1400 = vector.shape_cast %parallel_loop3A_956 : vector<16xf32> to vector<1x1x1x16xf32>
        tpu.vector_store %arg5[%parallel_loop3A_1394, %parallel_loop3A_1395, %parallel_loop3A_1396, %parallel_loop3A_1397], %parallel_loop3A_1400 {strides = array<i32>} : memref<2x7x8x512xf32, #tpu.memory_space<vmem>>, vector<1x1x1x16xf32>,
        %parallel_loop3A_1401 = arith.addf %parallel_loop3A_935, %parallel_loop3A_956 : vector<16xf32>
        %parallel_loop3A_1402 = arith.addf %parallel_loop3A_1401, %parallel_loop3A_963 : vector<16xf32>
        %parallel_loop3A_1403 = arith.addf %parallel_loop3A_1402, %parallel_loop3A_984 : vector<16xf32>
        %parallel_loop3A_1404 = arith.constant 2.500000e-01 : f32
        %parallel_loop3A_1405 = vector.broadcast %parallel_loop3A_1404 : f32 to vector<16xf32>
        %parallel_loop3A_1406 = arith.mulf %parallel_loop3A_1403, %parallel_loop3A_1405 : vector<16xf32>
        %parallel_loop3A_1407 = arith.constant 0 : i32
        %parallel_loop3A_1408 = arith.constant 4 : i32
        %parallel_loop3A_1409 = arith.constant 2 : i32
        %parallel_loop3A_1410 = arith.index_cast %parallel_loop3A_1407 : i32 to index
        %parallel_loop3A_1411 = arith.index_cast %parallel_loop3A_1408 : i32 to index
        %parallel_loop3A_1412 = arith.index_cast %parallel_loop3A_1409 : i32 to index
        %parallel_loop3A_1413 = arith.index_cast %parallel_loop3A_851 : i32 to index
        %parallel_loop3A_1414 = tpu.vector_load %arg5[%parallel_loop3A_1410, %parallel_loop3A_1411, %parallel_loop3A_1412, %parallel_loop3A_1413] {strides = array<i32>} : memref<2x7x8x512xf32, #tpu.memory_space<vmem>>, vector<1x1x1x16xf32>,
        %parallel_loop3A_1415 = vector.shape_cast %parallel_loop3A_1414 : vector<1x1x1x16xf32> to vector<16xf32>
        %parallel_loop3A_1416 = vector.shape_cast %parallel_loop3A_1406 : vector<16xf32> to vector<1x1x1x16xf32>
        tpu.vector_store %arg5[%parallel_loop3A_1410, %parallel_loop3A_1411, %parallel_loop3A_1412, %parallel_loop3A_1413], %parallel_loop3A_1416 {strides = array<i32>} : memref<2x7x8x512xf32, #tpu.memory_space<vmem>>, vector<1x1x1x16xf32>,
        %parallel_loop3A_1417 = arith.constant 0 : i32
        %parallel_loop3A_1418 = arith.constant 4 : i32
        %parallel_loop3A_1419 = arith.constant 3 : i32
        %parallel_loop3A_1420 = arith.index_cast %parallel_loop3A_1417 : i32 to index
        %parallel_loop3A_1421 = arith.index_cast %parallel_loop3A_1418 : i32 to index
        %parallel_loop3A_1422 = arith.index_cast %parallel_loop3A_1419 : i32 to index
        %parallel_loop3A_1423 = arith.index_cast %parallel_loop3A_851 : i32 to index
        %parallel_loop3A_1424 = tpu.vector_load %arg5[%parallel_loop3A_1420, %parallel_loop3A_1421, %parallel_loop3A_1422, %parallel_loop3A_1423] {strides = array<i32>} : memref<2x7x8x512xf32, #tpu.memory_space<vmem>>, vector<1x1x1x16xf32>,
        %parallel_loop3A_1425 = vector.shape_cast %parallel_loop3A_1424 : vector<1x1x1x16xf32> to vector<16xf32>
        %parallel_loop3A_1426 = vector.shape_cast %parallel_loop3A_963 : vector<16xf32> to vector<1x1x1x16xf32>
        tpu.vector_store %arg5[%parallel_loop3A_1420, %parallel_loop3A_1421, %parallel_loop3A_1422, %parallel_loop3A_1423], %parallel_loop3A_1426 {strides = array<i32>} : memref<2x7x8x512xf32, #tpu.memory_space<vmem>>, vector<1x1x1x16xf32>,
        %parallel_loop3A_1427 = arith.addf %parallel_loop3A_942, %parallel_loop3A_963 : vector<16xf32>
        %parallel_loop3A_1428 = arith.addf %parallel_loop3A_1427, %parallel_loop3A_970 : vector<16xf32>
        %parallel_loop3A_1429 = arith.addf %parallel_loop3A_1428, %parallel_loop3A_991 : vector<16xf32>
        %parallel_loop3A_1430 = arith.constant 2.500000e-01 : f32
        %parallel_loop3A_1431 = vector.broadcast %parallel_loop3A_1430 : f32 to vector<16xf32>
        %parallel_loop3A_1432 = arith.mulf %parallel_loop3A_1429, %parallel_loop3A_1431 : vector<16xf32>
        %parallel_loop3A_1433 = arith.constant 0 : i32
        %parallel_loop3A_1434 = arith.constant 4 : i32
        %parallel_loop3A_1435 = arith.constant 4 : i32
        %parallel_loop3A_1436 = arith.index_cast %parallel_loop3A_1433 : i32 to index
        %parallel_loop3A_1437 = arith.index_cast %parallel_loop3A_1434 : i32 to index
        %parallel_loop3A_1438 = arith.index_cast %parallel_loop3A_1435 : i32 to index
        %parallel_loop3A_1439 = arith.index_cast %parallel_loop3A_851 : i32 to index
        %parallel_loop3A_1440 = tpu.vector_load %arg5[%parallel_loop3A_1436, %parallel_loop3A_1437, %parallel_loop3A_1438, %parallel_loop3A_1439] {strides = array<i32>} : memref<2x7x8x512xf32, #tpu.memory_space<vmem>>, vector<1x1x1x16xf32>,
        %parallel_loop3A_1441 = vector.shape_cast %parallel_loop3A_1440 : vector<1x1x1x16xf32> to vector<16xf32>
        %parallel_loop3A_1442 = vector.shape_cast %parallel_loop3A_1432 : vector<16xf32> to vector<1x1x1x16xf32>
        tpu.vector_store %arg5[%parallel_loop3A_1436, %parallel_loop3A_1437, %parallel_loop3A_1438, %parallel_loop3A_1439], %parallel_loop3A_1442 {strides = array<i32>} : memref<2x7x8x512xf32, #tpu.memory_space<vmem>>, vector<1x1x1x16xf32>,
        %parallel_loop3A_1443 = arith.constant 0 : i32
        %parallel_loop3A_1444 = arith.constant 4 : i32
        %parallel_loop3A_1445 = arith.constant 5 : i32
        %parallel_loop3A_1446 = arith.index_cast %parallel_loop3A_1443 : i32 to index
        %parallel_loop3A_1447 = arith.index_cast %parallel_loop3A_1444 : i32 to index
        %parallel_loop3A_1448 = arith.index_cast %parallel_loop3A_1445 : i32 to index
        %parallel_loop3A_1449 = arith.index_cast %parallel_loop3A_851 : i32 to index
        %parallel_loop3A_1450 = tpu.vector_load %arg5[%parallel_loop3A_1446, %parallel_loop3A_1447, %parallel_loop3A_1448, %parallel_loop3A_1449] {strides = array<i32>} : memref<2x7x8x512xf32, #tpu.memory_space<vmem>>, vector<1x1x1x16xf32>,
        %parallel_loop3A_1451 = vector.shape_cast %parallel_loop3A_1450 : vector<1x1x1x16xf32> to vector<16xf32>
        %parallel_loop3A_1452 = vector.shape_cast %parallel_loop3A_970 : vector<16xf32> to vector<1x1x1x16xf32>
        tpu.vector_store %arg5[%parallel_loop3A_1446, %parallel_loop3A_1447, %parallel_loop3A_1448, %parallel_loop3A_1449], %parallel_loop3A_1452 {strides = array<i32>} : memref<2x7x8x512xf32, #tpu.memory_space<vmem>>, vector<1x1x1x16xf32>,
        %parallel_loop3A_1453 = arith.addf %parallel_loop3A_949, %parallel_loop3A_970 : vector<16xf32>
        %parallel_loop3A_1454 = arith.addf %parallel_loop3A_1453, %parallel_loop3A_998 : vector<16xf32>
        %parallel_loop3A_1455 = arith.constant 0.333333343 : f32
        %parallel_loop3A_1456 = vector.broadcast %parallel_loop3A_1455 : f32 to vector<16xf32>
        %parallel_loop3A_1457 = arith.mulf %parallel_loop3A_1454, %parallel_loop3A_1456 : vector<16xf32>
        %parallel_loop3A_1458 = arith.constant 0 : i32
        %parallel_loop3A_1459 = arith.constant 4 : i32
        %parallel_loop3A_1460 = arith.constant 6 : i32
        %parallel_loop3A_1461 = arith.index_cast %parallel_loop3A_1458 : i32 to index
        %parallel_loop3A_1462 = arith.index_cast %parallel_loop3A_1459 : i32 to index
        %parallel_loop3A_1463 = arith.index_cast %parallel_loop3A_1460 : i32 to index
        %parallel_loop3A_1464 = arith.index_cast %parallel_loop3A_851 : i32 to index
        %parallel_loop3A_1465 = tpu.vector_load %arg5[%parallel_loop3A_1461, %parallel_loop3A_1462, %parallel_loop3A_1463, %parallel_loop3A_1464] {strides = array<i32>} : memref<2x7x8x512xf32, #tpu.memory_space<vmem>>, vector<1x1x1x16xf32>,
        %parallel_loop3A_1466 = vector.shape_cast %parallel_loop3A_1465 : vector<1x1x1x16xf32> to vector<16xf32>
        %parallel_loop3A_1467 = vector.shape_cast %parallel_loop3A_1457 : vector<16xf32> to vector<1x1x1x16xf32>
        tpu.vector_store %arg5[%parallel_loop3A_1461, %parallel_loop3A_1462, %parallel_loop3A_1463, %parallel_loop3A_1464], %parallel_loop3A_1467 {strides = array<i32>} : memref<2x7x8x512xf32, #tpu.memory_space<vmem>>, vector<1x1x1x16xf32>,
        %parallel_loop3A_1468 = arith.constant 0 : i32
        %parallel_loop3A_1469 = arith.constant 5 : i32
        %parallel_loop3A_1470 = arith.constant 0 : i32
        %parallel_loop3A_1471 = arith.index_cast %parallel_loop3A_1468 : i32 to index
        %parallel_loop3A_1472 = arith.index_cast %parallel_loop3A_1469 : i32 to index
        %parallel_loop3A_1473 = arith.index_cast %parallel_loop3A_1470 : i32 to index
        %parallel_loop3A_1474 = arith.index_cast %parallel_loop3A_851 : i32 to index
        %parallel_loop3A_1475 = tpu.vector_load %arg5[%parallel_loop3A_1471, %parallel_loop3A_1472, %parallel_loop3A_1473, %parallel_loop3A_1474] {strides = array<i32>} : memref<2x7x8x512xf32, #tpu.memory_space<vmem>>, vector<1x1x1x16xf32>,
        %parallel_loop3A_1476 = vector.shape_cast %parallel_loop3A_1475 : vector<1x1x1x16xf32> to vector<16xf32>
        %parallel_loop3A_1477 = vector.shape_cast %parallel_loop3A_977 : vector<16xf32> to vector<1x1x1x16xf32>
        tpu.vector_store %arg5[%parallel_loop3A_1471, %parallel_loop3A_1472, %parallel_loop3A_1473, %parallel_loop3A_1474], %parallel_loop3A_1477 {strides = array<i32>} : memref<2x7x8x512xf32, #tpu.memory_space<vmem>>, vector<1x1x1x16xf32>,
        %parallel_loop3A_1478 = arith.addf %parallel_loop3A_956, %parallel_loop3A_977 : vector<16xf32>
        %parallel_loop3A_1479 = arith.addf %parallel_loop3A_1478, %parallel_loop3A_984 : vector<16xf32>
        %parallel_loop3A_1480 = arith.addf %parallel_loop3A_1479, %parallel_loop3A_1005 : vector<16xf32>
        %parallel_loop3A_1481 = arith.constant 2.500000e-01 : f32
        %parallel_loop3A_1482 = vector.broadcast %parallel_loop3A_1481 : f32 to vector<16xf32>
        %parallel_loop3A_1483 = arith.mulf %parallel_loop3A_1480, %parallel_loop3A_1482 : vector<16xf32>
        %parallel_loop3A_1484 = arith.constant 0 : i32
        %parallel_loop3A_1485 = arith.constant 5 : i32
        %parallel_loop3A_1486 = arith.constant 1 : i32
        %parallel_loop3A_1487 = arith.index_cast %parallel_loop3A_1484 : i32 to index
        %parallel_loop3A_1488 = arith.index_cast %parallel_loop3A_1485 : i32 to index
        %parallel_loop3A_1489 = arith.index_cast %parallel_loop3A_1486 : i32 to index
        %parallel_loop3A_1490 = arith.index_cast %parallel_loop3A_851 : i32 to index
        %parallel_loop3A_1491 = tpu.vector_load %arg5[%parallel_loop3A_1487, %parallel_loop3A_1488, %parallel_loop3A_1489, %parallel_loop3A_1490] {strides = array<i32>} : memref<2x7x8x512xf32, #tpu.memory_space<vmem>>, vector<1x1x1x16xf32>,
        %parallel_loop3A_1492 = vector.shape_cast %parallel_loop3A_1491 : vector<1x1x1x16xf32> to vector<16xf32>
        %parallel_loop3A_1493 = vector.shape_cast %parallel_loop3A_1483 : vector<16xf32> to vector<1x1x1x16xf32>
        tpu.vector_store %arg5[%parallel_loop3A_1487, %parallel_loop3A_1488, %parallel_loop3A_1489, %parallel_loop3A_1490], %parallel_loop3A_1493 {strides = array<i32>} : memref<2x7x8x512xf32, #tpu.memory_space<vmem>>, vector<1x1x1x16xf32>,
        %parallel_loop3A_1494 = arith.constant 0 : i32
        %parallel_loop3A_1495 = arith.constant 5 : i32
        %parallel_loop3A_1496 = arith.constant 2 : i32
        %parallel_loop3A_1497 = arith.index_cast %parallel_loop3A_1494 : i32 to index
        %parallel_loop3A_1498 = arith.index_cast %parallel_loop3A_1495 : i32 to index
        %parallel_loop3A_1499 = arith.index_cast %parallel_loop3A_1496 : i32 to index
        %parallel_loop3A_1500 = arith.index_cast %parallel_loop3A_851 : i32 to index
        %parallel_loop3A_1501 = tpu.vector_load %arg5[%parallel_loop3A_1497, %parallel_loop3A_1498, %parallel_loop3A_1499, %parallel_loop3A_1500] {strides = array<i32>} : memref<2x7x8x512xf32, #tpu.memory_space<vmem>>, vector<1x1x1x16xf32>,
        %parallel_loop3A_1502 = vector.shape_cast %parallel_loop3A_1501 : vector<1x1x1x16xf32> to vector<16xf32>
        %parallel_loop3A_1503 = vector.shape_cast %parallel_loop3A_984 : vector<16xf32> to vector<1x1x1x16xf32>
        tpu.vector_store %arg5[%parallel_loop3A_1497, %parallel_loop3A_1498, %parallel_loop3A_1499, %parallel_loop3A_1500], %parallel_loop3A_1503 {strides = array<i32>} : memref<2x7x8x512xf32, #tpu.memory_space<vmem>>, vector<1x1x1x16xf32>,
        %parallel_loop3A_1504 = arith.addf %parallel_loop3A_963, %parallel_loop3A_984 : vector<16xf32>
        %parallel_loop3A_1505 = arith.addf %parallel_loop3A_1504, %parallel_loop3A_991 : vector<16xf32>
        %parallel_loop3A_1506 = arith.addf %parallel_loop3A_1505, %parallel_loop3A_1012 : vector<16xf32>
        %parallel_loop3A_1507 = arith.constant 2.500000e-01 : f32
        %parallel_loop3A_1508 = vector.broadcast %parallel_loop3A_1507 : f32 to vector<16xf32>
        %parallel_loop3A_1509 = arith.mulf %parallel_loop3A_1506, %parallel_loop3A_1508 : vector<16xf32>
        %parallel_loop3A_1510 = arith.constant 0 : i32
        %parallel_loop3A_1511 = arith.constant 5 : i32
        %parallel_loop3A_1512 = arith.constant 3 : i32
        %parallel_loop3A_1513 = arith.index_cast %parallel_loop3A_1510 : i32 to index
        %parallel_loop3A_1514 = arith.index_cast %parallel_loop3A_1511 : i32 to index
        %parallel_loop3A_1515 = arith.index_cast %parallel_loop3A_1512 : i32 to index
        %parallel_loop3A_1516 = arith.index_cast %parallel_loop3A_851 : i32 to index
        %parallel_loop3A_1517 = tpu.vector_load %arg5[%parallel_loop3A_1513, %parallel_loop3A_1514, %parallel_loop3A_1515, %parallel_loop3A_1516] {strides = array<i32>} : memref<2x7x8x512xf32, #tpu.memory_space<vmem>>, vector<1x1x1x16xf32>,
        %parallel_loop3A_1518 = vector.shape_cast %parallel_loop3A_1517 : vector<1x1x1x16xf32> to vector<16xf32>
        %parallel_loop3A_1519 = vector.shape_cast %parallel_loop3A_1509 : vector<16xf32> to vector<1x1x1x16xf32>
        tpu.vector_store %arg5[%parallel_loop3A_1513, %parallel_loop3A_1514, %parallel_loop3A_1515, %parallel_loop3A_1516], %parallel_loop3A_1519 {strides = array<i32>} : memref<2x7x8x512xf32, #tpu.memory_space<vmem>>, vector<1x1x1x16xf32>,
        %parallel_loop3A_1520 = arith.constant 0 : i32
        %parallel_loop3A_1521 = arith.constant 5 : i32
        %parallel_loop3A_1522 = arith.constant 4 : i32
        %parallel_loop3A_1523 = arith.index_cast %parallel_loop3A_1520 : i32 to index
        %parallel_loop3A_1524 = arith.index_cast %parallel_loop3A_1521 : i32 to index
        %parallel_loop3A_1525 = arith.index_cast %parallel_loop3A_1522 : i32 to index
        %parallel_loop3A_1526 = arith.index_cast %parallel_loop3A_851 : i32 to index
        %parallel_loop3A_1527 = tpu.vector_load %arg5[%parallel_loop3A_1523, %parallel_loop3A_1524, %parallel_loop3A_1525, %parallel_loop3A_1526] {strides = array<i32>} : memref<2x7x8x512xf32, #tpu.memory_space<vmem>>, vector<1x1x1x16xf32>,
        %parallel_loop3A_1528 = vector.shape_cast %parallel_loop3A_1527 : vector<1x1x1x16xf32> to vector<16xf32>
        %parallel_loop3A_1529 = vector.shape_cast %parallel_loop3A_991 : vector<16xf32> to vector<1x1x1x16xf32>
        tpu.vector_store %arg5[%parallel_loop3A_1523, %parallel_loop3A_1524, %parallel_loop3A_1525, %parallel_loop3A_1526], %parallel_loop3A_1529 {strides = array<i32>} : memref<2x7x8x512xf32, #tpu.memory_space<vmem>>, vector<1x1x1x16xf32>,
        %parallel_loop3A_1530 = arith.addf %parallel_loop3A_970, %parallel_loop3A_991 : vector<16xf32>
        %parallel_loop3A_1531 = arith.addf %parallel_loop3A_1530, %parallel_loop3A_998 : vector<16xf32>
        %parallel_loop3A_1532 = arith.addf %parallel_loop3A_1531, %parallel_loop3A_1019 : vector<16xf32>
        %parallel_loop3A_1533 = arith.constant 2.500000e-01 : f32
        %parallel_loop3A_1534 = vector.broadcast %parallel_loop3A_1533 : f32 to vector<16xf32>
        %parallel_loop3A_1535 = arith.mulf %parallel_loop3A_1532, %parallel_loop3A_1534 : vector<16xf32>
        %parallel_loop3A_1536 = arith.constant 0 : i32
        %parallel_loop3A_1537 = arith.constant 5 : i32
        %parallel_loop3A_1538 = arith.constant 5 : i32
        %parallel_loop3A_1539 = arith.index_cast %parallel_loop3A_1536 : i32 to index
        %parallel_loop3A_1540 = arith.index_cast %parallel_loop3A_1537 : i32 to index
        %parallel_loop3A_1541 = arith.index_cast %parallel_loop3A_1538 : i32 to index
        %parallel_loop3A_1542 = arith.index_cast %parallel_loop3A_851 : i32 to index
        %parallel_loop3A_1543 = tpu.vector_load %arg5[%parallel_loop3A_1539, %parallel_loop3A_1540, %parallel_loop3A_1541, %parallel_loop3A_1542] {strides = array<i32>} : memref<2x7x8x512xf32, #tpu.memory_space<vmem>>, vector<1x1x1x16xf32>,
        %parallel_loop3A_1544 = vector.shape_cast %parallel_loop3A_1543 : vector<1x1x1x16xf32> to vector<16xf32>
        %parallel_loop3A_1545 = vector.shape_cast %parallel_loop3A_1535 : vector<16xf32> to vector<1x1x1x16xf32>
        tpu.vector_store %arg5[%parallel_loop3A_1539, %parallel_loop3A_1540, %parallel_loop3A_1541, %parallel_loop3A_1542], %parallel_loop3A_1545 {strides = array<i32>} : memref<2x7x8x512xf32, #tpu.memory_space<vmem>>, vector<1x1x1x16xf32>,
        %parallel_loop3A_1546 = arith.constant 0 : i32
        %parallel_loop3A_1547 = arith.constant 5 : i32
        %parallel_loop3A_1548 = arith.constant 6 : i32
        %parallel_loop3A_1549 = arith.index_cast %parallel_loop3A_1546 : i32 to index
        %parallel_loop3A_1550 = arith.index_cast %parallel_loop3A_1547 : i32 to index
        %parallel_loop3A_1551 = arith.index_cast %parallel_loop3A_1548 : i32 to index
        %parallel_loop3A_1552 = arith.index_cast %parallel_loop3A_851 : i32 to index
        %parallel_loop3A_1553 = tpu.vector_load %arg5[%parallel_loop3A_1549, %parallel_loop3A_1550, %parallel_loop3A_1551, %parallel_loop3A_1552] {strides = array<i32>} : memref<2x7x8x512xf32, #tpu.memory_space<vmem>>, vector<1x1x1x16xf32>,
        %parallel_loop3A_1554 = vector.shape_cast %parallel_loop3A_1553 : vector<1x1x1x16xf32> to vector<16xf32>
        %parallel_loop3A_1555 = vector.shape_cast %parallel_loop3A_998 : vector<16xf32> to vector<1x1x1x16xf32>
        tpu.vector_store %arg5[%parallel_loop3A_1549, %parallel_loop3A_1550, %parallel_loop3A_1551, %parallel_loop3A_1552], %parallel_loop3A_1555 {strides = array<i32>} : memref<2x7x8x512xf32, #tpu.memory_space<vmem>>, vector<1x1x1x16xf32>,
        %parallel_loop3A_1556 = arith.addf %parallel_loop3A_977, %parallel_loop3A_1005 : vector<16xf32>
        %parallel_loop3A_1557 = arith.constant 5.000000e-01 : f32
        %parallel_loop3A_1558 = vector.broadcast %parallel_loop3A_1557 : f32 to vector<16xf32>
        %parallel_loop3A_1559 = arith.mulf %parallel_loop3A_1556, %parallel_loop3A_1558 : vector<16xf32>
        %parallel_loop3A_1560 = arith.constant 0 : i32
        %parallel_loop3A_1561 = arith.constant 6 : i32
        %parallel_loop3A_1562 = arith.constant 0 : i32
        %parallel_loop3A_1563 = arith.index_cast %parallel_loop3A_1560 : i32 to index
        %parallel_loop3A_1564 = arith.index_cast %parallel_loop3A_1561 : i32 to index
        %parallel_loop3A_1565 = arith.index_cast %parallel_loop3A_1562 : i32 to index
        %parallel_loop3A_1566 = arith.index_cast %parallel_loop3A_851 : i32 to index
        %parallel_loop3A_1567 = tpu.vector_load %arg5[%parallel_loop3A_1563, %parallel_loop3A_1564, %parallel_loop3A_1565, %parallel_loop3A_1566] {strides = array<i32>} : memref<2x7x8x512xf32, #tpu.memory_space<vmem>>, vector<1x1x1x16xf32>,
        %parallel_loop3A_1568 = vector.shape_cast %parallel_loop3A_1567 : vector<1x1x1x16xf32> to vector<16xf32>
        %parallel_loop3A_1569 = vector.shape_cast %parallel_loop3A_1559 : vector<16xf32> to vector<1x1x1x16xf32>
        tpu.vector_store %arg5[%parallel_loop3A_1563, %parallel_loop3A_1564, %parallel_loop3A_1565, %parallel_loop3A_1566], %parallel_loop3A_1569 {strides = array<i32>} : memref<2x7x8x512xf32, #tpu.memory_space<vmem>>, vector<1x1x1x16xf32>,
        %parallel_loop3A_1570 = arith.constant 0 : i32
        %parallel_loop3A_1571 = arith.constant 6 : i32
        %parallel_loop3A_1572 = arith.constant 1 : i32
        %parallel_loop3A_1573 = arith.index_cast %parallel_loop3A_1570 : i32 to index
        %parallel_loop3A_1574 = arith.index_cast %parallel_loop3A_1571 : i32 to index
        %parallel_loop3A_1575 = arith.index_cast %parallel_loop3A_1572 : i32 to index
        %parallel_loop3A_1576 = arith.index_cast %parallel_loop3A_851 : i32 to index
        %parallel_loop3A_1577 = tpu.vector_load %arg5[%parallel_loop3A_1573, %parallel_loop3A_1574, %parallel_loop3A_1575, %parallel_loop3A_1576] {strides = array<i32>} : memref<2x7x8x512xf32, #tpu.memory_space<vmem>>, vector<1x1x1x16xf32>,
        %parallel_loop3A_1578 = vector.shape_cast %parallel_loop3A_1577 : vector<1x1x1x16xf32> to vector<16xf32>
        %parallel_loop3A_1579 = vector.shape_cast %parallel_loop3A_1005 : vector<16xf32> to vector<1x1x1x16xf32>
        tpu.vector_store %arg5[%parallel_loop3A_1573, %parallel_loop3A_1574, %parallel_loop3A_1575, %parallel_loop3A_1576], %parallel_loop3A_1579 {strides = array<i32>} : memref<2x7x8x512xf32, #tpu.memory_space<vmem>>, vector<1x1x1x16xf32>,
        %parallel_loop3A_1580 = arith.addf %parallel_loop3A_984, %parallel_loop3A_1005 : vector<16xf32>
        %parallel_loop3A_1581 = arith.addf %parallel_loop3A_1580, %parallel_loop3A_1012 : vector<16xf32>
        %parallel_loop3A_1582 = arith.constant 0.333333343 : f32
        %parallel_loop3A_1583 = vector.broadcast %parallel_loop3A_1582 : f32 to vector<16xf32>
        %parallel_loop3A_1584 = arith.mulf %parallel_loop3A_1581, %parallel_loop3A_1583 : vector<16xf32>
        %parallel_loop3A_1585 = arith.constant 0 : i32
        %parallel_loop3A_1586 = arith.constant 6 : i32
        %parallel_loop3A_1587 = arith.constant 2 : i32
        %parallel_loop3A_1588 = arith.index_cast %parallel_loop3A_1585 : i32 to index
        %parallel_loop3A_1589 = arith.index_cast %parallel_loop3A_1586 : i32 to index
        %parallel_loop3A_1590 = arith.index_cast %parallel_loop3A_1587 : i32 to index
        %parallel_loop3A_1591 = arith.index_cast %parallel_loop3A_851 : i32 to index
        %parallel_loop3A_1592 = tpu.vector_load %arg5[%parallel_loop3A_1588, %parallel_loop3A_1589, %parallel_loop3A_1590, %parallel_loop3A_1591] {strides = array<i32>} : memref<2x7x8x512xf32, #tpu.memory_space<vmem>>, vector<1x1x1x16xf32>,
        %parallel_loop3A_1593 = vector.shape_cast %parallel_loop3A_1592 : vector<1x1x1x16xf32> to vector<16xf32>
        %parallel_loop3A_1594 = vector.shape_cast %parallel_loop3A_1584 : vector<16xf32> to vector<1x1x1x16xf32>
        tpu.vector_store %arg5[%parallel_loop3A_1588, %parallel_loop3A_1589, %parallel_loop3A_1590, %parallel_loop3A_1591], %parallel_loop3A_1594 {strides = array<i32>} : memref<2x7x8x512xf32, #tpu.memory_space<vmem>>, vector<1x1x1x16xf32>,
        %parallel_loop3A_1595 = arith.constant 0 : i32
        %parallel_loop3A_1596 = arith.constant 6 : i32
        %parallel_loop3A_1597 = arith.constant 3 : i32
        %parallel_loop3A_1598 = arith.index_cast %parallel_loop3A_1595 : i32 to index
        %parallel_loop3A_1599 = arith.index_cast %parallel_loop3A_1596 : i32 to index
        %parallel_loop3A_1600 = arith.index_cast %parallel_loop3A_1597 : i32 to index
        %parallel_loop3A_1601 = arith.index_cast %parallel_loop3A_851 : i32 to index
        %parallel_loop3A_1602 = tpu.vector_load %arg5[%parallel_loop3A_1598, %parallel_loop3A_1599, %parallel_loop3A_1600, %parallel_loop3A_1601] {strides = array<i32>} : memref<2x7x8x512xf32, #tpu.memory_space<vmem>>, vector<1x1x1x16xf32>,
        %parallel_loop3A_1603 = vector.shape_cast %parallel_loop3A_1602 : vector<1x1x1x16xf32> to vector<16xf32>
        %parallel_loop3A_1604 = vector.shape_cast %parallel_loop3A_1012 : vector<16xf32> to vector<1x1x1x16xf32>
        tpu.vector_store %arg5[%parallel_loop3A_1598, %parallel_loop3A_1599, %parallel_loop3A_1600, %parallel_loop3A_1601], %parallel_loop3A_1604 {strides = array<i32>} : memref<2x7x8x512xf32, #tpu.memory_space<vmem>>, vector<1x1x1x16xf32>,
        %parallel_loop3A_1605 = arith.addf %parallel_loop3A_991, %parallel_loop3A_1012 : vector<16xf32>
        %parallel_loop3A_1606 = arith.addf %parallel_loop3A_1605, %parallel_loop3A_1019 : vector<16xf32>
        %parallel_loop3A_1607 = arith.constant 0.333333343 : f32
        %parallel_loop3A_1608 = vector.broadcast %parallel_loop3A_1607 : f32 to vector<16xf32>
        %parallel_loop3A_1609 = arith.mulf %parallel_loop3A_1606, %parallel_loop3A_1608 : vector<16xf32>
        %parallel_loop3A_1610 = arith.constant 0 : i32
        %parallel_loop3A_1611 = arith.constant 6 : i32
        %parallel_loop3A_1612 = arith.constant 4 : i32
        %parallel_loop3A_1613 = arith.index_cast %parallel_loop3A_1610 : i32 to index
        %parallel_loop3A_1614 = arith.index_cast %parallel_loop3A_1611 : i32 to index
        %parallel_loop3A_1615 = arith.index_cast %parallel_loop3A_1612 : i32 to index
        %parallel_loop3A_1616 = arith.index_cast %parallel_loop3A_851 : i32 to index
        %parallel_loop3A_1617 = tpu.vector_load %arg5[%parallel_loop3A_1613, %parallel_loop3A_1614, %parallel_loop3A_1615, %parallel_loop3A_1616] {strides = array<i32>} : memref<2x7x8x512xf32, #tpu.memory_space<vmem>>, vector<1x1x1x16xf32>,
        %parallel_loop3A_1618 = vector.shape_cast %parallel_loop3A_1617 : vector<1x1x1x16xf32> to vector<16xf32>
        %parallel_loop3A_1619 = vector.shape_cast %parallel_loop3A_1609 : vector<16xf32> to vector<1x1x1x16xf32>
        tpu.vector_store %arg5[%parallel_loop3A_1613, %parallel_loop3A_1614, %parallel_loop3A_1615, %parallel_loop3A_1616], %parallel_loop3A_1619 {strides = array<i32>} : memref<2x7x8x512xf32, #tpu.memory_space<vmem>>, vector<1x1x1x16xf32>,
        %parallel_loop3A_1620 = arith.constant 0 : i32
        %parallel_loop3A_1621 = arith.constant 6 : i32
        %parallel_loop3A_1622 = arith.constant 5 : i32
        %parallel_loop3A_1623 = arith.index_cast %parallel_loop3A_1620 : i32 to index
        %parallel_loop3A_1624 = arith.index_cast %parallel_loop3A_1621 : i32 to index
        %parallel_loop3A_1625 = arith.index_cast %parallel_loop3A_1622 : i32 to index
        %parallel_loop3A_1626 = arith.index_cast %parallel_loop3A_851 : i32 to index
        %parallel_loop3A_1627 = tpu.vector_load %arg5[%parallel_loop3A_1623, %parallel_loop3A_1624, %parallel_loop3A_1625, %parallel_loop3A_1626] {strides = array<i32>} : memref<2x7x8x512xf32, #tpu.memory_space<vmem>>, vector<1x1x1x16xf32>,
        %parallel_loop3A_1628 = vector.shape_cast %parallel_loop3A_1627 : vector<1x1x1x16xf32> to vector<16xf32>
        %parallel_loop3A_1629 = vector.shape_cast %parallel_loop3A_1019 : vector<16xf32> to vector<1x1x1x16xf32>
        tpu.vector_store %arg5[%parallel_loop3A_1623, %parallel_loop3A_1624, %parallel_loop3A_1625, %parallel_loop3A_1626], %parallel_loop3A_1629 {strides = array<i32>} : memref<2x7x8x512xf32, #tpu.memory_space<vmem>>, vector<1x1x1x16xf32>,
        %parallel_loop3A_1630 = arith.addf %parallel_loop3A_998, %parallel_loop3A_1019 : vector<16xf32>
        %parallel_loop3A_1631 = arith.constant 5.000000e-01 : f32
        %parallel_loop3A_1632 = vector.broadcast %parallel_loop3A_1631 : f32 to vector<16xf32>
        %parallel_loop3A_1633 = arith.mulf %parallel_loop3A_1630, %parallel_loop3A_1632 : vector<16xf32>
        %parallel_loop3A_1634 = arith.constant 0 : i32
        %parallel_loop3A_1635 = arith.constant 6 : i32
        %parallel_loop3A_1636 = arith.constant 6 : i32
        %parallel_loop3A_1637 = arith.index_cast %parallel_loop3A_1634 : i32 to index
        %parallel_loop3A_1638 = arith.index_cast %parallel_loop3A_1635 : i32 to index
        %parallel_loop3A_1639 = arith.index_cast %parallel_loop3A_1636 : i32 to index
        %parallel_loop3A_1640 = arith.index_cast %parallel_loop3A_851 : i32 to index
        %parallel_loop3A_1641 = tpu.vector_load %arg5[%parallel_loop3A_1637, %parallel_loop3A_1638, %parallel_loop3A_1639, %parallel_loop3A_1640] {strides = array<i32>} : memref<2x7x8x512xf32, #tpu.memory_space<vmem>>, vector<1x1x1x16xf32>,
        %parallel_loop3A_1642 = vector.shape_cast %parallel_loop3A_1641 : vector<1x1x1x16xf32> to vector<16xf32>
        %parallel_loop3A_1643 = vector.shape_cast %parallel_loop3A_1633 : vector<16xf32> to vector<1x1x1x16xf32>
        tpu.vector_store %arg5[%parallel_loop3A_1637, %parallel_loop3A_1638, %parallel_loop3A_1639, %parallel_loop3A_1640], %parallel_loop3A_1643 {strides = array<i32>} : memref<2x7x8x512xf32, #tpu.memory_space<vmem>>, vector<1x1x1x16xf32>,
      } {sc.loop_unroll_factor = 2 : i64, sc.parallel_access}
      %mul3A_515 = arith.constant 32 : i32
      %mul3A_516 = arith.muli %add3A, %mul3A_515 : i32
      %add3A_517 = arith.addi %mul3A_516, %add3A_410 : i32
      %jit3A_518 = arith.constant 8 : i32
      %div3A_519 = arith.divsi %add3A_517, %jit3A_518 : i32
      %sign3A_520 = arith.constant 0 : i32
      %sign3A_521 = arith.cmpi sgt, %add3A_517, %sign3A_520 : i32
      %sign3A_522 = arith.extui %sign3A_521 : i1 to i32
      %sign3A_523 = arith.constant 0 : i32
      %sign3A_524 = arith.cmpi slt, %add3A_517, %sign3A_523 : i32
      %sign3A_525 = arith.extui %sign3A_524 : i1 to i32
      %sign3A_526 = arith.subi %sign3A_522, %sign3A_525 : i32
      %sign3A_527 = arith.constant 0 : i32
      %sign3A_528 = arith.cmpi sgt, %jit3A_518, %sign3A_527 : i32
      %sign3A_529 = arith.extui %sign3A_528 : i1 to i32
      %sign3A_530 = arith.constant 0 : i32
      %sign3A_531 = arith.cmpi slt, %jit3A_518, %sign3A_530 : i32
      %sign3A_532 = arith.extui %sign3A_531 : i1 to i32
      %sign3A_533 = arith.subi %sign3A_529, %sign3A_532 : i32
      %ne3A_534 = arith.cmpi ne, %sign3A_526, %sign3A_533 : i32
      %rem3A_535 = arith.remsi %add3A_517, %jit3A_518 : i32
      %ne3A_536 = arith.constant 0 : i32
      %ne3A_537 = arith.cmpi ne, %rem3A_535, %ne3A_536 : i32
      %and3A_538 = arith.andi %ne3A_534, %ne3A_537 : i1
      %sub3A_539 = arith.constant 1 : i32
      %sub3A_540 = arith.subi %div3A_519, %sub3A_539 : i32
      %select_n3A_541 = arith.select %and3A_538, %sub3A_540, %div3A_519 : i32
      %jit3A_542 = arith.constant 2 : i32
      %div3A_543 = arith.divsi %select_n3A_541, %jit3A_542 : i32
      %sign3A_544 = arith.constant 0 : i32
      %sign3A_545 = arith.cmpi sgt, %select_n3A_541, %sign3A_544 : i32
      %sign3A_546 = arith.extui %sign3A_545 : i1 to i32
      %sign3A_547 = arith.constant 0 : i32
      %sign3A_548 = arith.cmpi slt, %select_n3A_541, %sign3A_547 : i32
      %sign3A_549 = arith.extui %sign3A_548 : i1 to i32
      %sign3A_550 = arith.subi %sign3A_546, %sign3A_549 : i32
      %sign3A_551 = arith.constant 0 : i32
      %sign3A_552 = arith.cmpi sgt, %jit3A_542, %sign3A_551 : i32
      %sign3A_553 = arith.extui %sign3A_552 : i1 to i32
      %sign3A_554 = arith.constant 0 : i32
      %sign3A_555 = arith.cmpi slt, %jit3A_542, %sign3A_554 : i32
      %sign3A_556 = arith.extui %sign3A_555 : i1 to i32
      %sign3A_557 = arith.subi %sign3A_553, %sign3A_556 : i32
      %ne3A_558 = arith.cmpi ne, %sign3A_550, %sign3A_557 : i32
      %rem3A_559 = arith.remsi %select_n3A_541, %jit3A_542 : i32
      %ne3A_560 = arith.constant 0 : i32
      %ne3A_561 = arith.cmpi ne, %rem3A_559, %ne3A_560 : i32
      %and3A_562 = arith.andi %ne3A_558, %ne3A_561 : i1
      %sub3A_563 = arith.constant 1 : i32
      %sub3A_564 = arith.subi %div3A_543, %sub3A_563 : i32
      %select_n3A_565 = arith.select %and3A_562, %sub3A_564, %div3A_543 : i32
      %jit3A_566 = arith.constant 2 : i32
      %eq3A_567 = arith.constant 0 : i32
      %eq3A_568 = arith.cmpi eq, %jit3A_566, %eq3A_567 : i32
      %jit3A_569 = arith.constant 1 : i32
      %select_n3A_570 = arith.select %eq3A_568, %jit3A_569, %jit3A_566 : i32
      %rem3A_571 = arith.remsi %select_n3A_541, %select_n3A_570 : i32
      %ne3A_572 = arith.constant 0 : i32
      %ne3A_573 = arith.cmpi ne, %rem3A_571, %ne3A_572 : i32
      %lt3A_574 = arith.constant 0 : i32
      %lt3A_575 = arith.cmpi slt, %rem3A_571, %lt3A_574 : i32
      %lt3A_576 = arith.constant 0 : i32
      %lt3A_577 = arith.cmpi slt, %select_n3A_570, %lt3A_576 : i32
      %ne3A_578 = arith.xori %lt3A_575, %lt3A_577 : i1
      %and3A_579 = arith.andi %ne3A_578, %ne3A_573 : i1
      %add3A_580 = arith.addi %rem3A_571, %select_n3A_570 : i32
      %select_n3A_581 = arith.select %and3A_579, %add3A_580, %rem3A_571 : i32
      %jit3A_582 = arith.constant 8 : i32
      %eq3A_583 = arith.constant 0 : i32
      %eq3A_584 = arith.cmpi eq, %jit3A_582, %eq3A_583 : i32
      %jit3A_585 = arith.constant 1 : i32
      %select_n3A_586 = arith.select %eq3A_584, %jit3A_585, %jit3A_582 : i32
      %rem3A_587 = arith.remsi %add3A_517, %select_n3A_586 : i32
      %ne3A_588 = arith.constant 0 : i32
      %ne3A_589 = arith.cmpi ne, %rem3A_587, %ne3A_588 : i32
      %lt3A_590 = arith.constant 0 : i32
      %lt3A_591 = arith.cmpi slt, %rem3A_587, %lt3A_590 : i32
      %lt3A_592 = arith.constant 0 : i32
      %lt3A_593 = arith.cmpi slt, %select_n3A_586, %lt3A_592 : i32
      %ne3A_594 = arith.xori %lt3A_591, %lt3A_593 : i1
      %and3A_595 = arith.andi %ne3A_594, %ne3A_589 : i1
      %add3A_596 = arith.addi %rem3A_587, %select_n3A_586 : i32
      %select_n3A_597 = arith.select %and3A_595, %add3A_596, %rem3A_587 : i32
      %mul3A_598 = arith.constant 512 : i32
      %mul3A_599 = arith.muli %select_n3A_597, %mul3A_598 : i32
      %dma_start3A_600 = arith.constant 0 : i32
      %dma_start3A_601 = arith.constant 0 : i32
      %dma_start3A_602 = arith.constant 0 : i32
      %dma_start3A_603 = arith.constant 0 : i32
      %dma_start3A_604 = tpu.memref_slice %arg5[%dma_start3A_600, %dma_start3A_601, %dma_start3A_602, %dma_start3A_603] : memref<2x7x8x512xf32, #tpu.memory_space<vmem>> -> memref<1x7x8x512xf32, #tpu.memory_space<vmem>>
      %dma_start3A_605 = tpu.memref_squeeze %dma_start3A_604 : memref<1x7x8x512xf32, #tpu.memory_space<vmem>> -> memref<7x8x512xf32, #tpu.memory_space<vmem>>
      %dma_start3A_606 = arith.constant 0 : i32
      %dma_start3A_607 = arith.constant 0 : i32
      %dma_start3A_608 = tpu.memref_slice %arg3[%select_n3A_565, %select_n3A_581, %dma_start3A_606, %dma_start3A_607, %mul3A_599] : memref<64x2x7x8x4096xf32, #tpu.memory_space<hbm>> -> memref<1x1x7x8x512xf32, #tpu.memory_space<hbm>>
      %dma_start3A_609 = tpu.memref_squeeze %dma_start3A_608 : memref<1x1x7x8x512xf32, #tpu.memory_space<hbm>> -> memref<7x8x512xf32, #tpu.memory_space<hbm>>
      %dma_start3A_610 = arith.constant 0 : i32
      %dma_start3A_611 = arith.constant 0 : i32
      %dma_start3A_612 = tpu.memref_slice %arg3[%select_n3A_565, %select_n3A_581, %dma_start3A_610, %dma_start3A_611, %mul3A_599] : memref<64x2x7x8x4096xf32, #tpu.memory_space<hbm>> -> memref<1x1x7x8x512xf32, #tpu.memory_space<hbm>>
      %dma_start3A_613 = tpu.memref_squeeze %dma_start3A_612 : memref<1x1x7x8x512xf32, #tpu.memory_space<hbm>> -> memref<7x8x512xf32, #tpu.memory_space<hbm>>
      %dma_start3A_614 = arith.constant 0 : i32
      %dma_start3A_615 = arith.constant 0 : i32
      %dma_start3A_616 = arith.constant 0 : i32
      %dma_start3A_617 = tpu.memref_slice %arg5[%dma_start3A_600, %dma_start3A_614, %dma_start3A_615, %dma_start3A_616] : memref<2x7x8x512xf32, #tpu.memory_space<vmem>> -> memref<1x7x8x512xf32, #tpu.memory_space<vmem>>
      %dma_start3A_618 = tpu.memref_squeeze %dma_start3A_617 : memref<1x7x8x512xf32, #tpu.memory_space<vmem>> -> memref<7x8x512xf32, #tpu.memory_space<vmem>>
      tpu.enqueue_dma source(%dma_start3A_618 : memref<7x8x512xf32, #tpu.memory_space<vmem>>) target(%dma_start3A_613 : memref<7x8x512xf32, #tpu.memory_space<hbm>>) target_semaphore(%arg8 : memref<!tpu.dma_semaphore, #tpu.memory_space<semaphore_mem>>)
      %add3A_619 = arith.constant 2 : i32
      %add3A_620 = arith.addi %add3A_410, %add3A_619 : i32
      %lt3A_621 = arith.constant 32 : i32
      %lt3A_622 = arith.cmpi slt, %add3A_620, %lt3A_621 : i32
      %convert_element_type3A_623 = arith.extui %lt3A_622 : i1 to i32
      %cond3A_624 = arith.constant 0 : i32
      %cond3A_625 = arith.cmpi ne, %convert_element_type3A_623, %cond3A_624 : i32
      scf.if %cond3A_625 {
        %add3A_849 = arith.constant 2 : i32
        %add3A_850 = arith.addi %add3A_410, %add3A_849 : i32
        %mul3A_851 = arith.constant 32 : i32
        %mul3A_852 = arith.muli %add3A, %mul3A_851 : i32
        %add3A_853 = arith.addi %mul3A_852, %add3A_850 : i32
        %jit3A_854 = arith.constant 8 : i32
        %div3A_855 = arith.divsi %add3A_853, %jit3A_854 : i32
        %sign3A_856 = arith.constant 0 : i32
        %sign3A_857 = arith.cmpi sgt, %add3A_853, %sign3A_856 : i32
        %sign3A_858 = arith.extui %sign3A_857 : i1 to i32
        %sign3A_859 = arith.constant 0 : i32
        %sign3A_860 = arith.cmpi slt, %add3A_853, %sign3A_859 : i32
        %sign3A_861 = arith.extui %sign3A_860 : i1 to i32
        %sign3A_862 = arith.subi %sign3A_858, %sign3A_861 : i32
        %sign3A_863 = arith.constant 0 : i32
        %sign3A_864 = arith.cmpi sgt, %jit3A_854, %sign3A_863 : i32
        %sign3A_865 = arith.extui %sign3A_864 : i1 to i32
        %sign3A_866 = arith.constant 0 : i32
        %sign3A_867 = arith.cmpi slt, %jit3A_854, %sign3A_866 : i32
        %sign3A_868 = arith.extui %sign3A_867 : i1 to i32
        %sign3A_869 = arith.subi %sign3A_865, %sign3A_868 : i32
        %ne3A_870 = arith.cmpi ne, %sign3A_862, %sign3A_869 : i32
        %rem3A_871 = arith.remsi %add3A_853, %jit3A_854 : i32
        %ne3A_872 = arith.constant 0 : i32
        %ne3A_873 = arith.cmpi ne, %rem3A_871, %ne3A_872 : i32
        %and3A_874 = arith.andi %ne3A_870, %ne3A_873 : i1
        %sub3A_875 = arith.constant 1 : i32
        %sub3A_876 = arith.subi %div3A_855, %sub3A_875 : i32
        %select_n3A_877 = arith.select %and3A_874, %sub3A_876, %div3A_855 : i32
        %jit3A_878 = arith.constant 2 : i32
        %div3A_879 = arith.divsi %select_n3A_877, %jit3A_878 : i32
        %sign3A_880 = arith.constant 0 : i32
        %sign3A_881 = arith.cmpi sgt, %select_n3A_877, %sign3A_880 : i32
        %sign3A_882 = arith.extui %sign3A_881 : i1 to i32
        %sign3A_883 = arith.constant 0 : i32
        %sign3A_884 = arith.cmpi slt, %select_n3A_877, %sign3A_883 : i32
        %sign3A_885 = arith.extui %sign3A_884 : i1 to i32
        %sign3A_886 = arith.subi %sign3A_882, %sign3A_885 : i32
        %sign3A_887 = arith.constant 0 : i32
        %sign3A_888 = arith.cmpi sgt, %jit3A_878, %sign3A_887 : i32
        %sign3A_889 = arith.extui %sign3A_888 : i1 to i32
        %sign3A_890 = arith.constant 0 : i32
        %sign3A_891 = arith.cmpi slt, %jit3A_878, %sign3A_890 : i32
        %sign3A_892 = arith.extui %sign3A_891 : i1 to i32
        %sign3A_893 = arith.subi %sign3A_889, %sign3A_892 : i32
        %ne3A_894 = arith.cmpi ne, %sign3A_886, %sign3A_893 : i32
        %rem3A_895 = arith.remsi %select_n3A_877, %jit3A_878 : i32
        %ne3A_896 = arith.constant 0 : i32
        %ne3A_897 = arith.cmpi ne, %rem3A_895, %ne3A_896 : i32
        %and3A_898 = arith.andi %ne3A_894, %ne3A_897 : i1
        %sub3A_899 = arith.constant 1 : i32
        %sub3A_900 = arith.subi %div3A_879, %sub3A_899 : i32
        %select_n3A_901 = arith.select %and3A_898, %sub3A_900, %div3A_879 : i32
        %jit3A_902 = arith.constant 2 : i32
        %eq3A_903 = arith.constant 0 : i32
        %eq3A_904 = arith.cmpi eq, %jit3A_902, %eq3A_903 : i32
        %jit3A_905 = arith.constant 1 : i32
        %select_n3A_906 = arith.select %eq3A_904, %jit3A_905, %jit3A_902 : i32
        %rem3A_907 = arith.remsi %select_n3A_877, %select_n3A_906 : i32
        %ne3A_908 = arith.constant 0 : i32
        %ne3A_909 = arith.cmpi ne, %rem3A_907, %ne3A_908 : i32
        %lt3A_910 = arith.constant 0 : i32
        %lt3A_911 = arith.cmpi slt, %rem3A_907, %lt3A_910 : i32
        %lt3A_912 = arith.constant 0 : i32
        %lt3A_913 = arith.cmpi slt, %select_n3A_906, %lt3A_912 : i32
        %ne3A_914 = arith.xori %lt3A_911, %lt3A_913 : i1
        %and3A_915 = arith.andi %ne3A_914, %ne3A_909 : i1
        %add3A_916 = arith.addi %rem3A_907, %select_n3A_906 : i32
        %select_n3A_917 = arith.select %and3A_915, %add3A_916, %rem3A_907 : i32
        %jit3A_918 = arith.constant 8 : i32
        %eq3A_919 = arith.constant 0 : i32
        %eq3A_920 = arith.cmpi eq, %jit3A_918, %eq3A_919 : i32
        %jit3A_921 = arith.constant 1 : i32
        %select_n3A_922 = arith.select %eq3A_920, %jit3A_921, %jit3A_918 : i32
        %rem3A_923 = arith.remsi %add3A_853, %select_n3A_922 : i32
        %ne3A_924 = arith.constant 0 : i32
        %ne3A_925 = arith.cmpi ne, %rem3A_923, %ne3A_924 : i32
        %lt3A_926 = arith.constant 0 : i32
        %lt3A_927 = arith.cmpi slt, %rem3A_923, %lt3A_926 : i32
        %lt3A_928 = arith.constant 0 : i32
        %lt3A_929 = arith.cmpi slt, %select_n3A_922, %lt3A_928 : i32
        %ne3A_930 = arith.xori %lt3A_927, %lt3A_929 : i1
        %and3A_931 = arith.andi %ne3A_930, %ne3A_925 : i1
        %add3A_932 = arith.addi %rem3A_923, %select_n3A_922 : i32
        %select_n3A_933 = arith.select %and3A_931, %add3A_932, %rem3A_923 : i32
        %mul3A_934 = arith.constant 512 : i32
        %mul3A_935 = arith.muli %select_n3A_933, %mul3A_934 : i32
        %dma_start3A_936 = arith.constant 0 : i32
        %dma_start3A_937 = arith.constant 0 : i32
        %dma_start3A_938 = arith.constant 0 : i32
        %dma_start3A_939 = tpu.memref_slice %arg4[%dma_start3A_936, %dma_start3A_937, %dma_start3A_938] : memref<2x24x512xf32, #tpu.memory_space<vmem>> -> memref<1x24x512xf32, #tpu.memory_space<vmem>>
        %dma_start3A_940 = tpu.memref_squeeze %dma_start3A_939 : memref<1x24x512xf32, #tpu.memory_space<vmem>> -> memref<24x512xf32, #tpu.memory_space<vmem>>
        %dma_start3A_941 = arith.constant 0 : i32
        %dma_start3A_942 = tpu.memref_slice %arg2[%select_n3A_901, %select_n3A_917, %dma_start3A_941, %mul3A_935] : memref<64x2x24x4096xf32, #tpu.memory_space<hbm>> -> memref<1x1x24x512xf32, #tpu.memory_space<hbm>>
        %dma_start3A_943 = tpu.memref_squeeze %dma_start3A_942 : memref<1x1x24x512xf32, #tpu.memory_space<hbm>> -> memref<24x512xf32, #tpu.memory_space<hbm>>
        %dma_start3A_944 = arith.constant 0 : i32
        %dma_start3A_945 = arith.constant 0 : i32
        %dma_start3A_946 = tpu.memref_slice %arg4[%dma_start3A_936, %dma_start3A_944, %dma_start3A_945] : memref<2x24x512xf32, #tpu.memory_space<vmem>> -> memref<1x24x512xf32, #tpu.memory_space<vmem>>
        %dma_start3A_947 = tpu.memref_squeeze %dma_start3A_946 : memref<1x24x512xf32, #tpu.memory_space<vmem>> -> memref<24x512xf32, #tpu.memory_space<vmem>>
        %dma_start3A_948 = arith.constant 0 : i32
        %dma_start3A_949 = tpu.memref_slice %arg2[%select_n3A_901, %select_n3A_917, %dma_start3A_948, %mul3A_935] : memref<64x2x24x4096xf32, #tpu.memory_space<hbm>> -> memref<1x1x24x512xf32, #tpu.memory_space<hbm>>
        %dma_start3A_950 = tpu.memref_squeeze %dma_start3A_949 : memref<1x1x24x512xf32, #tpu.memory_space<hbm>> -> memref<24x512xf32, #tpu.memory_space<hbm>>
        tpu.enqueue_dma source(%dma_start3A_950 : memref<24x512xf32, #tpu.memory_space<hbm>>) target(%dma_start3A_947 : memref<24x512xf32, #tpu.memory_space<vmem>>) target_semaphore(%arg6 : memref<!tpu.dma_semaphore, #tpu.memory_space<semaphore_mem>>)
      } else {
      }
      %mul3A_626 = arith.constant 2 : i32
      %mul3A_627 = arith.muli %mul3A_626, %scan3A_406 : i32
      %add3A_628 = arith.constant 1 : i32
      %add3A_629 = arith.addi %mul3A_627, %add3A_628 : i32
      %mul3A_630 = arith.constant 32 : i32
      %mul3A_631 = arith.muli %add3A, %mul3A_630 : i32
      %add3A_632 = arith.addi %mul3A_631, %add3A_629 : i32
      %jit3A_633 = arith.constant 8 : i32
      %div3A_634 = arith.divsi %add3A_632, %jit3A_633 : i32
      %sign3A_635 = arith.constant 0 : i32
      %sign3A_636 = arith.cmpi sgt, %add3A_632, %sign3A_635 : i32
      %sign3A_637 = arith.extui %sign3A_636 : i1 to i32
      %sign3A_638 = arith.constant 0 : i32
      %sign3A_639 = arith.cmpi slt, %add3A_632, %sign3A_638 : i32
      %sign3A_640 = arith.extui %sign3A_639 : i1 to i32
      %sign3A_641 = arith.subi %sign3A_637, %sign3A_640 : i32
      %sign3A_642 = arith.constant 0 : i32
      %sign3A_643 = arith.cmpi sgt, %jit3A_633, %sign3A_642 : i32
      %sign3A_644 = arith.extui %sign3A_643 : i1 to i32
      %sign3A_645 = arith.constant 0 : i32
      %sign3A_646 = arith.cmpi slt, %jit3A_633, %sign3A_645 : i32
      %sign3A_647 = arith.extui %sign3A_646 : i1 to i32
      %sign3A_648 = arith.subi %sign3A_644, %sign3A_647 : i32
      %ne3A_649 = arith.cmpi ne, %sign3A_641, %sign3A_648 : i32
      %rem3A_650 = arith.remsi %add3A_632, %jit3A_633 : i32
      %ne3A_651 = arith.constant 0 : i32
      %ne3A_652 = arith.cmpi ne, %rem3A_650, %ne3A_651 : i32
      %and3A_653 = arith.andi %ne3A_649, %ne3A_652 : i1
      %sub3A_654 = arith.constant 1 : i32
      %sub3A_655 = arith.subi %div3A_634, %sub3A_654 : i32
      %select_n3A_656 = arith.select %and3A_653, %sub3A_655, %div3A_634 : i32
      %jit3A_657 = arith.constant 2 : i32
      %div3A_658 = arith.divsi %select_n3A_656, %jit3A_657 : i32
      %sign3A_659 = arith.constant 0 : i32
      %sign3A_660 = arith.cmpi sgt, %select_n3A_656, %sign3A_659 : i32
      %sign3A_661 = arith.extui %sign3A_660 : i1 to i32
      %sign3A_662 = arith.constant 0 : i32
      %sign3A_663 = arith.cmpi slt, %select_n3A_656, %sign3A_662 : i32
      %sign3A_664 = arith.extui %sign3A_663 : i1 to i32
      %sign3A_665 = arith.subi %sign3A_661, %sign3A_664 : i32
      %sign3A_666 = arith.constant 0 : i32
      %sign3A_667 = arith.cmpi sgt, %jit3A_657, %sign3A_666 : i32
      %sign3A_668 = arith.extui %sign3A_667 : i1 to i32
      %sign3A_669 = arith.constant 0 : i32
      %sign3A_670 = arith.cmpi slt, %jit3A_657, %sign3A_669 : i32
      %sign3A_671 = arith.extui %sign3A_670 : i1 to i32
      %sign3A_672 = arith.subi %sign3A_668, %sign3A_671 : i32
      %ne3A_673 = arith.cmpi ne, %sign3A_665, %sign3A_672 : i32
      %rem3A_674 = arith.remsi %select_n3A_656, %jit3A_657 : i32
      %ne3A_675 = arith.constant 0 : i32
      %ne3A_676 = arith.cmpi ne, %rem3A_674, %ne3A_675 : i32
      %and3A_677 = arith.andi %ne3A_673, %ne3A_676 : i1
      %sub3A_678 = arith.constant 1 : i32
      %sub3A_679 = arith.subi %div3A_658, %sub3A_678 : i32
      %select_n3A_680 = arith.select %and3A_677, %sub3A_679, %div3A_658 : i32
      %jit3A_681 = arith.constant 2 : i32
      %eq3A_682 = arith.constant 0 : i32
      %eq3A_683 = arith.cmpi eq, %jit3A_681, %eq3A_682 : i32
      %jit3A_684 = arith.constant 1 : i32
      %select_n3A_685 = arith.select %eq3A_683, %jit3A_684, %jit3A_681 : i32
      %rem3A_686 = arith.remsi %select_n3A_656, %select_n3A_685 : i32
      %ne3A_687 = arith.constant 0 : i32
      %ne3A_688 = arith.cmpi ne, %rem3A_686, %ne3A_687 : i32
      %lt3A_689 = arith.constant 0 : i32
      %lt3A_690 = arith.cmpi slt, %rem3A_686, %lt3A_689 : i32
      %lt3A_691 = arith.constant 0 : i32
      %lt3A_692 = arith.cmpi slt, %select_n3A_685, %lt3A_691 : i32
      %ne3A_693 = arith.xori %lt3A_690, %lt3A_692 : i1
      %and3A_694 = arith.andi %ne3A_693, %ne3A_688 : i1
      %add3A_695 = arith.addi %rem3A_686, %select_n3A_685 : i32
      %select_n3A_696 = arith.select %and3A_694, %add3A_695, %rem3A_686 : i32
      %jit3A_697 = arith.constant 8 : i32
      %eq3A_698 = arith.constant 0 : i32
      %eq3A_699 = arith.cmpi eq, %jit3A_697, %eq3A_698 : i32
      %jit3A_700 = arith.constant 1 : i32
      %select_n3A_701 = arith.select %eq3A_699, %jit3A_700, %jit3A_697 : i32
      %rem3A_702 = arith.remsi %add3A_632, %select_n3A_701 : i32
      %ne3A_703 = arith.constant 0 : i32
      %ne3A_704 = arith.cmpi ne, %rem3A_702, %ne3A_703 : i32
      %lt3A_705 = arith.constant 0 : i32
      %lt3A_706 = arith.cmpi slt, %rem3A_702, %lt3A_705 : i32
      %lt3A_707 = arith.constant 0 : i32
      %lt3A_708 = arith.cmpi slt, %select_n3A_701, %lt3A_707 : i32
      %ne3A_709 = arith.xori %lt3A_706, %lt3A_708 : i1
      %and3A_710 = arith.andi %ne3A_709, %ne3A_704 : i1
      %add3A_711 = arith.addi %rem3A_702, %select_n3A_701 : i32
      %select_n3A_712 = arith.select %and3A_710, %add3A_711, %rem3A_702 : i32
      %mul3A_713 = arith.constant 512 : i32
      %mul3A_714 = arith.muli %select_n3A_712, %mul3A_713 : i32
      %dma_wait3A_715 = arith.constant 1 : i32
      %dma_wait3A_716 = arith.constant 0 : i32
      %dma_wait3A_717 = arith.constant 0 : i32
      %dma_wait3A_718 = tpu.memref_slice %arg4[%dma_wait3A_715, %dma_wait3A_716, %dma_wait3A_717] : memref<2x24x512xf32, #tpu.memory_space<vmem>> -> memref<1x24x512xf32, #tpu.memory_space<vmem>>
      %dma_wait3A_719 = tpu.memref_squeeze %dma_wait3A_718 : memref<1x24x512xf32, #tpu.memory_space<vmem>> -> memref<24x512xf32, #tpu.memory_space<vmem>>
      %dma_wait3A_720 = arith.constant 0 : i32
      %dma_wait3A_721 = tpu.memref_slice %arg2[%select_n3A_680, %select_n3A_696, %dma_wait3A_720, %mul3A_714] : memref<64x2x24x4096xf32, #tpu.memory_space<hbm>> -> memref<1x1x24x512xf32, #tpu.memory_space<hbm>>
      %dma_wait3A_722 = tpu.memref_squeeze %dma_wait3A_721 : memref<1x1x24x512xf32, #tpu.memory_space<hbm>> -> memref<24x512xf32, #tpu.memory_space<hbm>>
      %dma_wait3A_723 = arith.constant 0 : i32
      %dma_wait3A_724 = arith.constant 0 : i32
      %dma_wait3A_725 = tpu.memref_slice %arg4[%dma_wait3A_715, %dma_wait3A_723, %dma_wait3A_724] : memref<2x24x512xf32, #tpu.memory_space<vmem>> -> memref<1x24x512xf32, #tpu.memory_space<vmem>>
      %dma_wait3A_726 = tpu.memref_squeeze %dma_wait3A_725 : memref<1x24x512xf32, #tpu.memory_space<vmem>> -> memref<24x512xf32, #tpu.memory_space<vmem>>
      %dma_wait3A_727 = arith.constant 0 : i32
      %dma_wait3A_728 = tpu.memref_slice %arg2[%select_n3A_680, %select_n3A_696, %dma_wait3A_727, %mul3A_714] : memref<64x2x24x4096xf32, #tpu.memory_space<hbm>> -> memref<1x1x24x512xf32, #tpu.memory_space<hbm>>
      %dma_wait3A_729 = tpu.memref_squeeze %dma_wait3A_728 : memref<1x1x24x512xf32, #tpu.memory_space<hbm>> -> memref<24x512xf32, #tpu.memory_space<hbm>>
      tpu.wait_dma2 semaphore(%arg7 : memref<!tpu.dma_semaphore, #tpu.memory_space<semaphore_mem>>) src(%dma_wait3A_729 : memref<24x512xf32, #tpu.memory_space<hbm>>) dst(%dma_wait3A_726 : memref<24x512xf32, #tpu.memory_space<vmem>>)
      %ge3A_730 = arith.constant 2 : i32
      %ge3A_731 = arith.cmpi sge, %add3A_629, %ge3A_730 : i32
      %convert_element_type3A_732 = arith.extui %ge3A_731 : i1 to i32
      %cond3A_733 = arith.constant 0 : i32
      %cond3A_734 = arith.cmpi ne, %convert_element_type3A_732, %cond3A_733 : i32
      scf.if %cond3A_734 {
        %sub3A_849 = arith.constant 2 : i32
        %sub3A_850 = arith.subi %add3A_629, %sub3A_849 : i32
        %mul3A_851 = arith.constant 32 : i32
        %mul3A_852 = arith.muli %add3A, %mul3A_851 : i32
        %add3A_853 = arith.addi %mul3A_852, %sub3A_850 : i32
        %jit3A_854 = arith.constant 8 : i32
        %div3A_855 = arith.divsi %add3A_853, %jit3A_854 : i32
        %sign3A_856 = arith.constant 0 : i32
        %sign3A_857 = arith.cmpi sgt, %add3A_853, %sign3A_856 : i32
        %sign3A_858 = arith.extui %sign3A_857 : i1 to i32
        %sign3A_859 = arith.constant 0 : i32
        %sign3A_860 = arith.cmpi slt, %add3A_853, %sign3A_859 : i32
        %sign3A_861 = arith.extui %sign3A_860 : i1 to i32
        %sign3A_862 = arith.subi %sign3A_858, %sign3A_861 : i32
        %sign3A_863 = arith.constant 0 : i32
        %sign3A_864 = arith.cmpi sgt, %jit3A_854, %sign3A_863 : i32
        %sign3A_865 = arith.extui %sign3A_864 : i1 to i32
        %sign3A_866 = arith.constant 0 : i32
        %sign3A_867 = arith.cmpi slt, %jit3A_854, %sign3A_866 : i32
        %sign3A_868 = arith.extui %sign3A_867 : i1 to i32
        %sign3A_869 = arith.subi %sign3A_865, %sign3A_868 : i32
        %ne3A_870 = arith.cmpi ne, %sign3A_862, %sign3A_869 : i32
        %rem3A_871 = arith.remsi %add3A_853, %jit3A_854 : i32
        %ne3A_872 = arith.constant 0 : i32
        %ne3A_873 = arith.cmpi ne, %rem3A_871, %ne3A_872 : i32
        %and3A_874 = arith.andi %ne3A_870, %ne3A_873 : i1
        %sub3A_875 = arith.constant 1 : i32
        %sub3A_876 = arith.subi %div3A_855, %sub3A_875 : i32
        %select_n3A_877 = arith.select %and3A_874, %sub3A_876, %div3A_855 : i32
        %jit3A_878 = arith.constant 2 : i32
        %div3A_879 = arith.divsi %select_n3A_877, %jit3A_878 : i32
        %sign3A_880 = arith.constant 0 : i32
        %sign3A_881 = arith.cmpi sgt, %select_n3A_877, %sign3A_880 : i32
        %sign3A_882 = arith.extui %sign3A_881 : i1 to i32
        %sign3A_883 = arith.constant 0 : i32
        %sign3A_884 = arith.cmpi slt, %select_n3A_877, %sign3A_883 : i32
        %sign3A_885 = arith.extui %sign3A_884 : i1 to i32
        %sign3A_886 = arith.subi %sign3A_882, %sign3A_885 : i32
        %sign3A_887 = arith.constant 0 : i32
        %sign3A_888 = arith.cmpi sgt, %jit3A_878, %sign3A_887 : i32
        %sign3A_889 = arith.extui %sign3A_888 : i1 to i32
        %sign3A_890 = arith.constant 0 : i32
        %sign3A_891 = arith.cmpi slt, %jit3A_878, %sign3A_890 : i32
        %sign3A_892 = arith.extui %sign3A_891 : i1 to i32
        %sign3A_893 = arith.subi %sign3A_889, %sign3A_892 : i32
        %ne3A_894 = arith.cmpi ne, %sign3A_886, %sign3A_893 : i32
        %rem3A_895 = arith.remsi %select_n3A_877, %jit3A_878 : i32
        %ne3A_896 = arith.constant 0 : i32
        %ne3A_897 = arith.cmpi ne, %rem3A_895, %ne3A_896 : i32
        %and3A_898 = arith.andi %ne3A_894, %ne3A_897 : i1
        %sub3A_899 = arith.constant 1 : i32
        %sub3A_900 = arith.subi %div3A_879, %sub3A_899 : i32
        %select_n3A_901 = arith.select %and3A_898, %sub3A_900, %div3A_879 : i32
        %jit3A_902 = arith.constant 2 : i32
        %eq3A_903 = arith.constant 0 : i32
        %eq3A_904 = arith.cmpi eq, %jit3A_902, %eq3A_903 : i32
        %jit3A_905 = arith.constant 1 : i32
        %select_n3A_906 = arith.select %eq3A_904, %jit3A_905, %jit3A_902 : i32
        %rem3A_907 = arith.remsi %select_n3A_877, %select_n3A_906 : i32
        %ne3A_908 = arith.constant 0 : i32
        %ne3A_909 = arith.cmpi ne, %rem3A_907, %ne3A_908 : i32
        %lt3A_910 = arith.constant 0 : i32
        %lt3A_911 = arith.cmpi slt, %rem3A_907, %lt3A_910 : i32
        %lt3A_912 = arith.constant 0 : i32
        %lt3A_913 = arith.cmpi slt, %select_n3A_906, %lt3A_912 : i32
        %ne3A_914 = arith.xori %lt3A_911, %lt3A_913 : i1
        %and3A_915 = arith.andi %ne3A_914, %ne3A_909 : i1
        %add3A_916 = arith.addi %rem3A_907, %select_n3A_906 : i32
        %select_n3A_917 = arith.select %and3A_915, %add3A_916, %rem3A_907 : i32
        %jit3A_918 = arith.constant 8 : i32
        %eq3A_919 = arith.constant 0 : i32
        %eq3A_920 = arith.cmpi eq, %jit3A_918, %eq3A_919 : i32
        %jit3A_921 = arith.constant 1 : i32
        %select_n3A_922 = arith.select %eq3A_920, %jit3A_921, %jit3A_918 : i32
        %rem3A_923 = arith.remsi %add3A_853, %select_n3A_922 : i32
        %ne3A_924 = arith.constant 0 : i32
        %ne3A_925 = arith.cmpi ne, %rem3A_923, %ne3A_924 : i32
        %lt3A_926 = arith.constant 0 : i32
        %lt3A_927 = arith.cmpi slt, %rem3A_923, %lt3A_926 : i32
        %lt3A_928 = arith.constant 0 : i32
        %lt3A_929 = arith.cmpi slt, %select_n3A_922, %lt3A_928 : i32
        %ne3A_930 = arith.xori %lt3A_927, %lt3A_929 : i1
        %and3A_931 = arith.andi %ne3A_930, %ne3A_925 : i1
        %add3A_932 = arith.addi %rem3A_923, %select_n3A_922 : i32
        %select_n3A_933 = arith.select %and3A_931, %add3A_932, %rem3A_923 : i32
        %mul3A_934 = arith.constant 512 : i32
        %mul3A_935 = arith.muli %select_n3A_933, %mul3A_934 : i32
        %dma_wait3A_936 = arith.constant 1 : i32
        %dma_wait3A_937 = arith.constant 0 : i32
        %dma_wait3A_938 = arith.constant 0 : i32
        %dma_wait3A_939 = arith.constant 0 : i32
        %dma_wait3A_940 = tpu.memref_slice %arg5[%dma_wait3A_936, %dma_wait3A_937, %dma_wait3A_938, %dma_wait3A_939] : memref<2x7x8x512xf32, #tpu.memory_space<vmem>> -> memref<1x7x8x512xf32, #tpu.memory_space<vmem>>
        %dma_wait3A_941 = tpu.memref_squeeze %dma_wait3A_940 : memref<1x7x8x512xf32, #tpu.memory_space<vmem>> -> memref<7x8x512xf32, #tpu.memory_space<vmem>>
        %dma_wait3A_942 = arith.constant 0 : i32
        %dma_wait3A_943 = arith.constant 0 : i32
        %dma_wait3A_944 = tpu.memref_slice %arg3[%select_n3A_901, %select_n3A_917, %dma_wait3A_942, %dma_wait3A_943, %mul3A_935] : memref<64x2x7x8x4096xf32, #tpu.memory_space<hbm>> -> memref<1x1x7x8x512xf32, #tpu.memory_space<hbm>>
        %dma_wait3A_945 = tpu.memref_squeeze %dma_wait3A_944 : memref<1x1x7x8x512xf32, #tpu.memory_space<hbm>> -> memref<7x8x512xf32, #tpu.memory_space<hbm>>
        %dma_wait3A_946 = arith.constant 0 : i32
        %dma_wait3A_947 = arith.constant 0 : i32
        %dma_wait3A_948 = tpu.memref_slice %arg3[%select_n3A_901, %select_n3A_917, %dma_wait3A_946, %dma_wait3A_947, %mul3A_935] : memref<64x2x7x8x4096xf32, #tpu.memory_space<hbm>> -> memref<1x1x7x8x512xf32, #tpu.memory_space<hbm>>
        %dma_wait3A_949 = tpu.memref_squeeze %dma_wait3A_948 : memref<1x1x7x8x512xf32, #tpu.memory_space<hbm>> -> memref<7x8x512xf32, #tpu.memory_space<hbm>>
        %dma_wait3A_950 = arith.constant 0 : i32
        %dma_wait3A_951 = arith.constant 0 : i32
        %dma_wait3A_952 = arith.constant 0 : i32
        %dma_wait3A_953 = tpu.memref_slice %arg5[%dma_wait3A_936, %dma_wait3A_950, %dma_wait3A_951, %dma_wait3A_952] : memref<2x7x8x512xf32, #tpu.memory_space<vmem>> -> memref<1x7x8x512xf32, #tpu.memory_space<vmem>>
        %dma_wait3A_954 = tpu.memref_squeeze %dma_wait3A_953 : memref<1x7x8x512xf32, #tpu.memory_space<vmem>> -> memref<7x8x512xf32, #tpu.memory_space<vmem>>
        tpu.wait_dma2 semaphore(%arg9 : memref<!tpu.dma_semaphore, #tpu.memory_space<semaphore_mem>>) src(%dma_wait3A_954 : memref<7x8x512xf32, #tpu.memory_space<vmem>>) dst(%dma_wait3A_949 : memref<7x8x512xf32, #tpu.memory_space<hbm>>)
      } else {
      }
      %parallel_loop3A_735 = arith.constant 0 : i32
      %parallel_loop3A_736 = arith.constant 32 : i32
      %parallel_loop3A_737 = arith.constant 1 : i32
      scf.for %parallel_loop3A_849 = %parallel_loop3A_735 to %parallel_loop3A_736 step %parallel_loop3A_737  : i32 {
        %parallel_loop3A_850 = arith.constant 16 : i32
        %parallel_loop3A_851 = arith.muli %parallel_loop3A_849, %parallel_loop3A_850 : i32
        %parallel_loop3A_852 = arith.constant 1 : i32
        %parallel_loop3A_853 = arith.constant 0 : i32
        %parallel_loop3A_854 = arith.index_cast %parallel_loop3A_852 : i32 to index
        %parallel_loop3A_855 = arith.index_cast %parallel_loop3A_853 : i32 to index
        %parallel_loop3A_856 = arith.index_cast %parallel_loop3A_851 : i32 to index
        %parallel_loop3A_857 = tpu.vector_load %arg4[%parallel_loop3A_854, %parallel_loop3A_855, %parallel_loop3A_856] {strides = array<i32>} : memref<2x24x512xf32, #tpu.memory_space<vmem>>, vector<1x1x16xf32>,
        %parallel_loop3A_858 = vector.shape_cast %parallel_loop3A_857 : vector<1x1x16xf32> to vector<16xf32>
        %parallel_loop3A_859 = arith.constant 1 : i32
        %parallel_loop3A_860 = arith.constant 1 : i32
        %parallel_loop3A_861 = arith.index_cast %parallel_loop3A_859 : i32 to index
        %parallel_loop3A_862 = arith.index_cast %parallel_loop3A_860 : i32 to index
        %parallel_loop3A_863 = arith.index_cast %parallel_loop3A_851 : i32 to index
        %parallel_loop3A_864 = tpu.vector_load %arg4[%parallel_loop3A_861, %parallel_loop3A_862, %parallel_loop3A_863] {strides = array<i32>} : memref<2x24x512xf32, #tpu.memory_space<vmem>>, vector<1x1x16xf32>,
        %parallel_loop3A_865 = vector.shape_cast %parallel_loop3A_864 : vector<1x1x16xf32> to vector<16xf32>
        %parallel_loop3A_866 = arith.constant 1 : i32
        %parallel_loop3A_867 = arith.constant 2 : i32
        %parallel_loop3A_868 = arith.index_cast %parallel_loop3A_866 : i32 to index
        %parallel_loop3A_869 = arith.index_cast %parallel_loop3A_867 : i32 to index
        %parallel_loop3A_870 = arith.index_cast %parallel_loop3A_851 : i32 to index
        %parallel_loop3A_871 = tpu.vector_load %arg4[%parallel_loop3A_868, %parallel_loop3A_869, %parallel_loop3A_870] {strides = array<i32>} : memref<2x24x512xf32, #tpu.memory_space<vmem>>, vector<1x1x16xf32>,
        %parallel_loop3A_872 = vector.shape_cast %parallel_loop3A_871 : vector<1x1x16xf32> to vector<16xf32>
        %parallel_loop3A_873 = arith.constant 1 : i32
        %parallel_loop3A_874 = arith.constant 3 : i32
        %parallel_loop3A_875 = arith.index_cast %parallel_loop3A_873 : i32 to index
        %parallel_loop3A_876 = arith.index_cast %parallel_loop3A_874 : i32 to index
        %parallel_loop3A_877 = arith.index_cast %parallel_loop3A_851 : i32 to index
        %parallel_loop3A_878 = tpu.vector_load %arg4[%parallel_loop3A_875, %parallel_loop3A_876, %parallel_loop3A_877] {strides = array<i32>} : memref<2x24x512xf32, #tpu.memory_space<vmem>>, vector<1x1x16xf32>,
        %parallel_loop3A_879 = vector.shape_cast %parallel_loop3A_878 : vector<1x1x16xf32> to vector<16xf32>
        %parallel_loop3A_880 = arith.constant 1 : i32
        %parallel_loop3A_881 = arith.constant 4 : i32
        %parallel_loop3A_882 = arith.index_cast %parallel_loop3A_880 : i32 to index
        %parallel_loop3A_883 = arith.index_cast %parallel_loop3A_881 : i32 to index
        %parallel_loop3A_884 = arith.index_cast %parallel_loop3A_851 : i32 to index
        %parallel_loop3A_885 = tpu.vector_load %arg4[%parallel_loop3A_882, %parallel_loop3A_883, %parallel_loop3A_884] {strides = array<i32>} : memref<2x24x512xf32, #tpu.memory_space<vmem>>, vector<1x1x16xf32>,
        %parallel_loop3A_886 = vector.shape_cast %parallel_loop3A_885 : vector<1x1x16xf32> to vector<16xf32>
        %parallel_loop3A_887 = arith.constant 1 : i32
        %parallel_loop3A_888 = arith.constant 5 : i32
        %parallel_loop3A_889 = arith.index_cast %parallel_loop3A_887 : i32 to index
        %parallel_loop3A_890 = arith.index_cast %parallel_loop3A_888 : i32 to index
        %parallel_loop3A_891 = arith.index_cast %parallel_loop3A_851 : i32 to index
        %parallel_loop3A_892 = tpu.vector_load %arg4[%parallel_loop3A_889, %parallel_loop3A_890, %parallel_loop3A_891] {strides = array<i32>} : memref<2x24x512xf32, #tpu.memory_space<vmem>>, vector<1x1x16xf32>,
        %parallel_loop3A_893 = vector.shape_cast %parallel_loop3A_892 : vector<1x1x16xf32> to vector<16xf32>
        %parallel_loop3A_894 = arith.constant 1 : i32
        %parallel_loop3A_895 = arith.constant 6 : i32
        %parallel_loop3A_896 = arith.index_cast %parallel_loop3A_894 : i32 to index
        %parallel_loop3A_897 = arith.index_cast %parallel_loop3A_895 : i32 to index
        %parallel_loop3A_898 = arith.index_cast %parallel_loop3A_851 : i32 to index
        %parallel_loop3A_899 = tpu.vector_load %arg4[%parallel_loop3A_896, %parallel_loop3A_897, %parallel_loop3A_898] {strides = array<i32>} : memref<2x24x512xf32, #tpu.memory_space<vmem>>, vector<1x1x16xf32>,
        %parallel_loop3A_900 = vector.shape_cast %parallel_loop3A_899 : vector<1x1x16xf32> to vector<16xf32>
        %parallel_loop3A_901 = arith.constant 1 : i32
        %parallel_loop3A_902 = arith.constant 7 : i32
        %parallel_loop3A_903 = arith.index_cast %parallel_loop3A_901 : i32 to index
        %parallel_loop3A_904 = arith.index_cast %parallel_loop3A_902 : i32 to index
        %parallel_loop3A_905 = arith.index_cast %parallel_loop3A_851 : i32 to index
        %parallel_loop3A_906 = tpu.vector_load %arg4[%parallel_loop3A_903, %parallel_loop3A_904, %parallel_loop3A_905] {strides = array<i32>} : memref<2x24x512xf32, #tpu.memory_space<vmem>>, vector<1x1x16xf32>,
        %parallel_loop3A_907 = vector.shape_cast %parallel_loop3A_906 : vector<1x1x16xf32> to vector<16xf32>
        %parallel_loop3A_908 = arith.constant 1 : i32
        %parallel_loop3A_909 = arith.constant 8 : i32
        %parallel_loop3A_910 = arith.index_cast %parallel_loop3A_908 : i32 to index
        %parallel_loop3A_911 = arith.index_cast %parallel_loop3A_909 : i32 to index
        %parallel_loop3A_912 = arith.index_cast %parallel_loop3A_851 : i32 to index
        %parallel_loop3A_913 = tpu.vector_load %arg4[%parallel_loop3A_910, %parallel_loop3A_911, %parallel_loop3A_912] {strides = array<i32>} : memref<2x24x512xf32, #tpu.memory_space<vmem>>, vector<1x1x16xf32>,
        %parallel_loop3A_914 = vector.shape_cast %parallel_loop3A_913 : vector<1x1x16xf32> to vector<16xf32>
        %parallel_loop3A_915 = arith.constant 1 : i32
        %parallel_loop3A_916 = arith.constant 9 : i32
        %parallel_loop3A_917 = arith.index_cast %parallel_loop3A_915 : i32 to index
        %parallel_loop3A_918 = arith.index_cast %parallel_loop3A_916 : i32 to index
        %parallel_loop3A_919 = arith.index_cast %parallel_loop3A_851 : i32 to index
        %parallel_loop3A_920 = tpu.vector_load %arg4[%parallel_loop3A_917, %parallel_loop3A_918, %parallel_loop3A_919] {strides = array<i32>} : memref<2x24x512xf32, #tpu.memory_space<vmem>>, vector<1x1x16xf32>,
        %parallel_loop3A_921 = vector.shape_cast %parallel_loop3A_920 : vector<1x1x16xf32> to vector<16xf32>
        %parallel_loop3A_922 = arith.constant 1 : i32
        %parallel_loop3A_923 = arith.constant 10 : i32
        %parallel_loop3A_924 = arith.index_cast %parallel_loop3A_922 : i32 to index
        %parallel_loop3A_925 = arith.index_cast %parallel_loop3A_923 : i32 to index
        %parallel_loop3A_926 = arith.index_cast %parallel_loop3A_851 : i32 to index
        %parallel_loop3A_927 = tpu.vector_load %arg4[%parallel_loop3A_924, %parallel_loop3A_925, %parallel_loop3A_926] {strides = array<i32>} : memref<2x24x512xf32, #tpu.memory_space<vmem>>, vector<1x1x16xf32>,
        %parallel_loop3A_928 = vector.shape_cast %parallel_loop3A_927 : vector<1x1x16xf32> to vector<16xf32>
        %parallel_loop3A_929 = arith.constant 1 : i32
        %parallel_loop3A_930 = arith.constant 11 : i32
        %parallel_loop3A_931 = arith.index_cast %parallel_loop3A_929 : i32 to index
        %parallel_loop3A_932 = arith.index_cast %parallel_loop3A_930 : i32 to index
        %parallel_loop3A_933 = arith.index_cast %parallel_loop3A_851 : i32 to index
        %parallel_loop3A_934 = tpu.vector_load %arg4[%parallel_loop3A_931, %parallel_loop3A_932, %parallel_loop3A_933] {strides = array<i32>} : memref<2x24x512xf32, #tpu.memory_space<vmem>>, vector<1x1x16xf32>,
        %parallel_loop3A_935 = vector.shape_cast %parallel_loop3A_934 : vector<1x1x16xf32> to vector<16xf32>
        %parallel_loop3A_936 = arith.constant 1 : i32
        %parallel_loop3A_937 = arith.constant 12 : i32
        %parallel_loop3A_938 = arith.index_cast %parallel_loop3A_936 : i32 to index
        %parallel_loop3A_939 = arith.index_cast %parallel_loop3A_937 : i32 to index
        %parallel_loop3A_940 = arith.index_cast %parallel_loop3A_851 : i32 to index
        %parallel_loop3A_941 = tpu.vector_load %arg4[%parallel_loop3A_938, %parallel_loop3A_939, %parallel_loop3A_940] {strides = array<i32>} : memref<2x24x512xf32, #tpu.memory_space<vmem>>, vector<1x1x16xf32>,
        %parallel_loop3A_942 = vector.shape_cast %parallel_loop3A_941 : vector<1x1x16xf32> to vector<16xf32>
        %parallel_loop3A_943 = arith.constant 1 : i32
        %parallel_loop3A_944 = arith.constant 13 : i32
        %parallel_loop3A_945 = arith.index_cast %parallel_loop3A_943 : i32 to index
        %parallel_loop3A_946 = arith.index_cast %parallel_loop3A_944 : i32 to index
        %parallel_loop3A_947 = arith.index_cast %parallel_loop3A_851 : i32 to index
        %parallel_loop3A_948 = tpu.vector_load %arg4[%parallel_loop3A_945, %parallel_loop3A_946, %parallel_loop3A_947] {strides = array<i32>} : memref<2x24x512xf32, #tpu.memory_space<vmem>>, vector<1x1x16xf32>,
        %parallel_loop3A_949 = vector.shape_cast %parallel_loop3A_948 : vector<1x1x16xf32> to vector<16xf32>
        %parallel_loop3A_950 = arith.constant 1 : i32
        %parallel_loop3A_951 = arith.constant 14 : i32
        %parallel_loop3A_952 = arith.index_cast %parallel_loop3A_950 : i32 to index
        %parallel_loop3A_953 = arith.index_cast %parallel_loop3A_951 : i32 to index
        %parallel_loop3A_954 = arith.index_cast %parallel_loop3A_851 : i32 to index
        %parallel_loop3A_955 = tpu.vector_load %arg4[%parallel_loop3A_952, %parallel_loop3A_953, %parallel_loop3A_954] {strides = array<i32>} : memref<2x24x512xf32, #tpu.memory_space<vmem>>, vector<1x1x16xf32>,
        %parallel_loop3A_956 = vector.shape_cast %parallel_loop3A_955 : vector<1x1x16xf32> to vector<16xf32>
        %parallel_loop3A_957 = arith.constant 1 : i32
        %parallel_loop3A_958 = arith.constant 15 : i32
        %parallel_loop3A_959 = arith.index_cast %parallel_loop3A_957 : i32 to index
        %parallel_loop3A_960 = arith.index_cast %parallel_loop3A_958 : i32 to index
        %parallel_loop3A_961 = arith.index_cast %parallel_loop3A_851 : i32 to index
        %parallel_loop3A_962 = tpu.vector_load %arg4[%parallel_loop3A_959, %parallel_loop3A_960, %parallel_loop3A_961] {strides = array<i32>} : memref<2x24x512xf32, #tpu.memory_space<vmem>>, vector<1x1x16xf32>,
        %parallel_loop3A_963 = vector.shape_cast %parallel_loop3A_962 : vector<1x1x16xf32> to vector<16xf32>
        %parallel_loop3A_964 = arith.constant 1 : i32
        %parallel_loop3A_965 = arith.constant 16 : i32
        %parallel_loop3A_966 = arith.index_cast %parallel_loop3A_964 : i32 to index
        %parallel_loop3A_967 = arith.index_cast %parallel_loop3A_965 : i32 to index
        %parallel_loop3A_968 = arith.index_cast %parallel_loop3A_851 : i32 to index
        %parallel_loop3A_969 = tpu.vector_load %arg4[%parallel_loop3A_966, %parallel_loop3A_967, %parallel_loop3A_968] {strides = array<i32>} : memref<2x24x512xf32, #tpu.memory_space<vmem>>, vector<1x1x16xf32>,
        %parallel_loop3A_970 = vector.shape_cast %parallel_loop3A_969 : vector<1x1x16xf32> to vector<16xf32>
        %parallel_loop3A_971 = arith.constant 1 : i32
        %parallel_loop3A_972 = arith.constant 17 : i32
        %parallel_loop3A_973 = arith.index_cast %parallel_loop3A_971 : i32 to index
        %parallel_loop3A_974 = arith.index_cast %parallel_loop3A_972 : i32 to index
        %parallel_loop3A_975 = arith.index_cast %parallel_loop3A_851 : i32 to index
        %parallel_loop3A_976 = tpu.vector_load %arg4[%parallel_loop3A_973, %parallel_loop3A_974, %parallel_loop3A_975] {strides = array<i32>} : memref<2x24x512xf32, #tpu.memory_space<vmem>>, vector<1x1x16xf32>,
        %parallel_loop3A_977 = vector.shape_cast %parallel_loop3A_976 : vector<1x1x16xf32> to vector<16xf32>
        %parallel_loop3A_978 = arith.constant 1 : i32
        %parallel_loop3A_979 = arith.constant 18 : i32
        %parallel_loop3A_980 = arith.index_cast %parallel_loop3A_978 : i32 to index
        %parallel_loop3A_981 = arith.index_cast %parallel_loop3A_979 : i32 to index
        %parallel_loop3A_982 = arith.index_cast %parallel_loop3A_851 : i32 to index
        %parallel_loop3A_983 = tpu.vector_load %arg4[%parallel_loop3A_980, %parallel_loop3A_981, %parallel_loop3A_982] {strides = array<i32>} : memref<2x24x512xf32, #tpu.memory_space<vmem>>, vector<1x1x16xf32>,
        %parallel_loop3A_984 = vector.shape_cast %parallel_loop3A_983 : vector<1x1x16xf32> to vector<16xf32>
        %parallel_loop3A_985 = arith.constant 1 : i32
        %parallel_loop3A_986 = arith.constant 19 : i32
        %parallel_loop3A_987 = arith.index_cast %parallel_loop3A_985 : i32 to index
        %parallel_loop3A_988 = arith.index_cast %parallel_loop3A_986 : i32 to index
        %parallel_loop3A_989 = arith.index_cast %parallel_loop3A_851 : i32 to index
        %parallel_loop3A_990 = tpu.vector_load %arg4[%parallel_loop3A_987, %parallel_loop3A_988, %parallel_loop3A_989] {strides = array<i32>} : memref<2x24x512xf32, #tpu.memory_space<vmem>>, vector<1x1x16xf32>,
        %parallel_loop3A_991 = vector.shape_cast %parallel_loop3A_990 : vector<1x1x16xf32> to vector<16xf32>
        %parallel_loop3A_992 = arith.constant 1 : i32
        %parallel_loop3A_993 = arith.constant 20 : i32
        %parallel_loop3A_994 = arith.index_cast %parallel_loop3A_992 : i32 to index
        %parallel_loop3A_995 = arith.index_cast %parallel_loop3A_993 : i32 to index
        %parallel_loop3A_996 = arith.index_cast %parallel_loop3A_851 : i32 to index
        %parallel_loop3A_997 = tpu.vector_load %arg4[%parallel_loop3A_994, %parallel_loop3A_995, %parallel_loop3A_996] {strides = array<i32>} : memref<2x24x512xf32, #tpu.memory_space<vmem>>, vector<1x1x16xf32>,
        %parallel_loop3A_998 = vector.shape_cast %parallel_loop3A_997 : vector<1x1x16xf32> to vector<16xf32>
        %parallel_loop3A_999 = arith.constant 1 : i32
        %parallel_loop3A_1000 = arith.constant 21 : i32
        %parallel_loop3A_1001 = arith.index_cast %parallel_loop3A_999 : i32 to index
        %parallel_loop3A_1002 = arith.index_cast %parallel_loop3A_1000 : i32 to index
        %parallel_loop3A_1003 = arith.index_cast %parallel_loop3A_851 : i32 to index
        %parallel_loop3A_1004 = tpu.vector_load %arg4[%parallel_loop3A_1001, %parallel_loop3A_1002, %parallel_loop3A_1003] {strides = array<i32>} : memref<2x24x512xf32, #tpu.memory_space<vmem>>, vector<1x1x16xf32>,
        %parallel_loop3A_1005 = vector.shape_cast %parallel_loop3A_1004 : vector<1x1x16xf32> to vector<16xf32>
        %parallel_loop3A_1006 = arith.constant 1 : i32
        %parallel_loop3A_1007 = arith.constant 22 : i32
        %parallel_loop3A_1008 = arith.index_cast %parallel_loop3A_1006 : i32 to index
        %parallel_loop3A_1009 = arith.index_cast %parallel_loop3A_1007 : i32 to index
        %parallel_loop3A_1010 = arith.index_cast %parallel_loop3A_851 : i32 to index
        %parallel_loop3A_1011 = tpu.vector_load %arg4[%parallel_loop3A_1008, %parallel_loop3A_1009, %parallel_loop3A_1010] {strides = array<i32>} : memref<2x24x512xf32, #tpu.memory_space<vmem>>, vector<1x1x16xf32>,
        %parallel_loop3A_1012 = vector.shape_cast %parallel_loop3A_1011 : vector<1x1x16xf32> to vector<16xf32>
        %parallel_loop3A_1013 = arith.constant 1 : i32
        %parallel_loop3A_1014 = arith.constant 23 : i32
        %parallel_loop3A_1015 = arith.index_cast %parallel_loop3A_1013 : i32 to index
        %parallel_loop3A_1016 = arith.index_cast %parallel_loop3A_1014 : i32 to index
        %parallel_loop3A_1017 = arith.index_cast %parallel_loop3A_851 : i32 to index
        %parallel_loop3A_1018 = tpu.vector_load %arg4[%parallel_loop3A_1015, %parallel_loop3A_1016, %parallel_loop3A_1017] {strides = array<i32>} : memref<2x24x512xf32, #tpu.memory_space<vmem>>, vector<1x1x16xf32>,
        %parallel_loop3A_1019 = vector.shape_cast %parallel_loop3A_1018 : vector<1x1x16xf32> to vector<16xf32>
        %parallel_loop3A_1020 = arith.addf %parallel_loop3A_858, %parallel_loop3A_879 : vector<16xf32>
        %parallel_loop3A_1021 = arith.constant 5.000000e-01 : f32
        %parallel_loop3A_1022 = vector.broadcast %parallel_loop3A_1021 : f32 to vector<16xf32>
        %parallel_loop3A_1023 = arith.mulf %parallel_loop3A_1020, %parallel_loop3A_1022 : vector<16xf32>
        %parallel_loop3A_1024 = arith.constant 1 : i32
        %parallel_loop3A_1025 = arith.constant 0 : i32
        %parallel_loop3A_1026 = arith.constant 0 : i32
        %parallel_loop3A_1027 = arith.index_cast %parallel_loop3A_1024 : i32 to index
        %parallel_loop3A_1028 = arith.index_cast %parallel_loop3A_1025 : i32 to index
        %parallel_loop3A_1029 = arith.index_cast %parallel_loop3A_1026 : i32 to index
        %parallel_loop3A_1030 = arith.index_cast %parallel_loop3A_851 : i32 to index
        %parallel_loop3A_1031 = tpu.vector_load %arg5[%parallel_loop3A_1027, %parallel_loop3A_1028, %parallel_loop3A_1029, %parallel_loop3A_1030] {strides = array<i32>} : memref<2x7x8x512xf32, #tpu.memory_space<vmem>>, vector<1x1x1x16xf32>,
        %parallel_loop3A_1032 = vector.shape_cast %parallel_loop3A_1031 : vector<1x1x1x16xf32> to vector<16xf32>
        %parallel_loop3A_1033 = vector.shape_cast %parallel_loop3A_1023 : vector<16xf32> to vector<1x1x1x16xf32>
        tpu.vector_store %arg5[%parallel_loop3A_1027, %parallel_loop3A_1028, %parallel_loop3A_1029, %parallel_loop3A_1030], %parallel_loop3A_1033 {strides = array<i32>} : memref<2x7x8x512xf32, #tpu.memory_space<vmem>>, vector<1x1x1x16xf32>,
        %parallel_loop3A_1034 = arith.constant 1 : i32
        %parallel_loop3A_1035 = arith.constant 0 : i32
        %parallel_loop3A_1036 = arith.constant 1 : i32
        %parallel_loop3A_1037 = arith.index_cast %parallel_loop3A_1034 : i32 to index
        %parallel_loop3A_1038 = arith.index_cast %parallel_loop3A_1035 : i32 to index
        %parallel_loop3A_1039 = arith.index_cast %parallel_loop3A_1036 : i32 to index
        %parallel_loop3A_1040 = arith.index_cast %parallel_loop3A_851 : i32 to index
        %parallel_loop3A_1041 = tpu.vector_load %arg5[%parallel_loop3A_1037, %parallel_loop3A_1038, %parallel_loop3A_1039, %parallel_loop3A_1040] {strides = array<i32>} : memref<2x7x8x512xf32, #tpu.memory_space<vmem>>, vector<1x1x1x16xf32>,
        %parallel_loop3A_1042 = vector.shape_cast %parallel_loop3A_1041 : vector<1x1x1x16xf32> to vector<16xf32>
        %parallel_loop3A_1043 = vector.shape_cast %parallel_loop3A_858 : vector<16xf32> to vector<1x1x1x16xf32>
        tpu.vector_store %arg5[%parallel_loop3A_1037, %parallel_loop3A_1038, %parallel_loop3A_1039, %parallel_loop3A_1040], %parallel_loop3A_1043 {strides = array<i32>} : memref<2x7x8x512xf32, #tpu.memory_space<vmem>>, vector<1x1x1x16xf32>,
        %parallel_loop3A_1044 = arith.addf %parallel_loop3A_858, %parallel_loop3A_865 : vector<16xf32>
        %parallel_loop3A_1045 = arith.addf %parallel_loop3A_1044, %parallel_loop3A_886 : vector<16xf32>
        %parallel_loop3A_1046 = arith.constant 0.333333343 : f32
        %parallel_loop3A_1047 = vector.broadcast %parallel_loop3A_1046 : f32 to vector<16xf32>
        %parallel_loop3A_1048 = arith.mulf %parallel_loop3A_1045, %parallel_loop3A_1047 : vector<16xf32>
        %parallel_loop3A_1049 = arith.constant 1 : i32
        %parallel_loop3A_1050 = arith.constant 0 : i32
        %parallel_loop3A_1051 = arith.constant 2 : i32
        %parallel_loop3A_1052 = arith.index_cast %parallel_loop3A_1049 : i32 to index
        %parallel_loop3A_1053 = arith.index_cast %parallel_loop3A_1050 : i32 to index
        %parallel_loop3A_1054 = arith.index_cast %parallel_loop3A_1051 : i32 to index
        %parallel_loop3A_1055 = arith.index_cast %parallel_loop3A_851 : i32 to index
        %parallel_loop3A_1056 = tpu.vector_load %arg5[%parallel_loop3A_1052, %parallel_loop3A_1053, %parallel_loop3A_1054, %parallel_loop3A_1055] {strides = array<i32>} : memref<2x7x8x512xf32, #tpu.memory_space<vmem>>, vector<1x1x1x16xf32>,
        %parallel_loop3A_1057 = vector.shape_cast %parallel_loop3A_1056 : vector<1x1x1x16xf32> to vector<16xf32>
        %parallel_loop3A_1058 = vector.shape_cast %parallel_loop3A_1048 : vector<16xf32> to vector<1x1x1x16xf32>
        tpu.vector_store %arg5[%parallel_loop3A_1052, %parallel_loop3A_1053, %parallel_loop3A_1054, %parallel_loop3A_1055], %parallel_loop3A_1058 {strides = array<i32>} : memref<2x7x8x512xf32, #tpu.memory_space<vmem>>, vector<1x1x1x16xf32>,
        %parallel_loop3A_1059 = arith.constant 1 : i32
        %parallel_loop3A_1060 = arith.constant 0 : i32
        %parallel_loop3A_1061 = arith.constant 3 : i32
        %parallel_loop3A_1062 = arith.index_cast %parallel_loop3A_1059 : i32 to index
        %parallel_loop3A_1063 = arith.index_cast %parallel_loop3A_1060 : i32 to index
        %parallel_loop3A_1064 = arith.index_cast %parallel_loop3A_1061 : i32 to index
        %parallel_loop3A_1065 = arith.index_cast %parallel_loop3A_851 : i32 to index
        %parallel_loop3A_1066 = tpu.vector_load %arg5[%parallel_loop3A_1062, %parallel_loop3A_1063, %parallel_loop3A_1064, %parallel_loop3A_1065] {strides = array<i32>} : memref<2x7x8x512xf32, #tpu.memory_space<vmem>>, vector<1x1x1x16xf32>,
        %parallel_loop3A_1067 = vector.shape_cast %parallel_loop3A_1066 : vector<1x1x1x16xf32> to vector<16xf32>
        %parallel_loop3A_1068 = vector.shape_cast %parallel_loop3A_865 : vector<16xf32> to vector<1x1x1x16xf32>
        tpu.vector_store %arg5[%parallel_loop3A_1062, %parallel_loop3A_1063, %parallel_loop3A_1064, %parallel_loop3A_1065], %parallel_loop3A_1068 {strides = array<i32>} : memref<2x7x8x512xf32, #tpu.memory_space<vmem>>, vector<1x1x1x16xf32>,
        %parallel_loop3A_1069 = arith.addf %parallel_loop3A_865, %parallel_loop3A_872 : vector<16xf32>
        %parallel_loop3A_1070 = arith.addf %parallel_loop3A_1069, %parallel_loop3A_893 : vector<16xf32>
        %parallel_loop3A_1071 = arith.constant 0.333333343 : f32
        %parallel_loop3A_1072 = vector.broadcast %parallel_loop3A_1071 : f32 to vector<16xf32>
        %parallel_loop3A_1073 = arith.mulf %parallel_loop3A_1070, %parallel_loop3A_1072 : vector<16xf32>
        %parallel_loop3A_1074 = arith.constant 1 : i32
        %parallel_loop3A_1075 = arith.constant 0 : i32
        %parallel_loop3A_1076 = arith.constant 4 : i32
        %parallel_loop3A_1077 = arith.index_cast %parallel_loop3A_1074 : i32 to index
        %parallel_loop3A_1078 = arith.index_cast %parallel_loop3A_1075 : i32 to index
        %parallel_loop3A_1079 = arith.index_cast %parallel_loop3A_1076 : i32 to index
        %parallel_loop3A_1080 = arith.index_cast %parallel_loop3A_851 : i32 to index
        %parallel_loop3A_1081 = tpu.vector_load %arg5[%parallel_loop3A_1077, %parallel_loop3A_1078, %parallel_loop3A_1079, %parallel_loop3A_1080] {strides = array<i32>} : memref<2x7x8x512xf32, #tpu.memory_space<vmem>>, vector<1x1x1x16xf32>,
        %parallel_loop3A_1082 = vector.shape_cast %parallel_loop3A_1081 : vector<1x1x1x16xf32> to vector<16xf32>
        %parallel_loop3A_1083 = vector.shape_cast %parallel_loop3A_1073 : vector<16xf32> to vector<1x1x1x16xf32>
        tpu.vector_store %arg5[%parallel_loop3A_1077, %parallel_loop3A_1078, %parallel_loop3A_1079, %parallel_loop3A_1080], %parallel_loop3A_1083 {strides = array<i32>} : memref<2x7x8x512xf32, #tpu.memory_space<vmem>>, vector<1x1x1x16xf32>,
        %parallel_loop3A_1084 = arith.constant 1 : i32
        %parallel_loop3A_1085 = arith.constant 0 : i32
        %parallel_loop3A_1086 = arith.constant 5 : i32
        %parallel_loop3A_1087 = arith.index_cast %parallel_loop3A_1084 : i32 to index
        %parallel_loop3A_1088 = arith.index_cast %parallel_loop3A_1085 : i32 to index
        %parallel_loop3A_1089 = arith.index_cast %parallel_loop3A_1086 : i32 to index
        %parallel_loop3A_1090 = arith.index_cast %parallel_loop3A_851 : i32 to index
        %parallel_loop3A_1091 = tpu.vector_load %arg5[%parallel_loop3A_1087, %parallel_loop3A_1088, %parallel_loop3A_1089, %parallel_loop3A_1090] {strides = array<i32>} : memref<2x7x8x512xf32, #tpu.memory_space<vmem>>, vector<1x1x1x16xf32>,
        %parallel_loop3A_1092 = vector.shape_cast %parallel_loop3A_1091 : vector<1x1x1x16xf32> to vector<16xf32>
        %parallel_loop3A_1093 = vector.shape_cast %parallel_loop3A_872 : vector<16xf32> to vector<1x1x1x16xf32>
        tpu.vector_store %arg5[%parallel_loop3A_1087, %parallel_loop3A_1088, %parallel_loop3A_1089, %parallel_loop3A_1090], %parallel_loop3A_1093 {strides = array<i32>} : memref<2x7x8x512xf32, #tpu.memory_space<vmem>>, vector<1x1x1x16xf32>,
        %parallel_loop3A_1094 = arith.addf %parallel_loop3A_872, %parallel_loop3A_900 : vector<16xf32>
        %parallel_loop3A_1095 = arith.constant 5.000000e-01 : f32
        %parallel_loop3A_1096 = vector.broadcast %parallel_loop3A_1095 : f32 to vector<16xf32>
        %parallel_loop3A_1097 = arith.mulf %parallel_loop3A_1094, %parallel_loop3A_1096 : vector<16xf32>
        %parallel_loop3A_1098 = arith.constant 1 : i32
        %parallel_loop3A_1099 = arith.constant 0 : i32
        %parallel_loop3A_1100 = arith.constant 6 : i32
        %parallel_loop3A_1101 = arith.index_cast %parallel_loop3A_1098 : i32 to index
        %parallel_loop3A_1102 = arith.index_cast %parallel_loop3A_1099 : i32 to index
        %parallel_loop3A_1103 = arith.index_cast %parallel_loop3A_1100 : i32 to index
        %parallel_loop3A_1104 = arith.index_cast %parallel_loop3A_851 : i32 to index
        %parallel_loop3A_1105 = tpu.vector_load %arg5[%parallel_loop3A_1101, %parallel_loop3A_1102, %parallel_loop3A_1103, %parallel_loop3A_1104] {strides = array<i32>} : memref<2x7x8x512xf32, #tpu.memory_space<vmem>>, vector<1x1x1x16xf32>,
        %parallel_loop3A_1106 = vector.shape_cast %parallel_loop3A_1105 : vector<1x1x1x16xf32> to vector<16xf32>
        %parallel_loop3A_1107 = vector.shape_cast %parallel_loop3A_1097 : vector<16xf32> to vector<1x1x1x16xf32>
        tpu.vector_store %arg5[%parallel_loop3A_1101, %parallel_loop3A_1102, %parallel_loop3A_1103, %parallel_loop3A_1104], %parallel_loop3A_1107 {strides = array<i32>} : memref<2x7x8x512xf32, #tpu.memory_space<vmem>>, vector<1x1x1x16xf32>,
        %parallel_loop3A_1108 = arith.constant 1 : i32
        %parallel_loop3A_1109 = arith.constant 1 : i32
        %parallel_loop3A_1110 = arith.constant 0 : i32
        %parallel_loop3A_1111 = arith.index_cast %parallel_loop3A_1108 : i32 to index
        %parallel_loop3A_1112 = arith.index_cast %parallel_loop3A_1109 : i32 to index
        %parallel_loop3A_1113 = arith.index_cast %parallel_loop3A_1110 : i32 to index
        %parallel_loop3A_1114 = arith.index_cast %parallel_loop3A_851 : i32 to index
        %parallel_loop3A_1115 = tpu.vector_load %arg5[%parallel_loop3A_1111, %parallel_loop3A_1112, %parallel_loop3A_1113, %parallel_loop3A_1114] {strides = array<i32>} : memref<2x7x8x512xf32, #tpu.memory_space<vmem>>, vector<1x1x1x16xf32>,
        %parallel_loop3A_1116 = vector.shape_cast %parallel_loop3A_1115 : vector<1x1x1x16xf32> to vector<16xf32>
        %parallel_loop3A_1117 = vector.shape_cast %parallel_loop3A_879 : vector<16xf32> to vector<1x1x1x16xf32>
        tpu.vector_store %arg5[%parallel_loop3A_1111, %parallel_loop3A_1112, %parallel_loop3A_1113, %parallel_loop3A_1114], %parallel_loop3A_1117 {strides = array<i32>} : memref<2x7x8x512xf32, #tpu.memory_space<vmem>>, vector<1x1x1x16xf32>,
        %parallel_loop3A_1118 = arith.addf %parallel_loop3A_858, %parallel_loop3A_879 : vector<16xf32>
        %parallel_loop3A_1119 = arith.addf %parallel_loop3A_1118, %parallel_loop3A_886 : vector<16xf32>
        %parallel_loop3A_1120 = arith.addf %parallel_loop3A_1119, %parallel_loop3A_907 : vector<16xf32>
        %parallel_loop3A_1121 = arith.constant 2.500000e-01 : f32
        %parallel_loop3A_1122 = vector.broadcast %parallel_loop3A_1121 : f32 to vector<16xf32>
        %parallel_loop3A_1123 = arith.mulf %parallel_loop3A_1120, %parallel_loop3A_1122 : vector<16xf32>
        %parallel_loop3A_1124 = arith.constant 1 : i32
        %parallel_loop3A_1125 = arith.constant 1 : i32
        %parallel_loop3A_1126 = arith.constant 1 : i32
        %parallel_loop3A_1127 = arith.index_cast %parallel_loop3A_1124 : i32 to index
        %parallel_loop3A_1128 = arith.index_cast %parallel_loop3A_1125 : i32 to index
        %parallel_loop3A_1129 = arith.index_cast %parallel_loop3A_1126 : i32 to index
        %parallel_loop3A_1130 = arith.index_cast %parallel_loop3A_851 : i32 to index
        %parallel_loop3A_1131 = tpu.vector_load %arg5[%parallel_loop3A_1127, %parallel_loop3A_1128, %parallel_loop3A_1129, %parallel_loop3A_1130] {strides = array<i32>} : memref<2x7x8x512xf32, #tpu.memory_space<vmem>>, vector<1x1x1x16xf32>,
        %parallel_loop3A_1132 = vector.shape_cast %parallel_loop3A_1131 : vector<1x1x1x16xf32> to vector<16xf32>
        %parallel_loop3A_1133 = vector.shape_cast %parallel_loop3A_1123 : vector<16xf32> to vector<1x1x1x16xf32>
        tpu.vector_store %arg5[%parallel_loop3A_1127, %parallel_loop3A_1128, %parallel_loop3A_1129, %parallel_loop3A_1130], %parallel_loop3A_1133 {strides = array<i32>} : memref<2x7x8x512xf32, #tpu.memory_space<vmem>>, vector<1x1x1x16xf32>,
        %parallel_loop3A_1134 = arith.constant 1 : i32
        %parallel_loop3A_1135 = arith.constant 1 : i32
        %parallel_loop3A_1136 = arith.constant 2 : i32
        %parallel_loop3A_1137 = arith.index_cast %parallel_loop3A_1134 : i32 to index
        %parallel_loop3A_1138 = arith.index_cast %parallel_loop3A_1135 : i32 to index
        %parallel_loop3A_1139 = arith.index_cast %parallel_loop3A_1136 : i32 to index
        %parallel_loop3A_1140 = arith.index_cast %parallel_loop3A_851 : i32 to index
        %parallel_loop3A_1141 = tpu.vector_load %arg5[%parallel_loop3A_1137, %parallel_loop3A_1138, %parallel_loop3A_1139, %parallel_loop3A_1140] {strides = array<i32>} : memref<2x7x8x512xf32, #tpu.memory_space<vmem>>, vector<1x1x1x16xf32>,
        %parallel_loop3A_1142 = vector.shape_cast %parallel_loop3A_1141 : vector<1x1x1x16xf32> to vector<16xf32>
        %parallel_loop3A_1143 = vector.shape_cast %parallel_loop3A_886 : vector<16xf32> to vector<1x1x1x16xf32>
        tpu.vector_store %arg5[%parallel_loop3A_1137, %parallel_loop3A_1138, %parallel_loop3A_1139, %parallel_loop3A_1140], %parallel_loop3A_1143 {strides = array<i32>} : memref<2x7x8x512xf32, #tpu.memory_space<vmem>>, vector<1x1x1x16xf32>,
        %parallel_loop3A_1144 = arith.addf %parallel_loop3A_865, %parallel_loop3A_886 : vector<16xf32>
        %parallel_loop3A_1145 = arith.addf %parallel_loop3A_1144, %parallel_loop3A_893 : vector<16xf32>
        %parallel_loop3A_1146 = arith.addf %parallel_loop3A_1145, %parallel_loop3A_914 : vector<16xf32>
        %parallel_loop3A_1147 = arith.constant 2.500000e-01 : f32
        %parallel_loop3A_1148 = vector.broadcast %parallel_loop3A_1147 : f32 to vector<16xf32>
        %parallel_loop3A_1149 = arith.mulf %parallel_loop3A_1146, %parallel_loop3A_1148 : vector<16xf32>
        %parallel_loop3A_1150 = arith.constant 1 : i32
        %parallel_loop3A_1151 = arith.constant 1 : i32
        %parallel_loop3A_1152 = arith.constant 3 : i32
        %parallel_loop3A_1153 = arith.index_cast %parallel_loop3A_1150 : i32 to index
        %parallel_loop3A_1154 = arith.index_cast %parallel_loop3A_1151 : i32 to index
        %parallel_loop3A_1155 = arith.index_cast %parallel_loop3A_1152 : i32 to index
        %parallel_loop3A_1156 = arith.index_cast %parallel_loop3A_851 : i32 to index
        %parallel_loop3A_1157 = tpu.vector_load %arg5[%parallel_loop3A_1153, %parallel_loop3A_1154, %parallel_loop3A_1155, %parallel_loop3A_1156] {strides = array<i32>} : memref<2x7x8x512xf32, #tpu.memory_space<vmem>>, vector<1x1x1x16xf32>,
        %parallel_loop3A_1158 = vector.shape_cast %parallel_loop3A_1157 : vector<1x1x1x16xf32> to vector<16xf32>
        %parallel_loop3A_1159 = vector.shape_cast %parallel_loop3A_1149 : vector<16xf32> to vector<1x1x1x16xf32>
        tpu.vector_store %arg5[%parallel_loop3A_1153, %parallel_loop3A_1154, %parallel_loop3A_1155, %parallel_loop3A_1156], %parallel_loop3A_1159 {strides = array<i32>} : memref<2x7x8x512xf32, #tpu.memory_space<vmem>>, vector<1x1x1x16xf32>,
        %parallel_loop3A_1160 = arith.constant 1 : i32
        %parallel_loop3A_1161 = arith.constant 1 : i32
        %parallel_loop3A_1162 = arith.constant 4 : i32
        %parallel_loop3A_1163 = arith.index_cast %parallel_loop3A_1160 : i32 to index
        %parallel_loop3A_1164 = arith.index_cast %parallel_loop3A_1161 : i32 to index
        %parallel_loop3A_1165 = arith.index_cast %parallel_loop3A_1162 : i32 to index
        %parallel_loop3A_1166 = arith.index_cast %parallel_loop3A_851 : i32 to index
        %parallel_loop3A_1167 = tpu.vector_load %arg5[%parallel_loop3A_1163, %parallel_loop3A_1164, %parallel_loop3A_1165, %parallel_loop3A_1166] {strides = array<i32>} : memref<2x7x8x512xf32, #tpu.memory_space<vmem>>, vector<1x1x1x16xf32>,
        %parallel_loop3A_1168 = vector.shape_cast %parallel_loop3A_1167 : vector<1x1x1x16xf32> to vector<16xf32>
        %parallel_loop3A_1169 = vector.shape_cast %parallel_loop3A_893 : vector<16xf32> to vector<1x1x1x16xf32>
        tpu.vector_store %arg5[%parallel_loop3A_1163, %parallel_loop3A_1164, %parallel_loop3A_1165, %parallel_loop3A_1166], %parallel_loop3A_1169 {strides = array<i32>} : memref<2x7x8x512xf32, #tpu.memory_space<vmem>>, vector<1x1x1x16xf32>,
        %parallel_loop3A_1170 = arith.addf %parallel_loop3A_872, %parallel_loop3A_893 : vector<16xf32>
        %parallel_loop3A_1171 = arith.addf %parallel_loop3A_1170, %parallel_loop3A_900 : vector<16xf32>
        %parallel_loop3A_1172 = arith.addf %parallel_loop3A_1171, %parallel_loop3A_921 : vector<16xf32>
        %parallel_loop3A_1173 = arith.constant 2.500000e-01 : f32
        %parallel_loop3A_1174 = vector.broadcast %parallel_loop3A_1173 : f32 to vector<16xf32>
        %parallel_loop3A_1175 = arith.mulf %parallel_loop3A_1172, %parallel_loop3A_1174 : vector<16xf32>
        %parallel_loop3A_1176 = arith.constant 1 : i32
        %parallel_loop3A_1177 = arith.constant 1 : i32
        %parallel_loop3A_1178 = arith.constant 5 : i32
        %parallel_loop3A_1179 = arith.index_cast %parallel_loop3A_1176 : i32 to index
        %parallel_loop3A_1180 = arith.index_cast %parallel_loop3A_1177 : i32 to index
        %parallel_loop3A_1181 = arith.index_cast %parallel_loop3A_1178 : i32 to index
        %parallel_loop3A_1182 = arith.index_cast %parallel_loop3A_851 : i32 to index
        %parallel_loop3A_1183 = tpu.vector_load %arg5[%parallel_loop3A_1179, %parallel_loop3A_1180, %parallel_loop3A_1181, %parallel_loop3A_1182] {strides = array<i32>} : memref<2x7x8x512xf32, #tpu.memory_space<vmem>>, vector<1x1x1x16xf32>,
        %parallel_loop3A_1184 = vector.shape_cast %parallel_loop3A_1183 : vector<1x1x1x16xf32> to vector<16xf32>
        %parallel_loop3A_1185 = vector.shape_cast %parallel_loop3A_1175 : vector<16xf32> to vector<1x1x1x16xf32>
        tpu.vector_store %arg5[%parallel_loop3A_1179, %parallel_loop3A_1180, %parallel_loop3A_1181, %parallel_loop3A_1182], %parallel_loop3A_1185 {strides = array<i32>} : memref<2x7x8x512xf32, #tpu.memory_space<vmem>>, vector<1x1x1x16xf32>,
        %parallel_loop3A_1186 = arith.constant 1 : i32
        %parallel_loop3A_1187 = arith.constant 1 : i32
        %parallel_loop3A_1188 = arith.constant 6 : i32
        %parallel_loop3A_1189 = arith.index_cast %parallel_loop3A_1186 : i32 to index
        %parallel_loop3A_1190 = arith.index_cast %parallel_loop3A_1187 : i32 to index
        %parallel_loop3A_1191 = arith.index_cast %parallel_loop3A_1188 : i32 to index
        %parallel_loop3A_1192 = arith.index_cast %parallel_loop3A_851 : i32 to index
        %parallel_loop3A_1193 = tpu.vector_load %arg5[%parallel_loop3A_1189, %parallel_loop3A_1190, %parallel_loop3A_1191, %parallel_loop3A_1192] {strides = array<i32>} : memref<2x7x8x512xf32, #tpu.memory_space<vmem>>, vector<1x1x1x16xf32>,
        %parallel_loop3A_1194 = vector.shape_cast %parallel_loop3A_1193 : vector<1x1x1x16xf32> to vector<16xf32>
        %parallel_loop3A_1195 = vector.shape_cast %parallel_loop3A_900 : vector<16xf32> to vector<1x1x1x16xf32>
        tpu.vector_store %arg5[%parallel_loop3A_1189, %parallel_loop3A_1190, %parallel_loop3A_1191, %parallel_loop3A_1192], %parallel_loop3A_1195 {strides = array<i32>} : memref<2x7x8x512xf32, #tpu.memory_space<vmem>>, vector<1x1x1x16xf32>,
        %parallel_loop3A_1196 = arith.addf %parallel_loop3A_879, %parallel_loop3A_907 : vector<16xf32>
        %parallel_loop3A_1197 = arith.addf %parallel_loop3A_1196, %parallel_loop3A_928 : vector<16xf32>
        %parallel_loop3A_1198 = arith.constant 0.333333343 : f32
        %parallel_loop3A_1199 = vector.broadcast %parallel_loop3A_1198 : f32 to vector<16xf32>
        %parallel_loop3A_1200 = arith.mulf %parallel_loop3A_1197, %parallel_loop3A_1199 : vector<16xf32>
        %parallel_loop3A_1201 = arith.constant 1 : i32
        %parallel_loop3A_1202 = arith.constant 2 : i32
        %parallel_loop3A_1203 = arith.constant 0 : i32
        %parallel_loop3A_1204 = arith.index_cast %parallel_loop3A_1201 : i32 to index
        %parallel_loop3A_1205 = arith.index_cast %parallel_loop3A_1202 : i32 to index
        %parallel_loop3A_1206 = arith.index_cast %parallel_loop3A_1203 : i32 to index
        %parallel_loop3A_1207 = arith.index_cast %parallel_loop3A_851 : i32 to index
        %parallel_loop3A_1208 = tpu.vector_load %arg5[%parallel_loop3A_1204, %parallel_loop3A_1205, %parallel_loop3A_1206, %parallel_loop3A_1207] {strides = array<i32>} : memref<2x7x8x512xf32, #tpu.memory_space<vmem>>, vector<1x1x1x16xf32>,
        %parallel_loop3A_1209 = vector.shape_cast %parallel_loop3A_1208 : vector<1x1x1x16xf32> to vector<16xf32>
        %parallel_loop3A_1210 = vector.shape_cast %parallel_loop3A_1200 : vector<16xf32> to vector<1x1x1x16xf32>
        tpu.vector_store %arg5[%parallel_loop3A_1204, %parallel_loop3A_1205, %parallel_loop3A_1206, %parallel_loop3A_1207], %parallel_loop3A_1210 {strides = array<i32>} : memref<2x7x8x512xf32, #tpu.memory_space<vmem>>, vector<1x1x1x16xf32>,
        %parallel_loop3A_1211 = arith.constant 1 : i32
        %parallel_loop3A_1212 = arith.constant 2 : i32
        %parallel_loop3A_1213 = arith.constant 1 : i32
        %parallel_loop3A_1214 = arith.index_cast %parallel_loop3A_1211 : i32 to index
        %parallel_loop3A_1215 = arith.index_cast %parallel_loop3A_1212 : i32 to index
        %parallel_loop3A_1216 = arith.index_cast %parallel_loop3A_1213 : i32 to index
        %parallel_loop3A_1217 = arith.index_cast %parallel_loop3A_851 : i32 to index
        %parallel_loop3A_1218 = tpu.vector_load %arg5[%parallel_loop3A_1214, %parallel_loop3A_1215, %parallel_loop3A_1216, %parallel_loop3A_1217] {strides = array<i32>} : memref<2x7x8x512xf32, #tpu.memory_space<vmem>>, vector<1x1x1x16xf32>,
        %parallel_loop3A_1219 = vector.shape_cast %parallel_loop3A_1218 : vector<1x1x1x16xf32> to vector<16xf32>
        %parallel_loop3A_1220 = vector.shape_cast %parallel_loop3A_907 : vector<16xf32> to vector<1x1x1x16xf32>
        tpu.vector_store %arg5[%parallel_loop3A_1214, %parallel_loop3A_1215, %parallel_loop3A_1216, %parallel_loop3A_1217], %parallel_loop3A_1220 {strides = array<i32>} : memref<2x7x8x512xf32, #tpu.memory_space<vmem>>, vector<1x1x1x16xf32>,
        %parallel_loop3A_1221 = arith.addf %parallel_loop3A_886, %parallel_loop3A_907 : vector<16xf32>
        %parallel_loop3A_1222 = arith.addf %parallel_loop3A_1221, %parallel_loop3A_914 : vector<16xf32>
        %parallel_loop3A_1223 = arith.addf %parallel_loop3A_1222, %parallel_loop3A_935 : vector<16xf32>
        %parallel_loop3A_1224 = arith.constant 2.500000e-01 : f32
        %parallel_loop3A_1225 = vector.broadcast %parallel_loop3A_1224 : f32 to vector<16xf32>
        %parallel_loop3A_1226 = arith.mulf %parallel_loop3A_1223, %parallel_loop3A_1225 : vector<16xf32>
        %parallel_loop3A_1227 = arith.constant 1 : i32
        %parallel_loop3A_1228 = arith.constant 2 : i32
        %parallel_loop3A_1229 = arith.constant 2 : i32
        %parallel_loop3A_1230 = arith.index_cast %parallel_loop3A_1227 : i32 to index
        %parallel_loop3A_1231 = arith.index_cast %parallel_loop3A_1228 : i32 to index
        %parallel_loop3A_1232 = arith.index_cast %parallel_loop3A_1229 : i32 to index
        %parallel_loop3A_1233 = arith.index_cast %parallel_loop3A_851 : i32 to index
        %parallel_loop3A_1234 = tpu.vector_load %arg5[%parallel_loop3A_1230, %parallel_loop3A_1231, %parallel_loop3A_1232, %parallel_loop3A_1233] {strides = array<i32>} : memref<2x7x8x512xf32, #tpu.memory_space<vmem>>, vector<1x1x1x16xf32>,
        %parallel_loop3A_1235 = vector.shape_cast %parallel_loop3A_1234 : vector<1x1x1x16xf32> to vector<16xf32>
        %parallel_loop3A_1236 = vector.shape_cast %parallel_loop3A_1226 : vector<16xf32> to vector<1x1x1x16xf32>
        tpu.vector_store %arg5[%parallel_loop3A_1230, %parallel_loop3A_1231, %parallel_loop3A_1232, %parallel_loop3A_1233], %parallel_loop3A_1236 {strides = array<i32>} : memref<2x7x8x512xf32, #tpu.memory_space<vmem>>, vector<1x1x1x16xf32>,
        %parallel_loop3A_1237 = arith.constant 1 : i32
        %parallel_loop3A_1238 = arith.constant 2 : i32
        %parallel_loop3A_1239 = arith.constant 3 : i32
        %parallel_loop3A_1240 = arith.index_cast %parallel_loop3A_1237 : i32 to index
        %parallel_loop3A_1241 = arith.index_cast %parallel_loop3A_1238 : i32 to index
        %parallel_loop3A_1242 = arith.index_cast %parallel_loop3A_1239 : i32 to index
        %parallel_loop3A_1243 = arith.index_cast %parallel_loop3A_851 : i32 to index
        %parallel_loop3A_1244 = tpu.vector_load %arg5[%parallel_loop3A_1240, %parallel_loop3A_1241, %parallel_loop3A_1242, %parallel_loop3A_1243] {strides = array<i32>} : memref<2x7x8x512xf32, #tpu.memory_space<vmem>>, vector<1x1x1x16xf32>,
        %parallel_loop3A_1245 = vector.shape_cast %parallel_loop3A_1244 : vector<1x1x1x16xf32> to vector<16xf32>
        %parallel_loop3A_1246 = vector.shape_cast %parallel_loop3A_914 : vector<16xf32> to vector<1x1x1x16xf32>
        tpu.vector_store %arg5[%parallel_loop3A_1240, %parallel_loop3A_1241, %parallel_loop3A_1242, %parallel_loop3A_1243], %parallel_loop3A_1246 {strides = array<i32>} : memref<2x7x8x512xf32, #tpu.memory_space<vmem>>, vector<1x1x1x16xf32>,
        %parallel_loop3A_1247 = arith.addf %parallel_loop3A_893, %parallel_loop3A_914 : vector<16xf32>
        %parallel_loop3A_1248 = arith.addf %parallel_loop3A_1247, %parallel_loop3A_921 : vector<16xf32>
        %parallel_loop3A_1249 = arith.addf %parallel_loop3A_1248, %parallel_loop3A_942 : vector<16xf32>
        %parallel_loop3A_1250 = arith.constant 2.500000e-01 : f32
        %parallel_loop3A_1251 = vector.broadcast %parallel_loop3A_1250 : f32 to vector<16xf32>
        %parallel_loop3A_1252 = arith.mulf %parallel_loop3A_1249, %parallel_loop3A_1251 : vector<16xf32>
        %parallel_loop3A_1253 = arith.constant 1 : i32
        %parallel_loop3A_1254 = arith.constant 2 : i32
        %parallel_loop3A_1255 = arith.constant 4 : i32
        %parallel_loop3A_1256 = arith.index_cast %parallel_loop3A_1253 : i32 to index
        %parallel_loop3A_1257 = arith.index_cast %parallel_loop3A_1254 : i32 to index
        %parallel_loop3A_1258 = arith.index_cast %parallel_loop3A_1255 : i32 to index
        %parallel_loop3A_1259 = arith.index_cast %parallel_loop3A_851 : i32 to index
        %parallel_loop3A_1260 = tpu.vector_load %arg5[%parallel_loop3A_1256, %parallel_loop3A_1257, %parallel_loop3A_1258, %parallel_loop3A_1259] {strides = array<i32>} : memref<2x7x8x512xf32, #tpu.memory_space<vmem>>, vector<1x1x1x16xf32>,
        %parallel_loop3A_1261 = vector.shape_cast %parallel_loop3A_1260 : vector<1x1x1x16xf32> to vector<16xf32>
        %parallel_loop3A_1262 = vector.shape_cast %parallel_loop3A_1252 : vector<16xf32> to vector<1x1x1x16xf32>
        tpu.vector_store %arg5[%parallel_loop3A_1256, %parallel_loop3A_1257, %parallel_loop3A_1258, %parallel_loop3A_1259], %parallel_loop3A_1262 {strides = array<i32>} : memref<2x7x8x512xf32, #tpu.memory_space<vmem>>, vector<1x1x1x16xf32>,
        %parallel_loop3A_1263 = arith.constant 1 : i32
        %parallel_loop3A_1264 = arith.constant 2 : i32
        %parallel_loop3A_1265 = arith.constant 5 : i32
        %parallel_loop3A_1266 = arith.index_cast %parallel_loop3A_1263 : i32 to index
        %parallel_loop3A_1267 = arith.index_cast %parallel_loop3A_1264 : i32 to index
        %parallel_loop3A_1268 = arith.index_cast %parallel_loop3A_1265 : i32 to index
        %parallel_loop3A_1269 = arith.index_cast %parallel_loop3A_851 : i32 to index
        %parallel_loop3A_1270 = tpu.vector_load %arg5[%parallel_loop3A_1266, %parallel_loop3A_1267, %parallel_loop3A_1268, %parallel_loop3A_1269] {strides = array<i32>} : memref<2x7x8x512xf32, #tpu.memory_space<vmem>>, vector<1x1x1x16xf32>,
        %parallel_loop3A_1271 = vector.shape_cast %parallel_loop3A_1270 : vector<1x1x1x16xf32> to vector<16xf32>
        %parallel_loop3A_1272 = vector.shape_cast %parallel_loop3A_921 : vector<16xf32> to vector<1x1x1x16xf32>
        tpu.vector_store %arg5[%parallel_loop3A_1266, %parallel_loop3A_1267, %parallel_loop3A_1268, %parallel_loop3A_1269], %parallel_loop3A_1272 {strides = array<i32>} : memref<2x7x8x512xf32, #tpu.memory_space<vmem>>, vector<1x1x1x16xf32>,
        %parallel_loop3A_1273 = arith.addf %parallel_loop3A_900, %parallel_loop3A_921 : vector<16xf32>
        %parallel_loop3A_1274 = arith.addf %parallel_loop3A_1273, %parallel_loop3A_949 : vector<16xf32>
        %parallel_loop3A_1275 = arith.constant 0.333333343 : f32
        %parallel_loop3A_1276 = vector.broadcast %parallel_loop3A_1275 : f32 to vector<16xf32>
        %parallel_loop3A_1277 = arith.mulf %parallel_loop3A_1274, %parallel_loop3A_1276 : vector<16xf32>
        %parallel_loop3A_1278 = arith.constant 1 : i32
        %parallel_loop3A_1279 = arith.constant 2 : i32
        %parallel_loop3A_1280 = arith.constant 6 : i32
        %parallel_loop3A_1281 = arith.index_cast %parallel_loop3A_1278 : i32 to index
        %parallel_loop3A_1282 = arith.index_cast %parallel_loop3A_1279 : i32 to index
        %parallel_loop3A_1283 = arith.index_cast %parallel_loop3A_1280 : i32 to index
        %parallel_loop3A_1284 = arith.index_cast %parallel_loop3A_851 : i32 to index
        %parallel_loop3A_1285 = tpu.vector_load %arg5[%parallel_loop3A_1281, %parallel_loop3A_1282, %parallel_loop3A_1283, %parallel_loop3A_1284] {strides = array<i32>} : memref<2x7x8x512xf32, #tpu.memory_space<vmem>>, vector<1x1x1x16xf32>,
        %parallel_loop3A_1286 = vector.shape_cast %parallel_loop3A_1285 : vector<1x1x1x16xf32> to vector<16xf32>
        %parallel_loop3A_1287 = vector.shape_cast %parallel_loop3A_1277 : vector<16xf32> to vector<1x1x1x16xf32>
        tpu.vector_store %arg5[%parallel_loop3A_1281, %parallel_loop3A_1282, %parallel_loop3A_1283, %parallel_loop3A_1284], %parallel_loop3A_1287 {strides = array<i32>} : memref<2x7x8x512xf32, #tpu.memory_space<vmem>>, vector<1x1x1x16xf32>,
        %parallel_loop3A_1288 = arith.constant 1 : i32
        %parallel_loop3A_1289 = arith.constant 3 : i32
        %parallel_loop3A_1290 = arith.constant 0 : i32
        %parallel_loop3A_1291 = arith.index_cast %parallel_loop3A_1288 : i32 to index
        %parallel_loop3A_1292 = arith.index_cast %parallel_loop3A_1289 : i32 to index
        %parallel_loop3A_1293 = arith.index_cast %parallel_loop3A_1290 : i32 to index
        %parallel_loop3A_1294 = arith.index_cast %parallel_loop3A_851 : i32 to index
        %parallel_loop3A_1295 = tpu.vector_load %arg5[%parallel_loop3A_1291, %parallel_loop3A_1292, %parallel_loop3A_1293, %parallel_loop3A_1294] {strides = array<i32>} : memref<2x7x8x512xf32, #tpu.memory_space<vmem>>, vector<1x1x1x16xf32>,
        %parallel_loop3A_1296 = vector.shape_cast %parallel_loop3A_1295 : vector<1x1x1x16xf32> to vector<16xf32>
        %parallel_loop3A_1297 = vector.shape_cast %parallel_loop3A_928 : vector<16xf32> to vector<1x1x1x16xf32>
        tpu.vector_store %arg5[%parallel_loop3A_1291, %parallel_loop3A_1292, %parallel_loop3A_1293, %parallel_loop3A_1294], %parallel_loop3A_1297 {strides = array<i32>} : memref<2x7x8x512xf32, #tpu.memory_space<vmem>>, vector<1x1x1x16xf32>,
        %parallel_loop3A_1298 = arith.addf %parallel_loop3A_907, %parallel_loop3A_928 : vector<16xf32>
        %parallel_loop3A_1299 = arith.addf %parallel_loop3A_1298, %parallel_loop3A_935 : vector<16xf32>
        %parallel_loop3A_1300 = arith.addf %parallel_loop3A_1299, %parallel_loop3A_956 : vector<16xf32>
        %parallel_loop3A_1301 = arith.constant 2.500000e-01 : f32
        %parallel_loop3A_1302 = vector.broadcast %parallel_loop3A_1301 : f32 to vector<16xf32>
        %parallel_loop3A_1303 = arith.mulf %parallel_loop3A_1300, %parallel_loop3A_1302 : vector<16xf32>
        %parallel_loop3A_1304 = arith.constant 1 : i32
        %parallel_loop3A_1305 = arith.constant 3 : i32
        %parallel_loop3A_1306 = arith.constant 1 : i32
        %parallel_loop3A_1307 = arith.index_cast %parallel_loop3A_1304 : i32 to index
        %parallel_loop3A_1308 = arith.index_cast %parallel_loop3A_1305 : i32 to index
        %parallel_loop3A_1309 = arith.index_cast %parallel_loop3A_1306 : i32 to index
        %parallel_loop3A_1310 = arith.index_cast %parallel_loop3A_851 : i32 to index
        %parallel_loop3A_1311 = tpu.vector_load %arg5[%parallel_loop3A_1307, %parallel_loop3A_1308, %parallel_loop3A_1309, %parallel_loop3A_1310] {strides = array<i32>} : memref<2x7x8x512xf32, #tpu.memory_space<vmem>>, vector<1x1x1x16xf32>,
        %parallel_loop3A_1312 = vector.shape_cast %parallel_loop3A_1311 : vector<1x1x1x16xf32> to vector<16xf32>
        %parallel_loop3A_1313 = vector.shape_cast %parallel_loop3A_1303 : vector<16xf32> to vector<1x1x1x16xf32>
        tpu.vector_store %arg5[%parallel_loop3A_1307, %parallel_loop3A_1308, %parallel_loop3A_1309, %parallel_loop3A_1310], %parallel_loop3A_1313 {strides = array<i32>} : memref<2x7x8x512xf32, #tpu.memory_space<vmem>>, vector<1x1x1x16xf32>,
        %parallel_loop3A_1314 = arith.constant 1 : i32
        %parallel_loop3A_1315 = arith.constant 3 : i32
        %parallel_loop3A_1316 = arith.constant 2 : i32
        %parallel_loop3A_1317 = arith.index_cast %parallel_loop3A_1314 : i32 to index
        %parallel_loop3A_1318 = arith.index_cast %parallel_loop3A_1315 : i32 to index
        %parallel_loop3A_1319 = arith.index_cast %parallel_loop3A_1316 : i32 to index
        %parallel_loop3A_1320 = arith.index_cast %parallel_loop3A_851 : i32 to index
        %parallel_loop3A_1321 = tpu.vector_load %arg5[%parallel_loop3A_1317, %parallel_loop3A_1318, %parallel_loop3A_1319, %parallel_loop3A_1320] {strides = array<i32>} : memref<2x7x8x512xf32, #tpu.memory_space<vmem>>, vector<1x1x1x16xf32>,
        %parallel_loop3A_1322 = vector.shape_cast %parallel_loop3A_1321 : vector<1x1x1x16xf32> to vector<16xf32>
        %parallel_loop3A_1323 = vector.shape_cast %parallel_loop3A_935 : vector<16xf32> to vector<1x1x1x16xf32>
        tpu.vector_store %arg5[%parallel_loop3A_1317, %parallel_loop3A_1318, %parallel_loop3A_1319, %parallel_loop3A_1320], %parallel_loop3A_1323 {strides = array<i32>} : memref<2x7x8x512xf32, #tpu.memory_space<vmem>>, vector<1x1x1x16xf32>,
        %parallel_loop3A_1324 = arith.addf %parallel_loop3A_914, %parallel_loop3A_935 : vector<16xf32>
        %parallel_loop3A_1325 = arith.addf %parallel_loop3A_1324, %parallel_loop3A_942 : vector<16xf32>
        %parallel_loop3A_1326 = arith.addf %parallel_loop3A_1325, %parallel_loop3A_963 : vector<16xf32>
        %parallel_loop3A_1327 = arith.constant 2.500000e-01 : f32
        %parallel_loop3A_1328 = vector.broadcast %parallel_loop3A_1327 : f32 to vector<16xf32>
        %parallel_loop3A_1329 = arith.mulf %parallel_loop3A_1326, %parallel_loop3A_1328 : vector<16xf32>
        %parallel_loop3A_1330 = arith.constant 1 : i32
        %parallel_loop3A_1331 = arith.constant 3 : i32
        %parallel_loop3A_1332 = arith.constant 3 : i32
        %parallel_loop3A_1333 = arith.index_cast %parallel_loop3A_1330 : i32 to index
        %parallel_loop3A_1334 = arith.index_cast %parallel_loop3A_1331 : i32 to index
        %parallel_loop3A_1335 = arith.index_cast %parallel_loop3A_1332 : i32 to index
        %parallel_loop3A_1336 = arith.index_cast %parallel_loop3A_851 : i32 to index
        %parallel_loop3A_1337 = tpu.vector_load %arg5[%parallel_loop3A_1333, %parallel_loop3A_1334, %parallel_loop3A_1335, %parallel_loop3A_1336] {strides = array<i32>} : memref<2x7x8x512xf32, #tpu.memory_space<vmem>>, vector<1x1x1x16xf32>,
        %parallel_loop3A_1338 = vector.shape_cast %parallel_loop3A_1337 : vector<1x1x1x16xf32> to vector<16xf32>
        %parallel_loop3A_1339 = vector.shape_cast %parallel_loop3A_1329 : vector<16xf32> to vector<1x1x1x16xf32>
        tpu.vector_store %arg5[%parallel_loop3A_1333, %parallel_loop3A_1334, %parallel_loop3A_1335, %parallel_loop3A_1336], %parallel_loop3A_1339 {strides = array<i32>} : memref<2x7x8x512xf32, #tpu.memory_space<vmem>>, vector<1x1x1x16xf32>,
        %parallel_loop3A_1340 = arith.constant 1 : i32
        %parallel_loop3A_1341 = arith.constant 3 : i32
        %parallel_loop3A_1342 = arith.constant 4 : i32
        %parallel_loop3A_1343 = arith.index_cast %parallel_loop3A_1340 : i32 to index
        %parallel_loop3A_1344 = arith.index_cast %parallel_loop3A_1341 : i32 to index
        %parallel_loop3A_1345 = arith.index_cast %parallel_loop3A_1342 : i32 to index
        %parallel_loop3A_1346 = arith.index_cast %parallel_loop3A_851 : i32 to index
        %parallel_loop3A_1347 = tpu.vector_load %arg5[%parallel_loop3A_1343, %parallel_loop3A_1344, %parallel_loop3A_1345, %parallel_loop3A_1346] {strides = array<i32>} : memref<2x7x8x512xf32, #tpu.memory_space<vmem>>, vector<1x1x1x16xf32>,
        %parallel_loop3A_1348 = vector.shape_cast %parallel_loop3A_1347 : vector<1x1x1x16xf32> to vector<16xf32>
        %parallel_loop3A_1349 = vector.shape_cast %parallel_loop3A_942 : vector<16xf32> to vector<1x1x1x16xf32>
        tpu.vector_store %arg5[%parallel_loop3A_1343, %parallel_loop3A_1344, %parallel_loop3A_1345, %parallel_loop3A_1346], %parallel_loop3A_1349 {strides = array<i32>} : memref<2x7x8x512xf32, #tpu.memory_space<vmem>>, vector<1x1x1x16xf32>,
        %parallel_loop3A_1350 = arith.addf %parallel_loop3A_921, %parallel_loop3A_942 : vector<16xf32>
        %parallel_loop3A_1351 = arith.addf %parallel_loop3A_1350, %parallel_loop3A_949 : vector<16xf32>
        %parallel_loop3A_1352 = arith.addf %parallel_loop3A_1351, %parallel_loop3A_970 : vector<16xf32>
        %parallel_loop3A_1353 = arith.constant 2.500000e-01 : f32
        %parallel_loop3A_1354 = vector.broadcast %parallel_loop3A_1353 : f32 to vector<16xf32>
        %parallel_loop3A_1355 = arith.mulf %parallel_loop3A_1352, %parallel_loop3A_1354 : vector<16xf32>
        %parallel_loop3A_1356 = arith.constant 1 : i32
        %parallel_loop3A_1357 = arith.constant 3 : i32
        %parallel_loop3A_1358 = arith.constant 5 : i32
        %parallel_loop3A_1359 = arith.index_cast %parallel_loop3A_1356 : i32 to index
        %parallel_loop3A_1360 = arith.index_cast %parallel_loop3A_1357 : i32 to index
        %parallel_loop3A_1361 = arith.index_cast %parallel_loop3A_1358 : i32 to index
        %parallel_loop3A_1362 = arith.index_cast %parallel_loop3A_851 : i32 to index
        %parallel_loop3A_1363 = tpu.vector_load %arg5[%parallel_loop3A_1359, %parallel_loop3A_1360, %parallel_loop3A_1361, %parallel_loop3A_1362] {strides = array<i32>} : memref<2x7x8x512xf32, #tpu.memory_space<vmem>>, vector<1x1x1x16xf32>,
        %parallel_loop3A_1364 = vector.shape_cast %parallel_loop3A_1363 : vector<1x1x1x16xf32> to vector<16xf32>
        %parallel_loop3A_1365 = vector.shape_cast %parallel_loop3A_1355 : vector<16xf32> to vector<1x1x1x16xf32>
        tpu.vector_store %arg5[%parallel_loop3A_1359, %parallel_loop3A_1360, %parallel_loop3A_1361, %parallel_loop3A_1362], %parallel_loop3A_1365 {strides = array<i32>} : memref<2x7x8x512xf32, #tpu.memory_space<vmem>>, vector<1x1x1x16xf32>,
        %parallel_loop3A_1366 = arith.constant 1 : i32
        %parallel_loop3A_1367 = arith.constant 3 : i32
        %parallel_loop3A_1368 = arith.constant 6 : i32
        %parallel_loop3A_1369 = arith.index_cast %parallel_loop3A_1366 : i32 to index
        %parallel_loop3A_1370 = arith.index_cast %parallel_loop3A_1367 : i32 to index
        %parallel_loop3A_1371 = arith.index_cast %parallel_loop3A_1368 : i32 to index
        %parallel_loop3A_1372 = arith.index_cast %parallel_loop3A_851 : i32 to index
        %parallel_loop3A_1373 = tpu.vector_load %arg5[%parallel_loop3A_1369, %parallel_loop3A_1370, %parallel_loop3A_1371, %parallel_loop3A_1372] {strides = array<i32>} : memref<2x7x8x512xf32, #tpu.memory_space<vmem>>, vector<1x1x1x16xf32>,
        %parallel_loop3A_1374 = vector.shape_cast %parallel_loop3A_1373 : vector<1x1x1x16xf32> to vector<16xf32>
        %parallel_loop3A_1375 = vector.shape_cast %parallel_loop3A_949 : vector<16xf32> to vector<1x1x1x16xf32>
        tpu.vector_store %arg5[%parallel_loop3A_1369, %parallel_loop3A_1370, %parallel_loop3A_1371, %parallel_loop3A_1372], %parallel_loop3A_1375 {strides = array<i32>} : memref<2x7x8x512xf32, #tpu.memory_space<vmem>>, vector<1x1x1x16xf32>,
        %parallel_loop3A_1376 = arith.addf %parallel_loop3A_928, %parallel_loop3A_956 : vector<16xf32>
        %parallel_loop3A_1377 = arith.addf %parallel_loop3A_1376, %parallel_loop3A_977 : vector<16xf32>
        %parallel_loop3A_1378 = arith.constant 0.333333343 : f32
        %parallel_loop3A_1379 = vector.broadcast %parallel_loop3A_1378 : f32 to vector<16xf32>
        %parallel_loop3A_1380 = arith.mulf %parallel_loop3A_1377, %parallel_loop3A_1379 : vector<16xf32>
        %parallel_loop3A_1381 = arith.constant 1 : i32
        %parallel_loop3A_1382 = arith.constant 4 : i32
        %parallel_loop3A_1383 = arith.constant 0 : i32
        %parallel_loop3A_1384 = arith.index_cast %parallel_loop3A_1381 : i32 to index
        %parallel_loop3A_1385 = arith.index_cast %parallel_loop3A_1382 : i32 to index
        %parallel_loop3A_1386 = arith.index_cast %parallel_loop3A_1383 : i32 to index
        %parallel_loop3A_1387 = arith.index_cast %parallel_loop3A_851 : i32 to index
        %parallel_loop3A_1388 = tpu.vector_load %arg5[%parallel_loop3A_1384, %parallel_loop3A_1385, %parallel_loop3A_1386, %parallel_loop3A_1387] {strides = array<i32>} : memref<2x7x8x512xf32, #tpu.memory_space<vmem>>, vector<1x1x1x16xf32>,
        %parallel_loop3A_1389 = vector.shape_cast %parallel_loop3A_1388 : vector<1x1x1x16xf32> to vector<16xf32>
        %parallel_loop3A_1390 = vector.shape_cast %parallel_loop3A_1380 : vector<16xf32> to vector<1x1x1x16xf32>
        tpu.vector_store %arg5[%parallel_loop3A_1384, %parallel_loop3A_1385, %parallel_loop3A_1386, %parallel_loop3A_1387], %parallel_loop3A_1390 {strides = array<i32>} : memref<2x7x8x512xf32, #tpu.memory_space<vmem>>, vector<1x1x1x16xf32>,
        %parallel_loop3A_1391 = arith.constant 1 : i32
        %parallel_loop3A_1392 = arith.constant 4 : i32
        %parallel_loop3A_1393 = arith.constant 1 : i32
        %parallel_loop3A_1394 = arith.index_cast %parallel_loop3A_1391 : i32 to index
        %parallel_loop3A_1395 = arith.index_cast %parallel_loop3A_1392 : i32 to index
        %parallel_loop3A_1396 = arith.index_cast %parallel_loop3A_1393 : i32 to index
        %parallel_loop3A_1397 = arith.index_cast %parallel_loop3A_851 : i32 to index
        %parallel_loop3A_1398 = tpu.vector_load %arg5[%parallel_loop3A_1394, %parallel_loop3A_1395, %parallel_loop3A_1396, %parallel_loop3A_1397] {strides = array<i32>} : memref<2x7x8x512xf32, #tpu.memory_space<vmem>>, vector<1x1x1x16xf32>,
        %parallel_loop3A_1399 = vector.shape_cast %parallel_loop3A_1398 : vector<1x1x1x16xf32> to vector<16xf32>
        %parallel_loop3A_1400 = vector.shape_cast %parallel_loop3A_956 : vector<16xf32> to vector<1x1x1x16xf32>
        tpu.vector_store %arg5[%parallel_loop3A_1394, %parallel_loop3A_1395, %parallel_loop3A_1396, %parallel_loop3A_1397], %parallel_loop3A_1400 {strides = array<i32>} : memref<2x7x8x512xf32, #tpu.memory_space<vmem>>, vector<1x1x1x16xf32>,
        %parallel_loop3A_1401 = arith.addf %parallel_loop3A_935, %parallel_loop3A_956 : vector<16xf32>
        %parallel_loop3A_1402 = arith.addf %parallel_loop3A_1401, %parallel_loop3A_963 : vector<16xf32>
        %parallel_loop3A_1403 = arith.addf %parallel_loop3A_1402, %parallel_loop3A_984 : vector<16xf32>
        %parallel_loop3A_1404 = arith.constant 2.500000e-01 : f32
        %parallel_loop3A_1405 = vector.broadcast %parallel_loop3A_1404 : f32 to vector<16xf32>
        %parallel_loop3A_1406 = arith.mulf %parallel_loop3A_1403, %parallel_loop3A_1405 : vector<16xf32>
        %parallel_loop3A_1407 = arith.constant 1 : i32
        %parallel_loop3A_1408 = arith.constant 4 : i32
        %parallel_loop3A_1409 = arith.constant 2 : i32
        %parallel_loop3A_1410 = arith.index_cast %parallel_loop3A_1407 : i32 to index
        %parallel_loop3A_1411 = arith.index_cast %parallel_loop3A_1408 : i32 to index
        %parallel_loop3A_1412 = arith.index_cast %parallel_loop3A_1409 : i32 to index
        %parallel_loop3A_1413 = arith.index_cast %parallel_loop3A_851 : i32 to index
        %parallel_loop3A_1414 = tpu.vector_load %arg5[%parallel_loop3A_1410, %parallel_loop3A_1411, %parallel_loop3A_1412, %parallel_loop3A_1413] {strides = array<i32>} : memref<2x7x8x512xf32, #tpu.memory_space<vmem>>, vector<1x1x1x16xf32>,
        %parallel_loop3A_1415 = vector.shape_cast %parallel_loop3A_1414 : vector<1x1x1x16xf32> to vector<16xf32>
        %parallel_loop3A_1416 = vector.shape_cast %parallel_loop3A_1406 : vector<16xf32> to vector<1x1x1x16xf32>
        tpu.vector_store %arg5[%parallel_loop3A_1410, %parallel_loop3A_1411, %parallel_loop3A_1412, %parallel_loop3A_1413], %parallel_loop3A_1416 {strides = array<i32>} : memref<2x7x8x512xf32, #tpu.memory_space<vmem>>, vector<1x1x1x16xf32>,
        %parallel_loop3A_1417 = arith.constant 1 : i32
        %parallel_loop3A_1418 = arith.constant 4 : i32
        %parallel_loop3A_1419 = arith.constant 3 : i32
        %parallel_loop3A_1420 = arith.index_cast %parallel_loop3A_1417 : i32 to index
        %parallel_loop3A_1421 = arith.index_cast %parallel_loop3A_1418 : i32 to index
        %parallel_loop3A_1422 = arith.index_cast %parallel_loop3A_1419 : i32 to index
        %parallel_loop3A_1423 = arith.index_cast %parallel_loop3A_851 : i32 to index
        %parallel_loop3A_1424 = tpu.vector_load %arg5[%parallel_loop3A_1420, %parallel_loop3A_1421, %parallel_loop3A_1422, %parallel_loop3A_1423] {strides = array<i32>} : memref<2x7x8x512xf32, #tpu.memory_space<vmem>>, vector<1x1x1x16xf32>,
        %parallel_loop3A_1425 = vector.shape_cast %parallel_loop3A_1424 : vector<1x1x1x16xf32> to vector<16xf32>
        %parallel_loop3A_1426 = vector.shape_cast %parallel_loop3A_963 : vector<16xf32> to vector<1x1x1x16xf32>
        tpu.vector_store %arg5[%parallel_loop3A_1420, %parallel_loop3A_1421, %parallel_loop3A_1422, %parallel_loop3A_1423], %parallel_loop3A_1426 {strides = array<i32>} : memref<2x7x8x512xf32, #tpu.memory_space<vmem>>, vector<1x1x1x16xf32>,
        %parallel_loop3A_1427 = arith.addf %parallel_loop3A_942, %parallel_loop3A_963 : vector<16xf32>
        %parallel_loop3A_1428 = arith.addf %parallel_loop3A_1427, %parallel_loop3A_970 : vector<16xf32>
        %parallel_loop3A_1429 = arith.addf %parallel_loop3A_1428, %parallel_loop3A_991 : vector<16xf32>
        %parallel_loop3A_1430 = arith.constant 2.500000e-01 : f32
        %parallel_loop3A_1431 = vector.broadcast %parallel_loop3A_1430 : f32 to vector<16xf32>
        %parallel_loop3A_1432 = arith.mulf %parallel_loop3A_1429, %parallel_loop3A_1431 : vector<16xf32>
        %parallel_loop3A_1433 = arith.constant 1 : i32
        %parallel_loop3A_1434 = arith.constant 4 : i32
        %parallel_loop3A_1435 = arith.constant 4 : i32
        %parallel_loop3A_1436 = arith.index_cast %parallel_loop3A_1433 : i32 to index
        %parallel_loop3A_1437 = arith.index_cast %parallel_loop3A_1434 : i32 to index
        %parallel_loop3A_1438 = arith.index_cast %parallel_loop3A_1435 : i32 to index
        %parallel_loop3A_1439 = arith.index_cast %parallel_loop3A_851 : i32 to index
        %parallel_loop3A_1440 = tpu.vector_load %arg5[%parallel_loop3A_1436, %parallel_loop3A_1437, %parallel_loop3A_1438, %parallel_loop3A_1439] {strides = array<i32>} : memref<2x7x8x512xf32, #tpu.memory_space<vmem>>, vector<1x1x1x16xf32>,
        %parallel_loop3A_1441 = vector.shape_cast %parallel_loop3A_1440 : vector<1x1x1x16xf32> to vector<16xf32>
        %parallel_loop3A_1442 = vector.shape_cast %parallel_loop3A_1432 : vector<16xf32> to vector<1x1x1x16xf32>
        tpu.vector_store %arg5[%parallel_loop3A_1436, %parallel_loop3A_1437, %parallel_loop3A_1438, %parallel_loop3A_1439], %parallel_loop3A_1442 {strides = array<i32>} : memref<2x7x8x512xf32, #tpu.memory_space<vmem>>, vector<1x1x1x16xf32>,
        %parallel_loop3A_1443 = arith.constant 1 : i32
        %parallel_loop3A_1444 = arith.constant 4 : i32
        %parallel_loop3A_1445 = arith.constant 5 : i32
        %parallel_loop3A_1446 = arith.index_cast %parallel_loop3A_1443 : i32 to index
        %parallel_loop3A_1447 = arith.index_cast %parallel_loop3A_1444 : i32 to index
        %parallel_loop3A_1448 = arith.index_cast %parallel_loop3A_1445 : i32 to index
        %parallel_loop3A_1449 = arith.index_cast %parallel_loop3A_851 : i32 to index
        %parallel_loop3A_1450 = tpu.vector_load %arg5[%parallel_loop3A_1446, %parallel_loop3A_1447, %parallel_loop3A_1448, %parallel_loop3A_1449] {strides = array<i32>} : memref<2x7x8x512xf32, #tpu.memory_space<vmem>>, vector<1x1x1x16xf32>,
        %parallel_loop3A_1451 = vector.shape_cast %parallel_loop3A_1450 : vector<1x1x1x16xf32> to vector<16xf32>
        %parallel_loop3A_1452 = vector.shape_cast %parallel_loop3A_970 : vector<16xf32> to vector<1x1x1x16xf32>
        tpu.vector_store %arg5[%parallel_loop3A_1446, %parallel_loop3A_1447, %parallel_loop3A_1448, %parallel_loop3A_1449], %parallel_loop3A_1452 {strides = array<i32>} : memref<2x7x8x512xf32, #tpu.memory_space<vmem>>, vector<1x1x1x16xf32>,
        %parallel_loop3A_1453 = arith.addf %parallel_loop3A_949, %parallel_loop3A_970 : vector<16xf32>
        %parallel_loop3A_1454 = arith.addf %parallel_loop3A_1453, %parallel_loop3A_998 : vector<16xf32>
        %parallel_loop3A_1455 = arith.constant 0.333333343 : f32
        %parallel_loop3A_1456 = vector.broadcast %parallel_loop3A_1455 : f32 to vector<16xf32>
        %parallel_loop3A_1457 = arith.mulf %parallel_loop3A_1454, %parallel_loop3A_1456 : vector<16xf32>
        %parallel_loop3A_1458 = arith.constant 1 : i32
        %parallel_loop3A_1459 = arith.constant 4 : i32
        %parallel_loop3A_1460 = arith.constant 6 : i32
        %parallel_loop3A_1461 = arith.index_cast %parallel_loop3A_1458 : i32 to index
        %parallel_loop3A_1462 = arith.index_cast %parallel_loop3A_1459 : i32 to index
        %parallel_loop3A_1463 = arith.index_cast %parallel_loop3A_1460 : i32 to index
        %parallel_loop3A_1464 = arith.index_cast %parallel_loop3A_851 : i32 to index
        %parallel_loop3A_1465 = tpu.vector_load %arg5[%parallel_loop3A_1461, %parallel_loop3A_1462, %parallel_loop3A_1463, %parallel_loop3A_1464] {strides = array<i32>} : memref<2x7x8x512xf32, #tpu.memory_space<vmem>>, vector<1x1x1x16xf32>,
        %parallel_loop3A_1466 = vector.shape_cast %parallel_loop3A_1465 : vector<1x1x1x16xf32> to vector<16xf32>
        %parallel_loop3A_1467 = vector.shape_cast %parallel_loop3A_1457 : vector<16xf32> to vector<1x1x1x16xf32>
        tpu.vector_store %arg5[%parallel_loop3A_1461, %parallel_loop3A_1462, %parallel_loop3A_1463, %parallel_loop3A_1464], %parallel_loop3A_1467 {strides = array<i32>} : memref<2x7x8x512xf32, #tpu.memory_space<vmem>>, vector<1x1x1x16xf32>,
        %parallel_loop3A_1468 = arith.constant 1 : i32
        %parallel_loop3A_1469 = arith.constant 5 : i32
        %parallel_loop3A_1470 = arith.constant 0 : i32
        %parallel_loop3A_1471 = arith.index_cast %parallel_loop3A_1468 : i32 to index
        %parallel_loop3A_1472 = arith.index_cast %parallel_loop3A_1469 : i32 to index
        %parallel_loop3A_1473 = arith.index_cast %parallel_loop3A_1470 : i32 to index
        %parallel_loop3A_1474 = arith.index_cast %parallel_loop3A_851 : i32 to index
        %parallel_loop3A_1475 = tpu.vector_load %arg5[%parallel_loop3A_1471, %parallel_loop3A_1472, %parallel_loop3A_1473, %parallel_loop3A_1474] {strides = array<i32>} : memref<2x7x8x512xf32, #tpu.memory_space<vmem>>, vector<1x1x1x16xf32>,
        %parallel_loop3A_1476 = vector.shape_cast %parallel_loop3A_1475 : vector<1x1x1x16xf32> to vector<16xf32>
        %parallel_loop3A_1477 = vector.shape_cast %parallel_loop3A_977 : vector<16xf32> to vector<1x1x1x16xf32>
        tpu.vector_store %arg5[%parallel_loop3A_1471, %parallel_loop3A_1472, %parallel_loop3A_1473, %parallel_loop3A_1474], %parallel_loop3A_1477 {strides = array<i32>} : memref<2x7x8x512xf32, #tpu.memory_space<vmem>>, vector<1x1x1x16xf32>,
        %parallel_loop3A_1478 = arith.addf %parallel_loop3A_956, %parallel_loop3A_977 : vector<16xf32>
        %parallel_loop3A_1479 = arith.addf %parallel_loop3A_1478, %parallel_loop3A_984 : vector<16xf32>
        %parallel_loop3A_1480 = arith.addf %parallel_loop3A_1479, %parallel_loop3A_1005 : vector<16xf32>
        %parallel_loop3A_1481 = arith.constant 2.500000e-01 : f32
        %parallel_loop3A_1482 = vector.broadcast %parallel_loop3A_1481 : f32 to vector<16xf32>
        %parallel_loop3A_1483 = arith.mulf %parallel_loop3A_1480, %parallel_loop3A_1482 : vector<16xf32>
        %parallel_loop3A_1484 = arith.constant 1 : i32
        %parallel_loop3A_1485 = arith.constant 5 : i32
        %parallel_loop3A_1486 = arith.constant 1 : i32
        %parallel_loop3A_1487 = arith.index_cast %parallel_loop3A_1484 : i32 to index
        %parallel_loop3A_1488 = arith.index_cast %parallel_loop3A_1485 : i32 to index
        %parallel_loop3A_1489 = arith.index_cast %parallel_loop3A_1486 : i32 to index
        %parallel_loop3A_1490 = arith.index_cast %parallel_loop3A_851 : i32 to index
        %parallel_loop3A_1491 = tpu.vector_load %arg5[%parallel_loop3A_1487, %parallel_loop3A_1488, %parallel_loop3A_1489, %parallel_loop3A_1490] {strides = array<i32>} : memref<2x7x8x512xf32, #tpu.memory_space<vmem>>, vector<1x1x1x16xf32>,
        %parallel_loop3A_1492 = vector.shape_cast %parallel_loop3A_1491 : vector<1x1x1x16xf32> to vector<16xf32>
        %parallel_loop3A_1493 = vector.shape_cast %parallel_loop3A_1483 : vector<16xf32> to vector<1x1x1x16xf32>
        tpu.vector_store %arg5[%parallel_loop3A_1487, %parallel_loop3A_1488, %parallel_loop3A_1489, %parallel_loop3A_1490], %parallel_loop3A_1493 {strides = array<i32>} : memref<2x7x8x512xf32, #tpu.memory_space<vmem>>, vector<1x1x1x16xf32>,
        %parallel_loop3A_1494 = arith.constant 1 : i32
        %parallel_loop3A_1495 = arith.constant 5 : i32
        %parallel_loop3A_1496 = arith.constant 2 : i32
        %parallel_loop3A_1497 = arith.index_cast %parallel_loop3A_1494 : i32 to index
        %parallel_loop3A_1498 = arith.index_cast %parallel_loop3A_1495 : i32 to index
        %parallel_loop3A_1499 = arith.index_cast %parallel_loop3A_1496 : i32 to index
        %parallel_loop3A_1500 = arith.index_cast %parallel_loop3A_851 : i32 to index
        %parallel_loop3A_1501 = tpu.vector_load %arg5[%parallel_loop3A_1497, %parallel_loop3A_1498, %parallel_loop3A_1499, %parallel_loop3A_1500] {strides = array<i32>} : memref<2x7x8x512xf32, #tpu.memory_space<vmem>>, vector<1x1x1x16xf32>,
        %parallel_loop3A_1502 = vector.shape_cast %parallel_loop3A_1501 : vector<1x1x1x16xf32> to vector<16xf32>
        %parallel_loop3A_1503 = vector.shape_cast %parallel_loop3A_984 : vector<16xf32> to vector<1x1x1x16xf32>
        tpu.vector_store %arg5[%parallel_loop3A_1497, %parallel_loop3A_1498, %parallel_loop3A_1499, %parallel_loop3A_1500], %parallel_loop3A_1503 {strides = array<i32>} : memref<2x7x8x512xf32, #tpu.memory_space<vmem>>, vector<1x1x1x16xf32>,
        %parallel_loop3A_1504 = arith.addf %parallel_loop3A_963, %parallel_loop3A_984 : vector<16xf32>
        %parallel_loop3A_1505 = arith.addf %parallel_loop3A_1504, %parallel_loop3A_991 : vector<16xf32>
        %parallel_loop3A_1506 = arith.addf %parallel_loop3A_1505, %parallel_loop3A_1012 : vector<16xf32>
        %parallel_loop3A_1507 = arith.constant 2.500000e-01 : f32
        %parallel_loop3A_1508 = vector.broadcast %parallel_loop3A_1507 : f32 to vector<16xf32>
        %parallel_loop3A_1509 = arith.mulf %parallel_loop3A_1506, %parallel_loop3A_1508 : vector<16xf32>
        %parallel_loop3A_1510 = arith.constant 1 : i32
        %parallel_loop3A_1511 = arith.constant 5 : i32
        %parallel_loop3A_1512 = arith.constant 3 : i32
        %parallel_loop3A_1513 = arith.index_cast %parallel_loop3A_1510 : i32 to index
        %parallel_loop3A_1514 = arith.index_cast %parallel_loop3A_1511 : i32 to index
        %parallel_loop3A_1515 = arith.index_cast %parallel_loop3A_1512 : i32 to index
        %parallel_loop3A_1516 = arith.index_cast %parallel_loop3A_851 : i32 to index
        %parallel_loop3A_1517 = tpu.vector_load %arg5[%parallel_loop3A_1513, %parallel_loop3A_1514, %parallel_loop3A_1515, %parallel_loop3A_1516] {strides = array<i32>} : memref<2x7x8x512xf32, #tpu.memory_space<vmem>>, vector<1x1x1x16xf32>,
        %parallel_loop3A_1518 = vector.shape_cast %parallel_loop3A_1517 : vector<1x1x1x16xf32> to vector<16xf32>
        %parallel_loop3A_1519 = vector.shape_cast %parallel_loop3A_1509 : vector<16xf32> to vector<1x1x1x16xf32>
        tpu.vector_store %arg5[%parallel_loop3A_1513, %parallel_loop3A_1514, %parallel_loop3A_1515, %parallel_loop3A_1516], %parallel_loop3A_1519 {strides = array<i32>} : memref<2x7x8x512xf32, #tpu.memory_space<vmem>>, vector<1x1x1x16xf32>,
        %parallel_loop3A_1520 = arith.constant 1 : i32
        %parallel_loop3A_1521 = arith.constant 5 : i32
        %parallel_loop3A_1522 = arith.constant 4 : i32
        %parallel_loop3A_1523 = arith.index_cast %parallel_loop3A_1520 : i32 to index
        %parallel_loop3A_1524 = arith.index_cast %parallel_loop3A_1521 : i32 to index
        %parallel_loop3A_1525 = arith.index_cast %parallel_loop3A_1522 : i32 to index
        %parallel_loop3A_1526 = arith.index_cast %parallel_loop3A_851 : i32 to index
        %parallel_loop3A_1527 = tpu.vector_load %arg5[%parallel_loop3A_1523, %parallel_loop3A_1524, %parallel_loop3A_1525, %parallel_loop3A_1526] {strides = array<i32>} : memref<2x7x8x512xf32, #tpu.memory_space<vmem>>, vector<1x1x1x16xf32>,
        %parallel_loop3A_1528 = vector.shape_cast %parallel_loop3A_1527 : vector<1x1x1x16xf32> to vector<16xf32>
        %parallel_loop3A_1529 = vector.shape_cast %parallel_loop3A_991 : vector<16xf32> to vector<1x1x1x16xf32>
        tpu.vector_store %arg5[%parallel_loop3A_1523, %parallel_loop3A_1524, %parallel_loop3A_1525, %parallel_loop3A_1526], %parallel_loop3A_1529 {strides = array<i32>} : memref<2x7x8x512xf32, #tpu.memory_space<vmem>>, vector<1x1x1x16xf32>,
        %parallel_loop3A_1530 = arith.addf %parallel_loop3A_970, %parallel_loop3A_991 : vector<16xf32>
        %parallel_loop3A_1531 = arith.addf %parallel_loop3A_1530, %parallel_loop3A_998 : vector<16xf32>
        %parallel_loop3A_1532 = arith.addf %parallel_loop3A_1531, %parallel_loop3A_1019 : vector<16xf32>
        %parallel_loop3A_1533 = arith.constant 2.500000e-01 : f32
        %parallel_loop3A_1534 = vector.broadcast %parallel_loop3A_1533 : f32 to vector<16xf32>
        %parallel_loop3A_1535 = arith.mulf %parallel_loop3A_1532, %parallel_loop3A_1534 : vector<16xf32>
        %parallel_loop3A_1536 = arith.constant 1 : i32
        %parallel_loop3A_1537 = arith.constant 5 : i32
        %parallel_loop3A_1538 = arith.constant 5 : i32
        %parallel_loop3A_1539 = arith.index_cast %parallel_loop3A_1536 : i32 to index
        %parallel_loop3A_1540 = arith.index_cast %parallel_loop3A_1537 : i32 to index
        %parallel_loop3A_1541 = arith.index_cast %parallel_loop3A_1538 : i32 to index
        %parallel_loop3A_1542 = arith.index_cast %parallel_loop3A_851 : i32 to index
        %parallel_loop3A_1543 = tpu.vector_load %arg5[%parallel_loop3A_1539, %parallel_loop3A_1540, %parallel_loop3A_1541, %parallel_loop3A_1542] {strides = array<i32>} : memref<2x7x8x512xf32, #tpu.memory_space<vmem>>, vector<1x1x1x16xf32>,
        %parallel_loop3A_1544 = vector.shape_cast %parallel_loop3A_1543 : vector<1x1x1x16xf32> to vector<16xf32>
        %parallel_loop3A_1545 = vector.shape_cast %parallel_loop3A_1535 : vector<16xf32> to vector<1x1x1x16xf32>
        tpu.vector_store %arg5[%parallel_loop3A_1539, %parallel_loop3A_1540, %parallel_loop3A_1541, %parallel_loop3A_1542], %parallel_loop3A_1545 {strides = array<i32>} : memref<2x7x8x512xf32, #tpu.memory_space<vmem>>, vector<1x1x1x16xf32>,
        %parallel_loop3A_1546 = arith.constant 1 : i32
        %parallel_loop3A_1547 = arith.constant 5 : i32
        %parallel_loop3A_1548 = arith.constant 6 : i32
        %parallel_loop3A_1549 = arith.index_cast %parallel_loop3A_1546 : i32 to index
        %parallel_loop3A_1550 = arith.index_cast %parallel_loop3A_1547 : i32 to index
        %parallel_loop3A_1551 = arith.index_cast %parallel_loop3A_1548 : i32 to index
        %parallel_loop3A_1552 = arith.index_cast %parallel_loop3A_851 : i32 to index
        %parallel_loop3A_1553 = tpu.vector_load %arg5[%parallel_loop3A_1549, %parallel_loop3A_1550, %parallel_loop3A_1551, %parallel_loop3A_1552] {strides = array<i32>} : memref<2x7x8x512xf32, #tpu.memory_space<vmem>>, vector<1x1x1x16xf32>,
        %parallel_loop3A_1554 = vector.shape_cast %parallel_loop3A_1553 : vector<1x1x1x16xf32> to vector<16xf32>
        %parallel_loop3A_1555 = vector.shape_cast %parallel_loop3A_998 : vector<16xf32> to vector<1x1x1x16xf32>
        tpu.vector_store %arg5[%parallel_loop3A_1549, %parallel_loop3A_1550, %parallel_loop3A_1551, %parallel_loop3A_1552], %parallel_loop3A_1555 {strides = array<i32>} : memref<2x7x8x512xf32, #tpu.memory_space<vmem>>, vector<1x1x1x16xf32>,
        %parallel_loop3A_1556 = arith.addf %parallel_loop3A_977, %parallel_loop3A_1005 : vector<16xf32>
        %parallel_loop3A_1557 = arith.constant 5.000000e-01 : f32
        %parallel_loop3A_1558 = vector.broadcast %parallel_loop3A_1557 : f32 to vector<16xf32>
        %parallel_loop3A_1559 = arith.mulf %parallel_loop3A_1556, %parallel_loop3A_1558 : vector<16xf32>
        %parallel_loop3A_1560 = arith.constant 1 : i32
        %parallel_loop3A_1561 = arith.constant 6 : i32
        %parallel_loop3A_1562 = arith.constant 0 : i32
        %parallel_loop3A_1563 = arith.index_cast %parallel_loop3A_1560 : i32 to index
        %parallel_loop3A_1564 = arith.index_cast %parallel_loop3A_1561 : i32 to index
        %parallel_loop3A_1565 = arith.index_cast %parallel_loop3A_1562 : i32 to index
        %parallel_loop3A_1566 = arith.index_cast %parallel_loop3A_851 : i32 to index
        %parallel_loop3A_1567 = tpu.vector_load %arg5[%parallel_loop3A_1563, %parallel_loop3A_1564, %parallel_loop3A_1565, %parallel_loop3A_1566] {strides = array<i32>} : memref<2x7x8x512xf32, #tpu.memory_space<vmem>>, vector<1x1x1x16xf32>,
        %parallel_loop3A_1568 = vector.shape_cast %parallel_loop3A_1567 : vector<1x1x1x16xf32> to vector<16xf32>
        %parallel_loop3A_1569 = vector.shape_cast %parallel_loop3A_1559 : vector<16xf32> to vector<1x1x1x16xf32>
        tpu.vector_store %arg5[%parallel_loop3A_1563, %parallel_loop3A_1564, %parallel_loop3A_1565, %parallel_loop3A_1566], %parallel_loop3A_1569 {strides = array<i32>} : memref<2x7x8x512xf32, #tpu.memory_space<vmem>>, vector<1x1x1x16xf32>,
        %parallel_loop3A_1570 = arith.constant 1 : i32
        %parallel_loop3A_1571 = arith.constant 6 : i32
        %parallel_loop3A_1572 = arith.constant 1 : i32
        %parallel_loop3A_1573 = arith.index_cast %parallel_loop3A_1570 : i32 to index
        %parallel_loop3A_1574 = arith.index_cast %parallel_loop3A_1571 : i32 to index
        %parallel_loop3A_1575 = arith.index_cast %parallel_loop3A_1572 : i32 to index
        %parallel_loop3A_1576 = arith.index_cast %parallel_loop3A_851 : i32 to index
        %parallel_loop3A_1577 = tpu.vector_load %arg5[%parallel_loop3A_1573, %parallel_loop3A_1574, %parallel_loop3A_1575, %parallel_loop3A_1576] {strides = array<i32>} : memref<2x7x8x512xf32, #tpu.memory_space<vmem>>, vector<1x1x1x16xf32>,
        %parallel_loop3A_1578 = vector.shape_cast %parallel_loop3A_1577 : vector<1x1x1x16xf32> to vector<16xf32>
        %parallel_loop3A_1579 = vector.shape_cast %parallel_loop3A_1005 : vector<16xf32> to vector<1x1x1x16xf32>
        tpu.vector_store %arg5[%parallel_loop3A_1573, %parallel_loop3A_1574, %parallel_loop3A_1575, %parallel_loop3A_1576], %parallel_loop3A_1579 {strides = array<i32>} : memref<2x7x8x512xf32, #tpu.memory_space<vmem>>, vector<1x1x1x16xf32>,
        %parallel_loop3A_1580 = arith.addf %parallel_loop3A_984, %parallel_loop3A_1005 : vector<16xf32>
        %parallel_loop3A_1581 = arith.addf %parallel_loop3A_1580, %parallel_loop3A_1012 : vector<16xf32>
        %parallel_loop3A_1582 = arith.constant 0.333333343 : f32
        %parallel_loop3A_1583 = vector.broadcast %parallel_loop3A_1582 : f32 to vector<16xf32>
        %parallel_loop3A_1584 = arith.mulf %parallel_loop3A_1581, %parallel_loop3A_1583 : vector<16xf32>
        %parallel_loop3A_1585 = arith.constant 1 : i32
        %parallel_loop3A_1586 = arith.constant 6 : i32
        %parallel_loop3A_1587 = arith.constant 2 : i32
        %parallel_loop3A_1588 = arith.index_cast %parallel_loop3A_1585 : i32 to index
        %parallel_loop3A_1589 = arith.index_cast %parallel_loop3A_1586 : i32 to index
        %parallel_loop3A_1590 = arith.index_cast %parallel_loop3A_1587 : i32 to index
        %parallel_loop3A_1591 = arith.index_cast %parallel_loop3A_851 : i32 to index
        %parallel_loop3A_1592 = tpu.vector_load %arg5[%parallel_loop3A_1588, %parallel_loop3A_1589, %parallel_loop3A_1590, %parallel_loop3A_1591] {strides = array<i32>} : memref<2x7x8x512xf32, #tpu.memory_space<vmem>>, vector<1x1x1x16xf32>,
        %parallel_loop3A_1593 = vector.shape_cast %parallel_loop3A_1592 : vector<1x1x1x16xf32> to vector<16xf32>
        %parallel_loop3A_1594 = vector.shape_cast %parallel_loop3A_1584 : vector<16xf32> to vector<1x1x1x16xf32>
        tpu.vector_store %arg5[%parallel_loop3A_1588, %parallel_loop3A_1589, %parallel_loop3A_1590, %parallel_loop3A_1591], %parallel_loop3A_1594 {strides = array<i32>} : memref<2x7x8x512xf32, #tpu.memory_space<vmem>>, vector<1x1x1x16xf32>,
        %parallel_loop3A_1595 = arith.constant 1 : i32
        %parallel_loop3A_1596 = arith.constant 6 : i32
        %parallel_loop3A_1597 = arith.constant 3 : i32
        %parallel_loop3A_1598 = arith.index_cast %parallel_loop3A_1595 : i32 to index
        %parallel_loop3A_1599 = arith.index_cast %parallel_loop3A_1596 : i32 to index
        %parallel_loop3A_1600 = arith.index_cast %parallel_loop3A_1597 : i32 to index
        %parallel_loop3A_1601 = arith.index_cast %parallel_loop3A_851 : i32 to index
        %parallel_loop3A_1602 = tpu.vector_load %arg5[%parallel_loop3A_1598, %parallel_loop3A_1599, %parallel_loop3A_1600, %parallel_loop3A_1601] {strides = array<i32>} : memref<2x7x8x512xf32, #tpu.memory_space<vmem>>, vector<1x1x1x16xf32>,
        %parallel_loop3A_1603 = vector.shape_cast %parallel_loop3A_1602 : vector<1x1x1x16xf32> to vector<16xf32>
        %parallel_loop3A_1604 = vector.shape_cast %parallel_loop3A_1012 : vector<16xf32> to vector<1x1x1x16xf32>
        tpu.vector_store %arg5[%parallel_loop3A_1598, %parallel_loop3A_1599, %parallel_loop3A_1600, %parallel_loop3A_1601], %parallel_loop3A_1604 {strides = array<i32>} : memref<2x7x8x512xf32, #tpu.memory_space<vmem>>, vector<1x1x1x16xf32>,
        %parallel_loop3A_1605 = arith.addf %parallel_loop3A_991, %parallel_loop3A_1012 : vector<16xf32>
        %parallel_loop3A_1606 = arith.addf %parallel_loop3A_1605, %parallel_loop3A_1019 : vector<16xf32>
        %parallel_loop3A_1607 = arith.constant 0.333333343 : f32
        %parallel_loop3A_1608 = vector.broadcast %parallel_loop3A_1607 : f32 to vector<16xf32>
        %parallel_loop3A_1609 = arith.mulf %parallel_loop3A_1606, %parallel_loop3A_1608 : vector<16xf32>
        %parallel_loop3A_1610 = arith.constant 1 : i32
        %parallel_loop3A_1611 = arith.constant 6 : i32
        %parallel_loop3A_1612 = arith.constant 4 : i32
        %parallel_loop3A_1613 = arith.index_cast %parallel_loop3A_1610 : i32 to index
        %parallel_loop3A_1614 = arith.index_cast %parallel_loop3A_1611 : i32 to index
        %parallel_loop3A_1615 = arith.index_cast %parallel_loop3A_1612 : i32 to index
        %parallel_loop3A_1616 = arith.index_cast %parallel_loop3A_851 : i32 to index
        %parallel_loop3A_1617 = tpu.vector_load %arg5[%parallel_loop3A_1613, %parallel_loop3A_1614, %parallel_loop3A_1615, %parallel_loop3A_1616] {strides = array<i32>} : memref<2x7x8x512xf32, #tpu.memory_space<vmem>>, vector<1x1x1x16xf32>,
        %parallel_loop3A_1618 = vector.shape_cast %parallel_loop3A_1617 : vector<1x1x1x16xf32> to vector<16xf32>
        %parallel_loop3A_1619 = vector.shape_cast %parallel_loop3A_1609 : vector<16xf32> to vector<1x1x1x16xf32>
        tpu.vector_store %arg5[%parallel_loop3A_1613, %parallel_loop3A_1614, %parallel_loop3A_1615, %parallel_loop3A_1616], %parallel_loop3A_1619 {strides = array<i32>} : memref<2x7x8x512xf32, #tpu.memory_space<vmem>>, vector<1x1x1x16xf32>,
        %parallel_loop3A_1620 = arith.constant 1 : i32
        %parallel_loop3A_1621 = arith.constant 6 : i32
        %parallel_loop3A_1622 = arith.constant 5 : i32
        %parallel_loop3A_1623 = arith.index_cast %parallel_loop3A_1620 : i32 to index
        %parallel_loop3A_1624 = arith.index_cast %parallel_loop3A_1621 : i32 to index
        %parallel_loop3A_1625 = arith.index_cast %parallel_loop3A_1622 : i32 to index
        %parallel_loop3A_1626 = arith.index_cast %parallel_loop3A_851 : i32 to index
        %parallel_loop3A_1627 = tpu.vector_load %arg5[%parallel_loop3A_1623, %parallel_loop3A_1624, %parallel_loop3A_1625, %parallel_loop3A_1626] {strides = array<i32>} : memref<2x7x8x512xf32, #tpu.memory_space<vmem>>, vector<1x1x1x16xf32>,
        %parallel_loop3A_1628 = vector.shape_cast %parallel_loop3A_1627 : vector<1x1x1x16xf32> to vector<16xf32>
        %parallel_loop3A_1629 = vector.shape_cast %parallel_loop3A_1019 : vector<16xf32> to vector<1x1x1x16xf32>
        tpu.vector_store %arg5[%parallel_loop3A_1623, %parallel_loop3A_1624, %parallel_loop3A_1625, %parallel_loop3A_1626], %parallel_loop3A_1629 {strides = array<i32>} : memref<2x7x8x512xf32, #tpu.memory_space<vmem>>, vector<1x1x1x16xf32>,
        %parallel_loop3A_1630 = arith.addf %parallel_loop3A_998, %parallel_loop3A_1019 : vector<16xf32>
        %parallel_loop3A_1631 = arith.constant 5.000000e-01 : f32
        %parallel_loop3A_1632 = vector.broadcast %parallel_loop3A_1631 : f32 to vector<16xf32>
        %parallel_loop3A_1633 = arith.mulf %parallel_loop3A_1630, %parallel_loop3A_1632 : vector<16xf32>
        %parallel_loop3A_1634 = arith.constant 1 : i32
        %parallel_loop3A_1635 = arith.constant 6 : i32
        %parallel_loop3A_1636 = arith.constant 6 : i32
        %parallel_loop3A_1637 = arith.index_cast %parallel_loop3A_1634 : i32 to index
        %parallel_loop3A_1638 = arith.index_cast %parallel_loop3A_1635 : i32 to index
        %parallel_loop3A_1639 = arith.index_cast %parallel_loop3A_1636 : i32 to index
        %parallel_loop3A_1640 = arith.index_cast %parallel_loop3A_851 : i32 to index
        %parallel_loop3A_1641 = tpu.vector_load %arg5[%parallel_loop3A_1637, %parallel_loop3A_1638, %parallel_loop3A_1639, %parallel_loop3A_1640] {strides = array<i32>} : memref<2x7x8x512xf32, #tpu.memory_space<vmem>>, vector<1x1x1x16xf32>,
        %parallel_loop3A_1642 = vector.shape_cast %parallel_loop3A_1641 : vector<1x1x1x16xf32> to vector<16xf32>
        %parallel_loop3A_1643 = vector.shape_cast %parallel_loop3A_1633 : vector<16xf32> to vector<1x1x1x16xf32>
        tpu.vector_store %arg5[%parallel_loop3A_1637, %parallel_loop3A_1638, %parallel_loop3A_1639, %parallel_loop3A_1640], %parallel_loop3A_1643 {strides = array<i32>} : memref<2x7x8x512xf32, #tpu.memory_space<vmem>>, vector<1x1x1x16xf32>,
      } {sc.loop_unroll_factor = 2 : i64, sc.parallel_access}
      %mul3A_738 = arith.constant 32 : i32
      %mul3A_739 = arith.muli %add3A, %mul3A_738 : i32
      %add3A_740 = arith.addi %mul3A_739, %add3A_629 : i32
      %jit3A_741 = arith.constant 8 : i32
      %div3A_742 = arith.divsi %add3A_740, %jit3A_741 : i32
      %sign3A_743 = arith.constant 0 : i32
      %sign3A_744 = arith.cmpi sgt, %add3A_740, %sign3A_743 : i32
      %sign3A_745 = arith.extui %sign3A_744 : i1 to i32
      %sign3A_746 = arith.constant 0 : i32
      %sign3A_747 = arith.cmpi slt, %add3A_740, %sign3A_746 : i32
      %sign3A_748 = arith.extui %sign3A_747 : i1 to i32
      %sign3A_749 = arith.subi %sign3A_745, %sign3A_748 : i32
      %sign3A_750 = arith.constant 0 : i32
      %sign3A_751 = arith.cmpi sgt, %jit3A_741, %sign3A_750 : i32
      %sign3A_752 = arith.extui %sign3A_751 : i1 to i32
      %sign3A_753 = arith.constant 0 : i32
      %sign3A_754 = arith.cmpi slt, %jit3A_741, %sign3A_753 : i32
      %sign3A_755 = arith.extui %sign3A_754 : i1 to i32
      %sign3A_756 = arith.subi %sign3A_752, %sign3A_755 : i32
      %ne3A_757 = arith.cmpi ne, %sign3A_749, %sign3A_756 : i32
      %rem3A_758 = arith.remsi %add3A_740, %jit3A_741 : i32
      %ne3A_759 = arith.constant 0 : i32
      %ne3A_760 = arith.cmpi ne, %rem3A_758, %ne3A_759 : i32
      %and3A_761 = arith.andi %ne3A_757, %ne3A_760 : i1
      %sub3A_762 = arith.constant 1 : i32
      %sub3A_763 = arith.subi %div3A_742, %sub3A_762 : i32
      %select_n3A_764 = arith.select %and3A_761, %sub3A_763, %div3A_742 : i32
      %jit3A_765 = arith.constant 2 : i32
      %div3A_766 = arith.divsi %select_n3A_764, %jit3A_765 : i32
      %sign3A_767 = arith.constant 0 : i32
      %sign3A_768 = arith.cmpi sgt, %select_n3A_764, %sign3A_767 : i32
      %sign3A_769 = arith.extui %sign3A_768 : i1 to i32
      %sign3A_770 = arith.constant 0 : i32
      %sign3A_771 = arith.cmpi slt, %select_n3A_764, %sign3A_770 : i32
      %sign3A_772 = arith.extui %sign3A_771 : i1 to i32
      %sign3A_773 = arith.subi %sign3A_769, %sign3A_772 : i32
      %sign3A_774 = arith.constant 0 : i32
      %sign3A_775 = arith.cmpi sgt, %jit3A_765, %sign3A_774 : i32
      %sign3A_776 = arith.extui %sign3A_775 : i1 to i32
      %sign3A_777 = arith.constant 0 : i32
      %sign3A_778 = arith.cmpi slt, %jit3A_765, %sign3A_777 : i32
      %sign3A_779 = arith.extui %sign3A_778 : i1 to i32
      %sign3A_780 = arith.subi %sign3A_776, %sign3A_779 : i32
      %ne3A_781 = arith.cmpi ne, %sign3A_773, %sign3A_780 : i32
      %rem3A_782 = arith.remsi %select_n3A_764, %jit3A_765 : i32
      %ne3A_783 = arith.constant 0 : i32
      %ne3A_784 = arith.cmpi ne, %rem3A_782, %ne3A_783 : i32
      %and3A_785 = arith.andi %ne3A_781, %ne3A_784 : i1
      %sub3A_786 = arith.constant 1 : i32
      %sub3A_787 = arith.subi %div3A_766, %sub3A_786 : i32
      %select_n3A_788 = arith.select %and3A_785, %sub3A_787, %div3A_766 : i32
      %jit3A_789 = arith.constant 2 : i32
      %eq3A_790 = arith.constant 0 : i32
      %eq3A_791 = arith.cmpi eq, %jit3A_789, %eq3A_790 : i32
      %jit3A_792 = arith.constant 1 : i32
      %select_n3A_793 = arith.select %eq3A_791, %jit3A_792, %jit3A_789 : i32
      %rem3A_794 = arith.remsi %select_n3A_764, %select_n3A_793 : i32
      %ne3A_795 = arith.constant 0 : i32
      %ne3A_796 = arith.cmpi ne, %rem3A_794, %ne3A_795 : i32
      %lt3A_797 = arith.constant 0 : i32
      %lt3A_798 = arith.cmpi slt, %rem3A_794, %lt3A_797 : i32
      %lt3A_799 = arith.constant 0 : i32
      %lt3A_800 = arith.cmpi slt, %select_n3A_793, %lt3A_799 : i32
      %ne3A_801 = arith.xori %lt3A_798, %lt3A_800 : i1
      %and3A_802 = arith.andi %ne3A_801, %ne3A_796 : i1
      %add3A_803 = arith.addi %rem3A_794, %select_n3A_793 : i32
      %select_n3A_804 = arith.select %and3A_802, %add3A_803, %rem3A_794 : i32
      %jit3A_805 = arith.constant 8 : i32
      %eq3A_806 = arith.constant 0 : i32
      %eq3A_807 = arith.cmpi eq, %jit3A_805, %eq3A_806 : i32
      %jit3A_808 = arith.constant 1 : i32
      %select_n3A_809 = arith.select %eq3A_807, %jit3A_808, %jit3A_805 : i32
      %rem3A_810 = arith.remsi %add3A_740, %select_n3A_809 : i32
      %ne3A_811 = arith.constant 0 : i32
      %ne3A_812 = arith.cmpi ne, %rem3A_810, %ne3A_811 : i32
      %lt3A_813 = arith.constant 0 : i32
      %lt3A_814 = arith.cmpi slt, %rem3A_810, %lt3A_813 : i32
      %lt3A_815 = arith.constant 0 : i32
      %lt3A_816 = arith.cmpi slt, %select_n3A_809, %lt3A_815 : i32
      %ne3A_817 = arith.xori %lt3A_814, %lt3A_816 : i1
      %and3A_818 = arith.andi %ne3A_817, %ne3A_812 : i1
      %add3A_819 = arith.addi %rem3A_810, %select_n3A_809 : i32
      %select_n3A_820 = arith.select %and3A_818, %add3A_819, %rem3A_810 : i32
      %mul3A_821 = arith.constant 512 : i32
      %mul3A_822 = arith.muli %select_n3A_820, %mul3A_821 : i32
      %dma_start3A_823 = arith.constant 1 : i32
      %dma_start3A_824 = arith.constant 0 : i32
      %dma_start3A_825 = arith.constant 0 : i32
      %dma_start3A_826 = arith.constant 0 : i32
      %dma_start3A_827 = tpu.memref_slice %arg5[%dma_start3A_823, %dma_start3A_824, %dma_start3A_825, %dma_start3A_826] : memref<2x7x8x512xf32, #tpu.memory_space<vmem>> -> memref<1x7x8x512xf32, #tpu.memory_space<vmem>>
      %dma_start3A_828 = tpu.memref_squeeze %dma_start3A_827 : memref<1x7x8x512xf32, #tpu.memory_space<vmem>> -> memref<7x8x512xf32, #tpu.memory_space<vmem>>
      %dma_start3A_829 = arith.constant 0 : i32
      %dma_start3A_830 = arith.constant 0 : i32
      %dma_start3A_831 = tpu.memref_slice %arg3[%select_n3A_788, %select_n3A_804, %dma_start3A_829, %dma_start3A_830, %mul3A_822] : memref<64x2x7x8x4096xf32, #tpu.memory_space<hbm>> -> memref<1x1x7x8x512xf32, #tpu.memory_space<hbm>>
      %dma_start3A_832 = tpu.memref_squeeze %dma_start3A_831 : memref<1x1x7x8x512xf32, #tpu.memory_space<hbm>> -> memref<7x8x512xf32, #tpu.memory_space<hbm>>
      %dma_start3A_833 = arith.constant 0 : i32
      %dma_start3A_834 = arith.constant 0 : i32
      %dma_start3A_835 = tpu.memref_slice %arg3[%select_n3A_788, %select_n3A_804, %dma_start3A_833, %dma_start3A_834, %mul3A_822] : memref<64x2x7x8x4096xf32, #tpu.memory_space<hbm>> -> memref<1x1x7x8x512xf32, #tpu.memory_space<hbm>>
      %dma_start3A_836 = tpu.memref_squeeze %dma_start3A_835 : memref<1x1x7x8x512xf32, #tpu.memory_space<hbm>> -> memref<7x8x512xf32, #tpu.memory_space<hbm>>
      %dma_start3A_837 = arith.constant 0 : i32
      %dma_start3A_838 = arith.constant 0 : i32
      %dma_start3A_839 = arith.constant 0 : i32
      %dma_start3A_840 = tpu.memref_slice %arg5[%dma_start3A_823, %dma_start3A_837, %dma_start3A_838, %dma_start3A_839] : memref<2x7x8x512xf32, #tpu.memory_space<vmem>> -> memref<1x7x8x512xf32, #tpu.memory_space<vmem>>
      %dma_start3A_841 = tpu.memref_squeeze %dma_start3A_840 : memref<1x7x8x512xf32, #tpu.memory_space<vmem>> -> memref<7x8x512xf32, #tpu.memory_space<vmem>>
      tpu.enqueue_dma source(%dma_start3A_841 : memref<7x8x512xf32, #tpu.memory_space<vmem>>) target(%dma_start3A_836 : memref<7x8x512xf32, #tpu.memory_space<hbm>>) target_semaphore(%arg9 : memref<!tpu.dma_semaphore, #tpu.memory_space<semaphore_mem>>)
      %add3A_842 = arith.constant 2 : i32
      %add3A_843 = arith.addi %add3A_629, %add3A_842 : i32
      %lt3A_844 = arith.constant 32 : i32
      %lt3A_845 = arith.cmpi slt, %add3A_843, %lt3A_844 : i32
      %convert_element_type3A_846 = arith.extui %lt3A_845 : i1 to i32
      %cond3A_847 = arith.constant 0 : i32
      %cond3A_848 = arith.cmpi ne, %convert_element_type3A_846, %cond3A_847 : i32
      scf.if %cond3A_848 {
        %add3A_849 = arith.constant 2 : i32
        %add3A_850 = arith.addi %add3A_629, %add3A_849 : i32
        %mul3A_851 = arith.constant 32 : i32
        %mul3A_852 = arith.muli %add3A, %mul3A_851 : i32
        %add3A_853 = arith.addi %mul3A_852, %add3A_850 : i32
        %jit3A_854 = arith.constant 8 : i32
        %div3A_855 = arith.divsi %add3A_853, %jit3A_854 : i32
        %sign3A_856 = arith.constant 0 : i32
        %sign3A_857 = arith.cmpi sgt, %add3A_853, %sign3A_856 : i32
        %sign3A_858 = arith.extui %sign3A_857 : i1 to i32
        %sign3A_859 = arith.constant 0 : i32
        %sign3A_860 = arith.cmpi slt, %add3A_853, %sign3A_859 : i32
        %sign3A_861 = arith.extui %sign3A_860 : i1 to i32
        %sign3A_862 = arith.subi %sign3A_858, %sign3A_861 : i32
        %sign3A_863 = arith.constant 0 : i32
        %sign3A_864 = arith.cmpi sgt, %jit3A_854, %sign3A_863 : i32
        %sign3A_865 = arith.extui %sign3A_864 : i1 to i32
        %sign3A_866 = arith.constant 0 : i32
        %sign3A_867 = arith.cmpi slt, %jit3A_854, %sign3A_866 : i32
        %sign3A_868 = arith.extui %sign3A_867 : i1 to i32
        %sign3A_869 = arith.subi %sign3A_865, %sign3A_868 : i32
        %ne3A_870 = arith.cmpi ne, %sign3A_862, %sign3A_869 : i32
        %rem3A_871 = arith.remsi %add3A_853, %jit3A_854 : i32
        %ne3A_872 = arith.constant 0 : i32
        %ne3A_873 = arith.cmpi ne, %rem3A_871, %ne3A_872 : i32
        %and3A_874 = arith.andi %ne3A_870, %ne3A_873 : i1
        %sub3A_875 = arith.constant 1 : i32
        %sub3A_876 = arith.subi %div3A_855, %sub3A_875 : i32
        %select_n3A_877 = arith.select %and3A_874, %sub3A_876, %div3A_855 : i32
        %jit3A_878 = arith.constant 2 : i32
        %div3A_879 = arith.divsi %select_n3A_877, %jit3A_878 : i32
        %sign3A_880 = arith.constant 0 : i32
        %sign3A_881 = arith.cmpi sgt, %select_n3A_877, %sign3A_880 : i32
        %sign3A_882 = arith.extui %sign3A_881 : i1 to i32
        %sign3A_883 = arith.constant 0 : i32
        %sign3A_884 = arith.cmpi slt, %select_n3A_877, %sign3A_883 : i32
        %sign3A_885 = arith.extui %sign3A_884 : i1 to i32
        %sign3A_886 = arith.subi %sign3A_882, %sign3A_885 : i32
        %sign3A_887 = arith.constant 0 : i32
        %sign3A_888 = arith.cmpi sgt, %jit3A_878, %sign3A_887 : i32
        %sign3A_889 = arith.extui %sign3A_888 : i1 to i32
        %sign3A_890 = arith.constant 0 : i32
        %sign3A_891 = arith.cmpi slt, %jit3A_878, %sign3A_890 : i32
        %sign3A_892 = arith.extui %sign3A_891 : i1 to i32
        %sign3A_893 = arith.subi %sign3A_889, %sign3A_892 : i32
        %ne3A_894 = arith.cmpi ne, %sign3A_886, %sign3A_893 : i32
        %rem3A_895 = arith.remsi %select_n3A_877, %jit3A_878 : i32
        %ne3A_896 = arith.constant 0 : i32
        %ne3A_897 = arith.cmpi ne, %rem3A_895, %ne3A_896 : i32
        %and3A_898 = arith.andi %ne3A_894, %ne3A_897 : i1
        %sub3A_899 = arith.constant 1 : i32
        %sub3A_900 = arith.subi %div3A_879, %sub3A_899 : i32
        %select_n3A_901 = arith.select %and3A_898, %sub3A_900, %div3A_879 : i32
        %jit3A_902 = arith.constant 2 : i32
        %eq3A_903 = arith.constant 0 : i32
        %eq3A_904 = arith.cmpi eq, %jit3A_902, %eq3A_903 : i32
        %jit3A_905 = arith.constant 1 : i32
        %select_n3A_906 = arith.select %eq3A_904, %jit3A_905, %jit3A_902 : i32
        %rem3A_907 = arith.remsi %select_n3A_877, %select_n3A_906 : i32
        %ne3A_908 = arith.constant 0 : i32
        %ne3A_909 = arith.cmpi ne, %rem3A_907, %ne3A_908 : i32
        %lt3A_910 = arith.constant 0 : i32
        %lt3A_911 = arith.cmpi slt, %rem3A_907, %lt3A_910 : i32
        %lt3A_912 = arith.constant 0 : i32
        %lt3A_913 = arith.cmpi slt, %select_n3A_906, %lt3A_912 : i32
        %ne3A_914 = arith.xori %lt3A_911, %lt3A_913 : i1
        %and3A_915 = arith.andi %ne3A_914, %ne3A_909 : i1
        %add3A_916 = arith.addi %rem3A_907, %select_n3A_906 : i32
        %select_n3A_917 = arith.select %and3A_915, %add3A_916, %rem3A_907 : i32
        %jit3A_918 = arith.constant 8 : i32
        %eq3A_919 = arith.constant 0 : i32
        %eq3A_920 = arith.cmpi eq, %jit3A_918, %eq3A_919 : i32
        %jit3A_921 = arith.constant 1 : i32
        %select_n3A_922 = arith.select %eq3A_920, %jit3A_921, %jit3A_918 : i32
        %rem3A_923 = arith.remsi %add3A_853, %select_n3A_922 : i32
        %ne3A_924 = arith.constant 0 : i32
        %ne3A_925 = arith.cmpi ne, %rem3A_923, %ne3A_924 : i32
        %lt3A_926 = arith.constant 0 : i32
        %lt3A_927 = arith.cmpi slt, %rem3A_923, %lt3A_926 : i32
        %lt3A_928 = arith.constant 0 : i32
        %lt3A_929 = arith.cmpi slt, %select_n3A_922, %lt3A_928 : i32
        %ne3A_930 = arith.xori %lt3A_927, %lt3A_929 : i1
        %and3A_931 = arith.andi %ne3A_930, %ne3A_925 : i1
        %add3A_932 = arith.addi %rem3A_923, %select_n3A_922 : i32
        %select_n3A_933 = arith.select %and3A_931, %add3A_932, %rem3A_923 : i32
        %mul3A_934 = arith.constant 512 : i32
        %mul3A_935 = arith.muli %select_n3A_933, %mul3A_934 : i32
        %dma_start3A_936 = arith.constant 1 : i32
        %dma_start3A_937 = arith.constant 0 : i32
        %dma_start3A_938 = arith.constant 0 : i32
        %dma_start3A_939 = tpu.memref_slice %arg4[%dma_start3A_936, %dma_start3A_937, %dma_start3A_938] : memref<2x24x512xf32, #tpu.memory_space<vmem>> -> memref<1x24x512xf32, #tpu.memory_space<vmem>>
        %dma_start3A_940 = tpu.memref_squeeze %dma_start3A_939 : memref<1x24x512xf32, #tpu.memory_space<vmem>> -> memref<24x512xf32, #tpu.memory_space<vmem>>
        %dma_start3A_941 = arith.constant 0 : i32
        %dma_start3A_942 = tpu.memref_slice %arg2[%select_n3A_901, %select_n3A_917, %dma_start3A_941, %mul3A_935] : memref<64x2x24x4096xf32, #tpu.memory_space<hbm>> -> memref<1x1x24x512xf32, #tpu.memory_space<hbm>>
        %dma_start3A_943 = tpu.memref_squeeze %dma_start3A_942 : memref<1x1x24x512xf32, #tpu.memory_space<hbm>> -> memref<24x512xf32, #tpu.memory_space<hbm>>
        %dma_start3A_944 = arith.constant 0 : i32
        %dma_start3A_945 = arith.constant 0 : i32
        %dma_start3A_946 = tpu.memref_slice %arg4[%dma_start3A_936, %dma_start3A_944, %dma_start3A_945] : memref<2x24x512xf32, #tpu.memory_space<vmem>> -> memref<1x24x512xf32, #tpu.memory_space<vmem>>
        %dma_start3A_947 = tpu.memref_squeeze %dma_start3A_946 : memref<1x24x512xf32, #tpu.memory_space<vmem>> -> memref<24x512xf32, #tpu.memory_space<vmem>>
        %dma_start3A_948 = arith.constant 0 : i32
        %dma_start3A_949 = tpu.memref_slice %arg2[%select_n3A_901, %select_n3A_917, %dma_start3A_948, %mul3A_935] : memref<64x2x24x4096xf32, #tpu.memory_space<hbm>> -> memref<1x1x24x512xf32, #tpu.memory_space<hbm>>
        %dma_start3A_950 = tpu.memref_squeeze %dma_start3A_949 : memref<1x1x24x512xf32, #tpu.memory_space<hbm>> -> memref<24x512xf32, #tpu.memory_space<hbm>>
        tpu.enqueue_dma source(%dma_start3A_950 : memref<24x512xf32, #tpu.memory_space<hbm>>) target(%dma_start3A_947 : memref<24x512xf32, #tpu.memory_space<vmem>>) target_semaphore(%arg7 : memref<!tpu.dma_semaphore, #tpu.memory_space<semaphore_mem>>)
      } else {
      }
    }
    %scan3A_196 = arith.constant 16 : i32
    %mul3A_197 = arith.constant 32 : i32
    %mul3A_198 = arith.muli %add3A, %mul3A_197 : i32
    %add3A_199 = arith.constant 30 : i32
    %add3A_200 = arith.addi %mul3A_198, %add3A_199 : i32
    %jit3A_201 = arith.constant 8 : i32
    %div3A_202 = arith.divsi %add3A_200, %jit3A_201 : i32
    %sign3A_203 = arith.constant 0 : i32
    %sign3A_204 = arith.cmpi sgt, %add3A_200, %sign3A_203 : i32
    %sign3A_205 = arith.extui %sign3A_204 : i1 to i32
    %sign3A_206 = arith.constant 0 : i32
    %sign3A_207 = arith.cmpi slt, %add3A_200, %sign3A_206 : i32
    %sign3A_208 = arith.extui %sign3A_207 : i1 to i32
    %sign3A_209 = arith.subi %sign3A_205, %sign3A_208 : i32
    %sign3A_210 = arith.constant 0 : i32
    %sign3A_211 = arith.cmpi sgt, %jit3A_201, %sign3A_210 : i32
    %sign3A_212 = arith.extui %sign3A_211 : i1 to i32
    %sign3A_213 = arith.constant 0 : i32
    %sign3A_214 = arith.cmpi slt, %jit3A_201, %sign3A_213 : i32
    %sign3A_215 = arith.extui %sign3A_214 : i1 to i32
    %sign3A_216 = arith.subi %sign3A_212, %sign3A_215 : i32
    %ne3A_217 = arith.cmpi ne, %sign3A_209, %sign3A_216 : i32
    %rem3A_218 = arith.remsi %add3A_200, %jit3A_201 : i32
    %ne3A_219 = arith.constant 0 : i32
    %ne3A_220 = arith.cmpi ne, %rem3A_218, %ne3A_219 : i32
    %and3A_221 = arith.andi %ne3A_217, %ne3A_220 : i1
    %sub3A_222 = arith.constant 1 : i32
    %sub3A_223 = arith.subi %div3A_202, %sub3A_222 : i32
    %select_n3A_224 = arith.select %and3A_221, %sub3A_223, %div3A_202 : i32
    %jit3A_225 = arith.constant 2 : i32
    %div3A_226 = arith.divsi %select_n3A_224, %jit3A_225 : i32
    %sign3A_227 = arith.constant 0 : i32
    %sign3A_228 = arith.cmpi sgt, %select_n3A_224, %sign3A_227 : i32
    %sign3A_229 = arith.extui %sign3A_228 : i1 to i32
    %sign3A_230 = arith.constant 0 : i32
    %sign3A_231 = arith.cmpi slt, %select_n3A_224, %sign3A_230 : i32
    %sign3A_232 = arith.extui %sign3A_231 : i1 to i32
    %sign3A_233 = arith.subi %sign3A_229, %sign3A_232 : i32
    %sign3A_234 = arith.constant 0 : i32
    %sign3A_235 = arith.cmpi sgt, %jit3A_225, %sign3A_234 : i32
    %sign3A_236 = arith.extui %sign3A_235 : i1 to i32
    %sign3A_237 = arith.constant 0 : i32
    %sign3A_238 = arith.cmpi slt, %jit3A_225, %sign3A_237 : i32
    %sign3A_239 = arith.extui %sign3A_238 : i1 to i32
    %sign3A_240 = arith.subi %sign3A_236, %sign3A_239 : i32
    %ne3A_241 = arith.cmpi ne, %sign3A_233, %sign3A_240 : i32
    %rem3A_242 = arith.remsi %select_n3A_224, %jit3A_225 : i32
    %ne3A_243 = arith.constant 0 : i32
    %ne3A_244 = arith.cmpi ne, %rem3A_242, %ne3A_243 : i32
    %and3A_245 = arith.andi %ne3A_241, %ne3A_244 : i1
    %sub3A_246 = arith.constant 1 : i32
    %sub3A_247 = arith.subi %div3A_226, %sub3A_246 : i32
    %select_n3A_248 = arith.select %and3A_245, %sub3A_247, %div3A_226 : i32
    %jit3A_249 = arith.constant 2 : i32
    %eq3A_250 = arith.constant 0 : i32
    %eq3A_251 = arith.cmpi eq, %jit3A_249, %eq3A_250 : i32
    %jit3A_252 = arith.constant 1 : i32
    %select_n3A_253 = arith.select %eq3A_251, %jit3A_252, %jit3A_249 : i32
    %rem3A_254 = arith.remsi %select_n3A_224, %select_n3A_253 : i32
    %ne3A_255 = arith.constant 0 : i32
    %ne3A_256 = arith.cmpi ne, %rem3A_254, %ne3A_255 : i32
    %lt3A_257 = arith.constant 0 : i32
    %lt3A_258 = arith.cmpi slt, %rem3A_254, %lt3A_257 : i32
    %lt3A_259 = arith.constant 0 : i32
    %lt3A_260 = arith.cmpi slt, %select_n3A_253, %lt3A_259 : i32
    %ne3A_261 = arith.xori %lt3A_258, %lt3A_260 : i1
    %and3A_262 = arith.andi %ne3A_261, %ne3A_256 : i1
    %add3A_263 = arith.addi %rem3A_254, %select_n3A_253 : i32
    %select_n3A_264 = arith.select %and3A_262, %add3A_263, %rem3A_254 : i32
    %jit3A_265 = arith.constant 8 : i32
    %eq3A_266 = arith.constant 0 : i32
    %eq3A_267 = arith.cmpi eq, %jit3A_265, %eq3A_266 : i32
    %jit3A_268 = arith.constant 1 : i32
    %select_n3A_269 = arith.select %eq3A_267, %jit3A_268, %jit3A_265 : i32
    %rem3A_270 = arith.remsi %add3A_200, %select_n3A_269 : i32
    %ne3A_271 = arith.constant 0 : i32
    %ne3A_272 = arith.cmpi ne, %rem3A_270, %ne3A_271 : i32
    %lt3A_273 = arith.constant 0 : i32
    %lt3A_274 = arith.cmpi slt, %rem3A_270, %lt3A_273 : i32
    %lt3A_275 = arith.constant 0 : i32
    %lt3A_276 = arith.cmpi slt, %select_n3A_269, %lt3A_275 : i32
    %ne3A_277 = arith.xori %lt3A_274, %lt3A_276 : i1
    %and3A_278 = arith.andi %ne3A_277, %ne3A_272 : i1
    %add3A_279 = arith.addi %rem3A_270, %select_n3A_269 : i32
    %select_n3A_280 = arith.select %and3A_278, %add3A_279, %rem3A_270 : i32
    %mul3A_281 = arith.constant 512 : i32
    %mul3A_282 = arith.muli %select_n3A_280, %mul3A_281 : i32
    %dma_wait3A = arith.constant 0 : i32
    %dma_wait3A_283 = arith.constant 0 : i32
    %dma_wait3A_284 = arith.constant 0 : i32
    %dma_wait3A_285 = arith.constant 0 : i32
    %dma_wait3A_286 = tpu.memref_slice %arg5[%dma_wait3A, %dma_wait3A_283, %dma_wait3A_284, %dma_wait3A_285] : memref<2x7x8x512xf32, #tpu.memory_space<vmem>> -> memref<1x7x8x512xf32, #tpu.memory_space<vmem>>
    %dma_wait3A_287 = tpu.memref_squeeze %dma_wait3A_286 : memref<1x7x8x512xf32, #tpu.memory_space<vmem>> -> memref<7x8x512xf32, #tpu.memory_space<vmem>>
    %dma_wait3A_288 = arith.constant 0 : i32
    %dma_wait3A_289 = arith.constant 0 : i32
    %dma_wait3A_290 = tpu.memref_slice %arg3[%select_n3A_248, %select_n3A_264, %dma_wait3A_288, %dma_wait3A_289, %mul3A_282] : memref<64x2x7x8x4096xf32, #tpu.memory_space<hbm>> -> memref<1x1x7x8x512xf32, #tpu.memory_space<hbm>>
    %dma_wait3A_291 = tpu.memref_squeeze %dma_wait3A_290 : memref<1x1x7x8x512xf32, #tpu.memory_space<hbm>> -> memref<7x8x512xf32, #tpu.memory_space<hbm>>
    %dma_wait3A_292 = arith.constant 0 : i32
    %dma_wait3A_293 = arith.constant 0 : i32
    %dma_wait3A_294 = tpu.memref_slice %arg3[%select_n3A_248, %select_n3A_264, %dma_wait3A_292, %dma_wait3A_293, %mul3A_282] : memref<64x2x7x8x4096xf32, #tpu.memory_space<hbm>> -> memref<1x1x7x8x512xf32, #tpu.memory_space<hbm>>
    %dma_wait3A_295 = tpu.memref_squeeze %dma_wait3A_294 : memref<1x1x7x8x512xf32, #tpu.memory_space<hbm>> -> memref<7x8x512xf32, #tpu.memory_space<hbm>>
    %dma_wait3A_296 = arith.constant 0 : i32
    %dma_wait3A_297 = arith.constant 0 : i32
    %dma_wait3A_298 = arith.constant 0 : i32
    %dma_wait3A_299 = tpu.memref_slice %arg5[%dma_wait3A, %dma_wait3A_296, %dma_wait3A_297, %dma_wait3A_298] : memref<2x7x8x512xf32, #tpu.memory_space<vmem>> -> memref<1x7x8x512xf32, #tpu.memory_space<vmem>>
    %dma_wait3A_300 = tpu.memref_squeeze %dma_wait3A_299 : memref<1x7x8x512xf32, #tpu.memory_space<vmem>> -> memref<7x8x512xf32, #tpu.memory_space<vmem>>
    tpu.wait_dma2 semaphore(%arg8 : memref<!tpu.dma_semaphore, #tpu.memory_space<semaphore_mem>>) src(%dma_wait3A_300 : memref<7x8x512xf32, #tpu.memory_space<vmem>>) dst(%dma_wait3A_295 : memref<7x8x512xf32, #tpu.memory_space<hbm>>)
    %mul3A_301 = arith.constant 32 : i32
    %mul3A_302 = arith.muli %add3A, %mul3A_301 : i32
    %add3A_303 = arith.constant 31 : i32
    %add3A_304 = arith.addi %mul3A_302, %add3A_303 : i32
    %jit3A_305 = arith.constant 8 : i32
    %div3A_306 = arith.divsi %add3A_304, %jit3A_305 : i32
    %sign3A_307 = arith.constant 0 : i32
    %sign3A_308 = arith.cmpi sgt, %add3A_304, %sign3A_307 : i32
    %sign3A_309 = arith.extui %sign3A_308 : i1 to i32
    %sign3A_310 = arith.constant 0 : i32
    %sign3A_311 = arith.cmpi slt, %add3A_304, %sign3A_310 : i32
    %sign3A_312 = arith.extui %sign3A_311 : i1 to i32
    %sign3A_313 = arith.subi %sign3A_309, %sign3A_312 : i32
    %sign3A_314 = arith.constant 0 : i32
    %sign3A_315 = arith.cmpi sgt, %jit3A_305, %sign3A_314 : i32
    %sign3A_316 = arith.extui %sign3A_315 : i1 to i32
    %sign3A_317 = arith.constant 0 : i32
    %sign3A_318 = arith.cmpi slt, %jit3A_305, %sign3A_317 : i32
    %sign3A_319 = arith.extui %sign3A_318 : i1 to i32
    %sign3A_320 = arith.subi %sign3A_316, %sign3A_319 : i32
    %ne3A_321 = arith.cmpi ne, %sign3A_313, %sign3A_320 : i32
    %rem3A_322 = arith.remsi %add3A_304, %jit3A_305 : i32
    %ne3A_323 = arith.constant 0 : i32
    %ne3A_324 = arith.cmpi ne, %rem3A_322, %ne3A_323 : i32
    %and3A_325 = arith.andi %ne3A_321, %ne3A_324 : i1
    %sub3A_326 = arith.constant 1 : i32
    %sub3A_327 = arith.subi %div3A_306, %sub3A_326 : i32
    %select_n3A_328 = arith.select %and3A_325, %sub3A_327, %div3A_306 : i32
    %jit3A_329 = arith.constant 2 : i32
    %div3A_330 = arith.divsi %select_n3A_328, %jit3A_329 : i32
    %sign3A_331 = arith.constant 0 : i32
    %sign3A_332 = arith.cmpi sgt, %select_n3A_328, %sign3A_331 : i32
    %sign3A_333 = arith.extui %sign3A_332 : i1 to i32
    %sign3A_334 = arith.constant 0 : i32
    %sign3A_335 = arith.cmpi slt, %select_n3A_328, %sign3A_334 : i32
    %sign3A_336 = arith.extui %sign3A_335 : i1 to i32
    %sign3A_337 = arith.subi %sign3A_333, %sign3A_336 : i32
    %sign3A_338 = arith.constant 0 : i32
    %sign3A_339 = arith.cmpi sgt, %jit3A_329, %sign3A_338 : i32
    %sign3A_340 = arith.extui %sign3A_339 : i1 to i32
    %sign3A_341 = arith.constant 0 : i32
    %sign3A_342 = arith.cmpi slt, %jit3A_329, %sign3A_341 : i32
    %sign3A_343 = arith.extui %sign3A_342 : i1 to i32
    %sign3A_344 = arith.subi %sign3A_340, %sign3A_343 : i32
    %ne3A_345 = arith.cmpi ne, %sign3A_337, %sign3A_344 : i32
    %rem3A_346 = arith.remsi %select_n3A_328, %jit3A_329 : i32
    %ne3A_347 = arith.constant 0 : i32
    %ne3A_348 = arith.cmpi ne, %rem3A_346, %ne3A_347 : i32
    %and3A_349 = arith.andi %ne3A_345, %ne3A_348 : i1
    %sub3A_350 = arith.constant 1 : i32
    %sub3A_351 = arith.subi %div3A_330, %sub3A_350 : i32
    %select_n3A_352 = arith.select %and3A_349, %sub3A_351, %div3A_330 : i32
    %jit3A_353 = arith.constant 2 : i32
    %eq3A_354 = arith.constant 0 : i32
    %eq3A_355 = arith.cmpi eq, %jit3A_353, %eq3A_354 : i32
    %jit3A_356 = arith.constant 1 : i32
    %select_n3A_357 = arith.select %eq3A_355, %jit3A_356, %jit3A_353 : i32
    %rem3A_358 = arith.remsi %select_n3A_328, %select_n3A_357 : i32
    %ne3A_359 = arith.constant 0 : i32
    %ne3A_360 = arith.cmpi ne, %rem3A_358, %ne3A_359 : i32
    %lt3A_361 = arith.constant 0 : i32
    %lt3A_362 = arith.cmpi slt, %rem3A_358, %lt3A_361 : i32
    %lt3A_363 = arith.constant 0 : i32
    %lt3A_364 = arith.cmpi slt, %select_n3A_357, %lt3A_363 : i32
    %ne3A_365 = arith.xori %lt3A_362, %lt3A_364 : i1
    %and3A_366 = arith.andi %ne3A_365, %ne3A_360 : i1
    %add3A_367 = arith.addi %rem3A_358, %select_n3A_357 : i32
    %select_n3A_368 = arith.select %and3A_366, %add3A_367, %rem3A_358 : i32
    %jit3A_369 = arith.constant 8 : i32
    %eq3A_370 = arith.constant 0 : i32
    %eq3A_371 = arith.cmpi eq, %jit3A_369, %eq3A_370 : i32
    %jit3A_372 = arith.constant 1 : i32
    %select_n3A_373 = arith.select %eq3A_371, %jit3A_372, %jit3A_369 : i32
    %rem3A_374 = arith.remsi %add3A_304, %select_n3A_373 : i32
    %ne3A_375 = arith.constant 0 : i32
    %ne3A_376 = arith.cmpi ne, %rem3A_374, %ne3A_375 : i32
    %lt3A_377 = arith.constant 0 : i32
    %lt3A_378 = arith.cmpi slt, %rem3A_374, %lt3A_377 : i32
    %lt3A_379 = arith.constant 0 : i32
    %lt3A_380 = arith.cmpi slt, %select_n3A_373, %lt3A_379 : i32
    %ne3A_381 = arith.xori %lt3A_378, %lt3A_380 : i1
    %and3A_382 = arith.andi %ne3A_381, %ne3A_376 : i1
    %add3A_383 = arith.addi %rem3A_374, %select_n3A_373 : i32
    %select_n3A_384 = arith.select %and3A_382, %add3A_383, %rem3A_374 : i32
    %mul3A_385 = arith.constant 512 : i32
    %mul3A_386 = arith.muli %select_n3A_384, %mul3A_385 : i32
    %dma_wait3A_387 = arith.constant 1 : i32
    %dma_wait3A_388 = arith.constant 0 : i32
    %dma_wait3A_389 = arith.constant 0 : i32
    %dma_wait3A_390 = arith.constant 0 : i32
    %dma_wait3A_391 = tpu.memref_slice %arg5[%dma_wait3A_387, %dma_wait3A_388, %dma_wait3A_389, %dma_wait3A_390] : memref<2x7x8x512xf32, #tpu.memory_space<vmem>> -> memref<1x7x8x512xf32, #tpu.memory_space<vmem>>
    %dma_wait3A_392 = tpu.memref_squeeze %dma_wait3A_391 : memref<1x7x8x512xf32, #tpu.memory_space<vmem>> -> memref<7x8x512xf32, #tpu.memory_space<vmem>>
    %dma_wait3A_393 = arith.constant 0 : i32
    %dma_wait3A_394 = arith.constant 0 : i32
    %dma_wait3A_395 = tpu.memref_slice %arg3[%select_n3A_352, %select_n3A_368, %dma_wait3A_393, %dma_wait3A_394, %mul3A_386] : memref<64x2x7x8x4096xf32, #tpu.memory_space<hbm>> -> memref<1x1x7x8x512xf32, #tpu.memory_space<hbm>>
    %dma_wait3A_396 = tpu.memref_squeeze %dma_wait3A_395 : memref<1x1x7x8x512xf32, #tpu.memory_space<hbm>> -> memref<7x8x512xf32, #tpu.memory_space<hbm>>
    %dma_wait3A_397 = arith.constant 0 : i32
    %dma_wait3A_398 = arith.constant 0 : i32
    %dma_wait3A_399 = tpu.memref_slice %arg3[%select_n3A_352, %select_n3A_368, %dma_wait3A_397, %dma_wait3A_398, %mul3A_386] : memref<64x2x7x8x4096xf32, #tpu.memory_space<hbm>> -> memref<1x1x7x8x512xf32, #tpu.memory_space<hbm>>
    %dma_wait3A_400 = tpu.memref_squeeze %dma_wait3A_399 : memref<1x1x7x8x512xf32, #tpu.memory_space<hbm>> -> memref<7x8x512xf32, #tpu.memory_space<hbm>>
    %dma_wait3A_401 = arith.constant 0 : i32
    %dma_wait3A_402 = arith.constant 0 : i32
    %dma_wait3A_403 = arith.constant 0 : i32
    %dma_wait3A_404 = tpu.memref_slice %arg5[%dma_wait3A_387, %dma_wait3A_401, %dma_wait3A_402, %dma_wait3A_403] : memref<2x7x8x512xf32, #tpu.memory_space<vmem>> -> memref<1x7x8x512xf32, #tpu.memory_space<vmem>>
    %dma_wait3A_405 = tpu.memref_squeeze %dma_wait3A_404 : memref<1x7x8x512xf32, #tpu.memory_space<vmem>> -> memref<7x8x512xf32, #tpu.memory_space<vmem>>
    tpu.wait_dma2 semaphore(%arg9 : memref<!tpu.dma_semaphore, #tpu.memory_space<semaphore_mem>>) src(%dma_wait3A_405 : memref<7x8x512xf32, #tpu.memory_space<vmem>>) dst(%dma_wait3A_400 : memref<7x8x512xf32, #tpu.memory_space<hbm>>)
    return
  }
}

module attributes {stable_mosaic.version = 14 : i64} {
  func.func @_slice_body(%arg0: i32, %arg1: memref<8x8x4096xf32, #tpu.memory_space<vmem>>, %arg2: memref<8x7x4096xf32, #tpu.memory_space<vmem>>) attributes {dimension_semantics = [#tpu.dimension_semantics<arbitrary>], iteration_bounds = array<i64: 112>, scalar_prefetch = 0 : i64, scratch_operands = 0 : i64, tpu.core_type = #tpu.core_type<tc>, window_params = [{transform_indices = @transform_0, window_bounds = array<i64: 8, 8, 4096>}, {transform_indices = @transform_1, window_bounds = array<i64: 8, 7, 4096>}]} {
    %get3A = arith.constant 0 : index
    %get3A_0 = arith.constant 0 : index
    %get3A_1 = arith.constant 0 : index
    %get3A_2 = vector.load %arg1[%get3A, %get3A_0, %get3A_1] : memref<8x8x4096xf32, #tpu.memory_space<vmem>>, vector<8x7x4096xf32>
    %swap3A = arith.constant 0 : index
    %swap3A_3 = arith.constant 0 : index
    %swap3A_4 = arith.constant 0 : index
    %swap3A_5 = vector.load %arg2[%swap3A, %swap3A_3, %swap3A_4] : memref<8x7x4096xf32, #tpu.memory_space<vmem>>, vector<8x7x4096xf32>
    tpu.vector_store %arg2[%swap3A, %swap3A_3, %swap3A_4], %get3A_2 {strides = array<i32>} : memref<8x7x4096xf32, #tpu.memory_space<vmem>>, vector<8x7x4096xf32>,
    return
  }
  func.func @transform_0(%arg0: i32) -> (i32, i32, i32) {
    %c0_i32 = arith.constant 0 : i32
    %c0_i32_0 = arith.constant 0 : i32
    %c0_i32_1 = arith.constant 0 : i32
    return %arg0, %c0_i32, %c0_i32_0 : i32, i32, i32
  }
  func.func @transform_1(%arg0: i32) -> (i32, i32, i32) {
    %c0_i32 = arith.constant 0 : i32
    %c0_i32_0 = arith.constant 0 : i32
    %c0_i32_1 = arith.constant 0 : i32
    return %arg0, %c0_i32, %c0_i32_0 : i32, i32, i32
  }
}

</mosaic_0001>

<sc_bundles>
// kernel: kernel.4.cloned.1.call-start
scs
__scs_entry_jumppad:
0x0: {  	(pc) =	sbr.rel $0x88, $3  }
0x1: {  	(tag) =	ssettag $0x0;
	lr =	simm.s32 $0x1  }
0x2: {  	[smem:$0x3FA0] =	sst lr;
	_ =	strace $0xD0000000  }
0x3: {  	_ = 	snop  }
0x4: {  	_ = 	snop  }
0x5: {  	_ = 	snop  }
0x6: {  	_ = 	snop  }
0x7: {  	_ = 	snop  }
__scs_overlays_trampoline_lowered:
0x8: {  	[smem:$0x3FAF] =	sst s0  }
0x9: {  	[smem:$0x3FB0] =	sst s1  }
0xa: {  	[smem:$0x3FB1] =	sst s2  }
0xb: {  	[smem:$0x3FB2] =	sst s3  }
0xc: {  	[smem:$0x3FB3] =	sst s4  }
0xd: {  	[smem:$0x3FB4] =	sst s5  }
0xe: {  	[smem:$0x3FB5] =	sst s6  }
0xf: {  	[smem:$0x3FB6] =	sst s7  }
0x10: {  	[smem:$0x3FB7] =	sst s8  }
0x11: {  	[smem:$0x3FB8] =	sst s9;
	s0 =	simm.s32 @!p0 $0x0  }
0x12: {  	s1 =	sld [smem:$0x3F9E];
	s0 =	simm.s32 @p0 $0x1  }
0x13: {  	[smem:$0x3FB9] =	sst s0;
	s0 =	simm.s32 @!p1 $0x0  }
0x14: {  	s2 =	sld [smem:$0x3F9D];
	s0 =	simm.s32 @p1 $0x1  }
0x15: {  	[smem:$0x3FBA] =	sst s0;
	s0 =	simm.s32 @!p2 $0x0  }
0x16: {  	s3 =	sld [smem:$0x3FDB];
	s0 =	simm.s32 @p2 $0x1  }
0x17: {  	s4 =	simm.s32 $0x1BF5;
	[smem:$0x3FBC] =	sst s0  }
0x18: {  	s0 =	sld [smem:$0x3F9F];
	_ =	swait.ge [sflag:s4], $0x0  }
0x19: {  	s7 =	sld [smem:$0x3FA0]  }
0x1a: {  	s8 =	sadd.s32 $0xFFFFE003, lr  }
0x1b: {  	s9 =	sadd.s32 $0xFFFFFEF7, lr;
	s5 =	simm.s32 $0xFFFFFFFF;
	p2 =	slt.u32 s8, $0xFFFFF086  }
0x1c: {  	p1 =	slt.u32 s9, $0xF7A;
	s5 =	simm.s32 @!p2 $0x0  }
0x1d: {  	s5 =	simm.s32 @p1 $0x1;
	p0 =	seq.s32 s7, s2  }
0x1e: {  	s7 =	smul.u32 @!p0 $0xF7A, s2;
	p2 =	seq.s32 @!p0 s5, $0x0  }
0x1f: {  	s9 =	smul.u32 $0xF7A, s1;
	s8 =	simm.s32 @!p0 $0x1BF5;
	p2 =	por !p2, p0  }
0x20: {  	[sflag:s8] =	ssyncset.s32 @!p0 $0xFFFFF086;
	s6 =	sadd.s32 @!p0 s3, s7;
	s7 =	simm.s32 @!p0 $0x108  }
0x21: {  	s3 =	sadd.s32 s3, s9;
	s6 =	sadd.s32 @!p0 $0x88, s6;
	s7 =	simm.s32 @p2 $0x1082  }
0x22: {  	[simem:s7], [sflag:s8] =	dma.local @!p0 [hbm:s6], $0xF7A  }
0x23: {  	s9 =	sor.u32 $0xD0000000, s2;
	s6 =	simm.s32 $0x108;
	_ =	swait.ge @!p0 [sflag:s8], $0x0  }
0x24: {  	s3 =	sadd.s32 $0x88, s3;
	s6 =	simm.s32 @!p1 $0x1082;
	[sflag:s4] =	ssyncset.s32 $0xFFFFF086  }
0x25: {  	[simem:s6], [sflag:s4] =	dma.local [hbm:s3], $0xF7A  }
0x26: {  	[smem:$0x3FA0] =	sst s1;
	(tag) =	ssettag s2;
	_ =	strace s9  }
0x27: {  	s1 =	sld [smem:$0x3FB0]  }
0x28: {  	s2 =	sld [smem:$0x3FB1]  }
0x29: {  	s4 =	sld [smem:$0x3FB3]  }
0x2a: {  	p0 =	seq.s32 s5, $0x0;
	s5 =	sld [smem:$0x3FB4]  }
0x2b: {  	s6 =	sld [smem:$0x3FB5]  }
0x2c: {  	s7 =	sld [smem:$0x3FB6]  }
0x2d: {  	s3 =	simm.s32 $0x108;
	s8 =	sld [smem:$0x3FB7]  }
0x2e: {  	s3 =	simm.s32 @!p0 $0x1082;
	s9 =	sld [smem:$0x3FB8]  }
0x2f: {  	lr =	sadd.s32 s0, s3;
	s0 =	sld [smem:$0x3FAF]  }
0x30: {  	s3 =	sld [smem:$0x3FB2]  }
0x31: {  	[smem:$0x3FBB] =	sst s10  }
0x32: {  	s10 =	sld [smem:$0x3FB9];
	_ =	sdelay $0x3  }
0x33: {  	p0 =	seq.s32 s10, $0x1;
	s10 =	sld [smem:$0x3FBB];
	_ =	sdelay $0x3  }
0x34: {  	[smem:$0x3FBB] =	sst s10  }
0x35: {  	s10 =	sld [smem:$0x3FBA];
	_ =	sdelay $0x3  }
0x36: {  	p1 =	seq.s32 s10, $0x1;
	s10 =	sld [smem:$0x3FBB];
	_ =	sdelay $0x3  }
0x37: {  	[smem:$0x3FBB] =	sst s10  }
0x38: {  	s10 =	sld [smem:$0x3FBC]  }
0x39: {  	_ = 	snop;
	(pc) =	sbr.ind lr, $3  }
0x3a: {  	_ = 	snop  }
0x3b: {  	_ = 	snop  }
0x3c: {  	p2 =	seq.s32 s10, $0x1;
	s10 =	sld [smem:$0x3FBB]  }
0x3d: {  	_ =	shalt  }
0x3e: {  	_ =	shalt  }
0x3f: {  	_ =	shalt  }
0x40: {  	_ =	shalt  }
0x41: {  	_ =	shalt  }
0x42: {  	_ =	shalt  }
0x43: {  	_ =	shalt  }
0x44: {  	_ =	shalt  }
0x45: {  	_ =	shalt  }
0x46: {  	_ =	shalt  }
0x47: {  	_ =	shalt  }
0x48: {  	_ =	shalt  }
0x49: {  	_ =	shalt  }
0x4a: {  	_ =	shalt  }
0x4b: {  	_ =	shalt  }
0x4c: {  	_ =	shalt  }
0x4d: {  	_ =	shalt  }
0x4e: {  	_ =	shalt  }
0x4f: {  	_ =	shalt  }
0x50: {  	_ =	shalt  }
0x51: {  	_ =	shalt  }
0x52: {  	_ =	shalt  }
0x53: {  	_ =	shalt  }
0x54: {  	_ =	shalt  }
0x55: {  	_ =	shalt  }
0x56: {  	_ =	shalt  }
0x57: {  	_ =	shalt  }
0x58: {  	_ =	shalt  }
0x59: {  	_ =	shalt  }
0x5a: {  	_ =	shalt  }
0x5b: {  	_ =	shalt  }
0x5c: {  	_ =	shalt  }
0x5d: {  	_ =	shalt  }
0x5e: {  	_ =	shalt  }
0x5f: {  	_ =	shalt  }
0x60: {  	_ =	shalt  }
0x61: {  	_ =	shalt  }
0x62: {  	_ =	shalt  }
0x63: {  	_ =	shalt  }
0x64: {  	_ =	shalt  }
0x65: {  	_ =	shalt  }
0x66: {  	_ =	shalt  }
0x67: {  	_ =	shalt  }
0x68: {  	_ =	shalt  }
0x69: {  	_ =	shalt  }
0x6a: {  	_ =	shalt  }
0x6b: {  	_ =	shalt  }
0x6c: {  	_ =	shalt  }
0x6d: {  	_ =	shalt  }
0x6e: {  	_ =	shalt  }
0x6f: {  	_ =	shalt  }
0x70: {  	_ =	shalt  }
0x71: {  	_ =	shalt  }
0x72: {  	_ =	shalt  }
0x73: {  	_ =	shalt  }
0x74: {  	_ =	shalt  }
0x75: {  	_ =	shalt  }
0x76: {  	_ =	shalt  }
0x77: {  	_ =	shalt  }
0x78: {  	_ =	shalt  }
0x79: {  	_ =	shalt  }
0x7a: {  	_ =	shalt  }
0x7b: {  	_ =	shalt  }
0x7c: {  	_ =	shalt  }
0x7d: {  	_ =	shalt  }
0x7e: {  	_ =	shalt  }
0x7f: {  	_ =	shalt  }
0x80: {  	_ =	shalt  }
0x81: {  	_ =	shalt  }
0x82: {  	_ =	shalt  }
0x83: {  	_ =	shalt  }
0x84: {  	_ =	shalt  }
0x85: {  	_ =	shalt  }
0x86: {  	_ =	shalt  }
0x87: {  	_ =	shalt  }
.Lfunc_end0:
.L_simem_size_0:
called_computation.1_lowered:
.L_overlay_start_0:
0x88: {  	s2 =	sld [smem:$0x3FD9]  }
0x89: {  	s3 =	sld [smem:$0x3FFE];
	_ =	sdelay $0x1  }
0x8a: {  	s1 =	srdreg.scid  }
0x8b: {  	s0 =	sand.u32 $0x1, s1  }
0x8c: {  	s17 =	sshll.u32 s0, $0xA;
	s2 =	sadd.s32 s3, s2  }
0x8d: {  	s2 =	sadd.s32 s2, s17  }
0x8e: {  	[smem:$0x3FC7] =	sst s2  }
0x8f: {  	_ = 	snop  }
0x90: {  	s2 =	sld [smem:$0x3FC9];
	(tm) =	ssettm $0x1  }
0x91: {  	s18 =	sld [smem:$0x3FFB];
	_ =	sdelay $0x3  }
0x92: {  	_ =	strace s18  }
0x93: {  	s3 =	sld [smem:$0x3FFC];
	_ =	sdelay $0x3  }
0x94: {  	_ =	strace s3  }
0x95: {  	s3 =	sld [smem:$0x3FFD];
	_ =	sdelay $0x3  }
0x96: {  	_ =	strace s3  }
0x97: {  	_ =	strace $0x8FFFFFFF  }
0x98: {  	s19 =	sld [smem:$0x3FDB];
	_ =	sdelay $0x1  }
0x99: {  	s4 =	simm.s32 $_scs_section_size  }
0x9a: {  	s5 =	simm.s32 $_size__tile_overlayer_lowered;
	s6 =	simm.s32 $_tile_overlayer_lowered  }
0x9b: {  	s22 =	simm.s32 $0x1BFF;
	s21 =	sshll.u32 s6, $0x1;
	s3 =	sadd.s32 s4, s19  }
0x9c: {  	s7 =	simm.s32 $0x0;
	s20 =	sshll.u32 s5, $0x1;
	s5 =	sadd.s32 s21, s3  }
0x9d: {  	[timem:s7], [sflag:s22] =	dma.local [hbm:s5], s20  }
0x9e: {  	_ =	swait.ge [sflag:s22], s20  }
0x9f: {  	s4 =	ssub.s32 $0x0, s20;
	[sflag:s22] =	ssyncset.done $0x0  }
0xa0: {  	[sflag:s22] =	ssyncadd.s32 s4;
	_ =	sdelay $0x1  }
0xa1: {  	s23 =	simm.s32 $0x1B8B  }
0xa2: {  	_ =	swait.ge [sflag:s23], $0x1  }
0xa3: {  	[sflag:s23] =	ssyncset.done $0x0  }
0xa4: {  	s25 =	simm.s32 $0x1B8E;
	s24 =	sld [smem:$0x3FFE];
	[sflag:s23] =	ssyncadd.s32 $0xFFFFFFFF  }
0xa5: {  	s26 =	simm.s32 $execute0_lowered;
	[smem:$0x3FD2] =	sst s25  }
0xa6: {  	s5 =	sshll.u32 s26, $0x1;
	_ =	strace $0x80000046;
	[dreg:$0x1] =	wrdreg $0xFFFFFFFF  }
0xa7: {  	s28 =	simm.s32 $_size_execute0_lowered;
	s3 =	sadd.s32 s3, s5;
	[dreg:$0x0] =	wrdreg $0x0  }
0xa8: {  	s5 =	sshll.u32 s28, $0x1;
	[dreg:$0x2] =	wrdreg s3  }
0xa9: {  	[dreg:$0x3] =	wrdreg s5  }
0xaa: {  	[dreg:$0x4] =	wrdreg $0xC0  }
0xab: {  	_ =	task [dreg:s7], $0x5FFFF  }
0xac: {  	[dreg:$0x1] =	wrdreg $0xFFFFFFFF  }
0xad: {  	[dreg:$0x0] =	wrdreg $0x60  }
0xae: {  	[dreg:$0x2] =	wrdreg s2  }
0xaf: {  	[dreg:$0x3] =	wrdreg s24  }
0xb0: {  	[dreg:$0x4] =	wrdreg $0x9  }
0xb1: {  	_ =	task.clear_ibuf [dreg:s7], $0x5FFFF;
	_ =	strace $0x90000046  }
0xb2: {  	s29 =	simm.s32 $0x9;
	_ =	strace $0x80000048  }
0xb3: {  	_ =	swait.ge [sflag:s29], $0x1  }
0xb4: {  	[sflag:s29] =	ssyncadd.s32 $0xFFFFFFFF  }
0xb5: {  	_ =	strace $0x90000048  }
0xb6: {  	_ =	sfence  }
0xb7: {  	s30 =	sld [smem:$0x0];
	_ =	sdelay $0x2  }
0xb8: {  	s31 =	sshll.u32 s1, $0xD;
	s1 =	sshrl.u32 s1, $0x2  }
0xb9: {  	s3 =	sand.u32 $0x4000, s31;
	s1 =	sadd.s32 s1, s30  }
0xba: {  	s0 =	sor.u32 s3, s0;
	s1 =	sshll.u32 s1, $0x11  }
0xbb: {  	s0 =	sor.u32 s1, s0  }
0xbc: {  	s0 =	sadd.s32 $0x8F2B, s0  }
0xbd: {  	[sflag:s0] =	ssyncadd.remote.s32 $0x1  }
0xbe: {  	_ =	sfence.sel $0xFFFF  }
0xbf: {  	[dreg:$0x0] =	wrdreg $0xFFFFFFFF;
	(pc) =	sbr.abs _section_cstart, $3  }
0xc0: {  	[dreg:$0x1] =	wrdreg $0xFFFFFFFF  }
0xc1: {  	_ =	task.clear_ibuf [dreg:s7], $0x2FFFF;
	_ =	strace $0x9FFFFFFF  }
0xc2: {  	(tm) =	ssettm $0x7FFFFFFF  }
0xc3: {  	_ =	shalt  }
tec
execute0_lowered:
.L_overlay_start_1:
0x0: {  	(tag) =	ssettag $0x1  }
0x1: {  	s0 =	srdreg.scid;
	s4 =	rddreg [dreg:$0x0]  }
0x2: {  	s1 =	stileid.u32;
	s3 =	rddreg [dreg:$0x1];
	s0 =	sand.u32 $0x1, s0  }
0x3: {  	s30 =	simm.s32 $0x0;
	s1 =	sshll.u32 s1, $0x6;
	s2 =	sshll.u32 s0, $0x5  }
0x4: {  	[smem:$0x7FF] =	sst s30;
	s11 =	sor.u32 s2, s1  }
0x5: {  	s3 =	sadd.s32 $0x800, s3;
	s0 =	ssub.s32 $0x2, s0;
	s1 =	sshrl.u32 s11, $0x4  }
0x6: {  	_ =	strace $0x80000047;
	s31 =	sshrl.u32 s0, $0x1;
	s1 =	smul.u32 $0x6000, s1  }
.Ltmp0:
0x7: {  	[smem:$0x7F9] =	sst s3;
	s0 =	ssub.s32 s0, s31;
	(pc) =	sbr.rel .LBB2_1-.Ltmp0, $4  }
0x8: {  	[smem:$0x7FD] =	sst s11;
	s0 =	smax.u32 s0, $0x1  }
0x9: {  	[smem:$0x7FC] =	sst s0;
	s1 =	sadd.s32 s4, s1  }
0xa: {  	s3 =	simm.s32 $0x1000;
	[smem:$0x7FA] =	sst s1;
	s1 =	sadd.s32 $0x200, s1  }
0xb: {  	s2 =	simm.s32 $0x0;
	s4 =	simm.s32 $0x8000;
	[smem:$0x7FB] =	sst s1  }
.LBB2_8:
0xc: {  	s0 =	simm.s32 $0x3  }
0xd: {  	_ =	swait.ge [sflag:s0], $0x7000  }
0xe: {  	[sflag:s0] =	ssyncset.done $0x0  }
0xf: {  	s1 =	simm.s32 $0x4;
	[sflag:s0] =	ssyncadd.s32 $0xFFFF9000  }
0x10: {  	_ =	swait.ge [sflag:s1], $0x7000  }
0x11: {  	s2 =	sld [smem:$0x7F8]  }
0x12: {  	s31 =	sld [smem:$0x7FC];
	_ =	sdelay $0x1  }
0x13: {  	s2 =	sadd.s32 $0x1, s2  }
0x14: {  	p0 =	sne.s32 s2, s31  }
.Ltmp1:
0x15: {  	_ = 	snop;
	(pc) =	sbr.rel @!p0 .LBB2_9-.Ltmp1, $3  }
0x16: {  	_ =	sdelay $0x1  }
0x17: {  	[sflag:s1] =	ssyncset.done $0x0  }
0x18: {  	s11 =	sld [smem:$0x7FD];
	[sflag:s1] =	ssyncadd.s32 $0xFFFF9000  }
.LBB2_1:
0x19: {  	s1 =	sld [smem:$0x7FA];
	_ =	sdelay $0x1  }
0x1a: {  	s0 =	simm.s32 $0x0;
	s30 =	sld [smem:$0x7FB]  }
0x1b: {  	[tilespmem:s0], [sflag:$0x1] =	stream.strided.gather [hbm4b:s1+s3], $0x3000, s4, s3, $0x38;
	[tilespmem:$0x14000] =	vst v63  }
0x1c: {  	[smem:$0x7F8] =	sst s2;
	s31 =	simm.s32 $0x3000;
	s12 =	simm.s32 $0x0  }
0x1d: {  	[tilespmem:s31], [sflag:$0x2] =	stream.strided.gather [hbm4b:s30+s3], $0x3000, s4, s3, $0x38;
	[tilespmem:$0x14000] =	vst v63  }
.LBB2_2:
0x1e: {  	s0 =	simm.s32 $0x1  }
0x1f: {  	_ =	swait.ge [sflag:s0], $0x3000  }
0x20: {  	p1 =	seq.s32 s12, $0x0;
	[sflag:s0] =	ssyncset.done $0x0  }
0x21: {  	s9 =	simm.s32 $0x0;
	s2 =	simm.s32 @!p1 $0x3;
	[sflag:s0] =	ssyncadd.s32 $0xFFFFD000  }
0x22: {  	s8 =	sand.u32 $0x60, s9;
	s3 =	sand.u32 $0xC00, s9;
	_ =	swait.ge @!p1 [sflag:s2], $0x7000  }
0x23: {  	s22 =	sor.u32 $0x2380, s3;
	s1 =	sor.u32 $0x10, s8;
	[sflag:s2] =	ssyncset.done @!p1 $0x0  }
0x24: {  	s4 =	sor.u32 s1, s22;
	[sflag:s2] =	ssyncadd.s32 @!p1 $0xFFFF9000  }
0x25: {  	s16 =	sor.u32 s3, s1;
	v14 =	vld [tilespmem:s4+$0x0]  }
0x26: {  	v27 =	vld [tilespmem:s16+$0x1280]  }
0x27: {  	v18 =	vld [tilespmem:s16+$0x2200]  }
0x28: {  	v9 =	vld [tilespmem:s16+$0x2280]  }
0x29: {  	v0 =	vld [tilespmem:s16+$0x0]  }
0x2a: {  	v1 =	vld [tilespmem:s16+$0x80]  }
0x2b: {  	v2 =	vld [tilespmem:s16+$0x100]  }
0x2c: {  	v3 =	vld [tilespmem:s16+$0x180]  }
0x2d: {  	v4 =	vld [tilespmem:s16+$0x200]  }
0x2e: {  	s17 =	sand.u32 $0x3, s9;
	v10 =	vld [tilespmem:s16+$0x280]  }
0x2f: {  	s4 =	sshll.u32 s17, $0x5;
	v12 =	vld [tilespmem:s16+$0x1000]  }
0x30: {  	s7 =	sor.u32 $0x1380, s3;
	v15 =	vld [tilespmem:s16+$0x1080];
	s10 =	sadd.s32 $0x0, s4  }
0x31: {  	s18 =	sor.u32 s1, s7;
	v16 =	vld [tilespmem:s16+$0x1100];
	s5 =	sadd.s32 $0x10, s10  }
0x32: {  	v6 =	vld [tilespmem:s18+$0x0];
	s19 =	sor.u32 $0x300, s5  }
0x33: {  	s20 =	sor.u32 $0x2300, s5;
	v11 =	vld [tilespmem:s19+$0x0]  }
0x34: {  	s6 =	sor.u32 $0x380, s5;
	v17 =	vld [tilespmem:s20+$0x0];
	v5 =	vadd.f32 v1, v0  }
0x35: {  	s21 =	sor.u32 $0x1300, s5;
	v13 =	vld [tilespmem:s6+$0x0];
	v7 =	vadd.f32 v3, v0  }
0x36: {  	v30 =	vld [tilespmem:s21+$0x0];
	v8 =	vadd.f32 v2, v1;
	[tilespmem:s16+$0x6080] =	vst v0;
	v0 =	vadd.f32 v4, v5  }
0x37: {  	v31 =	vld [tilespmem:s16+$0x1180];
	[tilespmem:s16+$0x6180] =	vst v1;
	v5 =	vmul.f32 $5.000000000e-01, v7  }
0x38: {  	v32 =	vld [tilespmem:s16+$0x1200];
	[tilespmem:s16+$0x6280] =	vst v2;
	v8 =	vadd.f32 v10, v8;
	v0 =	vmul.f32 $3.333333430e-01, v0  }
0x39: {  	v29 =	vld [tilespmem:s16+$0x2000];
	[tilespmem:s16+$0x6000] =	vst v5  }
0x3a: {  	s24 =	sand.u32 $0xFFFFFC00, s9;
	v22 =	vld [tilespmem:s16+$0x2080];
	s13 =	sor.u32 $0x1300, s10;
	v19 =	vadd.f32 v11, v2;
	v5 =	vmul.f32 $3.333333430e-01, v8;
	[tilespmem:s16+$0x6100] =	vst v0  }
0x3b: {  	s5 =	sadd.s32 $0x0, s24;
	v20 =	vadd.f32 v4, v7;
	v7 =	vld [tilespmem:s16+$0x2100];
	[smem:$0x7F7] =	sst s13  }
0x3c: {  	s14 =	sor.u32 $0x180, s5;
	v1 =	vadd.f32 v4, v1;
	v0 =	vmul.f32 $5.000000000e-01, v19;
	[tilespmem:s16+$0x6200] =	vst v5  }
0x3d: {  	v2 =	vadd.f32 v10, v2;
	v8 =	vld [tilespmem:s16+$0x2180];
	[smem:$0x7EC] =	sst s14  }
0x3e: {  	s25 =	sor.u32 $0x1180, s5;
	v1 =	vadd.f32 v10, v1;
	[tilespmem:s19+$0x6000] =	vst v0  }
0x3f: {  	v20 =	vadd.f32 v13, v20;
	v2 =	vadd.f32 v11, v2;
	v0 =	vld [tilespmem:s13+$0x0];
	[smem:$0x7F6] =	sst s25  }
0x40: {  	v1 =	vadd.f32 v12, v1;
	v5 =	vadd.f32 v12, v10;
	[tilespmem:s16+$0x7000] =	vst v3  }
0x41: {  	v20 =	vmul.f32 $2.500000000e-01, v20;
	v2 =	vadd.f32 v15, v2;
	v19 =	vld [tilespmem:s14+$0x0];
	[tilespmem:s16+$0x7100] =	vst v4  }
0x42: {  	s7 =	sor.u32 s8, s7;
	v21 =	vadd.f32 v13, v3;
	v1 =	vmul.f32 $2.500000000e-01, v1;
	v23 =	vadd.f32 v15, v5;
	v5 =	vld [tilespmem:s25+$0x0];
	[tilespmem:s16+$0x7200] =	vst v10  }
0x43: {  	s23 =	sor.u32 s8, s3;
	v2 =	vmul.f32 $2.500000000e-01, v2;
	v3 =	vadd.f32 v13, v4;
	v4 =	vld [tilespmem:s7+$0x0];
	[tilespmem:s16+$0x7080] =	vst v20  }
0x44: {  	v21 =	vadd.f32 v16, v21;
	v25 =	vld [tilespmem:s23+$0x0];
	[tilespmem:s16+$0x7180] =	vst v1  }
0x45: {  	v10 =	vadd.f32 v32, v23;
	v23 =	vadd.f32 v15, v11;
	v24 =	vld [tilespmem:s23+$0x80];
	[tilespmem:s16+$0x7280] =	vst v2  }
0x46: {  	s26 =	simm.s32 $0x0;
	v2 =	vmul.f32 $3.333333430e-01, v21;
	v20 =	vld [tilespmem:s23+$0x200];
	[tilespmem:s21+$0x6000] =	vst v11  }
0x47: {  	v26 =	vadd.f32 v16, v13;
	v33 =	vadd.f32 v27, v23;
	v23 =	vld [tilespmem:s23+$0x100];
	[dreg:$0x3] =	wrdreg s26  }
0x48: {  	v3 =	vadd.f32 v12, v3;
	[tilespmem:s16+$0x8000] =	vst v2  }
0x49: {  	v21 =	vadd.f32 v31, v26;
	[tilespmem:s16+$0x8080] =	vst v13  }
0x4a: {  	s28 =	sor.u32 s9, s9;
	v10 =	vmul.f32 $2.500000000e-01, v10;
	v11 =	vld [tilespmem:s23+$0x1000];
	[tilespmem:s16+$0x8180] =	vst v12;
	v1 =	vadd.f32 v31, v3  }
0x4b: {  	s6 =	sor.u32 $0x380, s28;
	v2 =	vadd.f32 v30, v21;
	v21 =	vld [tilespmem:s23+$0x280];
	[tilespmem:s16+$0x8280] =	vst v15  }
0x4c: {  	s30 =	sor.u32 $0x9000, s3;
	v13 =	vld [tilespmem:s6+$0x0];
	[tilespmem:s16+$0x8200] =	vst v10;
	v1 =	vmul.f32 $2.500000000e-01, v1  }
0x4d: {  	v3 =	vadd.f32 v31, v12;
	v12 =	vld [tilespmem:s23+$0x1200];
	[smem:$0x7ED] =	sst s30  }
0x4e: {  	s31 =	sor.u32 $0x9080, s3;
	v34 =	vadd.f32 v32, v15;
	v15 =	vmul.f32 $3.333333430e-01, v33;
	[tilespmem:s16+$0x8100] =	vst v1  }
0x4f: {  	[smem:$0x7EE] =	sst s31  }
0x50: {  	s4 =	sor.u32 $0x9100, s3;
	v3 =	vadd.f32 v32, v3;
	[tilespmem:s20+$0x6000] =	vst v15  }
0x51: {  	s0 =	sor.u32 s1, s30;
	v55 =	vadd.f32 v30, v31;
	v2 =	vmul.f32 $2.500000000e-01, v2;
	v1 =	vld [tilespmem:s23+$0x2080];
	[smem:$0x7EF] =	sst s4  }
0x52: {  	s6 =	sor.u32 s1, s31;
	v10 =	vadd.f32 v30, v16;
	v3 =	vadd.f32 v6, v3;
	[tilespmem:s0+$0x0] =	vst v16  }
0x53: {  	v37 =	vadd.f32 v6, v32;
	v34 =	vadd.f32 v27, v34;
	s7 =	sor.u32 $0x2180, s5;
	[tilespmem:s6+$0x0] =	vst v2  }
0x54: {  	s9 =	sor.u32 s1, s4;
	s21 =	sor.u32 $0x9180, s3;
	v38 =	vadd.f32 v22, v10;
	v10 =	vadd.f32 v6, v55;
	v15 =	vmul.f32 $2.500000000e-01, v3;
	v2 =	vld [tilespmem:s23+$0x2100];
	[dreg:$0x4] =	wrdreg s7  }
0x55: {  	v54 =	vadd.f32 v29, v34;
	s25 =	sor.u32 $0x9200, s3;
	s13 =	sor.u32 s1, s21;
	v16 =	vadd.f32 v29, v37;
	v3 =	vld [tilespmem:s7+$0x0];
	[tilespmem:s9+$0x0] =	vst v31  }
0x56: {  	s14 =	sor.u32 s1, s25;
	v40 =	vadd.f32 v7, v10;
	v10 =	vld [tilespmem:s23+$0x2000];
	[tilespmem:s13+$0x0] =	vst v15  }
0x57: {  	s19 =	sor.u32 $0x9280, s3;
	v33 =	vmul.f32 $2.500000000e-01, v54;
	s16 =	sor.u32 $0xA000, s3;
	v41 =	vadd.f32 v8, v16;
	v16 =	vld [tilespmem:s23+$0x1100];
	[tilespmem:s14+$0x0] =	vst v32  }
0x58: {  	s24 =	sor.u32 $0x9300, s3;
	s15 =	sor.u32 s1, s19;
	v15 =	vld [tilespmem:s23+$0x1080];
	[smem:$0x7F0] =	sst s16  }
0x59: {  	s17 =	sor.u32 s1, s24;
	v58 =	vmul.f32 $3.333333430e-01, v38;
	[tilespmem:s15+$0x0] =	vst v33  }
0x5a: {  	s5 =	sor.u32 $0xA080, s3;
	s18 =	sor.u32 s1, s16;
	[tilespmem:s17+$0x0] =	vst v27  }
0x5b: {  	v56 =	vadd.f32 v29, v27;
	s20 =	sor.u32 s1, s5;
	v61 =	vmul.f32 $2.500000000e-01, v40;
	s7 =	sor.u32 $0xA100, s3;
	[tilespmem:s18+$0x0] =	vst v58  }
0x5c: {  	v42 =	vadd.f32 v22, v30;
	s26 =	sor.u32 s1, s7;
	s18 =	sor.u32 $0xA180, s3;
	[tilespmem:s20+$0x0] =	vst v30  }
0x5d: {  	s28 =	sor.u32 $0xA200, s3;
	v37 =	vadd.f32 v18, v56;
	v48 =	vmul.f32 $2.500000000e-01, v41;
	s30 =	sor.u32 s1, s18;
	[tilespmem:s26+$0x0] =	vst v61  }
0x5e: {  	s29 =	sor.u32 $0xA280, s3;
	v59 =	vadd.f32 v7, v42;
	s0 =	sor.u32 s1, s28;
	[tilespmem:s30+$0x0] =	vst v6  }
0x5f: {  	s31 =	sand.u32 $0x3, s12;
	s6 =	sor.u32 s1, s29;
	v50 =	vmul.f32 $3.333333430e-01, v37;
	v27 =	vadd.f32 v8, v29;
	s30 =	sor.u32 $0xA300, s3;
	[tilespmem:s0+$0x0] =	vst v48  }
0x60: {  	v43 =	vadd.f32 v7, v6;
	v38 =	vadd.f32 v9, v59;
	p0 =	sne.s32 s31, $0x0;
	s31 =	sor.u32 $0xB000, s3;
	s9 =	sor.u32 s1, s30;
	[tilespmem:s6+$0x0] =	vst v29  }
0x61: {  	s14 =	sor.u32 s1, s31;
	v27 =	vadd.f32 v18, v27;
	[tilespmem:s9+$0x0] =	vst v50  }
0x62: {  	v62 =	vadd.f32 v8, v43;
	v52 =	vmul.f32 $2.500000000e-01, v38;
	s17 =	sor.u32 $0xB080, s3;
	s20 =	sor.u32 $0x300, s10;
	v6 =	vld [tilespmem:s23+$0x2200];
	[tilespmem:s14+$0x0] =	vst v22  }
0x63: {  	s26 =	sor.u32 s1, s17;
	v51 =	vadd.f32 v14, v27;
	v27 =	vld [tilespmem:s20+$0x0];
	[smem:$0x7E7] =	sst s12  }
0x64: {  	v40 =	vadd.f32 v17, v62;
	s16 =	sor.u32 $0xB100, s3;
	s15 =	sshll.u32 s12, $0x1;
	[tilespmem:s26+$0x0] =	vst v52  }
0x65: {  	v53 =	vadd.f32 v9, v22;
	s4 =	sor.u32 s1, s16;
	v22 =	vld [tilespmem:s23+$0x1280];
	[smem:$0x7E8] =	sst s15  }
0x66: {  	v54 =	vmul.f32 $2.500000000e-01, v40;
	v57 =	vadd.f32 v1, v0;
	s13 =	sor.u32 $0x2300, s10;
	s6 =	sor.u32 s11, s15;
	s15 =	sor.u32 $0xB180, s3;
	[tilespmem:s4+$0x0] =	vst v7  }
0x67: {  	s14 =	sor.u32 $0xB200, s3;
	s9 =	sor.u32 s1, s15;
	[dreg:$0x5] =	wrdreg s13  }
0x68: {  	v45 =	vadd.f32 v9, v7;
	v32 =	vadd.f32 v2, v57;
	v57 =	vmul.f32 $2.500000000e-01, v51;
	s10 =	sor.u32 s1, s14;
	v7 =	vld [tilespmem:s13+$0x0];
	[tilespmem:s9+$0x0] =	vst v54;
	s13 =	sor.u32 $0xB280, s3  }
0x69: {  	p2 =	seq.s32 s6, $0x0;
	s12 =	sor.u32 $0xB300, s3;
	[tilespmem:s10+$0x0] =	vst v8;
	s11 =	sor.u32 s1, s13  }
0x6a: {  	v59 =	vmul.f32 $5.000000000e-01, v53;
	p0 =	por !p0, !p2;
	s26 =	sor.u32 s1, s12;
	[tilespmem:s11+$0x0] =	vst v57;
	s11 =	sor.u32 $0xC000, s3  }
0x6b: {  	s2 =	simm.s32 $0x1;
	v55 =	vadd.f32 v17, v45;
	v56 =	vadd.f32 v17, v8;
	p0 =	por !p0, !p0;
	[tilespmem:s26+$0x0] =	vst v18;
	s0 =	sor.u32 s1, s11  }
0x6c: {  	s2 =	simm.s32 @!p0 $0x0;
	s9 =	sor.u32 $0xC080, s3;
	s10 =	sshrl.u32 s6, $0x3;
	[tilespmem:s0+$0x0] =	vst v59  }
0x6d: {  	v62 =	vmul.f32 $3.333333430e-01, v55;
	v58 =	vadd.f32 v14, v56;
	v8 =	vld [tilespmem:s23+$0x2280];
	s26 =	sor.u32 s1, s9;
	[smem:$0x7E9] =	sst s6;
	s6 =	sor.u32 $0xC100, s3  }
0x6e: {  	s4 =	sor.u32 $0xC180, s3;
	s0 =	ssub.s32 s10, s2;
	[tilespmem:s26+$0x0] =	vst v9;
	s10 =	sor.u32 s1, s6  }
0x6f: {  	s22 =	sor.u32 s8, s22;
	v61 =	vadd.f32 v14, v18;
	v53 =	vmul.f32 $3.333333430e-01, v58;
	s2 =	sor.u32 $0xC200, s3;
	s26 =	sor.u32 s1, s4;
	[tilespmem:s10+$0x0] =	vst v62  }
0x70: {  	v9 =	vld [tilespmem:s22+$0x0];
	s22 =	sor.u32 $0xC280, s3;
	[tilespmem:s26+$0x0] =	vst v17;
	s26 =	sor.u32 s1, s2  }
0x71: {  	v26 =	vadd.f32 v19, v25;
	v46 =	vadd.f32 v24, v25;
	v54 =	vmul.f32 $5.000000000e-01, v61;
	s3 =	sor.u32 $0xC300, s3;
	[tilespmem:s26+$0x0] =	vst v53;
	s26 =	sor.u32 s1, s22  }
0x72: {  	s10 =	sshrl.u32 s0, $0x1F;
	s1 =	sor.u32 s1, s3;
	[tilespmem:s26+$0x0] =	vst v14  }
0x73: {  	v55 =	vadd.f32 v20, v46;
	v29 =	vadd.f32 v20, v26;
	v26 =	vmul.f32 $5.000000000e-01, v26;
	s10 =	sadd.s32 s10, s0;
	[tilespmem:s1+$0x0] =	vst v54  }
0x74: {  	s26 =	sand.u32 $0xFFFFFFFE, s10;
	[smem:$0x7EA] =	sst s0  }
0x75: {  	v56 =	vmul.f32 $3.333333430e-01, v55;
	p6 =	slt.s32 s0, $0x1;
	p5 =	sne.s32 s0, s26;
	[tilespmem:s23+$0x6000] =	vst v26  }
0x76: {  	p0 =	por !p6, !p5;
	[tilespmem:s23+$0x6080] =	vst v25  }
0x77: {  	s0 =	simm.s32 $0x1;
	p0 =	por !p0, !p0;
	[tilespmem:s23+$0x6100] =	vst v56  }
0x78: {  	s10 =	sshra.s32 s10, $0x1;
	s0 =	simm.s32 @!p0 $0x0;
	s26 =	sld [smem:$0x7EC]  }
0x79: {  	v28 =	vadd.f32 v0, v5;
	s0 =	ssub.s32 s10, s0  }
0x7a: {  	v31 =	vadd.f32 v4, v12;
	[smem:$0x7EB] =	sst s0  }
0x7b: {  	v28 =	vadd.f32 v4, v28;
	[tilespmem:s26+$0x6000] =	vst v24  }
0x7c: {  	v34 =	vadd.f32 v21, v23;
	v31 =	vadd.f32 v10, v31;
	s0 =	sld [smem:$0x7ED]  }
0x7d: {  	v48 =	vadd.f32 v23, v24;
	v17 =	vadd.f32 v2, v28;
	s1 =	sld [smem:$0x7EE]  }
0x7e: {  	v37 =	vadd.f32 v27, v34;
	s10 =	sld [smem:$0x7EF]  }
0x7f: {  	s21 =	sor.u32 s8, s21;
	v34 =	vmul.f32 $2.500000000e-01, v17;
	v17 =	vadd.f32 v3, v31;
	v31 =	vadd.f32 v21, v48  }
0x80: {  	[dreg:$0x1b] =	wrdreg s21;
	s26 =	sor.u32 s8, s0;
	s0 =	sor.u32 s8, s1  }
0x81: {  	v49 =	vadd.f32 v16, v13;
	v31 =	vmul.f32 $3.333333430e-01, v31;
	[dreg:$0x16] =	wrdreg s0;
	s0 =	sor.u32 s8, s10  }
0x82: {  	v35 =	vadd.f32 v20, v24;
	[dreg:$0x17] =	wrdreg s0  }
0x83: {  	v18 =	vadd.f32 v5, v49;
	v59 =	vadd.f32 v27, v23;
	s1 =	sor.u32 s8, s19;
	[tilespmem:s23+$0x6200] =	vst v31  }
0x84: {  	v36 =	vadd.f32 v5, v11;
	v39 =	vadd.f32 v13, v20;
	s10 =	sor.u32 s8, s24;
	[dreg:$0x1e] =	wrdreg s1  }
0x85: {  	v35 =	vadd.f32 v21, v35;
	v61 =	vadd.f32 v0, v18;
	v18 =	vmul.f32 $5.000000000e-01, v59;
	[dreg:$0x1f] =	wrdreg s10  }
0x86: {  	v47 =	vadd.f32 v13, v19;
	v36 =	vadd.f32 v12, v36;
	[tilespmem:s23+$0x6280] =	vst v23  }
0x87: {  	v39 =	vadd.f32 v11, v39;
	v30 =	vadd.f32 v11, v21;
	[tilespmem:s20+$0x6000] =	vst v18  }
0x88: {  	v36 =	vadd.f32 v4, v36;
	v60 =	vadd.f32 v2, v4;
	s20 =	sor.u32 s8, s5;
	s19 =	sld [smem:$0x7F0]  }
0x89: {  	v63 =	vadd.f32 v3, v10;
	v30 =	vadd.f32 v15, v30;
	s21 =	sor.u32 s8, s7;
	[smem:$0x7F2] =	sst s20  }
0x8a: {  	v42 =	vadd.f32 v3, v60;
	v29 =	vadd.f32 v13, v29;
	s24 =	sor.u32 s8, s18;
	[smem:$0x7F3] =	sst s21  }
0x8b: {  	s28 =	sor.u32 s8, s28;
	v44 =	vadd.f32 v12, v15;
	v30 =	vadd.f32 v12, v30;
	[smem:$0x7F4] =	sst s24  }
0x8c: {  	v43 =	vadd.f32 v6, v63;
	v60 =	vadd.f32 v15, v27;
	v29 =	vmul.f32 $2.500000000e-01, v29;
	[smem:$0x7F5] =	sst s28;
	s0 =	sor.u32 s8, s19  }
0x8d: {  	v63 =	vadd.f32 v0, v16;
	v58 =	vadd.f32 v15, v37;
	[smem:$0x7F1] =	sst s0  }
0x8e: {  	v38 =	vmul.f32 $2.500000000e-01, v36;
	v41 =	vadd.f32 v22, v44;
	v57 =	vadd.f32 v11, v35;
	[tilespmem:s23+$0x7080] =	vst v29  }
0x8f: {  	v63 =	vadd.f32 v1, v63;
	v60 =	vadd.f32 v22, v60;
	v35 =	vmul.f32 $2.500000000e-01, v58;
	[tilespmem:s23+$0x7000] =	vst v19  }
0x90: {  	v49 =	vadd.f32 v10, v22;
	v33 =	vmul.f32 $2.500000000e-01, v57;
	v62 =	vadd.f32 v10, v41;
	[tilespmem:s23+$0x7100] =	vst v20  }
0x91: {  	v52 =	vadd.f32 v7, v3;
	v32 =	vadd.f32 v8, v32;
	v41 =	vmul.f32 $2.500000000e-01, v61;
	s21 =	sor.u32 s8, s31;
	s31 =	sld [smem:$0x7F6]  }
0x92: {  	v28 =	vadd.f32 v8, v2;
	v40 =	vmul.f32 $2.500000000e-01, v62;
	v25 =	vadd.f32 v9, v43  }
0x93: {  	v14 =	vmul.f32 $2.500000000e-01, v32;
	v36 =	vmul.f32 $2.500000000e-01, v17;
	v26 =	vadd.f32 v7, v42  }
0x94: {  	s25 =	sor.u32 s8, s25;
	s29 =	sor.u32 s8, s29;
	v42 =	vmul.f32 $3.333333430e-01, v60;
	v17 =	vmul.f32 $2.500000000e-01, v25;
	v24 =	vadd.f32 v5, v39;
	[tilespmem:s31+$0x6000] =	vst v33  }
0x95: {  	s3 =	sor.u32 s8, s3;
	v25 =	vadd.f32 v9, v52;
	s7 =	simm.s32 $0x0;
	s18 =	sor.u32 s8, s14;
	v31 =	vmul.f32 $2.500000000e-01, v30;
	v23 =	vadd.f32 v16, v47;
	[tilespmem:s23+$0x7200] =	vst v21  }
0x96: {  	s14 =	simm.s32 $0x20;
	v30 =	vadd.f32 v8, v1;
	s10 =	sor.u32 s8, s17;
	s17 =	sor.u32 s8, s16;
	v18 =	vmul.f32 $2.500000000e-01, v26;
	v26 =	vmul.f32 $2.500000000e-01, v24;
	[tilespmem:s23+$0x7280] =	vst v35  }
0x97: {  	s16 =	sor.u32 s8, s13;
	s13 =	sor.u32 s8, s11;
	v32 =	vmul.f32 $3.333333430e-01, v23;
	v29 =	vadd.f32 v6, v49;
	v20 =	vadd.f32 v9, v6;
	s0 =	sld [smem:$0x7F7]  }
0x98: {  	v28 =	vadd.f32 v7, v28;
	s11 =	sor.u32 s8, s22;
	s5 =	sor.u32 s8, s15;
	s15 =	sor.u32 s8, s2;
	v23 =	vmul.f32 $5.000000000e-01, v30;
	v19 =	vmul.f32 $3.333333430e-01, v25  }
0x99: {  	s20 =	sor.u32 s8, s12;
	s24 =	sor.u32 s8, s9;
	s9 =	sor.u32 s8, s6;
	v24 =	vmul.f32 $3.333333430e-01, v29;
	v20 =	vmul.f32 $5.000000000e-01, v20  }
0x9a: {  	s6 =	sor.u32 s8, s4;
	s12 =	simm.s32 $0x100;
	s19 =	sor.u32 s8, s30;
	v33 =	vmul.f32 $3.333333430e-01, v63;
	v21 =	vmul.f32 $3.333333430e-01, v28;
	[tilespmem:s0+$0x6000] =	vst v27  }
.LBB2_3:
0x9b: {  	[smem:$0x7E2] =	sst s15  }
0x9c: {  	[smem:$0x7DF] =	sst s5  }
0x9d: {  	[smem:$0x7DE] =	sst s10  }
0x9e: {  	[dreg:$0x15] =	wrdreg s13  }
0x9f: {  	[dreg:$0x13] =	wrdreg s9  }
0xa0: {  	[dreg:$0x11] =	wrdreg s6  }
0xa1: {  	[dreg:$0xf] =	wrdreg s11;
	[tilespmem:s23+$0x8080] =	vst v13  }
0xa2: {  	[dreg:$0xe] =	wrdreg s3;
	s1 =	sand.u32 $0x60, s14;
	s8 =	sand.u32 $0xC00, s12;
	[tilespmem:s23+$0x8000] =	vst v32  }
0xa3: {  	s5 =	rddreg [dreg:$0x4];
	s15 =	sor.u32 $0x2380, s8;
	s4 =	sor.u32 $0x10, s1;
	[tilespmem:s23+$0x8100] =	vst v26  }
0xa4: {  	s11 =	rddreg [dreg:$0x5];
	s30 =	sor.u32 s4, s15;
	[tilespmem:s5+$0x6000] =	vst v11  }
0xa5: {  	s3 =	rddreg [dreg:$0x3];
	s31 =	sor.u32 s8, s4;
	v26 =	vld [tilespmem:s30+$0x0];
	[tilespmem:s23+$0x8200] =	vst v31  }
0xa6: {  	s28 =	sor.u32 s12, s14;
	s9 =	rddreg [dreg:$0x1f];
	v39 =	vld [tilespmem:s31+$0x1280];
	[tilespmem:s23+$0x8280] =	vst v15  }
0xa7: {  	s0 =	sand.u32 $0xFFFFFC00, s12;
	s6 =	sor.u32 $0x380, s28;
	s28 =	rddreg [dreg:$0x1b];
	v31 =	vld [tilespmem:s31+$0x2200];
	[tilespmem:s11+$0x6000] =	vst v42  }
0xa8: {  	s0 =	sadd.s32 s0, s14;
	s30 =	sor.u32 s1, s15;
	v32 =	vld [tilespmem:s31+$0x2280];
	s15 =	rddreg [dreg:$0x16];
	[tilespmem:s26+$0x0] =	vst v16  }
0xa9: {  	s22 =	sor.u32 $0x180, s0;
	s2 =	sor.u32 $0x1180, s0;
	v11 =	vld [tilespmem:s31+$0x0];
	s26 =	rddreg [dreg:$0x17];
	[tilespmem:s15+$0x0] =	vst v41  }
0xaa: {  	s13 =	sor.u32 $0x2180, s0;
	s0 =	sadd.s32 $0x1, s3;
	s5 =	rddreg [dreg:$0x1e];
	v13 =	vld [tilespmem:s31+$0x80];
	[tilespmem:s26+$0x0] =	vst v5  }
0xab: {  	v15 =	vld [tilespmem:s31+$0x100];
	[dreg:$0x3] =	wrdreg s0;
	[tilespmem:s28+$0x0] =	vst v38  }
0xac: {  	v54 =	vld [tilespmem:s31+$0x1000];
	s11 =	sld [smem:$0x7F1];
	[tilespmem:s25+$0x0] =	vst v12  }
0xad: {  	s10 =	sor.u32 s1, s8;
	s0 =	sand.u32 $0x3, s0;
	v43 =	vld [tilespmem:s31+$0x1080];
	s28 =	sld [smem:$0x7F2];
	[tilespmem:s5+$0x0] =	vst v40  }
0xae: {  	s23 =	smov.u32 s10;
	s10 =	sor.u32 $0x1380, s8;
	s0 =	sshll.u32 s0, $0x5;
	v16 =	vld [tilespmem:s31+$0x200];
	[tilespmem:s9+$0x0] =	vst v22  }
0xaf: {  	s0 =	sadd.s32 s0, s12;
	s15 =	sor.u32 s4, s10;
	v5 =	vld [tilespmem:s31+$0x180];
	s5 =	sld [smem:$0x7F3];
	[tilespmem:s11+$0x0] =	vst v33  }
0xb0: {  	s3 =	sor.u32 s1, s10;
	v46 =	vld [tilespmem:s15+$0x0];
	s9 =	sadd.s32 $0x10, s0;
	[tilespmem:s28+$0x0] =	vst v0;
	s28 =	sld [smem:$0x7F4]  }
0xb1: {  	s10 =	sor.u32 $0x2300, s0;
	s15 =	sld [smem:$0x7F5];
	v12 =	vld [tilespmem:s31+$0x280];
	s11 =	sor.u32 $0x300, s9  }
0xb2: {  	s26 =	sor.u32 $0x300, s0;
	s25 =	sor.u32 $0x1300, s0;
	s0 =	sor.u32 $0x2300, s9;
	v27 =	vld [tilespmem:s11+$0x0];
	[tilespmem:s5+$0x0] =	vst v34  }
0xb3: {  	s5 =	sor.u32 $0x380, s9;
	v34 =	vld [tilespmem:s0+$0x0];
	[tilespmem:s28+$0x0] =	vst v4  }
0xb4: {  	v0 =	vadd.f32 v13, v11;
	v28 =	vld [tilespmem:s5+$0x0];
	s28 =	sor.u32 $0x1300, s9;
	[tilespmem:s15+$0x0] =	vst v36  }
0xb5: {  	v25 =	vadd.f32 v15, v13;
	v4 =	vadd.f32 v5, v11;
	v50 =	vld [tilespmem:s28+$0x0];
	[tilespmem:s31+$0x6080] =	vst v11  }
0xb6: {  	v35 =	vld [tilespmem:s31+$0x1180];
	v0 =	vadd.f32 v16, v0;
	[tilespmem:s31+$0x6180] =	vst v13  }
0xb7: {  	v37 =	vld [tilespmem:s31+$0x1200];
	v11 =	vadd.f32 v12, v25;
	[tilespmem:s29+$0x0] =	vst v10;
	v10 =	vmul.f32 $5.000000000e-01, v4  }
0xb8: {  	v49 =	vld [tilespmem:s31+$0x2000];
	v0 =	vmul.f32 $3.333333430e-01, v0;
	[tilespmem:s31+$0x6280] =	vst v15;
	v25 =	vadd.f32 v27, v15  }
0xb9: {  	v42 =	vld [tilespmem:s31+$0x2100];
	[tilespmem:s31+$0x6000] =	vst v10;
	v10 =	vmul.f32 $3.333333430e-01, v11;
	v11 =	vadd.f32 v16, v13  }
0xba: {  	v38 =	vld [tilespmem:s31+$0x2180];
	v4 =	vadd.f32 v16, v4;
	[tilespmem:s31+$0x6100] =	vst v0;
	v0 =	vmul.f32 $5.000000000e-01, v25;
	v13 =	vadd.f32 v12, v15  }
0xbb: {  	v22 =	vld [tilespmem:s31+$0x1100];
	[tilespmem:s31+$0x6200] =	vst v10;
	v10 =	vadd.f32 v12, v11  }
0xbc: {  	v40 =	vld [tilespmem:s31+$0x2080];
	v4 =	vadd.f32 v28, v4;
	v11 =	vadd.f32 v27, v13;
	[tilespmem:s11+$0x6000] =	vst v0  }
0xbd: {  	[tilespmem:s31+$0x7000] =	vst v5;
	v10 =	vadd.f32 v54, v10  }
0xbe: {  	v15 =	vadd.f32 v28, v5;
	v13 =	vmul.f32 $2.500000000e-01, v4;
	[tilespmem:s31+$0x7100] =	vst v16;
	v11 =	vadd.f32 v43, v11  }
0xbf: {  	[tilespmem:s31+$0x7200] =	vst v12;
	v12 =	vadd.f32 v54, v12;
	v10 =	vmul.f32 $2.500000000e-01, v10  }
0xc0: {  	[tilespmem:s31+$0x7080] =	vst v13;
	v13 =	vadd.f32 v22, v15;
	v11 =	vmul.f32 $2.500000000e-01, v11  }
0xc1: {  	v12 =	vadd.f32 v43, v12;
	[tilespmem:s31+$0x7180] =	vst v10;
	v10 =	vadd.f32 v28, v16  }
0xc2: {  	[smem:$0x7E3] =	sst s22;
	[tilespmem:s31+$0x7280] =	vst v11;
	v11 =	vmul.f32 $3.333333430e-01, v13  }
0xc3: {  	[smem:$0x7E5] =	sst s2;
	v12 =	vadd.f32 v37, v12;
	[tilespmem:s28+$0x6000] =	vst v27;
	v10 =	vadd.f32 v54, v10  }
0xc4: {  	[dreg:$0x4] =	wrdreg s13;
	v0 =	vld [tilespmem:s25+$0x0];
	v13 =	vadd.f32 v22, v28;
	[tilespmem:s31+$0x8000] =	vst v11;
	v11 =	vadd.f32 v43, v27  }
0xc5: {  	[dreg:$0x5] =	wrdreg s10;
	v5 =	vld [tilespmem:s2+$0x0];
	v15 =	vadd.f32 v35, v54;
	[tilespmem:s31+$0x8080] =	vst v28;
	v10 =	vadd.f32 v35, v10  }
0xc6: {  	[smem:$0x7E4] =	sst s26;
	v33 =	vld [tilespmem:s13+$0x0];
	v12 =	vmul.f32 $2.500000000e-01, v12;
	[tilespmem:s31+$0x8180] =	vst v54;
	v55 =	vadd.f32 v35, v13;
	v16 =	vadd.f32 v39, v11  }
0xc7: {  	[smem:$0x7E6] =	sst s25;
	s5 =	sor.u32 $0x9000, s8;
	s9 =	sor.u32 $0x9080, s8;
	v4 =	vld [tilespmem:s3+$0x0];
	v47 =	vadd.f32 v37, v15;
	[tilespmem:s31+$0x8280] =	vst v43;
	v10 =	vmul.f32 $2.500000000e-01, v10  }
0xc8: {  	s15 =	sor.u32 $0x9100, s8;
	s29 =	smov.u32 s20;
	v36 =	vld [tilespmem:s23+$0x0];
	s13 =	sor.u32 s1, s9;
	[tilespmem:s31+$0x8200] =	vst v12;
	v12 =	vadd.f32 v37, v43;
	v45 =	vadd.f32 v50, v55;
	v56 =	vmul.f32 $3.333333430e-01, v16  }
0xc9: {  	s20 =	smov.u32 s18;
	v25 =	vld [tilespmem:s22+$0x0];
	[dreg:$0x16] =	wrdreg s13;
	s22 =	sor.u32 s4, s9;
	v58 =	vadd.f32 v46, v47;
	[tilespmem:s31+$0x8100] =	vst v10  }
0xca: {  	s13 =	sor.u32 $0x9280, s8;
	s11 =	sor.u32 s4, s5;
	s25 =	sor.u32 s1, s15;
	v44 =	vadd.f32 v0, v5;
	v57 =	vmul.f32 $2.500000000e-01, v45;
	v59 =	vadd.f32 v39, v12;
	[tilespmem:s0+$0x6000] =	vst v56  }
0xcb: {  	[dreg:$0x17] =	wrdreg s25;
	s25 =	sor.u32 $0x9300, s8;
	s28 =	sor.u32 $0x9180, s8;
	[tilespmem:s11+$0x0] =	vst v22  }
0xcc: {  	v13 =	vld [tilespmem:s6+$0x0];
	s6 =	sor.u32 s1, s5;
	s3 =	sor.u32 s1, s28;
	v41 =	vadd.f32 v4, v44;
	v44 =	vmul.f32 $2.500000000e-01, v58;
	s31 =	sor.u32 s4, s15;
	v48 =	vadd.f32 v49, v59;
	[tilespmem:s22+$0x0] =	vst v57  }
0xcd: {  	v53 =	vadd.f32 v50, v35;
	s9 =	sor.u32 s4, s28;
	[smem:$0x7E1] =	sst s6;
	s6 =	sor.u32 $0x9200, s8;
	[tilespmem:s31+$0x0] =	vst v35  }
0xce: {  	v52 =	vadd.f32 v25, v36;
	s28 =	sor.u32 s1, s25;
	[dreg:$0x1b] =	wrdreg s3;
	s15 =	sor.u32 s4, s6;
	v22 =	vadd.f32 v50, v22;
	v60 =	vmul.f32 $2.500000000e-01, v48;
	[tilespmem:s9+$0x0] =	vst v44  }
0xcf: {  	v61 =	vadd.f32 v46, v53;
	s2 =	sor.u32 $0xB100, s8;
	[dreg:$0x1f] =	wrdreg s28;
	v35 =	vld [tilespmem:s26+$0x0];
	s26 =	sor.u32 s4, s13;
	[tilespmem:s15+$0x0] =	vst v37  }
0xd0: {  	v47 =	vmul.f32 $5.000000000e-01, v52;
	s3 =	sor.u32 s4, s25;
	s25 =	sor.u32 $0xA180, s8;
	v56 =	vadd.f32 v46, v37;
	s11 =	sor.u32 s1, s6;
	v22 =	vadd.f32 v40, v22;
	[tilespmem:s26+$0x0] =	vst v60  }
0xd1: {  	s28 =	sor.u32 $0xA200, s8;
	v59 =	vadd.f32 v49, v39;
	[smem:$0x7DD] =	sst s11;
	s22 =	sor.u32 s1, s13;
	v37 =	vld [tilespmem:s10+$0x0];
	[tilespmem:s3+$0x0] =	vst v39  }
0xd2: {  	s5 =	sor.u32 s4, s28;
	v57 =	vadd.f32 v42, v61;
	v56 =	vadd.f32 v49, v56;
	[dreg:$0x1e] =	wrdreg s22;
	s31 =	sor.u32 $0xA000, s8;
	v62 =	vmul.f32 $3.333333430e-01, v22;
	v39 =	vld [tilespmem:s30+$0x0];
	[tilespmem:s23+$0x6000] =	vst v47  }
0xd3: {  	s13 =	sor.u32 $0xA100, s8;
	s9 =	sor.u32 $0xA080, s8;
	s10 =	sor.u32 s4, s31;
	[tilespmem:s23+$0x6080] =	vst v36  }
0xd4: {  	s6 =	sor.u32 s1, s31;
	v57 =	vmul.f32 $2.500000000e-01, v57;
	v56 =	vadd.f32 v38, v56;
	s22 =	sor.u32 s1, s13;
	s15 =	sor.u32 s4, s9;
	v60 =	vadd.f32 v40, v50;
	[tilespmem:s10+$0x0] =	vst v62  }
0xd5: {  	[smem:$0x7F1] =	sst s6;
	s11 =	sor.u32 s1, s9;
	s26 =	sor.u32 s4, s13;
	[tilespmem:s15+$0x0] =	vst v50;
	v50 =	vadd.f32 v42, v46  }
0xd6: {  	[smem:$0x7F3] =	sst s22;
	s31 =	sor.u32 $0xA280, s8;
	v56 =	vmul.f32 $2.500000000e-01, v56;
	s30 =	sor.u32 s4, s25;
	[tilespmem:s26+$0x0] =	vst v57;
	v57 =	vadd.f32 v31, v59;
	v59 =	vadd.f32 v42, v60  }
0xd7: {  	v30 =	vld [tilespmem:s23+$0x80];
	s9 =	sor.u32 s1, s25;
	s22 =	sor.u32 $0xB000, s8;
	[smem:$0x7F2] =	sst s11;
	[tilespmem:s30+$0x0] =	vst v46;
	v46 =	vadd.f32 v38, v49  }
0xd8: {  	v29 =	vld [tilespmem:s23+$0x100];
	[smem:$0x7F4] =	sst s9;
	s13 =	sor.u32 s4, s31;
	s10 =	sor.u32 $0xA300, s8;
	v50 =	vadd.f32 v38, v50;
	[tilespmem:s5+$0x0] =	vst v56;
	v56 =	vmul.f32 $3.333333430e-01, v57;
	v57 =	vadd.f32 v32, v59  }
0xd9: {  	v15 =	vld [tilespmem:s23+$0x1080];
	s6 =	sor.u32 s1, s22;
	s15 =	sor.u32 s1, s28;
	s25 =	sor.u32 s4, s10;
	[tilespmem:s13+$0x0] =	vst v49  }
0xda: {  	v27 =	vld [tilespmem:s23+$0x200];
	s28 =	sor.u32 $0xB080, s8;
	s26 =	sor.u32 s1, s31;
	s31 =	sor.u32 s4, s22;
	v50 =	vadd.f32 v34, v50;
	v46 =	vadd.f32 v31, v46;
	[tilespmem:s25+$0x0] =	vst v56;
	v49 =	vmul.f32 $2.500000000e-01, v57  }
0xdb: {  	v11 =	vld [tilespmem:s23+$0x1000];
	[smem:$0x7F5] =	sst s15;
	s9 =	sor.u32 s4, s28;
	s15 =	sor.u32 s4, s2;
	[tilespmem:s31+$0x0] =	vst v40  }
0xdc: {  	v43 =	vld [tilespmem:s23+$0x2100];
	s22 =	sor.u32 $0xB200, s8;
	s30 =	sor.u32 s1, s10;
	s10 =	sor.u32 $0xB180, s8;
	v63 =	vmul.f32 $2.500000000e-01, v50;
	v46 =	vadd.f32 v26, v46;
	[tilespmem:s9+$0x0] =	vst v49  }
0xdd: {  	v28 =	vld [tilespmem:s23+$0x280];
	[smem:$0x7E0] =	sst s26;
	s26 =	sor.u32 $0xB280, s8;
	s25 =	sor.u32 s4, s10;
	[tilespmem:s15+$0x0] =	vst v42  }
0xde: {  	v12 =	vld [tilespmem:s23+$0x1200];
	s5 =	smov.u32 s17;
	s17 =	sor.u32 s1, s28;
	s28 =	sor.u32 s4, s22;
	v40 =	vadd.f32 v32, v40;
	v46 =	vmul.f32 $2.500000000e-01, v46;
	[tilespmem:s25+$0x0] =	vst v63  }
0xdf: {  	v16 =	vld [tilespmem:s23+$0x1100];
	s31 =	sor.u32 s1, s2;
	s2 =	sor.u32 $0xB300, s8;
	s9 =	sor.u32 s4, s26;
	v42 =	vadd.f32 v32, v42;
	[tilespmem:s28+$0x0] =	vst v38  }
0xe0: {  	v45 =	vld [tilespmem:s23+$0x2080];
	v55 =	vadd.f32 v5, v11;
	s18 =	sor.u32 s1, s10;
	s10 =	sor.u32 $0xC000, s8;
	s11 =	sor.u32 s4, s2;
	v40 =	vmul.f32 $5.000000000e-01, v40;
	[tilespmem:s9+$0x0] =	vst v46  }
0xe1: {  	v10 =	vld [tilespmem:s23+$0x2000];
	v60 =	vadd.f32 v43, v4;
	s13 =	sor.u32 s1, s26;
	s26 =	sor.u32 s4, s10;
	s25 =	sor.u32 $0xC080, s8;
	v42 =	vadd.f32 v34, v42;
	[tilespmem:s11+$0x0] =	vst v31  }
0xe2: {  	v48 =	vld [tilespmem:s23+$0x2200];
	v50 =	vadd.f32 v27, v52;
	s28 =	smov.u32 s16;
	s16 =	sor.u32 s1, s22;
	v38 =	vadd.f32 v34, v38;
	s15 =	sor.u32 s4, s25;
	[tilespmem:s26+$0x0] =	vst v40  }
0xe3: {  	v44 =	vld [tilespmem:s23+$0x2280];
	v52 =	vadd.f32 v12, v55;
	v55 =	vadd.f32 v33, v60;
	s9 =	sor.u32 $0xC100, s8;
	v60 =	vmul.f32 $3.333333430e-01, v42;
	s26 =	sor.u32 s1, s10;
	s10 =	smov.u32 s19;
	[tilespmem:s15+$0x0] =	vst v32  }
0xe4: {  	v22 =	vld [tilespmem:s23+$0x1280];
	s11 =	sor.u32 s1, s2;
	s2 =	smov.u32 s24;
	v38 =	vadd.f32 v26, v38;
	s22 =	sor.u32 s4, s9;
	[tilespmem:s10+$0x0] =	vst v24  }
0xe5: {  	v51 =	vadd.f32 v27, v30;
	v61 =	vadd.f32 v45, v0;
	s24 =	smov.u32 s21;
	s19 =	sor.u32 $0xC180, s8;
	s15 =	sor.u32 s1, s25;
	[tilespmem:s22+$0x0] =	vst v60  }
0xe6: {  	v54 =	vadd.f32 v28, v29;
	v53 =	vadd.f32 v13, v27;
	s25 =	sor.u32 $0xC200, s8;
	s3 =	sor.u32 s4, s19;
	v38 =	vmul.f32 $3.333333430e-01, v38;
	s10 =	sld [smem:$0x7DE];
	[tilespmem:s24+$0x0] =	vst v1  }
0xe7: {  	v58 =	vadd.f32 v4, v12;
	v61 =	vadd.f32 v43, v61;
	s22 =	sor.u32 s1, s9;
	s9 =	sor.u32 s4, s25;
	[tilespmem:s3+$0x0] =	vst v34  }
0xe8: {  	v62 =	vadd.f32 v33, v10;
	v31 =	vadd.f32 v26, v31;
	s21 =	sor.u32 $0xC280, s8;
	[tilespmem:s9+$0x0] =	vst v38  }
0xe9: {  	v54 =	vadd.f32 v35, v54;
	v61 =	vadd.f32 v44, v61;
	s9 =	sor.u32 s4, s21;
	[tilespmem:s10+$0x0] =	vst v14  }
0xea: {  	v59 =	vadd.f32 v11, v28;
	v56 =	vadd.f32 v16, v13;
	v31 =	vmul.f32 $5.000000000e-01, v31;
	s24 =	sld [smem:$0x7DF];
	s3 =	sor.u32 s1, s19;
	s19 =	sor.u32 $0xC300, s8;
	[tilespmem:s9+$0x0] =	vst v26  }
0xeb: {  	v57 =	vadd.f32 v12, v15;
	v49 =	vadd.f32 v10, v58;
	s4 =	sor.u32 s4, s19;
	[tilespmem:s5+$0x0] =	vst v2  }
0xec: {  	v58 =	vadd.f32 v37, v33;
	v47 =	vadd.f32 v4, v52;
	[tilespmem:s4+$0x0] =	vst v31  }
0xed: {  	v63 =	vadd.f32 v37, v55;
	v46 =	vadd.f32 v28, v51;
	[tilespmem:s24+$0x0] =	vst v18  }
0xee: {  	v51 =	vadd.f32 v48, v62;
	v62 =	vadd.f32 v10, v22;
	[tilespmem:s20+$0x0] =	vst v3  }
0xef: {  	v42 =	vadd.f32 v11, v53;
	v53 =	vadd.f32 v15, v59;
	[tilespmem:s28+$0x0] =	vst v17  }
0xf0: {  	v59 =	vadd.f32 v30, v36;
	v36 =	vadd.f32 v13, v50;
	s0 =	sor.u32 s1, s25;
	s8 =	sor.u32 s1, s21;
	s28 =	rddreg [dreg:$0x15];
	[tilespmem:s29+$0x0] =	vst v6  }
0xf1: {  	v40 =	vadd.f32 v5, v56;
	v56 =	vadd.f32 v22, v57;
	s1 =	sor.u32 s1, s19;
	s19 =	smov.u32 s30;
	s30 =	rddreg [dreg:$0x13];
	[tilespmem:s28+$0x0] =	vst v23  }
0xf2: {  	v57 =	vadd.f32 v0, v16;
	s21 =	smov.u32 s6;
	s6 =	smov.u32 s3;
	s3 =	sld [smem:$0x7E2];
	v26 =	vadd.f32 v29, v30;
	[tilespmem:s2+$0x0] =	vst v8  }
0xf3: {  	v1 =	vmov v45;
	s10 =	smov.u32 s17;
	s17 =	smov.u32 s31;
	s31 =	rddreg [dreg:$0x11];
	v31 =	vadd.f32 v43, v41;
	v41 =	vadd.f32 v44, v43;
	[tilespmem:s30+$0x0] =	vst v21  }
0xf4: {  	v2 =	vmov v43;
	s9 =	smov.u32 s22;
	s22 =	sld [smem:$0x7E3];
	v43 =	vadd.f32 v1, v57;
	v57 =	vadd.f32 v27, v59;
	[tilespmem:s31+$0x0] =	vst v7  }
0xf5: {  	v50 =	vadd.f32 v39, v51;
	v60 =	vadd.f32 v13, v25;
	v18 =	vmul.f32 $2.500000000e-01, v63;
	s4 =	rddreg [dreg:$0xf];
	[tilespmem:s3+$0x0] =	vst v19  }
0xf6: {  	v63 =	vadd.f32 v39, v58;
	v58 =	vadd.f32 v28, v26;
	s20 =	smov.u32 s11;
	s11 =	smov.u32 s8;
	s8 =	rddreg [dreg:$0xe];
	v21 =	vmul.f32 $3.333333430e-01, v57;
	[tilespmem:s4+$0x0] =	vst v9  }
0xf7: {  	v46 =	vadd.f32 v11, v46;
	v38 =	vmul.f32 $2.500000000e-01, v47;
	v47 =	vadd.f32 v16, v60;
	v6 =	vmovc v48;
	[tilespmem:s8+$0x0] =	vst v20  }
0xf8: {  	v59 =	vadd.f32 v35, v29;
	v60 =	vadd.f32 v6, v62;
	v62 =	vmul.f32 $3.333333430e-01, v58;
	[tilespmem:s23+$0x6100] =	vst v21  }
0xf9: {  	v32 =	vadd.f32 v15, v35;
	v24 =	vmul.f32 $2.500000000e-01, v61;
	v61 =	vadd.f32 v15, v54;
	s28 =	sld [smem:$0x7E4];
	[tilespmem:s22+$0x6000] =	vst v30  }
0xfa: {  	v42 =	vadd.f32 v5, v42;
	v19 =	vmul.f32 $3.333333430e-01, v63;
	v63 =	vmul.f32 $5.000000000e-01, v59;
	[tilespmem:s23+$0x6200] =	vst v62  }
0xfb: {  	v45 =	vmul.f32 $2.500000000e-01, v36;
	v46 =	vmul.f32 $2.500000000e-01, v46;
	v32 =	vadd.f32 v22, v32;
	[tilespmem:s23+$0x6280] =	vst v29  }
0xfc: {  	v52 =	vadd.f32 v12, v53;
	v51 =	vmul.f32 $2.500000000e-01, v61;
	v26 =	vmul.f32 $2.500000000e-01, v42;
	[tilespmem:s28+$0x6000] =	vst v63  }
0xfd: {  	s7 =	sadd.s32 $0x2, s7;
	v42 =	vmul.f32 $3.333333430e-01, v32;
	v34 =	vmul.f32 $2.500000000e-01, v31;
	v31 =	vadd.f32 v33, v49;
	s30 =	sld [smem:$0x7E5];
	[tilespmem:s23+$0x7080] =	vst v45  }
0xfe: {  	p0 =	slt.u32 s7, $0x1E;
	v40 =	vadd.f32 v0, v40;
	v32 =	vmul.f32 $3.333333430e-01, v47;
	v17 =	vmul.f32 $2.500000000e-01, v50;
	[tilespmem:s23+$0x7000] =	vst v25  }
.Ltmp2:
0xff: {  	s25 =	sld [smem:$0x7DD];
	v14 =	vmovc v24;
	v24 =	vadd.f32 v10, v56;
	v3 =	vmovc v33;
	v33 =	vmul.f32 $3.333333430e-01, v43;
	v36 =	vmul.f32 $2.500000000e-01, v31;
	[tilespmem:s23+$0x7100] =	vst v27;
	(pc) =	sbr.rel @p0 .LBB2_3-.Ltmp2, $4  }
0x100: {  	s14 =	sadd.s32 $0x20, s14;
	s12 =	sadd.s32 $0x100, s12;
	v23 =	vadd.f32 v37, v41;
	v61 =	vadd.f32 v39, v6;
	v31 =	vmul.f32 $2.500000000e-01, v52;
	v8 =	vmovc v44;
	s31 =	sld [smem:$0x7E6];
	[tilespmem:s30+$0x6000] =	vst v46  }
0x101: {  	s5 =	smov.u32 s18;
	s18 =	smov.u32 s16;
	s16 =	smov.u32 s13;
	v41 =	vmul.f32 $2.500000000e-01, v40;
	v40 =	vmul.f32 $2.500000000e-01, v24;
	v44 =	vadd.f32 v8, v1;
	[tilespmem:s23+$0x7200] =	vst v28  }
0x102: {  	s13 =	smov.u32 s26;
	s26 =	sld [smem:$0x7E1];
	s24 =	smov.u32 s15;
	v24 =	vmul.f32 $3.333333430e-01, v60;
	v20 =	vmul.f32 $5.000000000e-01, v61;
	[tilespmem:s23+$0x7280] =	vst v51  }
0x103: {  	s15 =	smov.u32 s0;
	s29 =	sld [smem:$0x7E0];
	v7 =	vmovc v37;
	s3 =	smov.u32 s1;
	v9 =	vmov v39;
	v21 =	vmul.f32 $3.333333430e-01, v23;
	v23 =	vmul.f32 $5.000000000e-01, v44;
	[tilespmem:s31+$0x6000] =	vst v35  }
0x104: {  	[tilespmem:s23+$0x8000] =	vst v32  }
0x105: {  	[tilespmem:s23+$0x8080] =	vst v13  }
0x106: {  	[tilespmem:s23+$0x8100] =	vst v26  }
0x107: {  	s0 =	rddreg [dreg:$0x4]  }
0x108: {  	[tilespmem:s0+$0x6000] =	vst v11  }
0x109: {  	[tilespmem:s23+$0x8200] =	vst v31  }
0x10a: {  	[tilespmem:s23+$0x8280] =	vst v15  }
0x10b: {  	s0 =	rddreg [dreg:$0x5]  }
0x10c: {  	[tilespmem:s0+$0x6000] =	vst v42  }
0x10d: {  	[tilespmem:s26+$0x0] =	vst v16  }
0x10e: {  	s0 =	rddreg [dreg:$0x16]  }
0x10f: {  	[tilespmem:s0+$0x0] =	vst v41  }
0x110: {  	s0 =	rddreg [dreg:$0x17]  }
0x111: {  	[tilespmem:s0+$0x0] =	vst v5  }
0x112: {  	s0 =	rddreg [dreg:$0x1b]  }
0x113: {  	[tilespmem:s0+$0x0] =	vst v38  }
0x114: {  	[tilespmem:s25+$0x0] =	vst v12  }
0x115: {  	s0 =	rddreg [dreg:$0x1e]  }
0x116: {  	[tilespmem:s0+$0x0] =	vst v40  }
0x117: {  	s0 =	rddreg [dreg:$0x1f]  }
0x118: {  	[tilespmem:s0+$0x0] =	vst v22  }
0x119: {  	s0 =	sld [smem:$0x7F1];
	_ =	sdelay $0x2  }
0x11a: {  	[tilespmem:s0+$0x0] =	vst v33  }
0x11b: {  	s0 =	sld [smem:$0x7F2];
	_ =	sdelay $0x2  }
0x11c: {  	[tilespmem:s0+$0x0] =	vst v0  }
0x11d: {  	s0 =	sld [smem:$0x7F3];
	_ =	sdelay $0x2  }
0x11e: {  	[tilespmem:s0+$0x0] =	vst v34  }
0x11f: {  	s0 =	sld [smem:$0x7F4];
	_ =	sdelay $0x2  }
0x120: {  	[tilespmem:s0+$0x0] =	vst v4  }
0x121: {  	s0 =	sld [smem:$0x7F5];
	_ =	sdelay $0x2  }
0x122: {  	[tilespmem:s0+$0x0] =	vst v36  }
0x123: {  	[tilespmem:s29+$0x0] =	vst v10  }
0x124: {  	[tilespmem:s19+$0x0] =	vst v24  }
0x125: {  	[tilespmem:s21+$0x0] =	vst v1  }
0x126: {  	[tilespmem:s10+$0x0] =	vst v14  }
0x127: {  	[tilespmem:s17+$0x0] =	vst v2  }
0x128: {  	[tilespmem:s5+$0x0] =	vst v18  }
0x129: {  	[tilespmem:s18+$0x0] =	vst v3  }
0x12a: {  	[tilespmem:s16+$0x0] =	vst v17  }
0x12b: {  	[tilespmem:s20+$0x0] =	vst v6  }
0x12c: {  	[tilespmem:s13+$0x0] =	vst v23  }
0x12d: {  	s0 =	sld [smem:$0x7EA];
	[tilespmem:s24+$0x0] =	vst v8  }
0x12e: {  	s1 =	sld [smem:$0x7EB];
	[tilespmem:s9+$0x0] =	vst v21  }
0x12f: {  	s4 =	sld [smem:$0x7E7];
	_ =	sdelay $0x2  }
0x130: {  	[tilespmem:s6+$0x0] =	vst v7;
	s2 =	sshll.u32 s4, $0xD  }
0x131: {  	[tilespmem:s15+$0x0] =	vst v19;
	s22 =	sand.u32 $0x6000, s2  }
0x132: {  	s0 =	sand.u32 $0x1, s0;
	[smem:$0x7B4] =	sst s22  }
0x133: {  	s1 =	smul.u32 $0x70000, s1;
	p0 =	seq.s32 s0, $0x1;
	s0 =	simm.s32 $0x38000;
	[tilespmem:s11+$0x0] =	vst v9  }
0x134: {  	s0 =	simm.s32 @!p0 $0x0;
	[tilespmem:s3+$0x0] =	vst v20  }
0x135: {  	s0 =	sadd.s32 s0, s1;
	s23 =	sld [smem:$0x7F9]  }
0x136: {  	s0 =	sor.u32 s22, s0  }
0x137: {  	s26 =	simm.s32 $0x6000;
	s0 =	sshrl.u32 s0, $0x3  }
0x138: {  	s25 =	simm.s32 $0x8000;
	s24 =	simm.s32 $0x1000;
	s0 =	sadd.s32 s23, s0  }
0x139: {  	[hbm4b:s0+s24] =	stream.strided.scatter [tilespmem:s26], [sflag:$0x3], $0x7000, s25, s24, $0x38;
	[tilespmem:$0x14000] =	vst v63  }
0x13a: {  	s0 =	sld [smem:$0x7E8]  }
0x13b: {  	s1 =	sld [smem:$0x7FD]  }
0x13c: {  	p0 =	seq.s32 s4, $0xF  }
0x13d: {  	s0 =	sadd.s32 @!p0 $0x2, s0  }
0x13e: {  	s1 =	sadd.s32 @!p0 s1, s0  }
0x13f: {  	s2 =	sshll.u32 @!p0 s0, $0x1C;
	s1 =	sshrl.u32 @!p0 s1, $0x4  }
0x140: {  	s2 =	sshra.s32 @!p0 s2, $0x1F;
	s1 =	smul.u32 @!p0 $0x30000, s1  }
0x141: {  	s0 =	sshll.u32 @!p0 s0, $0xC;
	s2 =	sand.u32 @!p0 $0x18000, s2  }
0x142: {  	s0 =	sand.u32 @!p0 $0x6000, s0;
	s1 =	sadd.s32 @!p0 s2, s1  }
0x143: {  	s5 =	simm.s32 $0x2;
	s0 =	sor.u32 @!p0 s0, s1  }
0x144: {  	s3 =	simm.s32 @!p0 $0x0;
	s1 =	rddreg [dreg:$0x0];
	s0 =	sshrl.u32 @!p0 s0, $0x3  }
0x145: {  	s2 =	simm.s32 @!p0 $0x8000;
	s0 =	sadd.s32 @!p0 s1, s0;
	s1 =	simm.s32 @!p0 $0x1000  }
0x146: {  	[tilespmem:s3], [sflag:$0x1] =	stream.strided.gather @!p0 [hbm4b:s0+s1], $0x3000, s2, s1, $0x38;
	[tilespmem:$0x14000] =	vst v63  }
0x147: {  	_ =	swait.ge [sflag:s5], $0x3000  }
0x148: {  	s6 =	simm.s32 $0x0;
	[sflag:s5] =	ssyncset.done $0x0  }
0x149: {  	s3 =	simm.s32 @!p1 $0x4;
	s1 =	sand.u32 $0xC00, s6;
	[sflag:s5] =	ssyncadd.s32 $0xFFFFD000  }
0x14a: {  	s2 =	sand.u32 $0x60, s6;
	s24 =	sor.u32 $0x5380, s1;
	_ =	swait.ge @!p1 [sflag:s3], $0x7000  }
0x14b: {  	s0 =	sor.u32 $0x10, s2;
	s9 =	sor.u32 $0x5200, s1;
	[sflag:s3] =	ssyncset.done @!p1 $0x0  }
0x14c: {  	s7 =	sor.u32 s0, s24;
	[sflag:s3] =	ssyncadd.s32 @!p1 $0xFFFF9000;
	s3 =	sor.u32 $0x3300, s1  }
0x14d: {  	s26 =	sor.u32 $0x4280, s1;
	s8 =	sor.u32 s0, s3;
	v16 =	vld [tilespmem:s7+$0x0];
	[smem:$0x7B5] =	sst s9  }
0x14e: {  	s10 =	sor.u32 s0, s26;
	v7 =	vld [tilespmem:s8+$0x0]  }
0x14f: {  	s31 =	sor.u32 $0x5280, s1;
	s11 =	sor.u32 s0, s9;
	v1 =	vld [tilespmem:s10+$0x0]  }
0x150: {  	s28 =	sor.u32 $0x5300, s1;
	s12 =	sor.u32 s0, s31;
	v21 =	vld [tilespmem:s11+$0x0]  }
0x151: {  	s20 =	sor.u32 $0x3000, s1;
	s13 =	sor.u32 s0, s28;
	v23 =	vld [tilespmem:s12+$0x0]  }
0x152: {  	s21 =	sor.u32 $0x3080, s1;
	s14 =	sor.u32 s0, s20;
	v15 =	vld [tilespmem:s13+$0x0]  }
0x153: {  	s18 =	sor.u32 $0x3100, s1;
	s15 =	sor.u32 s0, s21;
	v4 =	vld [tilespmem:s14+$0x0]  }
0x154: {  	s19 =	sor.u32 $0x3180, s1;
	s16 =	sor.u32 s0, s18;
	v5 =	vld [tilespmem:s15+$0x0]  }
0x155: {  	s17 =	sor.u32 $0x3200, s1;
	s22 =	sor.u32 s0, s19;
	v6 =	vld [tilespmem:s16+$0x0]  }
0x156: {  	s23 =	sor.u32 s0, s17;
	s16 =	sor.u32 $0x3280, s1;
	v9 =	vld [tilespmem:s22+$0x0]  }
0x157: {  	s15 =	sor.u32 $0x3380, s1;
	v11 =	vld [tilespmem:s23+$0x0];
	s25 =	sor.u32 s0, s16  }
0x158: {  	s14 =	sor.u32 $0x4000, s1;
	s5 =	sor.u32 s0, s15;
	v12 =	vld [tilespmem:s25+$0x0]  }
0x159: {  	s12 =	sor.u32 $0x4080, s1;
	s6 =	sor.u32 s0, s14;
	v8 =	vld [tilespmem:s5+$0x0]  }
0x15a: {  	s13 =	sor.u32 $0x4100, s1;
	s7 =	sor.u32 s0, s12;
	v10 =	vld [tilespmem:s6+$0x0]  }
0x15b: {  	s11 =	sor.u32 $0x4180, s1;
	s8 =	sor.u32 s0, s13;
	v0 =	vld [tilespmem:s7+$0x0]  }
0x15c: {  	s10 =	sor.u32 $0x4200, s1;
	s9 =	sor.u32 s0, s11;
	v48 =	vld [tilespmem:s8+$0x0]  }
0x15d: {  	s22 =	sor.u32 s0, s10;
	s5 =	sor.u32 $0x4300, s1;
	v49 =	vld [tilespmem:s9+$0x0]  }
0x15e: {  	s9 =	sor.u32 $0x4380, s1;
	v22 =	vld [tilespmem:s22+$0x0];
	s23 =	sor.u32 s0, s5  }
0x15f: {  	s8 =	sor.u32 $0x5000, s1;
	s25 =	sor.u32 s0, s9;
	v20 =	vld [tilespmem:s23+$0x0]  }
0x160: {  	s7 =	sor.u32 $0x5080, s1;
	s6 =	sor.u32 s0, s8;
	v31 =	vld [tilespmem:s25+$0x0]  }
0x161: {  	s4 =	sor.u32 $0x5180, s1;
	s22 =	sor.u32 s0, s7;
	v29 =	vld [tilespmem:s6+$0x0]  }
0x162: {  	s6 =	sor.u32 $0x5100, s1;
	v2 =	vld [tilespmem:s22+$0x0];
	s23 =	sor.u32 s0, s4;
	v13 =	vadd.f32 v9, v4  }
0x163: {  	s22 =	sor.u32 s0, s6;
	v3 =	vld [tilespmem:s23+$0x0];
	s23 =	sor.u32 $0xD000, s1  }
0x164: {  	s20 =	sor.u32 s2, s20;
	v14 =	vadd.f32 v5, v4;
	v28 =	vld [tilespmem:s22+$0x0];
	[smem:$0x7B6] =	sst s23;
	s22 =	sor.u32 $0xD080, s1;
	v17 =	vmul.f32 $5.000000000e-01, v13  }
0x165: {  	s25 =	sor.u32 s2, s21;
	s23 =	sor.u32 s0, s23;
	v26 =	vld [tilespmem:s20+$0x0];
	[smem:$0x7B7] =	sst s22  }
0x166: {  	v14 =	vadd.f32 v11, v14;
	v24 =	vld [tilespmem:s25+$0x0];
	s25 =	sor.u32 $0xD100, s1;
	[tilespmem:s23+$0x0] =	vst v17  }
0x167: {  	s22 =	sor.u32 s0, s22;
	[smem:$0x7B8] =	sst s25  }
0x168: {  	s21 =	sor.u32 $0xD180, s1;
	v18 =	vadd.f32 v6, v5;
	v14 =	vmul.f32 $3.333333430e-01, v14;
	[tilespmem:s22+$0x0] =	vst v4  }
0x169: {  	s25 =	sor.u32 s0, s25;
	[smem:$0x7B9] =	sst s21  }
0x16a: {  	s19 =	sor.u32 s2, s19;
	v17 =	vadd.f32 v12, v18;
	s22 =	sor.u32 $0xD200, s1;
	[tilespmem:s25+$0x0] =	vst v14  }
0x16b: {  	s23 =	sor.u32 s0, s21;
	v18 =	vld [tilespmem:s19+$0x0];
	[smem:$0x7BA] =	sst s22  }
0x16c: {  	s18 =	sor.u32 s2, s18;
	v14 =	vmul.f32 $3.333333430e-01, v17;
	s25 =	sor.u32 $0xD280, s1;
	[tilespmem:s23+$0x0] =	vst v5  }
0x16d: {  	v19 =	vadd.f32 v11, v5;
	s20 =	sor.u32 s0, s22;
	v25 =	vld [tilespmem:s18+$0x0];
	[smem:$0x7BB] =	sst s25  }
0x16e: {  	s17 =	sor.u32 s2, s17;
	v4 =	vadd.f32 v7, v6;
	s21 =	sor.u32 $0xD300, s1;
	[tilespmem:s20+$0x0] =	vst v14  }
0x16f: {  	v17 =	vadd.f32 v12, v19;
	s22 =	sor.u32 s0, s25;
	v19 =	vld [tilespmem:s17+$0x0];
	[smem:$0x7BC] =	sst s21  }
0x170: {  	s16 =	sor.u32 s2, s16;
	v13 =	vadd.f32 v11, v13;
	v4 =	vmul.f32 $5.000000000e-01, v4;
	s23 =	sor.u32 $0xE000, s1;
	[tilespmem:s22+$0x0] =	vst v6  }
0x171: {  	s25 =	sor.u32 s0, s21;
	v14 =	vadd.f32 v10, v17;
	v17 =	vld [tilespmem:s16+$0x0];
	[smem:$0x7BD] =	sst s23  }
0x172: {  	s15 =	sor.u32 s2, s15;
	v13 =	vadd.f32 v8, v13;
	s16 =	sor.u32 $0xE080, s1;
	[tilespmem:s25+$0x0] =	vst v4  }
0x173: {  	v5 =	vadd.f32 v12, v6;
	s17 =	sor.u32 s0, s23;
	v4 =	vld [tilespmem:s15+$0x0];
	[smem:$0x7BE] =	sst s16  }
0x174: {  	s19 =	sor.u32 $0xE100, s1;
	v6 =	vmul.f32 $2.500000000e-01, v13;
	[tilespmem:s17+$0x0] =	vst v9  }
0x175: {  	v5 =	vadd.f32 v7, v5;
	s20 =	sor.u32 s0, s16;
	[smem:$0x7BF] =	sst s19  }
0x176: {  	s14 =	sor.u32 s2, s14;
	s21 =	sor.u32 $0xE180, s1;
	[tilespmem:s20+$0x0] =	vst v6  }
0x177: {  	v13 =	vadd.f32 v8, v9;
	s22 =	sor.u32 s0, s19;
	v9 =	vadd.f32 v0, v5;
	v5 =	vld [tilespmem:s14+$0x0];
	[smem:$0x7C0] =	sst s21  }
0x178: {  	v14 =	vmul.f32 $2.500000000e-01, v14;
	s23 =	sor.u32 $0xE200, s1;
	[tilespmem:s22+$0x0] =	vst v11  }
0x179: {  	s25 =	sor.u32 s0, s21;
	[smem:$0x7C1] =	sst s23  }
0x17a: {  	s13 =	sor.u32 s2, s13;
	s15 =	sor.u32 $0xE280, s1;
	[tilespmem:s25+$0x0] =	vst v14  }
0x17b: {  	s17 =	sor.u32 s0, s23;
	v6 =	vld [tilespmem:s13+$0x0];
	[smem:$0x7C2] =	sst s15  }
0x17c: {  	s12 =	sor.u32 s2, s12;
	v50 =	vadd.f32 v8, v11;
	s18 =	sor.u32 $0xE300, s1;
	v11 =	vadd.f32 v48, v13;
	v13 =	vmul.f32 $2.500000000e-01, v9;
	[tilespmem:s17+$0x0] =	vst v12  }
0x17d: {  	s19 =	sor.u32 s0, s15;
	v14 =	vld [tilespmem:s12+$0x0];
	[smem:$0x7C3] =	sst s18  }
0x17e: {  	s11 =	sor.u32 s2, s11;
	s20 =	sor.u32 $0xF000, s1;
	[tilespmem:s19+$0x0] =	vst v13  }
0x17f: {  	v37 =	vadd.f32 v10, v50;
	s21 =	sor.u32 s0, s18;
	v9 =	vld [tilespmem:s11+$0x0];
	[smem:$0x7C4] =	sst s20  }
0x180: {  	s10 =	sor.u32 s2, s10;
	s22 =	sor.u32 $0xF080, s1;
	v11 =	vmul.f32 $3.333333430e-01, v11;
	[tilespmem:s21+$0x0] =	vst v7  }
0x181: {  	v35 =	vadd.f32 v10, v12;
	v37 =	vadd.f32 v49, v37;
	s23 =	sor.u32 s0, s20;
	v13 =	vld [tilespmem:s10+$0x0];
	[smem:$0x7C5] =	sst s22  }
0x182: {  	s5 =	sor.u32 s2, s5;
	s25 =	sor.u32 $0xF100, s1;
	[tilespmem:s23+$0x0] =	vst v11  }
0x183: {  	v51 =	vadd.f32 v0, v7;
	v12 =	vadd.f32 v0, v35;
	s12 =	sor.u32 s0, s22;
	v7 =	vld [tilespmem:s5+$0x0];
	v11 =	vmul.f32 $2.500000000e-01, v37;
	[smem:$0x7C6] =	sst s25  }
0x184: {  	s14 =	sor.u32 s0, s25;
	[tilespmem:s12+$0x0] =	vst v8  }
0x185: {  	s16 =	sor.u32 $0xF200, s1;
	s13 =	sor.u32 s2, s9;
	v12 =	vadd.f32 v22, v12;
	s23 =	sor.u32 $0xF180, s1;
	[tilespmem:s14+$0x0] =	vst v11  }
0x186: {  	v39 =	vadd.f32 v48, v8;
	s17 =	sor.u32 s0, s23;
	v8 =	vld [tilespmem:s13+$0x0];
	[smem:$0x7C7] =	sst s16  }
0x187: {  	s15 =	sor.u32 s2, s8;
	s19 =	sor.u32 $0xF280, s1;
	v11 =	vmul.f32 $2.500000000e-01, v12;
	[tilespmem:s17+$0x0] =	vst v10  }
0x188: {  	v39 =	vadd.f32 v49, v39;
	v38 =	vadd.f32 v1, v51;
	s20 =	sor.u32 s0, s16;
	v12 =	vld [tilespmem:s15+$0x0];
	[smem:$0x7C8] =	sst s19  }
0x189: {  	v52 =	vadd.f32 v49, v10;
	s18 =	sor.u32 s2, s7;
	s22 =	sor.u32 $0xF300, s1;
	[tilespmem:s20+$0x0] =	vst v11  }
0x18a: {  	v39 =	vadd.f32 v20, v39;
	v38 =	vmul.f32 $3.333333430e-01, v38;
	s25 =	sor.u32 s0, s19;
	v10 =	vld [tilespmem:s18+$0x0];
	[smem:$0x7C9] =	sst s22  }
0x18b: {  	s21 =	sor.u32 s2, s6;
	v37 =	vadd.f32 v22, v52;
	s6 =	sor.u32 s0, s22;
	s16 =	sor.u32 $0x10000, s1;
	[tilespmem:s25+$0x0] =	vst v0  }
0x18c: {  	v54 =	vmul.f32 $2.500000000e-01, v39;
	s17 =	sor.u32 $0x10080, s1;
	s7 =	sor.u32 s0, s16;
	[tilespmem:s6+$0x0] =	vst v38  }
0x18d: {  	v53 =	vadd.f32 v22, v0;
	v37 =	vadd.f32 v31, v37;
	s8 =	sor.u32 s0, s17;
	[tilespmem:s7+$0x0] =	vst v48  }
0x18e: {  	s4 =	sor.u32 s2, s4;
	s9 =	sor.u32 $0x10180, s1;
	v11 =	vld [tilespmem:s21+$0x0];
	s21 =	sor.u32 $0x10100, s1;
	[tilespmem:s8+$0x0] =	vst v54  }
0x18f: {  	v42 =	vadd.f32 v1, v53;
	v37 =	vmul.f32 $2.500000000e-01, v37;
	v0 =	vld [tilespmem:s4+$0x0];
	s10 =	sor.u32 s0, s21;
	[smem:$0x7CD] =	sst s9  }
0x190: {  	s11 =	sor.u32 s0, s9;
	[tilespmem:s10+$0x0] =	vst v49  }
0x191: {  	v42 =	vadd.f32 v29, v42;
	s12 =	sor.u32 $0x10280, s1;
	s18 =	sor.u32 $0x10200, s1;
	[tilespmem:s11+$0x0] =	vst v37  }
0x192: {  	s13 =	sor.u32 s0, s18;
	[smem:$0x7CF] =	sst s12  }
0x193: {  	v55 =	vadd.f32 v20, v48;
	v56 =	vadd.f32 v20, v49;
	v60 =	vmul.f32 $2.500000000e-01, v42;
	s14 =	sor.u32 $0x10300, s1;
	[tilespmem:s13+$0x0] =	vst v22  }
0x194: {  	s15 =	sor.u32 s0, s12;
	[smem:$0x7D0] =	sst s14  }
0x195: {  	s3 =	sor.u32 s2, s3;
	v58 =	vadd.f32 v31, v56;
	v39 =	vadd.f32 v2, v55;
	s19 =	sor.u32 $0x11000, s1;
	[tilespmem:s15+$0x0] =	vst v60  }
0x196: {  	v57 =	vadd.f32 v31, v22;
	s20 =	sor.u32 s0, s14;
	v22 =	vld [tilespmem:s3+$0x0];
	[smem:$0x7D1] =	sst s19  }
0x197: {  	v32 =	vadd.f32 v28, v58;
	v62 =	vmul.f32 $3.333333430e-01, v39;
	s22 =	sor.u32 $0x11080, s1;
	[tilespmem:s20+$0x0] =	vst v1  }
0x198: {  	v38 =	vadd.f32 v29, v57;
	s6 =	sor.u32 s0, s19;
	[smem:$0x7D2] =	sst s22  }
0x199: {  	v32 =	vmul.f32 $2.500000000e-01, v32;
	s25 =	sor.u32 $0x11100, s1;
	s7 =	sor.u32 s0, s22;
	[tilespmem:s6+$0x0] =	vst v62  }
0x19a: {  	v38 =	vadd.f32 v3, v38;
	s9 =	sor.u32 s0, s25;
	[tilespmem:s7+$0x0] =	vst v20  }
0x19b: {  	v63 =	vadd.f32 v29, v1;
	s8 =	sor.u32 s2, s26;
	s26 =	sor.u32 $0x11180, s1;
	s10 =	sor.u32 $0x11200, s1;
	[tilespmem:s9+$0x0] =	vst v32  }
0x19c: {  	v52 =	vmul.f32 $2.500000000e-01, v38;
	s11 =	sor.u32 s0, s26;
	v1 =	vadd.f32 v2, v20;
	v20 =	vld [tilespmem:s8+$0x0];
	[smem:$0x7D3] =	sst s10  }
0x19d: {  	s30 =	sor.u32 $0x11280, s1;
	v39 =	vadd.f32 v21, v63;
	s12 =	sor.u32 s0, s10;
	[tilespmem:s11+$0x0] =	vst v31  }
0x19e: {  	s13 =	sor.u32 s0, s30;
	[tilespmem:s12+$0x0] =	vst v52  }
0x19f: {  	s29 =	sor.u32 $0x11300, s1;
	v54 =	vmul.f32 $3.333333430e-01, v39;
	s14 =	sor.u32 $0x12000, s1;
	[tilespmem:s13+$0x0] =	vst v29  }
0x1a0: {  	s15 =	sor.u32 s0, s29;
	[smem:$0x7D4] =	sst s14  }
0x1a1: {  	v1 =	vadd.f32 v28, v1;
	[tilespmem:s15+$0x0] =	vst v54  }
0x1a2: {  	v51 =	vadd.f32 v28, v31;
	s3 =	sld [smem:$0x7B5]  }
0x1a3: {  	s19 =	sor.u32 $0x12080, s1;
	v1 =	vadd.f32 v23, v1  }
0x1a4: {  	v53 =	vadd.f32 v3, v29;
	v37 =	vadd.f32 v3, v51;
	s4 =	sor.u32 s0, s14;
	[smem:$0x7D5] =	sst s19  }
0x1a5: {  	s20 =	sor.u32 $0x12100, s1;
	v56 =	vmul.f32 $2.500000000e-01, v1;
	[tilespmem:s4+$0x0] =	vst v2;
	s3 =	sor.u32 s2, s3  }
0x1a6: {  	v55 =	vadd.f32 v15, v37;
	s22 =	sor.u32 s0, s19;
	v29 =	vadd.f32 v21, v53;
	v1 =	vld [tilespmem:s3+$0x0];
	[smem:$0x7D6] =	sst s20  }
0x1a7: {  	s6 =	sor.u32 $0x12180, s1;
	[tilespmem:s22+$0x0] =	vst v56  }
0x1a8: {  	v57 =	vmul.f32 $2.500000000e-01, v55;
	v29 =	vadd.f32 v16, v29;
	s4 =	sor.u32 s0, s20;
	[smem:$0x7D8] =	sst s6  }
0x1a9: {  	s5 =	sor.u32 s0, s6;
	s22 =	sor.u32 $0x12200, s1;
	[tilespmem:s4+$0x0] =	vst v28  }
0x1aa: {  	v29 =	vmul.f32 $2.500000000e-01, v29;
	s20 =	sor.u32 $0x12280, s1;
	s8 =	sor.u32 s0, s22;
	[tilespmem:s5+$0x0] =	vst v57  }
0x1ab: {  	s19 =	sor.u32 $0x12300, s1;
	s10 =	sor.u32 s0, s20;
	s5 =	sld [smem:$0x7B6];
	[tilespmem:s8+$0x0] =	vst v3  }
0x1ac: {  	v58 =	vadd.f32 v23, v28;
	s14 =	sor.u32 s0, s19;
	v28 =	vadd.f32 v23, v2;
	s9 =	sld [smem:$0x7B7];
	[tilespmem:s10+$0x0] =	vst v29  }
0x1ad: {  	s13 =	sor.u32 s2, s24;
	s12 =	sld [smem:$0x7B8];
	[tilespmem:s14+$0x0] =	vst v21  }
0x1ae: {  	s24 =	sor.u32 s2, s31;
	s15 =	sor.u32 $0x13000, s1;
	v28 =	vmul.f32 $5.000000000e-01, v28;
	s4 =	sld [smem:$0x7B9]  }
0x1af: {  	v2 =	vld [tilespmem:s24+$0x0];
	s24 =	sor.u32 s0, s15  }
0x1b0: {  	v59 =	vadd.f32 v10, v7;
	[tilespmem:s24+$0x0] =	vst v28  }
0x1b1: {  	s14 =	sor.u32 $0x13080, s1;
	s10 =	sor.u32 s2, s4;
	s4 =	sld [smem:$0x7BA]  }
0x1b2: {  	s7 =	sor.u32 s2, s28;
	v32 =	vadd.f32 v11, v59;
	v59 =	vadd.f32 v15, v58;
	s6 =	sor.u32 s0, s14  }
0x1b3: {  	s11 =	sor.u32 s2, s5;
	s3 =	sor.u32 s2, s9;
	s9 =	sor.u32 $0x13100, s1;
	[tilespmem:s6+$0x0] =	vst v23  }
0x1b4: {  	v28 =	vmul.f32 $3.333333430e-01, v59;
	s5 =	sor.u32 s2, s12;
	s12 =	sor.u32 s2, s4;
	s4 =	sld [smem:$0x7BB]  }
0x1b5: {  	v60 =	vadd.f32 v15, v3;
	v3 =	vld [tilespmem:s7+$0x0];
	s7 =	sor.u32 s0, s9  }
0x1b6: {  	[tilespmem:s7+$0x0] =	vst v28  }
0x1b7: {  	s8 =	sor.u32 $0x13180, s1;
	s24 =	sor.u32 s2, s4;
	s4 =	sld [smem:$0x7BC]  }
0x1b8: {  	v41 =	vadd.f32 v6, v4;
	s6 =	sor.u32 s0, s8  }
0x1b9: {  	[tilespmem:s6+$0x0] =	vst v15  }
0x1ba: {  	v38 =	vadd.f32 v9, v41;
	v41 =	vadd.f32 v16, v60;
	s28 =	sor.u32 s2, s4;
	s4 =	sld [smem:$0x7BD];
	_ =	sdelay $0x1  }
0x1bb: {  	v28 =	vmul.f32 $3.333333430e-01, v41;
	s7 =	sor.u32 $0x13200, s1  }
0x1bc: {  	s31 =	sor.u32 s2, s4;
	s4 =	sor.u32 s0, s7  }
0x1bd: {  	[tilespmem:s4+$0x0] =	vst v28  }
0x1be: {  	s4 =	sld [smem:$0x7BE];
	_ =	sdelay $0x2  }
0x1bf: {  	s6 =	sor.u32 $0x13280, s1;
	s4 =	sor.u32 s2, s4  }
0x1c0: {  	[smem:$0x7D7] =	sst s4;
	s4 =	sor.u32 $0x13300, s1;
	s1 =	sor.u32 s0, s6  }
0x1c1: {  	[tilespmem:s1+$0x0] =	vst v16  }
0x1c2: {  	s1 =	sld [smem:$0x7BF];
	_ =	sdelay $0x2  }
0x1c3: {  	v15 =	vld [tilespmem:s13+$0x0];
	s13 =	sor.u32 s2, s1;
	s1 =	sld [smem:$0x7C0]  }
0x1c4: {  	v21 =	vadd.f32 v16, v21;
	_ =	sdelay $0x1  }
0x1c5: {  	v21 =	vmul.f32 $5.000000000e-01, v21;
	s1 =	sor.u32 s2, s1  }
0x1c6: {  	s0 =	sor.u32 s0, s4;
	[smem:$0x7D9] =	sst s1  }
0x1c7: {  	[tilespmem:s0+$0x0] =	vst v21  }
0x1c8: {  	s0 =	sld [smem:$0x7C1];
	_ =	sdelay $0x1  }
0x1c9: {  	s1 =	sld [smem:$0x7C2]  }
0x1ca: {  	s0 =	sor.u32 s2, s0  }
0x1cb: {  	[smem:$0x7DA] =	sst s0  }
0x1cc: {  	s0 =	sor.u32 s2, s1;
	s1 =	sld [smem:$0x7C3]  }
0x1cd: {  	v30 =	vadd.f32 v18, v26;
	_ =	sdelay $0x1  }
0x1ce: {  	v23 =	vmul.f32 $5.000000000e-01, v30;
	[smem:$0x7DC] =	sst s0;
	s0 =	sor.u32 s2, s1  }
0x1cf: {  	[dreg:$0x14] =	wrdreg s0  }
0x1d0: {  	[tilespmem:s11+$0x0] =	vst v23  }
0x1d1: {  	s1 =	sld [smem:$0x7C4];
	_ =	sdelay $0x1  }
0x1d2: {  	s11 =	sld [smem:$0x7C5]  }
0x1d3: {  	s0 =	sor.u32 s2, s1;
	s1 =	sld [smem:$0x7C6];
	_ =	sdelay $0x1  }
0x1d4: {  	[dreg:$0x18] =	wrdreg s0;
	s0 =	sor.u32 s2, s11  }
0x1d5: {  	[dreg:$0x19] =	wrdreg s0;
	s0 =	sor.u32 s2, s1  }
0x1d6: {  	[dreg:$0x1a] =	wrdreg s0  }
0x1d7: {  	[tilespmem:s3+$0x0] =	vst v26  }
0x1d8: {  	v27 =	vadd.f32 v24, v26;
	s11 =	sld [smem:$0x7C7]  }
0x1d9: {  	s1 =	sld [smem:$0x7C8]  }
0x1da: {  	v27 =	vadd.f32 v19, v27  }
0x1db: {  	s0 =	sor.u32 s2, s11  }
0x1dc: {  	v27 =	vmul.f32 $3.333333430e-01, v27;
	[dreg:$0x1c] =	wrdreg s0;
	s0 =	sor.u32 s2, s1  }
0x1dd: {  	[dreg:$0x1d] =	wrdreg s0  }
0x1de: {  	[tilespmem:s5+$0x0] =	vst v27  }
0x1df: {  	s3 =	sld [smem:$0x7C9];
	_ =	sdelay $0x1  }
0x1e0: {  	s5 =	sor.u32 s2, s17  }
0x1e1: {  	v61 =	vadd.f32 v11, v8;
	[smem:$0x7CB] =	sst s5;
	s0 =	sor.u32 s2, s3  }
0x1e2: {  	v40 =	vadd.f32 v5, v17;
	[smem:$0x7CA] =	sst s0  }
0x1e3: {  	v42 =	vadd.f32 v0, v61;
	v61 =	vadd.f32 v25, v24;
	[tilespmem:s10+$0x0] =	vst v24  }
0x1e4: {  	s11 =	sld [smem:$0x7CD]  }
0x1e5: {  	v37 =	vadd.f32 v14, v40;
	v59 =	vadd.f32 v17, v61  }
0x1e6: {  	v36 =	vadd.f32 v19, v24;
	s10 =	sor.u32 s2, s21  }
0x1e7: {  	v16 =	vadd.f32 v13, v37;
	v37 =	vmul.f32 $3.333333430e-01, v59;
	[smem:$0x7CC] =	sst s10;
	s0 =	sor.u32 s2, s11  }
0x1e8: {  	v36 =	vadd.f32 v17, v36;
	[smem:$0x7CE] =	sst s0  }
0x1e9: {  	v61 =	vadd.f32 v22, v25;
	[tilespmem:s12+$0x0] =	vst v37  }
0x1ea: {  	v34 =	vadd.f32 v17, v25;
	v36 =	vadd.f32 v5, v36;
	s12 =	sld [smem:$0x7CF]  }
0x1eb: {  	v35 =	vadd.f32 v4, v19;
	v27 =	vadd.f32 v2, v32;
	v32 =	vmul.f32 $5.000000000e-01, v61;
	s17 =	sld [smem:$0x7D0]  }
0x1ec: {  	v43 =	vadd.f32 v9, v5;
	v44 =	vadd.f32 v13, v14;
	s21 =	sld [smem:$0x7D1];
	[tilespmem:s24+$0x0] =	vst v25  }
0x1ed: {  	v46 =	vadd.f32 v8, v13;
	v48 =	vadd.f32 v19, v30;
	s1 =	sld [smem:$0x7D2];
	[tilespmem:s28+$0x0] =	vst v32  }
0x1ee: {  	v45 =	vadd.f32 v7, v9;
	v39 =	vadd.f32 v13, v43;
	s3 =	sld [smem:$0x7D3]  }
0x1ef: {  	v43 =	vadd.f32 v12, v46;
	v54 =	vadd.f32 v4, v48;
	[tilespmem:s31+$0x0] =	vst v18  }
0x1f0: {  	v63 =	vadd.f32 v7, v6;
	v47 =	vadd.f32 v0, v12;
	s10 =	sor.u32 s2, s12;
	s12 =	sor.u32 s2, s21;
	s21 =	sld [smem:$0x7D7]  }
0x1f1: {  	v60 =	vadd.f32 v0, v43;
	v62 =	vadd.f32 v14, v22;
	v56 =	vmul.f32 $2.500000000e-01, v54;
	s28 =	sor.u32 s2, s3;
	s3 =	sld [smem:$0x7D6]  }
0x1f2: {  	v58 =	vadd.f32 v8, v39;
	v31 =	vadd.f32 v22, v34;
	s11 =	sor.u32 s2, s17;
	s17 =	sld [smem:$0x7D5]  }
0x1f3: {  	v34 =	vadd.f32 v5, v35;
	v35 =	vadd.f32 v8, v45;
	s5 =	sld [smem:$0x7D4];
	[tilespmem:s21+$0x0] =	vst v56  }
0x1f4: {  	v45 =	vadd.f32 v4, v18;
	v40 =	vadd.f32 v20, v44;
	s24 =	sor.u32 s2, s1;
	s31 =	sor.u32 s2, s3;
	s3 =	sld [smem:$0x7D8];
	[tilespmem:s13+$0x0] =	vst v19  }
0x1f5: {  	v52 =	vadd.f32 v12, v20;
	v34 =	vadd.f32 v9, v34;
	s1 =	sor.u32 s2, s17;
	s17 =	sor.u32 s2, s22;
	s22 =	sld [smem:$0x7D9]  }
0x1f6: {  	v35 =	vadd.f32 v11, v35;
	v57 =	vmul.f32 $2.500000000e-01, v36;
	v29 =	vadd.f32 v1, v47  }
0x1f7: {  	s23 =	sor.u32 s2, s23;
	s16 =	sor.u32 s2, s16;
	v39 =	vmul.f32 $2.500000000e-01, v58;
	v53 =	vadd.f32 v2, v11;
	v55 =	vadd.f32 v3, v0  }
0x1f8: {  	s18 =	sor.u32 s2, s18;
	s25 =	sor.u32 s2, s25;
	v36 =	vmul.f32 $2.500000000e-01, v35;
	v28 =	vadd.f32 v14, v31;
	v21 =	vadd.f32 v7, v38;
	s21 =	sor.u32 s2, s19;
	[tilespmem:s22+$0x0] =	vst v57  }
0x1f9: {  	v35 =	vmul.f32 $2.500000000e-01, v60;
	v30 =	vadd.f32 v1, v52;
	v41 =	vadd.f32 v3, v53;
	s19 =	sor.u32 s2, s15;
	s15 =	sor.u32 s2, s8;
	s8 =	sld [smem:$0x7DA]  }
0x1fa: {  	s26 =	sor.u32 s2, s26;
	s30 =	sor.u32 s2, s30;
	s29 =	sor.u32 s2, s29;
	v28 =	vmul.f32 $2.500000000e-01, v28;
	v38 =	vmul.f32 $2.500000000e-01, v21;
	v21 =	vadd.f32 v6, v45  }
0x1fb: {  	v23 =	vadd.f32 v12, v40;
	v26 =	vmul.f32 $2.500000000e-01, v34;
	v34 =	vmul.f32 $2.500000000e-01, v27;
	s0 =	sor.u32 s2, s5;
	s5 =	sor.u32 s2, s20;
	s20 =	sor.u32 s2, s9  }
0x1fc: {  	v27 =	vmul.f32 $3.333333430e-01, v30;
	v24 =	vmul.f32 $2.500000000e-01, v16;
	v16 =	vadd.f32 v3, v42;
	s9 =	sor.u32 s2, s6;
	s6 =	sor.u32 s2, s4;
	s13 =	sor.u32 s2, s14;
	[tilespmem:s8+$0x0] =	vst v17  }
0x1fd: {  	v29 =	vadd.f32 v15, v29;
	v37 =	vmul.f32 $2.500000000e-01, v23;
	v23 =	vmul.f32 $3.333333430e-01, v21;
	s14 =	sor.u32 s2, s7;
	s3 =	sor.u32 s2, s3;
	s2 =	sld [smem:$0x7E9]  }
0x1fe: {  	v25 =	vadd.f32 v20, v62;
	v62 =	vadd.f32 v10, v63;
	v32 =	vmul.f32 $2.500000000e-01, v16  }
0x1ff: {  	v16 =	vadd.f32 v2, v10;
	v18 =	vmul.f32 $2.500000000e-01, v29;
	v29 =	vadd.f32 v15, v1;
	s22 =	sld [smem:$0x7DC]  }
0x200: {  	v63 =	vadd.f32 v15, v55;
	v25 =	vmul.f32 $3.333333430e-01, v25;
	v40 =	vmul.f32 $3.333333430e-01, v62;
	s2 =	sshrl.u32 s2, $0x4  }
0x201: {  	v21 =	vmul.f32 $5.000000000e-01, v16;
	v16 =	vmul.f32 $5.000000000e-01, v29;
	[smem:$0x7DB] =	sst s2  }
0x202: {  	s4 =	simm.s32 $0x0;
	v19 =	vmul.f32 $3.333333430e-01, v41;
	s7 =	simm.s32 $0x100;
	v17 =	vmul.f32 $3.333333430e-01, v63;
	s8 =	simm.s32 $0x20;
	[tilespmem:s22+$0x0] =	vst v28  }
.LBB2_5:
0x203: {  	[dreg:$0x12] =	wrdreg s17  }
0x204: {  	[dreg:$0x10] =	wrdreg s5  }
0x205: {  	[dreg:$0xd] =	wrdreg s20  }
0x206: {  	[dreg:$0xc] =	wrdreg s13  }
0x207: {  	[dreg:$0xb] =	wrdreg s15  }
0x208: {  	[dreg:$0xa] =	wrdreg s21  }
0x209: {  	[dreg:$0x9] =	wrdreg s19  }
0x20a: {  	[dreg:$0x8] =	wrdreg s14  }
0x20b: {  	[dreg:$0x7] =	wrdreg s9  }
0x20c: {  	[dreg:$0x6] =	wrdreg s6  }
0x20d: {  	s14 =	rddreg [dreg:$0x14]  }
0x20e: {  	s15 =	rddreg [dreg:$0x18]  }
0x20f: {  	s2 =	sand.u32 $0x60, s8;
	s9 =	sand.u32 $0xC00, s7;
	s20 =	rddreg [dreg:$0x19]  }
0x210: {  	[tilespmem:s14+$0x0] =	vst v22;
	s22 =	sor.u32 $0x5380, s9;
	s6 =	sor.u32 $0x10, s2;
	s17 =	sor.u32 $0x3300, s9  }
0x211: {  	s14 =	sor.u32 $0x4280, s9;
	[tilespmem:s15+$0x0] =	vst v23;
	s19 =	sor.u32 s2, s22;
	s15 =	rddreg [dreg:$0x1a]  }
0x212: {  	s22 =	sor.u32 s6, s22;
	s13 =	sor.u32 s2, s17;
	[smem:$0x7A4] =	sst s19  }
0x213: {  	s21 =	sor.u32 s6, s17;
	s17 =	sor.u32 s2, s14;
	[smem:$0x79F] =	sst s13  }
0x214: {  	[tilespmem:s20+$0x0] =	vst v4;
	[smem:$0x7A0] =	sst s17;
	s20 =	sor.u32 $0x5200, s9;
	s19 =	sor.u32 s6, s14  }
0x215: {  	s14 =	sor.u32 $0x5280, s9;
	s17 =	rddreg [dreg:$0x1c];
	s13 =	sor.u32 s2, s20  }
0x216: {  	[tilespmem:s15+$0x0] =	vst v26;
	s15 =	sor.u32 s6, s20;
	s20 =	sor.u32 s2, s14;
	[smem:$0x7A1] =	sst s13  }
0x217: {  	v23 =	vld [tilespmem:s22+$0x0];
	[smem:$0x7A2] =	sst s20  }
0x218: {  	v22 =	vld [tilespmem:s21+$0x0];
	s22 =	sor.u32 $0x5300, s9;
	[tilespmem:s23+$0x0] =	vst v5;
	s20 =	sld [smem:$0x7CA]  }
0x219: {  	v33 =	vld [tilespmem:s19+$0x0];
	s23 =	sor.u32 s6, s14;
	s14 =	rddreg [dreg:$0x1d];
	[tilespmem:s17+$0x0] =	vst v24;
	s17 =	sor.u32 s2, s22  }
0x21a: {  	s21 =	sor.u32 $0x3080, s9;
	v24 =	vld [tilespmem:s15+$0x0];
	s15 =	sor.u32 $0x3000, s9;
	[tilespmem:s14+$0x0] =	vst v14;
	[smem:$0x7A3] =	sst s17  }
0x21b: {  	s19 =	sor.u32 s2, s21;
	v26 =	vld [tilespmem:s23+$0x0];
	s14 =	sor.u32 s6, s15;
	s17 =	sld [smem:$0x7CB];
	[tilespmem:s20+$0x0] =	vst v25  }
0x21c: {  	s13 =	sor.u32 s6, s22;
	v14 =	vld [tilespmem:s14+$0x0];
	s14 =	sld [smem:$0x7CC];
	[tilespmem:s16+$0x0] =	vst v6;
	s16 =	sor.u32 s6, s21  }
0x21d: {  	s22 =	sor.u32 $0x3100, s9;
	s23 =	sor.u32 s2, s15;
	v29 =	vld [tilespmem:s16+$0x0];
	s16 =	sld [smem:$0x7CE]  }
0x21e: {  	v25 =	vld [tilespmem:s13+$0x0];
	s20 =	sor.u32 $0x3180, s9;
	s13 =	sor.u32 s6, s22;
	s21 =	sor.u32 s2, s22;
	[tilespmem:s17+$0x0] =	vst v38  }
0x21f: {  	v4 =	vld [tilespmem:s13+$0x0];
	s15 =	sor.u32 s6, s20;
	s17 =	sor.u32 $0x3280, s9;
	[tilespmem:s14+$0x0] =	vst v9;
	s14 =	sor.u32 $0x3200, s9  }
0x220: {  	s22 =	sor.u32 s2, s20;
	v5 =	vld [tilespmem:s15+$0x0];
	s5 =	sor.u32 s6, s17;
	s15 =	sor.u32 s6, s14;
	[tilespmem:s16+$0x0] =	vst v39  }
0x221: {  	s20 =	sor.u32 s2, s14;
	s14 =	sor.u32 $0x4080, s9;
	s16 =	sor.u32 $0x3380, s9;
	v6 =	vld [tilespmem:s15+$0x0];
	[tilespmem:s18+$0x0] =	vst v13  }
0x222: {  	s15 =	sor.u32 $0x4000, s9;
	s18 =	sor.u32 s2, s17;
	v13 =	vld [tilespmem:s5+$0x0];
	s13 =	sor.u32 s6, s16;
	[tilespmem:s10+$0x0] =	vst v37  }
0x223: {  	s17 =	sor.u32 s2, s16;
	s16 =	sor.u32 s2, s15;
	v46 =	vld [tilespmem:s13+$0x0];
	s10 =	sor.u32 s6, s15;
	[tilespmem:s11+$0x0] =	vst v20  }
0x224: {  	s15 =	sor.u32 s2, s14;
	s13 =	sor.u32 s6, s14;
	v42 =	vld [tilespmem:s10+$0x0];
	[tilespmem:s12+$0x0] =	vst v40;
	s12 =	sor.u32 $0x4100, s9  }
0x225: {  	s11 =	sor.u32 $0x4180, s9;
	v20 =	vld [tilespmem:s13+$0x0];
	[tilespmem:s24+$0x0] =	vst v7;
	s14 =	sor.u32 s2, s12;
	s12 =	sor.u32 s6, s12  }
0x226: {  	s13 =	sor.u32 s2, s11;
	s24 =	sor.u32 $0x4200, s9;
	[tilespmem:s25+$0x0] =	vst v36;
	v45 =	vld [tilespmem:s12+$0x0];
	s25 =	sor.u32 s6, s11  }
0x227: {  	s12 =	sor.u32 s2, s24;
	s10 =	sor.u32 s6, s24;
	s24 =	sor.u32 $0x5000, s9;
	[tilespmem:s26+$0x0] =	vst v8;
	v43 =	vld [tilespmem:s25+$0x0]  }
0x228: {  	s26 =	sor.u32 $0x4300, s9;
	v44 =	vld [tilespmem:s10+$0x0];
	s5 =	sor.u32 s2, s24;
	s24 =	sor.u32 s6, s24;
	[tilespmem:s28+$0x0] =	vst v35  }
0x229: {  	s25 =	sor.u32 $0x4380, s9;
	s11 =	sor.u32 s2, s26;
	s26 =	sor.u32 s6, s26;
	v39 =	vld [tilespmem:s24+$0x0];
	[tilespmem:s30+$0x0] =	vst v12  }
0x22a: {  	s10 =	sor.u32 s2, s25;
	s25 =	sor.u32 s6, s25;
	v41 =	vld [tilespmem:s26+$0x0];
	s26 =	sor.u32 $0x5080, s9;
	[tilespmem:s29+$0x0] =	vst v27  }
0x22b: {  	v40 =	vld [tilespmem:s25+$0x0];
	s25 =	sor.u32 $0x5100, s9;
	s24 =	sor.u32 s6, s26;
	[tilespmem:s0+$0x0] =	vst v10  }
0x22c: {  	s0 =	sor.u32 s2, s26;
	s26 =	sor.u32 $0x5180, s9;
	v36 =	vld [tilespmem:s24+$0x0];
	[tilespmem:s1+$0x0] =	vst v34;
	s1 =	sor.u32 s6, s25  }
0x22d: {  	s28 =	sor.u32 $0xD000, s9;
	s29 =	sor.u32 s6, s26;
	[tilespmem:s31+$0x0] =	vst v11;
	v37 =	vld [tilespmem:s1+$0x0]  }
0x22e: {  	v7 =	vadd.f32 v5, v14;
	v8 =	vadd.f32 v29, v14;
	s30 =	sor.u32 s6, s28;
	s24 =	sor.u32 $0xD080, s9;
	s1 =	sor.u32 s2, s25;
	v35 =	vld [tilespmem:s29+$0x0];
	[tilespmem:s3+$0x0] =	vst v32  }
0x22f: {  	s25 =	sor.u32 $0xD100, s9;
	s29 =	sor.u32 s6, s24;
	s24 =	sor.u32 s2, s24;
	v32 =	vld [tilespmem:s23+$0x0]  }
0x230: {  	v9 =	vmul.f32 $5.000000000e-01, v7;
	v8 =	vadd.f32 v6, v8;
	s3 =	sor.u32 s2, s26;
	s26 =	sor.u32 s6, s25;
	[smem:$0x7A6] =	sst s24;
	v27 =	vld [tilespmem:s19+$0x0]  }
0x231: {  	v10 =	vadd.f32 v4, v29;
	s25 =	sor.u32 s2, s25;
	s23 =	sor.u32 $0xD180, s9;
	s19 =	sor.u32 s2, s28;
	v28 =	vld [tilespmem:s21+$0x0]  }
0x232: {  	v8 =	vmul.f32 $3.333333430e-01, v8;
	[tilespmem:s30+$0x0] =	vst v9;
	s21 =	sor.u32 $0xD280, s9;
	[smem:$0x7A9] =	sst s25;
	v30 =	vld [tilespmem:s20+$0x0];
	s20 =	sor.u32 $0xE000, s9  }
0x233: {  	v9 =	vadd.f32 v13, v10;
	[tilespmem:s29+$0x0] =	vst v14;
	v31 =	vld [tilespmem:s18+$0x0];
	s18 =	sor.u32 $0xE080, s9;
	[smem:$0x7A5] =	sst s19;
	s19 =	sor.u32 $0xD200, s9  }
0x234: {  	[tilespmem:s26+$0x0] =	vst v8;
	s26 =	sor.u32 s6, s23;
	s25 =	sor.u32 s2, s23;
	s23 =	sor.u32 s6, s20  }
0x235: {  	v10 =	vadd.f32 v22, v4;
	v8 =	vmul.f32 $3.333333430e-01, v9;
	s24 =	sor.u32 s2, s21;
	[tilespmem:s26+$0x0] =	vst v29;
	s26 =	sor.u32 s6, s19;
	[smem:$0x7AA] =	sst s25  }
0x236: {  	v7 =	vadd.f32 v6, v7;
	v9 =	vadd.f32 v6, v29;
	v29 =	vld [tilespmem:s22+$0x0];
	s22 =	sor.u32 $0xD300, s9;
	s19 =	sor.u32 s2, s19;
	[smem:$0x7AC] =	sst s24  }
0x237: {  	[tilespmem:s26+$0x0] =	vst v8;
	s26 =	sor.u32 s6, s21;
	v8 =	vmul.f32 $5.000000000e-01, v10;
	[smem:$0x7AB] =	sst s19;
	s21 =	sor.u32 $0xE180, s9  }
0x238: {  	v7 =	vadd.f32 v46, v7;
	[tilespmem:s26+$0x0] =	vst v4;
	s26 =	sor.u32 s6, s22;
	s24 =	sor.u32 s6, s21;
	s21 =	sor.u32 s2, s21  }
0x239: {  	v11 =	vadd.f32 v13, v4;
	v9 =	vadd.f32 v13, v9;
	v4 =	vld [tilespmem:s17+$0x0];
	s17 =	sor.u32 $0xE100, s9;
	[tilespmem:s26+$0x0] =	vst v8;
	s26 =	sor.u32 s2, s22;
	[smem:$0x7B1] =	sst s21  }
0x23a: {  	v7 =	vmul.f32 $2.500000000e-01, v7;
	s22 =	sor.u32 s6, s17;
	s17 =	sor.u32 s2, s17;
	[smem:$0x7AD] =	sst s26  }
0x23b: {  	s25 =	sor.u32 s6, s18;
	v8 =	vadd.f32 v42, v9;
	[tilespmem:s23+$0x0] =	vst v5;
	s23 =	sor.u32 s2, s20;
	[smem:$0x7B0] =	sst s17  }
0x23c: {  	s19 =	sor.u32 $0xE300, s9;
	[tilespmem:s25+$0x0] =	vst v7;
	[smem:$0x7AE] =	sst s23;
	s25 =	sor.u32 s2, s18  }
0x23d: {  	v9 =	vadd.f32 v22, v11;
	v7 =	vmul.f32 $2.500000000e-01, v8;
	s23 =	sor.u32 s6, s19;
	s19 =	sor.u32 s2, s19;
	[smem:$0x7AF] =	sst s25  }
0x23e: {  	v14 =	vld [tilespmem:s15+$0x0];
	s15 =	sor.u32 $0xE200, s9;
	s17 =	sor.u32 $0xF100, s9;
	[tilespmem:s22+$0x0] =	vst v6;
	[dreg:$0x14] =	wrdreg s19  }
0x23f: {  	v8 =	vadd.f32 v20, v9;
	v9 =	vadd.f32 v46, v6;
	v6 =	vld [tilespmem:s14+$0x0];
	s14 =	sor.u32 $0xE280, s9;
	s19 =	sld [smem:$0x7A0];
	[tilespmem:s24+$0x0] =	vst v7;
	s24 =	sor.u32 s2, s15  }
0x240: {  	v10 =	vadd.f32 v46, v5;
	v5 =	vld [tilespmem:s16+$0x0];
	s25 =	sor.u32 $0xF080, s9;
	s16 =	sor.u32 s2, s14;
	[smem:$0x7B2] =	sst s24  }
0x241: {  	v11 =	vadd.f32 v42, v13;
	s18 =	sor.u32 s6, s25;
	s25 =	sor.u32 s2, s25;
	[smem:$0x7B3] =	sst s16  }
0x242: {  	s26 =	sor.u32 s6, s15;
	v7 =	vmul.f32 $2.500000000e-01, v8;
	v8 =	vadd.f32 v45, v10;
	v10 =	vadd.f32 v42, v9;
	v9 =	vld [tilespmem:s13+$0x0];
	s13 =	sor.u32 s2, s17;
	[dreg:$0x19] =	wrdreg s25  }
0x243: {  	s20 =	sor.u32 s6, s14;
	[tilespmem:s26+$0x0] =	vst v13;
	[dreg:$0x1a] =	wrdreg s13  }
0x244: {  	s31 =	sor.u32 $0x12000, s9;
	v11 =	vadd.f32 v20, v11;
	s22 =	sor.u32 $0xF000, s9;
	s16 =	sld [smem:$0x79F];
	[tilespmem:s20+$0x0] =	vst v7;
	v12 =	vmul.f32 $3.333333430e-01, v8;
	v10 =	vadd.f32 v43, v10  }
0x245: {  	v53 =	vadd.f32 v45, v46;
	s21 =	sor.u32 s6, s17;
	s26 =	sor.u32 s6, s22;
	s25 =	sld [smem:$0x7A2];
	[tilespmem:s23+$0x0] =	vst v22  }
0x246: {  	v11 =	vadd.f32 v44, v11;
	s14 =	sor.u32 $0xF300, s9;
	s22 =	sor.u32 s2, s22;
	s13 =	sld [smem:$0x7A3];
	v22 =	vadd.f32 v20, v22;
	[tilespmem:s26+$0x0] =	vst v12;
	v47 =	vmul.f32 $2.500000000e-01, v10  }
0x247: {  	v63 =	vadd.f32 v43, v42;
	s17 =	sor.u32 $0x10000, s9;
	s20 =	sor.u32 $0xF180, s9;
	[dreg:$0x18] =	wrdreg s22;
	[tilespmem:s18+$0x0] =	vst v46  }
0x248: {  	v54 =	vadd.f32 v43, v53;
	v13 =	vld [tilespmem:s12+$0x0];
	v60 =	vmul.f32 $2.500000000e-01, v11;
	s22 =	sld [smem:$0x7A1];
	s23 =	sor.u32 $0xF200, s9;
	s24 =	sor.u32 s6, s20;
	v22 =	vadd.f32 v33, v22;
	[tilespmem:s21+$0x0] =	vst v47  }
0x249: {  	v56 =	vadd.f32 v44, v20;
	v12 =	vld [tilespmem:s5+$0x0];
	s26 =	sor.u32 $0xF280, s9;
	s12 =	sor.u32 s6, s23;
	s5 =	sor.u32 s2, s20;
	[tilespmem:s24+$0x0] =	vst v42  }
0x24a: {  	v57 =	vadd.f32 v41, v54;
	v10 =	vld [tilespmem:s0+$0x0];
	s0 =	sor.u32 s2, s23;
	s20 =	sor.u32 $0x10080, s9;
	s15 =	sor.u32 s6, s26;
	v46 =	vadd.f32 v44, v63;
	v61 =	vmul.f32 $3.333333430e-01, v22;
	[tilespmem:s12+$0x0] =	vst v60  }
0x24b: {  	v56 =	vadd.f32 v33, v56;
	s23 =	sor.u32 $0x10100, s9;
	[smem:$0x7A7] =	sst s5;
	s18 =	sor.u32 s6, s14;
	[tilespmem:s15+$0x0] =	vst v20  }
0x24c: {  	v57 =	vmul.f32 $2.500000000e-01, v57;
	v11 =	vld [tilespmem:s1+$0x0];
	[dreg:$0x1c] =	wrdreg s0;
	s1 =	sor.u32 s2, s26;
	s21 =	sor.u32 s6, s17;
	v58 =	vadd.f32 v40, v46;
	[tilespmem:s18+$0x0] =	vst v61  }
0x24d: {  	v56 =	vadd.f32 v39, v56;
	s26 =	sor.u32 $0x10180, s9;
	s5 =	sor.u32 s2, s17;
	s24 =	sor.u32 s6, s20;
	[tilespmem:s21+$0x0] =	vst v45  }
0x24e: {  	v7 =	vld [tilespmem:s11+$0x0];
	s0 =	sor.u32 s2, s20;
	[dreg:$0x1d] =	wrdreg s1;
	v60 =	vadd.f32 v41, v45;
	s12 =	sor.u32 s6, s23;
	[tilespmem:s24+$0x0] =	vst v57;
	v57 =	vmul.f32 $2.500000000e-01, v58;
	v58 =	vadd.f32 v41, v43  }
0x24f: {  	v62 =	vadd.f32 v40, v44;
	v42 =	vld [tilespmem:s3+$0x0];
	s3 =	sor.u32 s2, s14;
	s14 =	sor.u32 $0x10200, s9;
	s15 =	sor.u32 s6, s26;
	[tilespmem:s12+$0x0] =	vst v43  }
0x250: {  	v56 =	vmul.f32 $2.500000000e-01, v56;
	v47 =	vld [tilespmem:s22+$0x0];
	[smem:$0x7A8] =	sst s5;
	s17 =	sor.u32 $0x10280, s9;
	s18 =	sor.u32 s6, s14;
	[tilespmem:s15+$0x0] =	vst v57;
	v57 =	vadd.f32 v36, v60;
	v58 =	vadd.f32 v40, v58  }
0x251: {  	[smem:$0x7CB] =	sst s0;
	s20 =	sor.u32 s6, s17;
	v20 =	vld [tilespmem:s19+$0x0];
	s19 =	sor.u32 $0x10300, s9;
	[tilespmem:s18+$0x0] =	vst v44  }
0x252: {  	v62 =	vadd.f32 v39, v62;
	v22 =	vld [tilespmem:s16+$0x0];
	s16 =	sld [smem:$0x7A4];
	s22 =	sor.u32 s6, s19;
	s21 =	sor.u32 $0x11000, s9;
	[tilespmem:s20+$0x0] =	vst v56;
	v44 =	vmul.f32 $3.333333430e-01, v57;
	v56 =	vadd.f32 v37, v58  }
0x253: {  	v8 =	vld [tilespmem:s10+$0x0];
	s1 =	sor.u32 s2, s23;
	s23 =	sor.u32 $0x11080, s9;
	s24 =	sor.u32 s6, s21;
	[tilespmem:s22+$0x0] =	vst v33;
	v33 =	vadd.f32 v39, v33  }
0x254: {  	v46 =	vld [tilespmem:s25+$0x0];
	[smem:$0x7CC] =	sst s1;
	s25 =	sor.u32 $0x11100, s9;
	s15 =	sor.u32 s6, s23;
	[tilespmem:s24+$0x0] =	vst v44;
	v44 =	vmul.f32 $2.500000000e-01, v56;
	v56 =	vadd.f32 v35, v62;
	v62 =	vadd.f32 v36, v41  }
0x255: {  	s10 =	sor.u32 s2, s17;
	s1 =	sor.u32 $0x11180, s9;
	v43 =	vld [tilespmem:s16+$0x0];
	s16 =	sor.u32 s6, s25;
	[tilespmem:s15+$0x0] =	vst v41;
	v41 =	vadd.f32 v37, v40  }
0x256: {  	s17 =	sor.u32 $0x11200, s9;
	[smem:$0x7CA] =	sst s3;
	s20 =	sor.u32 s6, s1;
	v33 =	vadd.f32 v24, v33;
	[tilespmem:s16+$0x0] =	vst v44;
	v44 =	vmul.f32 $2.500000000e-01, v56;
	v62 =	vadd.f32 v37, v62  }
0x257: {  	v53 =	vadd.f32 v6, v4;
	s3 =	sor.u32 s2, s26;
	s26 =	sor.u32 s6, s17;
	s22 =	sor.u32 $0x11280, s9;
	[tilespmem:s20+$0x0] =	vst v40;
	v40 =	vadd.f32 v35, v39  }
0x258: {  	s5 =	sor.u32 $0x11300, s9;
	s0 =	sor.u32 s2, s31;
	v45 =	vld [tilespmem:s13+$0x0];
	s13 =	sor.u32 s6, s22;
	v33 =	vmul.f32 $3.333333430e-01, v33;
	v41 =	vadd.f32 v35, v41;
	[tilespmem:s26+$0x0] =	vst v44;
	v56 =	vadd.f32 v26, v62  }
0x259: {  	v54 =	vadd.f32 v13, v14;
	v59 =	vadd.f32 v7, v9;
	s28 =	sor.u32 s2, s17;
	s18 =	sor.u32 s2, s14;
	s14 =	sor.u32 s6, s5;
	[tilespmem:s13+$0x0] =	vst v39  }
0x25a: {  	s24 =	sor.u32 s2, s23;
	s23 =	sor.u32 $0x12080, s9;
	s15 =	sor.u32 s6, s31;
	v62 =	vadd.f32 v25, v41;
	v40 =	vadd.f32 v24, v40;
	[tilespmem:s14+$0x0] =	vst v33;
	v57 =	vmul.f32 $2.500000000e-01, v56  }
0x25b: {  	v61 =	vadd.f32 v8, v13;
	s12 =	sor.u32 s2, s21;
	s21 =	sor.u32 $0x12100, s9;
	v60 =	vadd.f32 v10, v7;
	s16 =	sor.u32 s6, s23;
	[tilespmem:s15+$0x0] =	vst v36  }
0x25c: {  	[smem:$0x7CE] =	sst s3;
	s3 =	sor.u32 $0x12180, s9;
	s17 =	sor.u32 s6, s21;
	v44 =	vadd.f32 v9, v53;
	v56 =	vmul.f32 $2.500000000e-01, v62;
	[tilespmem:s16+$0x0] =	vst v57;
	v57 =	vadd.f32 v23, v40  }
0x25d: {  	s20 =	sor.u32 $0x12200, s9;
	s26 =	sor.u32 s2, s1;
	v53 =	vadd.f32 v8, v59;
	s1 =	sor.u32 s6, s3;
	v39 =	vadd.f32 v12, v61;
	[tilespmem:s17+$0x0] =	vst v37  }
0x25e: {  	s29 =	sor.u32 s2, s5;
	s5 =	sor.u32 $0x12280, s9;
	s14 =	sor.u32 s6, s20;
	v36 =	vadd.f32 v26, v36;
	v37 =	vadd.f32 v26, v37;
	[tilespmem:s1+$0x0] =	vst v56;
	v59 =	vmul.f32 $2.500000000e-01, v57  }
0x25f: {  	s11 =	sor.u32 s2, s19;
	s31 =	sor.u32 s6, s5;
	s13 =	sor.u32 $0x12300, s9;
	v40 =	vadd.f32 v20, v54;
	v54 =	vadd.f32 v11, v60;
	[tilespmem:s14+$0x0] =	vst v35  }
0x260: {  	s15 =	sor.u32 s6, s13;
	v60 =	vmul.f32 $5.000000000e-01, v36;
	s1 =	sor.u32 s2, s23;
	s23 =	sor.u32 $0x13000, s9;
	v61 =	vadd.f32 v25, v37;
	v35 =	vadd.f32 v25, v35;
	[tilespmem:s31+$0x0] =	vst v59  }
0x261: {  	s16 =	sor.u32 s6, s23;
	s31 =	sor.u32 s2, s21;
	s21 =	sor.u32 $0x13080, s9;
	[tilespmem:s15+$0x0] =	vst v24  }
0x262: {  	s30 =	sor.u32 s2, s22;
	s15 =	sor.u32 $0x13100, s9;
	s17 =	sor.u32 s6, s21;
	v62 =	vmul.f32 $3.333333430e-01, v61;
	v35 =	vadd.f32 v23, v35;
	[tilespmem:s16+$0x0] =	vst v60  }
0x263: {  	s19 =	sor.u32 s2, s20;
	s16 =	sor.u32 $0x13180, s9;
	s20 =	sor.u32 s6, s15;
	[tilespmem:s17+$0x0] =	vst v26  }
0x264: {  	s22 =	sor.u32 s2, s5;
	v24 =	vadd.f32 v23, v24;
	s17 =	sor.u32 $0x13200, s9;
	s5 =	sor.u32 s6, s16;
	v26 =	vmul.f32 $3.333333430e-01, v35;
	[tilespmem:s20+$0x0] =	vst v62  }
0x265: {  	s20 =	sor.u32 $0x13280, s9;
	s14 =	sor.u32 s6, s17;
	[tilespmem:s5+$0x0] =	vst v25  }
0x266: {  	v24 =	vmul.f32 $5.000000000e-01, v24;
	s5 =	sor.u32 $0x13300, s9;
	s9 =	sor.u32 s6, s20;
	[tilespmem:s14+$0x0] =	vst v26  }
0x267: {  	v49 =	vadd.f32 v29, v32;
	s14 =	sor.u32 s2, s21;
	s21 =	sor.u32 s6, s5;
	[tilespmem:s9+$0x0] =	vst v23  }
0x268: {  	[tilespmem:s21+$0x0] =	vst v24;
	s21 =	sld [smem:$0x7A5]  }
0x269: {  	v38 =	vmul.f32 $5.000000000e-01, v49;
	s9 =	sor.u32 s2, s17;
	s17 =	sld [smem:$0x7A6];
	_ =	sdelay $0x1  }
0x26a: {  	s25 =	sor.u32 s2, s25;
	s3 =	sor.u32 s2, s3;
	s13 =	sor.u32 s2, s13;
	[tilespmem:s21+$0x0] =	vst v38  }
0x26b: {  	s23 =	sor.u32 s2, s23;
	s6 =	sor.u32 s2, s20;
	s20 =	rddreg [dreg:$0x12];
	[tilespmem:s17+$0x0] =	vst v32  }
0x26c: {  	s15 =	sor.u32 s2, s15;
	s16 =	sor.u32 s2, s16;
	s21 =	rddreg [dreg:$0x10];
	[tilespmem:s20+$0x0] =	vst v0  }
0x26d: {  	s2 =	sor.u32 s2, s5;
	s5 =	smov.u32 s22;
	s22 =	rddreg [dreg:$0xa];
	[tilespmem:s21+$0x0] =	vst v18  }
0x26e: {  	s17 =	smov.u32 s19;
	s19 =	rddreg [dreg:$0x9];
	[tilespmem:s22+$0x0] =	vst v1  }
0x26f: {  	s20 =	rddreg [dreg:$0xc];
	[tilespmem:s19+$0x0] =	vst v21  }
0x270: {  	s22 =	rddreg [dreg:$0xd];
	[tilespmem:s20+$0x0] =	vst v2  }
0x271: {  	s20 =	smov.u32 s15;
	s15 =	rddreg [dreg:$0xb];
	[tilespmem:s22+$0x0] =	vst v19  }
0x272: {  	v34 =	vadd.f32 v27, v32;
	s22 =	rddreg [dreg:$0x8];
	[tilespmem:s15+$0x0] =	vst v3  }
0x273: {  	[tilespmem:s22+$0x0] =	vst v17;
	s22 =	rddreg [dreg:$0x7]  }
0x274: {  	v18 =	vadd.f32 v30, v34;
	[tilespmem:s22+$0x0] =	vst v15;
	s22 =	rddreg [dreg:$0x6]  }
0x275: {  	[tilespmem:s22+$0x0] =	vst v16;
	s22 =	sld [smem:$0x7A9]  }
0x276: {  	v50 =	vadd.f32 v30, v27;
	v17 =	vmul.f32 $3.333333430e-01, v18;
	_ =	sdelay $0x1  }
0x277: {  	v50 =	vadd.f32 v31, v50;
	v56 =	vadd.f32 v28, v27;
	[tilespmem:s22+$0x0] =	vst v17;
	s22 =	sld [smem:$0x7AA]  }
0x278: {  	v49 =	vadd.f32 v30, v49;
	v52 =	vadd.f32 v5, v31  }
0x279: {  	v63 =	vadd.f32 v11, v8;
	v62 =	vadd.f32 v31, v56  }
0x27a: {  	v41 =	vadd.f32 v14, v52;
	v25 =	vadd.f32 v4, v49;
	[tilespmem:s22+$0x0] =	vst v27;
	s22 =	sld [smem:$0x7AB]  }
0x27b: {  	v37 =	vadd.f32 v42, v63;
	v59 =	vadd.f32 v12, v40;
	v62 =	vmul.f32 $3.333333430e-01, v62  }
0x27c: {  	v26 =	vadd.f32 v5, v50;
	v50 =	vmul.f32 $2.500000000e-01, v25;
	v25 =	vadd.f32 v13, v41  }
0x27d: {  	v57 =	vadd.f32 v14, v22;
	v63 =	vadd.f32 v7, v44;
	[tilespmem:s22+$0x0] =	vst v62;
	s22 =	sld [smem:$0x7AC]  }
0x27e: {  	v24 =	vmul.f32 $2.500000000e-01, v25;
	v25 =	vadd.f32 v45, v37;
	v37 =	vmul.f32 $2.500000000e-01, v59  }
0x27f: {  	v59 =	vadd.f32 v22, v28;
	v38 =	vmul.f32 $2.500000000e-01, v63;
	v63 =	vadd.f32 v20, v57  }
0x280: {  	v32 =	vmul.f32 $2.500000000e-01, v25;
	[tilespmem:s22+$0x0] =	vst v28;
	s22 =	sld [smem:$0x7AD]  }
0x281: {  	v25 =	vmul.f32 $3.333333430e-01, v63;
	v63 =	vmul.f32 $5.000000000e-01, v59;
	_ =	sdelay $0x1  }
0x282: {  	[tilespmem:s22+$0x0] =	vst v63;
	s22 =	sld [smem:$0x7AE]  }
0x283: {  	v48 =	vadd.f32 v31, v28  }
0x284: {  	v51 =	vadd.f32 v4, v30  }
0x285: {  	v55 =	vadd.f32 v9, v5;
	v48 =	vadd.f32 v22, v48;
	[tilespmem:s22+$0x0] =	vst v29;
	s22 =	sld [smem:$0x7AF]  }
0x286: {  	v51 =	vadd.f32 v5, v51;
	v58 =	vadd.f32 v42, v12  }
0x287: {  	v48 =	vadd.f32 v14, v48;
	v52 =	vadd.f32 v13, v55  }
0x288: {  	v55 =	vadd.f32 v47, v58;
	v58 =	vadd.f32 v7, v6;
	[tilespmem:s22+$0x0] =	vst v50;
	s22 =	sld [smem:$0x7B0]  }
0x289: {  	v33 =	vadd.f32 v12, v20;
	v36 =	vadd.f32 v4, v29  }
0x28a: {  	v44 =	vadd.f32 v8, v52;
	v23 =	vadd.f32 v9, v51  }
0x28b: {  	v48 =	vmul.f32 $2.500000000e-01, v48;
	v61 =	vadd.f32 v46, v54;
	v35 =	vadd.f32 v46, v11;
	[tilespmem:s22+$0x0] =	vst v30;
	s22 =	sld [smem:$0x7B1]  }
0x28c: {  	v41 =	vmul.f32 $2.500000000e-01, v26;
	v26 =	vmul.f32 $2.500000000e-01, v23;
	v23 =	vadd.f32 v42, v39  }
0x28d: {  	v60 =	vadd.f32 v11, v53;
	v49 =	vadd.f32 v45, v42;
	v39 =	vmul.f32 $2.500000000e-01, v44  }
0x28e: {  	s4 =	sadd.s32 $0x2, s4;
	v57 =	vadd.f32 v45, v35;
	v35 =	vmul.f32 $2.500000000e-01, v23;
	v0 =	vmovc v42;
	v42 =	vadd.f32 v43, v55;
	[tilespmem:s22+$0x0] =	vst v41;
	s22 =	sld [smem:$0x7B2]  }
0x28f: {  	p1 =	slt.u32 s4, $0x1E;
	v34 =	vmul.f32 $2.500000000e-01, v61;
	v1 =	vmovc v47;
	v47 =	vadd.f32 v6, v36;
	v21 =	vadd.f32 v10, v58  }
.Ltmp3:
0x290: {  	v36 =	vmul.f32 $2.500000000e-01, v60;
	v33 =	vadd.f32 v1, v33;
	v61 =	vadd.f32 v43, v1;
	v2 =	vmovc v46;
	(pc) =	sbr.rel @p1 .LBB2_5-.Ltmp3, $4  }
0x291: {  	s7 =	sadd.s32 $0x100, s7;
	s8 =	sadd.s32 $0x20, s8;
	v23 =	vmul.f32 $3.333333430e-01, v47;
	v60 =	vadd.f32 v2, v10;
	v40 =	vmul.f32 $3.333333430e-01, v21;
	[tilespmem:s22+$0x0] =	vst v31;
	s22 =	sld [smem:$0x7B3]  }
0x292: {  	s21 =	smov.u32 s13;
	s13 =	smov.u32 s14;
	s14 =	smov.u32 s9;
	v58 =	vadd.f32 v43, v49;
	v19 =	vmul.f32 $3.333333430e-01, v57;
	v18 =	vmul.f32 $2.500000000e-01, v42  }
0x293: {  	s9 =	smov.u32 s6;
	s19 =	smov.u32 s23;
	s23 =	sld [smem:$0x7A7];
	v21 =	vmul.f32 $5.000000000e-01, v60;
	v16 =	vmul.f32 $5.000000000e-01, v61  }
0x294: {  	s6 =	smov.u32 s2;
	v3 =	vmovc v45;
	s15 =	smov.u32 s16;
	s16 =	sld [smem:$0x7A8];
	v15 =	vmov v43;
	v17 =	vmul.f32 $3.333333430e-01, v58;
	v27 =	vmul.f32 $3.333333430e-01, v33;
	[tilespmem:s22+$0x0] =	vst v48  }
0x295: {  	s2 =	rddreg [dreg:$0x14]  }
0x296: {  	[tilespmem:s2+$0x0] =	vst v22  }
0x297: {  	s2 =	rddreg [dreg:$0x18]  }
0x298: {  	[tilespmem:s2+$0x0] =	vst v23  }
0x299: {  	s2 =	rddreg [dreg:$0x19]  }
0x29a: {  	[tilespmem:s2+$0x0] =	vst v4  }
0x29b: {  	s2 =	rddreg [dreg:$0x1a]  }
0x29c: {  	[tilespmem:s2+$0x0] =	vst v26  }
0x29d: {  	[tilespmem:s23+$0x0] =	vst v5  }
0x29e: {  	s2 =	rddreg [dreg:$0x1c]  }
0x29f: {  	[tilespmem:s2+$0x0] =	vst v24  }
0x2a0: {  	s2 =	rddreg [dreg:$0x1d]  }
0x2a1: {  	[tilespmem:s2+$0x0] =	vst v14  }
0x2a2: {  	s2 =	sld [smem:$0x7CA];
	_ =	sdelay $0x2  }
0x2a3: {  	[tilespmem:s2+$0x0] =	vst v25  }
0x2a4: {  	[tilespmem:s16+$0x0] =	vst v6  }
0x2a5: {  	s2 =	sld [smem:$0x7CB];
	_ =	sdelay $0x2  }
0x2a6: {  	[tilespmem:s2+$0x0] =	vst v38  }
0x2a7: {  	s2 =	sld [smem:$0x7CC];
	_ =	sdelay $0x2  }
0x2a8: {  	[tilespmem:s2+$0x0] =	vst v9  }
0x2a9: {  	s2 =	sld [smem:$0x7CE];
	_ =	sdelay $0x2  }
0x2aa: {  	[tilespmem:s2+$0x0] =	vst v39  }
0x2ab: {  	[tilespmem:s18+$0x0] =	vst v13  }
0x2ac: {  	[tilespmem:s10+$0x0] =	vst v37  }
0x2ad: {  	[tilespmem:s11+$0x0] =	vst v20  }
0x2ae: {  	[tilespmem:s12+$0x0] =	vst v40  }
0x2af: {  	[tilespmem:s24+$0x0] =	vst v7  }
0x2b0: {  	[tilespmem:s25+$0x0] =	vst v36  }
0x2b1: {  	[tilespmem:s26+$0x0] =	vst v8  }
0x2b2: {  	[tilespmem:s28+$0x0] =	vst v35  }
0x2b3: {  	[tilespmem:s30+$0x0] =	vst v12  }
0x2b4: {  	[tilespmem:s29+$0x0] =	vst v27  }
0x2b5: {  	[tilespmem:s0+$0x0] =	vst v10  }
0x2b6: {  	[tilespmem:s1+$0x0] =	vst v34  }
0x2b7: {  	[tilespmem:s31+$0x0] =	vst v11  }
0x2b8: {  	[tilespmem:s3+$0x0] =	vst v32  }
0x2b9: {  	[tilespmem:s17+$0x0] =	vst v0  }
0x2ba: {  	[tilespmem:s5+$0x0] =	vst v18  }
0x2bb: {  	[tilespmem:s21+$0x0] =	vst v1  }
0x2bc: {  	s12 =	sld [smem:$0x7E7];
	[tilespmem:s19+$0x0] =	vst v21  }
0x2bd: {  	s1 =	sld [smem:$0x7DB];
	[tilespmem:s13+$0x0] =	vst v2  }
0x2be: {  	[tilespmem:s20+$0x0] =	vst v19  }
0x2bf: {  	s28 =	sshll.u32 s12, $0x1D;
	[tilespmem:s15+$0x0] =	vst v3  }
0x2c0: {  	s1 =	smul.u32 $0x70000, s1;
	s0 =	sshra.s32 s28, $0x1F;
	s29 =	sld [smem:$0x7B4];
	[tilespmem:s14+$0x0] =	vst v17  }
0x2c1: {  	s0 =	sand.u32 $0x38000, s0;
	[tilespmem:s9+$0x0] =	vst v15  }
0x2c2: {  	s0 =	sadd.s32 s0, s1;
	[tilespmem:s6+$0x0] =	vst v16  }
.Ltmp4:
0x2c3: {  	s0 =	sor.u32 s0, s29;
	s30 =	sld [smem:$0x7F9];
	(pc) =	sbr.rel @p0 .LBB2_8-.Ltmp4, $4  }
0x2c4: {  	s0 =	sor.u32 $0x1000, s0  }
0x2c5: {  	s4 =	simm.s32 $0x8000;
	s0 =	sshrl.u32 s0, $0x3  }
0x2c6: {  	s31 =	simm.s32 $0xD000;
	s3 =	simm.s32 $0x1000;
	s0 =	sadd.s32 s30, s0  }
0x2c7: {  	[hbm4b:s0+s3] =	stream.strided.scatter [tilespmem:s31], [sflag:$0x4], $0x7000, s4, s3, $0x38;
	[tilespmem:$0x14000] =	vst v63  }
0x2c8: {  	s0 =	sld [smem:$0x7E8]  }
0x2c9: {  	s11 =	sld [smem:$0x7FD];
	_ =	sdelay $0x1  }
0x2ca: {  	s0 =	sadd.s32 $0x3, s0  }
0x2cb: {  	s1 =	sadd.s32 s11, s0  }
0x2cc: {  	s2 =	sshll.u32 s0, $0x1C;
	s1 =	sshrl.u32 s1, $0x4  }
0x2cd: {  	s2 =	sshra.s32 s2, $0x1F;
	s1 =	smul.u32 $0x30000, s1  }
0x2ce: {  	s0 =	sshll.u32 s0, $0xC;
	s2 =	sand.u32 $0x18000, s2  }
.Ltmp5:
0x2cf: {  	s0 =	sand.u32 $0x7000, s0;
	s1 =	sadd.s32 s2, s1;
	(pc) =	sbr.rel .LBB2_2-.Ltmp5, $4  }
0x2d0: {  	s0 =	sor.u32 s0, s1  }
0x2d1: {  	s30 =	rddreg [dreg:$0x0];
	s0 =	sshrl.u32 s0, $0x3  }
0x2d2: {  	s31 =	simm.s32 $0x3000;
	s12 =	sadd.s32 $0x1, s12;
	s0 =	sadd.s32 s30, s0  }
0x2d3: {  	[tilespmem:s31], [sflag:$0x2] =	stream.strided.gather [hbm4b:s0+s3], $0x3000, s4, s3, $0x38;
	[tilespmem:$0x14000] =	vst v63  }
.LBB2_9:
0x2d4: {  	_ =	sfence.sel $0x180000  }
0x2d5: {  	[bflag:$0x0] =	sbarrier.arrive $0xFFFF  }
0x2d6: {  	_ =	strace $0x90000047  }
0x2d7: {  	s0 =	stileid.u32;
	[bflag:$0x2] =	sbarrier.arrive $0xFFFF  }
0x2d8: {  	p0 =	sne.s32 s0, $0x0;
	s0 =	rddreg [dreg:$0x2]  }
0x2d9: {  	s0 =	sadd.s32 @!p0 $0x100000, s0  }
0x2da: {  	[sflag:s0] =	ssyncadd.tile.s32 @!p0 $0x1;
	_ =	shalt  }
.Lfunc_end2:
_tile_overlayer_lowered:
.L_overlay_start_2:
0x2db: {  	(tag) =	ssettag $0x2  }
0x2dc: {  	s0 =	rddreg [dreg:$0x0];
	s2 =	stileid.u32  }
0x2dd: {  	s1 =	rddreg [dreg:$0x1];
	p0 =	sne.s32 s2, $0x0  }
0x2de: {  	s3 =	rddreg [dreg:$0x2];
	[bflag:$0x3] =	sbarrier.arrive $0xFFFF;
	s2 =	simm.s32 @!p0 $0x1C05  }
0x2df: {  	[timem:s3], [sflag:s2] =	dma.local @!p0 [hbm:s0], s1  }
0x2e0: {  	s0 =	simm.s32 @!p0 $0x5  }
0x2e1: {  	_ =	swait.ge @!p0 [sflag:s0], s1  }
0x2e2: {  	s1 =	ssub.s32 @!p0 $0x0, s1;
	[sflag:s0] =	ssyncset.done @!p0 $0x0  }
0x2e3: {  	[sflag:s0] =	ssyncadd.s32 @!p0 s1  }
0x2e4: {  	[bflag:$0x3] =	sbarrier.arrive $0xFFFF  }
0x2e5: {  	_ =	shalt  }

// kernel: sparse-core-data-format-call.cloned.1.call-start
scs
called_computation_lowered:
.L_overlay_start_0:
0x0: {  	s2 =	sld [smem:$0x3FD9]  }
0x1: {  	s3 =	sld [smem:$0x3FFE];
	_ =	sdelay $0x1  }
0x2: {  	s1 =	srdreg.scid  }
0x3: {  	s0 =	sand.u32 $0x1, s1  }
0x4: {  	s18 =	sshll.u32 s0, $0xA;
	s2 =	sadd.s32 s3, s2  }
0x5: {  	s2 =	sadd.s32 s2, s18  }
0x6: {  	[smem:$0x3FC7] =	sst s2  }
0x7: {  	_ = 	snop  }
0x8: {  	s2 =	sld [smem:$0x3FD0];
	(tm) =	ssettm $0x1  }
0x9: {  	s19 =	sld [smem:$0x3FFB];
	_ =	sdelay $0x3  }
0xa: {  	_ =	strace s19  }
0xb: {  	s3 =	sld [smem:$0x3FFC];
	_ =	sdelay $0x3  }
0xc: {  	_ =	strace s3  }
0xd: {  	s3 =	sld [smem:$0x3FFD];
	_ =	sdelay $0x3  }
0xe: {  	_ =	strace s3  }
0xf: {  	_ =	strace $0x8FFFFFFF  }
0x10: {  	s20 =	sld [smem:$0x3FDB];
	_ =	sdelay $0x1  }
0x11: {  	s4 =	simm.s32 $_scs_section_size  }
0x12: {  	s5 =	simm.s32 $_size__tile_overlayer_lowered;
	s6 =	simm.s32 $_tile_overlayer_lowered  }
0x13: {  	s23 =	simm.s32 $0x1BFF;
	s22 =	sshll.u32 s6, $0x1;
	s3 =	sadd.s32 s4, s20  }
0x14: {  	s7 =	simm.s32 $0x0;
	s21 =	sshll.u32 s5, $0x1;
	s5 =	sadd.s32 s22, s3  }
0x15: {  	[timem:s7], [sflag:s23] =	dma.local [hbm:s5], s21  }
0x16: {  	_ =	swait.ge [sflag:s23], s21  }
0x17: {  	s4 =	ssub.s32 $0x0, s21;
	[sflag:s23] =	ssyncset.done $0x0  }
0x18: {  	[sflag:s23] =	ssyncadd.s32 s4;
	_ =	sdelay $0x1  }
0x19: {  	s24 =	simm.s32 $0x1B8B  }
0x1a: {  	_ =	swait.ge [sflag:s24], $0x1  }
0x1b: {  	[sflag:s24] =	ssyncset.done $0x0  }
0x1c: {  	s26 =	simm.s32 $0x1B8E;
	s25 =	sld [smem:$0x3FFE];
	[sflag:s24] =	ssyncadd.s32 $0xFFFFFFFF  }
0x1d: {  	s27 =	simm.s32 $execute0_lowered;
	[smem:$0x3FD2] =	sst s26  }
0x1e: {  	s5 =	sshll.u32 s27, $0x1;
	_ =	strace $0x80000049;
	[dreg:$0x1] =	wrdreg $0xFFFFFFFF  }
0x1f: {  	s28 =	simm.s32 $_size_execute0_lowered;
	s3 =	sadd.s32 s3, s5;
	[dreg:$0x0] =	wrdreg $0x0  }
0x20: {  	s5 =	sshll.u32 s28, $0x1;
	[dreg:$0x2] =	wrdreg s3  }
0x21: {  	[dreg:$0x3] =	wrdreg s5  }
0x22: {  	[dreg:$0x4] =	wrdreg $0xC0  }
0x23: {  	_ =	task [dreg:s7], $0x5FFFF  }
0x24: {  	[dreg:$0x1] =	wrdreg $0xFFFFFFFF  }
0x25: {  	[dreg:$0x0] =	wrdreg $0x60  }
0x26: {  	[dreg:$0x2] =	wrdreg s25  }
0x27: {  	[dreg:$0x3] =	wrdreg s2  }
0x28: {  	[dreg:$0x4] =	wrdreg $0x9  }
0x29: {  	_ =	task.clear_ibuf [dreg:s7], $0x5FFFF;
	_ =	strace $0x90000049  }
0x2a: {  	s29 =	simm.s32 $0x9;
	_ =	strace $0x8000004B  }
0x2b: {  	_ =	swait.ge [sflag:s29], $0x1  }
0x2c: {  	[sflag:s29] =	ssyncadd.s32 $0xFFFFFFFF  }
0x2d: {  	_ =	strace $0x9000004B  }
0x2e: {  	_ =	sfence  }
0x2f: {  	s30 =	sld [smem:$0x0];
	_ =	sdelay $0x2  }
0x30: {  	s31 =	sshll.u32 s1, $0xD;
	s1 =	sshrl.u32 s1, $0x2  }
0x31: {  	s3 =	sand.u32 $0x4000, s31;
	s1 =	sadd.s32 s1, s30  }
0x32: {  	s0 =	sor.u32 s3, s0;
	s1 =	sshll.u32 s1, $0x11  }
0x33: {  	s0 =	sor.u32 s1, s0  }
0x34: {  	s0 =	sadd.s32 $0x8F2B, s0  }
0x35: {  	[sflag:s0] =	ssyncadd.remote.s32 $0x1  }
0x36: {  	_ =	sfence.sel $0xFFFF  }
0x37: {  	[dreg:$0x0] =	wrdreg $0xFFFFFFFF;
	(pc) =	sbr.abs _section_cstart, $3  }
0x38: {  	[dreg:$0x1] =	wrdreg $0xFFFFFFFF  }
0x39: {  	_ =	task.clear_ibuf [dreg:s7], $0x2FFFF;
	_ =	strace $0x9FFFFFFF  }
0x3a: {  	(tm) =	ssettm $0x7FFFFFFF  }
0x3b: {  	_ =	shalt  }
tec
execute0_lowered:
.L_overlay_start_1:
0x0: {  	(tag) =	ssettag $0x1  }
0x1: {  	s0 =	srdreg.scid;
	s6 =	rddreg [dreg:$0x0]  }
0x2: {  	s3 =	rddreg [dreg:$0x1];
	s30 =	simm.s32 $0x2;
	s17 =	simm.s32 $0x0  }
0x3: {  	s9 =	simm.s32 $0x100;
	s10 =	simm.s32 $0x62000;
	s1 =	sshll.u32 s0, $0x4  }
0x4: {  	s16 =	simm.s32 $0x0;
	s0 =	stileid.u32;
	s1 =	sand.u32 $0x10, s1  }
0x5: {  	s18 =	simm.s32 $0x0;
	s19 =	simm.s32 $0x0;
	s1 =	sor.u32 s0, s1  }
0x6: {  	s20 =	simm.s32 $0x0;
	s11 =	simm.s32 $0x0;
	s2 =	sshll.u32 s1, $0x7  }
0x7: {  	s12 =	simm.s32 $0x0;
	s13 =	simm.s32 $0x0;
	s4 =	ssub.s32 $0x1000, s2  }
0x8: {  	s14 =	simm.s32 $0x0;
	s15 =	simm.s32 $0x0;
	s5 =	sand.u32 $0xF80, s4  }
0x9: {  	s31 =	sshll.u32 s0, $0xA;
	p0 =	sne.s32 s5, $0x0;
	s5 =	simm.s32 $0x1  }
.Ltmp0:
0xa: {  	s7 =	sshrl.u32 s4, $0xC;
	s5 =	simm.s32 @!p0 $0x0;
	(pc) =	sbr.rel .LBB1_1-.Ltmp0, $4  }
0xb: {  	s1 =	rddreg [dreg:$0x2];
	_ =	strace $0x8000004A;
	s5 =	sadd.s32 s5, s7  }
0xc: {  	s8 =	sand.u32 $0xE00, s2;
	s4 =	simm.s32 $0x1;
	s5 =	smul.u32 $0x31, s5  }
0xd: {  	s8 =	sadd.s32 s8, s6;
	s6 =	sand.u32 $0xC00, s31;
	[sflag:s4] =	ssyncpa.u1 $0x0  }
0xe: {  	[sflag:s30] =	ssyncpa.u1 $0x0;
	s7 =	sadd.s32 $0x380800, s8;
	s8 =	sadd.s32 $0x1, s5  }
.LBB1_7:
0xf: {  	s21 =	sadd.s32 $0x1, s11  }
0x10: {  	s16 =	simm.s32 $0x1;
	p1 =	sgt.s32 s21, $0x6  }
0x11: {  	s16 =	simm.s32 @!p1 $0x0  }
0x12: {  	s22 =	sadd.s32 s16, s12  }
0x13: {  	s23 =	smov.u32 s13;
	s16 =	sadd.s32 $0x2, s13;
	p2 =	sgt.s32 s22, $0x6  }
0x14: {  	s23 =	smov.u32 @p2 s16  }
0x15: {  	s24 =	smov.u32 s14;
	s16 =	sadd.s32 $0x40, s14;
	p3 =	sgt.s32 s23, $0x1  }
0x16: {  	p0 =	slt.u32 s15, $0x2;
	s24 =	smov.u32 @p3 s16  }
0x17: {  	s18 =	smov.u32 s12;
	s21 =	simm.s32 @p1 $0x0;
	p1 =	sgt.s32 s24, $0x3F  }
0x18: {  	s17 =	simm.s32 @!p0 $0x2;
	s24 =	simm.s32 @p1 $0x0;
	p1 =	sne.s32 s15, s8  }
.Ltmp1:
0x19: {  	s19 =	smov.u32 s13;
	_ =	swait.ge @!p0 [sflag:s17], $0x4000;
	(pc) =	sbr.rel @!p1 .LBB1_8-.Ltmp1, $4  }
0x1a: {  	s20 =	smov.u32 s14;
	[sflag:s17] =	ssyncset.done @!p0 $0x0;
	s22 =	simm.s32 @p2 $0x0  }
0x1b: {  	[sflag:s17] =	ssyncadd.s32 @!p0 $0xFFFFC000;
	s17 =	smov.u32 s2;
	s12 =	smov.u32 s22  }
0x1c: {  	s23 =	simm.s32 @p3 $0x0;
	s16 =	smov.u32 s11;
	s11 =	smov.u32 s21  }
0x1d: {  	s13 =	smov.u32 s23;
	s15 =	sadd.s32 $0x1, s15;
	s14 =	smov.u32 s24  }
.LBB1_1:
0x1e: {  	p0 =	sge.u32 s15, s5  }
0x1f: {  	s31 =	sadd.s32 $0xFFFFFFFF, s15;
	s21 =	smul.u32 @!p0 $0xE000, s14  }
0x20: {  	s22 =	sxor.u32 @!p0 $0xFFFFFFFF, s15;
	s23 =	sshll.u32 @!p0 s11, $0x7;
	s24 =	smul.u32 @!p0 $0x7000, s13  }
0x21: {  	s25 =	sshll.u32 @!p0 s12, $0xC;
	s23 =	sand.u32 @!p0 $0x380, s23;
	s21 =	sadd.s32 @!p0 s21, s7  }
0x22: {  	s22 =	sshll.u32 @!p0 s22, $0xE;
	s23 =	sor.u32 @!p0 s6, s23;
	s21 =	sadd.s32 @!p0 s24, s21  }
0x23: {  	s22 =	sand.u32 @!p0 $0x4000, s22;
	s23 =	sshrl.u32 @!p0 s23, $0x3;
	s21 =	sadd.s32 @!p0 s25, s21  }
0x24: {  	s24 =	simm.s32 @!p0 $0x38000;
	s21 =	sadd.s32 @!p0 s23, s21;
	s23 =	simm.s32 @!p0 $0x80  }
0x25: {  	[tilespmem:s22], [sflag:$0x1] =	stream.strided.gather @!p0 [hbm4b:s21+s23], $0x4000, s24, s23, $0x38;
	[tilespmem:$0x10000] =	vst v63  }
0x26: {  	p0 =	sge.u32 s31, s5  }
.Ltmp2:
0x27: {  	_ = 	snop;
	(pc) =	sbr.rel @p0 .LBB1_7-.Ltmp2, $1  }
0x28: {  	_ =	sdelay $0x3  }
0x29: {  	_ =	swait.ge [sflag:s4], $0x4000;
	s21 =	sshll.u32 s15, $0xE  }
0x2a: {  	[sflag:s4] =	ssyncset.done $0x0;
	s22 =	sand.u32 $0x4000, s21  }
0x2b: {  	s23 =	simm.s32 $0x0;
	[sflag:s4] =	ssyncadd.s32 $0xFFFFC000;
	s21 =	sor.u32 $0x8000, s22  }
.LBB1_3:
0x2c: {  	s24 =	sshll.u32 s23, $0x8  }
0x2d: {  	s25 =	sadd.s32 s24, s22  }
0x2e: {  	v0 =	vmov s25;
	_ =	sdelay $0x1  }
0x2f: {  	s24 =	sadd.s32 s24, s21  }
0x30: {  	p0 =	por $0x1, $0x1;
	v1 =	vmov s24;
	s24 =	simm.s32 $0x0  }
.LBB1_4:
0x31: {  	s24 =	sshra.s32 s24, $0x2  }
0x32: {  	v2 =	vld.idx.msk [tilespmem:v0+s24+$0x0 ss:$0x1], $0xffff  }
0x33: {  	v3 =	vld.idx.msk [tilespmem:v0+s24+$0x10 ss:$0x1], $0xffff  }
0x34: {  	v4 =	vld.idx.msk [tilespmem:v0+s24+$0x20 ss:$0x1], $0xffff  }
0x35: {  	v5 =	vld.idx.msk [tilespmem:v0+s24+$0x30 ss:$0x1], $0xffff  }
0x36: {  	v6 =	vld.idx.msk [tilespmem:v0+s24+$0x40 ss:$0x1], $0xffff  }
0x37: {  	v63 =	vld.idx.msk [tilespmem:v0+s24+$0x70 ss:$0x1], $0xffff;
	[tilespmem:v1+s24+$0x0 ss:$0x1] =	vst.idx.msk $0xffff, v2  }
0x38: {  	v2 =	vld.idx.msk [tilespmem:v0+s24+$0x50 ss:$0x1], $0xffff;
	[tilespmem:v1+s24+$0x10 ss:$0x1] =	vst.idx.msk $0xffff, v3  }
0x39: {  	p1 =	por p0, p0;
	v3 =	vld.idx.msk [tilespmem:v0+s24+$0x60 ss:$0x1], $0xffff;
	[tilespmem:v1+s24+$0x20 ss:$0x1] =	vst.idx.msk $0xffff, v4  }
.Ltmp3:
0x3a: {  	[tilespmem:v1+s24+$0x30 ss:$0x1] =	vst.idx.msk $0xffff, v5;
	(pc) =	sbr.rel @p1 .LBB1_4-.Ltmp3, $4  }
0x3b: {  	[tilespmem:v1+s24+$0x40 ss:$0x1] =	vst.idx.msk $0xffff, v6  }
0x3c: {  	[tilespmem:v1+s24+$0x70 ss:$0x1] =	vst.idx.msk $0xffff, v63  }
0x3d: {  	[tilespmem:v1+s24+$0x50 ss:$0x1] =	vst.idx.msk $0xffff, v2  }
0x3e: {  	p0 =	por $0x0, $0x0;
	[tilespmem:v1+s24+$0x60 ss:$0x1] =	vst.idx.msk $0xffff, v3;
	s24 =	simm.s32 $0x200  }
0x3f: {  	s23 =	sadd.s32 $0x1, s23  }
0x40: {  	p0 =	sne.s32 s23, $0x40  }
.Ltmp4:
0x41: {  	_ = 	snop;
	(pc) =	sbr.rel @p0 .LBB1_3-.Ltmp4, $1  }
0x42: {  	_ =	sdelay $0x3  }
0x43: {  	s20 =	smul.u32 $0xC400, s20;
	s22 =	sshll.u32 s17, $0x1  }
0x44: {  	s19 =	sshll.u32 s19, $0x7;
	s18 =	smul.u32 $0x1C00, s18;
	s16 =	sshll.u32 s16, $0xA  }
0x45: {  	s30 =	sshrl.u32 s17, $0x2;
	s19 =	sand.u32 $0x80, s19;
	s20 =	sadd.s32 s3, s20  }
.Ltmp5:
0x46: {  	s22 =	sand.u32 $0xF00, s22;
	s18 =	sadd.s32 s18, s20;
	(pc) =	sbr.rel .LBB1_7-.Ltmp5, $4  }
0x47: {  	s17 =	sand.u32 $0x200, s30;
	s19 =	sor.u32 s19, s22;
	s16 =	sadd.s32 s16, s18  }
0x48: {  	s31 =	sshrl.u32 s19, $0x3;
	s16 =	sadd.s32 s17, s16  }
0x49: {  	s16 =	sadd.s32 s31, s16  }
0x4a: {  	[hbm4b:s16+s9] =	stream.strided.scatter [tilespmem:s21], [sflag:$0x2], $0x4000, s10, s9, $0x38;
	[tilespmem:$0x10000] =	vst v63  }
.LBB1_8:
0x4b: {  	_ =	sfence.sel $0x180000  }
0x4c: {  	s2 =	simm.s32 $0x1;
	[bflag:$0x0] =	sbarrier.arrive $0xFFFF  }
0x4d: {  	s31 =	simm.s32 $0x2;
	[sflag:s2] =	ssyncpa.u1 $0x1  }
0x4e: {  	[sflag:s31] =	ssyncpa.u1 $0x1  }
0x4f: {  	p0 =	sne.s32 s0, $0x0;
	_ =	strace $0x9000004A  }
0x50: {  	s0 =	sadd.s32 @!p0 $0x100000, s1;
	[bflag:$0x2] =	sbarrier.arrive $0xFFFF  }
0x51: {  	[sflag:s0] =	ssyncadd.tile.s32 @!p0 $0x1;
	_ =	shalt  }
.Lfunc_end1:
_tile_overlayer_lowered:
.L_overlay_start_2:
0x52: {  	(tag) =	ssettag $0x2  }
0x53: {  	s0 =	rddreg [dreg:$0x0];
	s2 =	stileid.u32  }
0x54: {  	s1 =	rddreg [dreg:$0x1];
	p0 =	sne.s32 s2, $0x0  }
0x55: {  	s3 =	rddreg [dreg:$0x2];
	[bflag:$0x3] =	sbarrier.arrive $0xFFFF;
	s2 =	simm.s32 @!p0 $0x1C01  }
0x56: {  	[timem:s3], [sflag:s2] =	dma.local @!p0 [hbm:s0], s1  }
0x57: {  	s0 =	simm.s32 @!p0 $0x1  }
0x58: {  	_ =	swait.ge @!p0 [sflag:s0], s1  }
0x59: {  	s1 =	ssub.s32 @!p0 $0x0, s1;
	[sflag:s0] =	ssyncset.done @!p0 $0x0  }
0x5a: {  	[sflag:s0] =	ssyncadd.s32 @!p0 s1  }
0x5b: {  	[bflag:$0x3] =	sbarrier.arrive $0xFFFF  }
0x5c: {  	_ =	shalt  }

</sc_bundles>
